<compile_context>
chip_gen: v7x
topology: tpu7x:2x2x1
jax: 0.10.2.dev20260603
libtpu: 0.0.44.dev20260713+nightly
codegen_flags: <defaults>
</compile_context>

<pallas_src>
import functools

import jax
import jax.numpy as jnp
from jax import lax
from jax.experimental import pallas as pl
from jax.experimental.pallas import tpu as pltpu, tpu_sc as plsc

NC, NS = 2, 16
NW = NC * NS
CH = 128
CW = 32


def _tc_proj(x_ref, wl4_ref, wr4_ref, bl4_ref, z_ref, r_ref):
    n, d_in = x_ref.shape
    xv = jnp.reshape(x_ref[...], (n // 4, 4 * d_in))
    zv = jnp.dot(xv, wl4_ref[...], preferred_element_type=jnp.float32)
    z_ref[0:zv.shape[0], :] = zv
    r_ref[...] = (jnp.dot(xv, wr4_ref[...], preferred_element_type=jnp.float32)
                  + bl4_ref[...])


def _tc_mid(part_ref, cntp_ref, r_ref, wl4_ref, wr4_ref, bl4_ref, z_ref, rn_ref):
    cnt = cntp_ref[0] + cntp_ref[1]
    inv = 1.0 / jnp.maximum(cnt, 1.0)
    agg = part_ref[0] + part_ref[1]
    nfn = r_ref.shape[0]
    h = jnp.maximum(agg[0:nfn] * inv[0:nfn] + r_ref[...], 0.0)
    z_ref[0:nfn, :] = jnp.dot(h, wl4_ref[...], preferred_element_type=jnp.float32)
    rn_ref[...] = (jnp.dot(h, wr4_ref[...], preferred_element_type=jnp.float32)
                   + bl4_ref[...])


def _tc_fin(part_ref, cntp_ref, r_ref, o_ref):
    nfn = r_ref.shape[0]
    cnt = cntp_ref[0] + cntp_ref[1]
    inv = 1.0 / jnp.maximum(cnt, 1.0)
    agg = part_ref[0] + part_ref[1]
    o_ref[...] = agg[0:nfn] * inv[0:nfn] + r_ref[...]


NBUF = 8
LOOK = 6


def _sc_agg(n, npad, k, dh, with_cnt, *refs):
    if with_cnt:
        (z_hbm, ei_hbm, ones_hbm, zeros_hbm, zerosc_hbm,
         part_hbm, cntp_hbm,
         src_v, dst_v, rows_v, ones_v, acc_sh, z_sh, cnt_sh, *sems) = refs
    else:
        (z_hbm, ei_hbm, zeros_hbm,
         part_hbm,
         src_v, dst_v, rows_v, acc_sh, z_sh, *sems) = refs
    gsems = sems[:NBUF]
    ssems = sems[NBUF:2 * NBUF]
    csem = sems[2 * NBUF]
    c = lax.axis_index("c")
    s = lax.axis_index("s")
    blk = c * NS + s
    zrows = npad // NS
    zr = s * zrows
    ct = ei_hbm.shape[1]
    kbase = ct // NW
    extras = ct - NW * kbase
    pltpu.sync_copy(zeros_hbm.at[pl.ds(zr, zrows)], acc_sh.at[pl.ds(zr, zrows)])
    pltpu.sync_copy(z_hbm.at[pl.ds(zr, zrows)], z_sh.at[pl.ds(zr, zrows)])
    if with_cnt:
        pltpu.sync_copy(zerosc_hbm.at[pl.ds(zr, zrows)],
                        cnt_sh.at[pl.ds(zr, zrows)])
        pltpu.sync_copy(ones_hbm, ones_v)
    pltpu.sync_copy(ei_hbm.at[0, pl.ds(blk * kbase, kbase)],
                    src_v.at[pl.ds(0, kbase)])
    pltpu.sync_copy(ei_hbm.at[1, pl.ds(blk * kbase, kbase)],
                    dst_v.at[pl.ds(0, kbase)])
    zero16 = jnp.zeros((16,), jnp.int32)
    pad16 = jnp.full((16,), n, jnp.int32)
    for row in range(kbase, k):
        for i in range(CH // 16):
            src_v[row, pl.ds(i * 16, 16)] = zero16
            dst_v[row, pl.ds(i * 16, 16)] = pad16

    @pl.when(blk < extras)
    def _():
        pltpu.sync_copy(ei_hbm.at[0, pl.ds(NW * kbase + blk, 1)],
                        src_v.at[pl.ds(kbase, 1)])
        pltpu.sync_copy(ei_hbm.at[1, pl.ds(NW * kbase + blk, 1)],
                        dst_v.at[pl.ds(kbase, 1)])

    plsc.subcore_barrier()

    for b in range(LOOK):
        pltpu.async_copy(z_sh.at[src_v.at[b]], rows_v.at[b], gsems[b])

    def body(jo, carry):
        for b8 in range(NBUF):
            j = jo * NBUF + b8
            b = b8
            bn = (b8 + LOOK) % NBUF
            pltpu.make_async_copy(z_sh.at[src_v.at[j]], rows_v.at[b],
                                  gsems[b]).wait()
            pltpu.async_copy(rows_v.at[b], acc_sh.at[dst_v.at[j]],
                             ssems[b], add=True)
            if with_cnt:
                pltpu.async_copy(ones_v, cnt_sh.at[dst_v.at[j]],
                                 csem, add=True)
            jn = j + LOOK

            @pl.when(jnp.logical_and(jn < k, j >= NBUF - LOOK))
            def _():
                pltpu.make_async_copy(rows_v.at[bn], acc_sh.at[dst_v.at[j]],
                                      ssems[bn]).wait()

            @pl.when(jn < k)
            def _():
                pltpu.async_copy(z_sh.at[src_v.at[jn]], rows_v.at[bn],
                                 gsems[bn])
        return carry

    lax.fori_loop(0, k // NBUF, body, 0)
    for b in range(NBUF):
        pltpu.make_async_copy(rows_v.at[b], acc_sh.at[dst_v.at[0]],
                              ssems[b]).wait()
    if with_cnt:
        def cdrain(j, carry):
            pltpu.make_async_copy(ones_v, cnt_sh.at[dst_v.at[0]],
                                  csem).wait()
            return carry
        lax.fori_loop(0, k, cdrain, 0)
    plsc.subcore_barrier()
    pltpu.sync_copy(acc_sh.at[pl.ds(zr, zrows)],
                    part_hbm.at[c, pl.ds(zr, zrows)])
    if with_cnt:
        pltpu.sync_copy(cnt_sh.at[pl.ds(zr, zrows)],
                        cntp_hbm.at[c, pl.ds(zr, zrows)])


def kernel(x, edge_index, Wl0, bl0, Wr0, Wl1, bl1, Wr1, Wl2, bl2, Wr2):
    n, d_in = x.shape
    dh = Wl0.shape[0]
    e = edge_index.shape[1]
    ct = e // CH
    k = ct // NW + (1 if ct % NW else 0)
    k = -(-k // NBUF) * NBUF
    npad = NS * (-(-(n + 1) // (NS * 8)) * 8)

    ei = edge_index.reshape(2, ct, CH)
    ones = jnp.ones((CH, CW), jnp.float32)
    zeros = jnp.zeros((npad, dh), jnp.float32)
    zerosc = jnp.zeros((npad, CW), jnp.float32)
    f32 = jnp.float32

    nf = npad * dh // 128
    nfn = n * dh // 128
    proj = pl.pallas_call(
        _tc_proj,
        out_shape=(jax.ShapeDtypeStruct((nf, 128), f32),
                   jax.ShapeDtypeStruct((nfn, 128), f32)),
    )
    mid = pl.pallas_call(
        _tc_mid,
        out_shape=(jax.ShapeDtypeStruct((nf, 128), f32),
                   jax.ShapeDtypeStruct((nfn, 128), f32)),
    )
    fin = pl.pallas_call(
        _tc_fin,
        out_shape=jax.ShapeDtypeStruct((nfn, 128), f32),
    )

    mesh = plsc.VectorSubcoreMesh(core_axis_name="c", subcore_axis_name="s",
                                  num_cores=NC, num_subcores=NS)
    sc_params = pltpu.CompilerParams(use_tc_tiling_on_sc=False)
    common_scratch = [
        pltpu.VMEM((k, CH), jnp.int32),
        pltpu.VMEM((k, CH), jnp.int32),
        pltpu.VMEM((NBUF, CH, dh), f32),
    ]
    sem_scratch = [pltpu.SemaphoreType.DMA] * (2 * NBUF + 1)
    agg_cnt = pl.kernel(
        functools.partial(_sc_agg, n, npad, k, dh, True),
        out_type=(jax.ShapeDtypeStruct((NC, npad, dh), f32),
                  jax.ShapeDtypeStruct((NC, npad, CW), f32)),
        mesh=mesh,
        scratch_types=common_scratch + [
            pltpu.VMEM((CH, CW), f32),
            pltpu.VMEM_SHARED((npad, dh), f32),
            pltpu.VMEM_SHARED((npad, dh), f32),
            pltpu.VMEM_SHARED((npad, CW), f32),
        ] + sem_scratch,
        compiler_params=sc_params,
    )
    agg = pl.kernel(
        functools.partial(_sc_agg, n, npad, k, dh, False),
        out_type=jax.ShapeDtypeStruct((NC, npad, dh), f32),
        mesh=mesh,
        scratch_types=common_scratch + [
            pltpu.VMEM_SHARED((npad, dh), f32),
            pltpu.VMEM_SHARED((npad, dh), f32),
        ] + sem_scratch,
        compiler_params=sc_params,
    )

    eye4 = jnp.eye(4, dtype=jnp.float32)
    wl4_1 = jnp.kron(eye4, Wl1.T)
    wr4_1 = jnp.kron(eye4, Wr1.T)
    wl4_2 = jnp.kron(eye4, Wl2.T)
    wr4_2 = jnp.kron(eye4, Wr2.T)
    bl0r = jnp.tile(bl0, 4).reshape(1, 128)
    bl1r = jnp.tile(bl1, 4).reshape(1, 128)
    bl2r = jnp.tile(bl2, 4).reshape(1, 128)

    wl4_0 = jnp.kron(eye4, Wl0.T)
    wr4_0 = jnp.kron(eye4, Wr0.T)
    z0f, r0f = proj(x, wl4_0, wr4_0, bl0r)
    part0, cntp = agg_cnt(z0f.reshape(npad, dh), ei, ones, zeros, zerosc)
    z1f, r1f = mid(part0.reshape(NC, nf, 128), cntp.reshape(NC, nf, 128),
                   r0f, wl4_1, wr4_1, bl1r)
    part1 = agg(z1f.reshape(npad, dh), ei, zeros)
    z2f, r2f = mid(part1.reshape(NC, nf, 128), cntp.reshape(NC, nf, 128),
                   r1f, wl4_2, wr4_2, bl2r)
    part2 = agg(z2f.reshape(npad, dh), ei, zeros)
    of = fin(part2.reshape(NC, nf, 128), cntp.reshape(NC, nf, 128), r2f)
    return of.reshape(n, dh)

# --- scband reference (transcript-rebuilt; emitter-appended) ---
"""Pipeline reference for scband-graph-sage-61486751809928 (READ-ONLY COPY).

The authoritative reference and input builder live on the scoring server;
editing this copy changes nothing except your own understanding.
"""

import jax, jax.numpy as jnp
import numpy as np

N, E, D_IN, D_H = 10000, 320000, 128, 32

def setup_inputs(seed: int = 0) -> dict:
    key = jax.random.key(seed)
    ks = jax.random.split(key, 12)
    x = jax.random.normal(ks[0], (N, D_IN), dtype=jnp.float32)
    edge_index = jax.random.randint(ks[1], (2, E), 0, N, dtype=jnp.int32)
    def w(k, fan_out, fan_in):
        return jax.random.normal(k, (fan_out, fan_in), dtype=jnp.float32) / jnp.sqrt(fan_in)
    params = {
        'Wl0': w(ks[2], D_H, D_IN), 'bl0': jnp.zeros((D_H,), jnp.float32), 'Wr0': w(ks[3], D_H, D_IN),
        'Wl1': w(ks[4], D_H, D_H),  'bl1': jnp.zeros((D_H,), jnp.float32), 'Wr1': w(ks[5], D_H, D_H),
        'Wl2': w(ks[6], D_H, D_H),  'bl2': jnp.zeros((D_H,), jnp.float32), 'Wr2': w(ks[7], D_H, D_H),
    }
    return {'x': x, 'edge_index': edge_index, **params}

def _sage_conv(h, edge_index, Wl, bl, Wr):
    # PyG SAGEConv with mean aggregation: out = lin_l(mean_{j in N(i)} x_j) + lin_r(x_i)
    src = edge_index[0]
    dst = edge_index[1]
    n = h.shape[0]
    msgs = jnp.take(h, src, axis=0)
    summed = jax.ops.segment_sum(msgs, dst, num_segments=n)
    cnt = jax.ops.segment_sum(jnp.ones((msgs.shape[0],), dtype=h.dtype), dst, num_segments=n)
    mean = summed / jnp.clip(cnt, 1.0)[:, None]
    return mean @ Wl.T + bl + h @ Wr.T

def reference(x, edge_index, Wl0, bl0, Wr0, Wl1, bl1, Wr1, Wl2, bl2, Wr2):
    # SAGE.full_forward, eval mode (dropout p=0.5 is identity in eval)
    h = _sage_conv(x, edge_index, Wl0, bl0, Wr0)
    h = jax.nn.relu(h)
    h = _sage_conv(h, edge_index, Wl1, bl1, Wr1)
    h = jax.nn.relu(h)
    h = _sage_conv(h, edge_index, Wl2, bl2, Wr2)
    return h

if __name__ == "__main__":
    import jax
    _d = setup_inputs()
    print(jax.jit(kernel)(*tuple(_d.values())))

</pallas_src>

<mosaic_0001>
#map = affine_map<(d0, d1) -> (0, 0)>
#map1 = affine_map<(d0, d1) -> (0, 0, 0)>
module attributes {stable_mosaic.version = 14 : i64} {
  func.func @_sc_agg(%arg0: i32, %arg1: i32, %arg2: memref<10112x32xf32, #tpu.memory_space<hbm>>, %arg3: memref<2x2500x128xi32, #tpu.memory_space<hbm>>, %arg4: memref<10112x32xf32, #tpu.memory_space<hbm>>, %arg5: memref<2x10112x32xf32, #tpu.memory_space<hbm>>, %arg6: memref<80x128xi32, #tpu.memory_space<vmem>>, %arg7: memref<80x128xi32, #tpu.memory_space<vmem>>, %arg8: memref<8x128x32xf32, #tpu.memory_space<vmem>>, %arg9: memref<10112x32xf32, #tpu.memory_space<vmem_shared>>, %arg10: memref<10112x32xf32, #tpu.memory_space<vmem_shared>>, %arg11: memref<!tpu.dma_semaphore, #tpu.memory_space<semaphore_mem>>, %arg12: memref<!tpu.dma_semaphore, #tpu.memory_space<semaphore_mem>>, %arg13: memref<!tpu.dma_semaphore, #tpu.memory_space<semaphore_mem>>, %arg14: memref<!tpu.dma_semaphore, #tpu.memory_space<semaphore_mem>>, %arg15: memref<!tpu.dma_semaphore, #tpu.memory_space<semaphore_mem>>, %arg16: memref<!tpu.dma_semaphore, #tpu.memory_space<semaphore_mem>>, %arg17: memref<!tpu.dma_semaphore, #tpu.memory_space<semaphore_mem>>, %arg18: memref<!tpu.dma_semaphore, #tpu.memory_space<semaphore_mem>>, %arg19: memref<!tpu.dma_semaphore, #tpu.memory_space<semaphore_mem>>, %arg20: memref<!tpu.dma_semaphore, #tpu.memory_space<semaphore_mem>>, %arg21: memref<!tpu.dma_semaphore, #tpu.memory_space<semaphore_mem>>, %arg22: memref<!tpu.dma_semaphore, #tpu.memory_space<semaphore_mem>>, %arg23: memref<!tpu.dma_semaphore, #tpu.memory_space<semaphore_mem>>, %arg24: memref<!tpu.dma_semaphore, #tpu.memory_space<semaphore_mem>>, %arg25: memref<!tpu.dma_semaphore, #tpu.memory_space<semaphore_mem>>, %arg26: memref<!tpu.dma_semaphore, #tpu.memory_space<semaphore_mem>>, %arg27: memref<!tpu.dma_semaphore, #tpu.memory_space<semaphore_mem>>) attributes {dimension_semantics = [#tpu.dimension_semantics<core_parallel>, #tpu.dimension_semantics<subcore_parallel>], iteration_bounds = array<i64: 2, 16>, scalar_prefetch = 0 : i64, scratch_operands = 22 : i64, tpu.core_type = #tpu.core_type<sc_vector_subcore>, window_params = [{transform_indices = #map}, {transform_indices = #map1}, {transform_indices = #map}, {transform_indices = #map1}]} {
    %mul3A = arith.constant 16 : i32
    %mul3A_0 = arith.muli %arg0, %mul3A : i32
    %add3A = arith.addi %mul3A_0, %arg1 : i32
    %mul3A_1 = arith.constant 632 : i32
    %mul3A_2 = arith.muli %arg1, %mul3A_1 : i32
    "tpu.region"() ({
      %run_scoped3A_376 = tpu.sem_alloc : memref<!tpu.dma_semaphore, #tpu.memory_space<semaphore_mem>>
      %dma_start3A_377 = arith.constant 0 : i32
      %dma_start3A_378 = tpu.memref_slice %arg9[%mul3A_2, %dma_start3A_377] : memref<10112x32xf32, #tpu.memory_space<vmem_shared>> -> memref<632x32xf32, #tpu.memory_space<vmem_shared>>
      %dma_start3A_379 = arith.constant 0 : i32
      %dma_start3A_380 = tpu.memref_slice %arg4[%mul3A_2, %dma_start3A_379] : memref<10112x32xf32, #tpu.memory_space<hbm>> -> memref<632x32xf32, #tpu.memory_space<hbm>>
      tpu.enqueue_dma source(%dma_start3A_380 : memref<632x32xf32, #tpu.memory_space<hbm>>) target(%dma_start3A_378 : memref<632x32xf32, #tpu.memory_space<vmem_shared>>) target_semaphore(%run_scoped3A_376 : memref<!tpu.dma_semaphore, #tpu.memory_space<semaphore_mem>>)
      %dma_wait3A_381 = arith.constant 0 : i32
      %dma_wait3A_382 = tpu.memref_slice %arg9[%mul3A_2, %dma_wait3A_381] : memref<10112x32xf32, #tpu.memory_space<vmem_shared>> -> memref<632x32xf32, #tpu.memory_space<vmem_shared>>
      %dma_wait3A_383 = arith.constant 0 : i32
      %dma_wait3A_384 = tpu.memref_slice %arg4[%mul3A_2, %dma_wait3A_383] : memref<10112x32xf32, #tpu.memory_space<hbm>> -> memref<632x32xf32, #tpu.memory_space<hbm>>
      tpu.wait_dma2 semaphore(%run_scoped3A_376 : memref<!tpu.dma_semaphore, #tpu.memory_space<semaphore_mem>>) src(%dma_wait3A_384 : memref<632x32xf32, #tpu.memory_space<hbm>>) dst(%dma_wait3A_382 : memref<632x32xf32, #tpu.memory_space<vmem_shared>>)
      tpu.yield
    }) : () -> ()
    "tpu.region"() ({
      %run_scoped3A_376 = tpu.sem_alloc : memref<!tpu.dma_semaphore, #tpu.memory_space<semaphore_mem>>
      %dma_start3A_377 = arith.constant 0 : i32
      %dma_start3A_378 = tpu.memref_slice %arg10[%mul3A_2, %dma_start3A_377] : memref<10112x32xf32, #tpu.memory_space<vmem_shared>> -> memref<632x32xf32, #tpu.memory_space<vmem_shared>>
      %dma_start3A_379 = arith.constant 0 : i32
      %dma_start3A_380 = tpu.memref_slice %arg2[%mul3A_2, %dma_start3A_379] : memref<10112x32xf32, #tpu.memory_space<hbm>> -> memref<632x32xf32, #tpu.memory_space<hbm>>
      tpu.enqueue_dma source(%dma_start3A_380 : memref<632x32xf32, #tpu.memory_space<hbm>>) target(%dma_start3A_378 : memref<632x32xf32, #tpu.memory_space<vmem_shared>>) target_semaphore(%run_scoped3A_376 : memref<!tpu.dma_semaphore, #tpu.memory_space<semaphore_mem>>)
      %dma_wait3A_381 = arith.constant 0 : i32
      %dma_wait3A_382 = tpu.memref_slice %arg10[%mul3A_2, %dma_wait3A_381] : memref<10112x32xf32, #tpu.memory_space<vmem_shared>> -> memref<632x32xf32, #tpu.memory_space<vmem_shared>>
      %dma_wait3A_383 = arith.constant 0 : i32
      %dma_wait3A_384 = tpu.memref_slice %arg2[%mul3A_2, %dma_wait3A_383] : memref<10112x32xf32, #tpu.memory_space<hbm>> -> memref<632x32xf32, #tpu.memory_space<hbm>>
      tpu.wait_dma2 semaphore(%run_scoped3A_376 : memref<!tpu.dma_semaphore, #tpu.memory_space<semaphore_mem>>) src(%dma_wait3A_384 : memref<632x32xf32, #tpu.memory_space<hbm>>) dst(%dma_wait3A_382 : memref<632x32xf32, #tpu.memory_space<vmem_shared>>)
      tpu.yield
    }) : () -> ()
    %mul3A_3 = arith.constant 78 : i32
    %mul3A_4 = arith.muli %add3A, %mul3A_3 : i32
    %run_scoped3A = arith.constant 0 : i32
    "tpu.region"() ({
      %run_scoped3A_376 = tpu.sem_alloc : memref<!tpu.dma_semaphore, #tpu.memory_space<semaphore_mem>>
      %dma_start3A_377 = arith.constant 0 : i32
      %dma_start3A_378 = arith.constant 0 : i32
      %dma_start3A_379 = tpu.memref_slice %arg6[%dma_start3A_377, %dma_start3A_378] : memref<80x128xi32, #tpu.memory_space<vmem>> -> memref<78x128xi32, #tpu.memory_space<vmem>>
      %dma_start3A_380 = arith.constant 0 : i32
      %dma_start3A_381 = tpu.memref_slice %arg3[%run_scoped3A, %mul3A_4, %dma_start3A_380] : memref<2x2500x128xi32, #tpu.memory_space<hbm>> -> memref<1x78x128xi32, #tpu.memory_space<hbm>>
      %dma_start3A_382 = tpu.memref_squeeze %dma_start3A_381 : memref<1x78x128xi32, #tpu.memory_space<hbm>> -> memref<78x128xi32, #tpu.memory_space<hbm>>
      %dma_start3A_383 = arith.constant 0 : i32
      %dma_start3A_384 = arith.constant 0 : i32
      %dma_start3A_385 = tpu.memref_slice %arg6[%dma_start3A_383, %dma_start3A_384] : memref<80x128xi32, #tpu.memory_space<vmem>> -> memref<78x128xi32, #tpu.memory_space<vmem>>
      %dma_start3A_386 = arith.constant 0 : i32
      %dma_start3A_387 = tpu.memref_slice %arg3[%run_scoped3A, %mul3A_4, %dma_start3A_386] : memref<2x2500x128xi32, #tpu.memory_space<hbm>> -> memref<1x78x128xi32, #tpu.memory_space<hbm>>
      %dma_start3A_388 = tpu.memref_squeeze %dma_start3A_387 : memref<1x78x128xi32, #tpu.memory_space<hbm>> -> memref<78x128xi32, #tpu.memory_space<hbm>>
      tpu.enqueue_dma source(%dma_start3A_388 : memref<78x128xi32, #tpu.memory_space<hbm>>) target(%dma_start3A_385 : memref<78x128xi32, #tpu.memory_space<vmem>>) target_semaphore(%run_scoped3A_376 : memref<!tpu.dma_semaphore, #tpu.memory_space<semaphore_mem>>)
      %dma_wait3A_389 = arith.constant 0 : i32
      %dma_wait3A_390 = arith.constant 0 : i32
      %dma_wait3A_391 = tpu.memref_slice %arg6[%dma_wait3A_389, %dma_wait3A_390] : memref<80x128xi32, #tpu.memory_space<vmem>> -> memref<78x128xi32, #tpu.memory_space<vmem>>
      %dma_wait3A_392 = arith.constant 0 : i32
      %dma_wait3A_393 = tpu.memref_slice %arg3[%run_scoped3A, %mul3A_4, %dma_wait3A_392] : memref<2x2500x128xi32, #tpu.memory_space<hbm>> -> memref<1x78x128xi32, #tpu.memory_space<hbm>>
      %dma_wait3A_394 = tpu.memref_squeeze %dma_wait3A_393 : memref<1x78x128xi32, #tpu.memory_space<hbm>> -> memref<78x128xi32, #tpu.memory_space<hbm>>
      %dma_wait3A_395 = arith.constant 0 : i32
      %dma_wait3A_396 = arith.constant 0 : i32
      %dma_wait3A_397 = tpu.memref_slice %arg6[%dma_wait3A_395, %dma_wait3A_396] : memref<80x128xi32, #tpu.memory_space<vmem>> -> memref<78x128xi32, #tpu.memory_space<vmem>>
      %dma_wait3A_398 = arith.constant 0 : i32
      %dma_wait3A_399 = tpu.memref_slice %arg3[%run_scoped3A, %mul3A_4, %dma_wait3A_398] : memref<2x2500x128xi32, #tpu.memory_space<hbm>> -> memref<1x78x128xi32, #tpu.memory_space<hbm>>
      %dma_wait3A_400 = tpu.memref_squeeze %dma_wait3A_399 : memref<1x78x128xi32, #tpu.memory_space<hbm>> -> memref<78x128xi32, #tpu.memory_space<hbm>>
      tpu.wait_dma2 semaphore(%run_scoped3A_376 : memref<!tpu.dma_semaphore, #tpu.memory_space<semaphore_mem>>) src(%dma_wait3A_400 : memref<78x128xi32, #tpu.memory_space<hbm>>) dst(%dma_wait3A_397 : memref<78x128xi32, #tpu.memory_space<vmem>>)
      tpu.yield
    }) : () -> ()
    %mul3A_5 = arith.constant 78 : i32
    %mul3A_6 = arith.muli %add3A, %mul3A_5 : i32
    %run_scoped3A_7 = arith.constant 1 : i32
    "tpu.region"() ({
      %run_scoped3A_376 = tpu.sem_alloc : memref<!tpu.dma_semaphore, #tpu.memory_space<semaphore_mem>>
      %dma_start3A_377 = arith.constant 0 : i32
      %dma_start3A_378 = arith.constant 0 : i32
      %dma_start3A_379 = tpu.memref_slice %arg7[%dma_start3A_377, %dma_start3A_378] : memref<80x128xi32, #tpu.memory_space<vmem>> -> memref<78x128xi32, #tpu.memory_space<vmem>>
      %dma_start3A_380 = arith.constant 0 : i32
      %dma_start3A_381 = tpu.memref_slice %arg3[%run_scoped3A_7, %mul3A_6, %dma_start3A_380] : memref<2x2500x128xi32, #tpu.memory_space<hbm>> -> memref<1x78x128xi32, #tpu.memory_space<hbm>>
      %dma_start3A_382 = tpu.memref_squeeze %dma_start3A_381 : memref<1x78x128xi32, #tpu.memory_space<hbm>> -> memref<78x128xi32, #tpu.memory_space<hbm>>
      %dma_start3A_383 = arith.constant 0 : i32
      %dma_start3A_384 = arith.constant 0 : i32
      %dma_start3A_385 = tpu.memref_slice %arg7[%dma_start3A_383, %dma_start3A_384] : memref<80x128xi32, #tpu.memory_space<vmem>> -> memref<78x128xi32, #tpu.memory_space<vmem>>
      %dma_start3A_386 = arith.constant 0 : i32
      %dma_start3A_387 = tpu.memref_slice %arg3[%run_scoped3A_7, %mul3A_6, %dma_start3A_386] : memref<2x2500x128xi32, #tpu.memory_space<hbm>> -> memref<1x78x128xi32, #tpu.memory_space<hbm>>
      %dma_start3A_388 = tpu.memref_squeeze %dma_start3A_387 : memref<1x78x128xi32, #tpu.memory_space<hbm>> -> memref<78x128xi32, #tpu.memory_space<hbm>>
      tpu.enqueue_dma source(%dma_start3A_388 : memref<78x128xi32, #tpu.memory_space<hbm>>) target(%dma_start3A_385 : memref<78x128xi32, #tpu.memory_space<vmem>>) target_semaphore(%run_scoped3A_376 : memref<!tpu.dma_semaphore, #tpu.memory_space<semaphore_mem>>)
      %dma_wait3A_389 = arith.constant 0 : i32
      %dma_wait3A_390 = arith.constant 0 : i32
      %dma_wait3A_391 = tpu.memref_slice %arg7[%dma_wait3A_389, %dma_wait3A_390] : memref<80x128xi32, #tpu.memory_space<vmem>> -> memref<78x128xi32, #tpu.memory_space<vmem>>
      %dma_wait3A_392 = arith.constant 0 : i32
      %dma_wait3A_393 = tpu.memref_slice %arg3[%run_scoped3A_7, %mul3A_6, %dma_wait3A_392] : memref<2x2500x128xi32, #tpu.memory_space<hbm>> -> memref<1x78x128xi32, #tpu.memory_space<hbm>>
      %dma_wait3A_394 = tpu.memref_squeeze %dma_wait3A_393 : memref<1x78x128xi32, #tpu.memory_space<hbm>> -> memref<78x128xi32, #tpu.memory_space<hbm>>
      %dma_wait3A_395 = arith.constant 0 : i32
      %dma_wait3A_396 = arith.constant 0 : i32
      %dma_wait3A_397 = tpu.memref_slice %arg7[%dma_wait3A_395, %dma_wait3A_396] : memref<80x128xi32, #tpu.memory_space<vmem>> -> memref<78x128xi32, #tpu.memory_space<vmem>>
      %dma_wait3A_398 = arith.constant 0 : i32
      %dma_wait3A_399 = tpu.memref_slice %arg3[%run_scoped3A_7, %mul3A_6, %dma_wait3A_398] : memref<2x2500x128xi32, #tpu.memory_space<hbm>> -> memref<1x78x128xi32, #tpu.memory_space<hbm>>
      %dma_wait3A_400 = tpu.memref_squeeze %dma_wait3A_399 : memref<1x78x128xi32, #tpu.memory_space<hbm>> -> memref<78x128xi32, #tpu.memory_space<hbm>>
      tpu.wait_dma2 semaphore(%run_scoped3A_376 : memref<!tpu.dma_semaphore, #tpu.memory_space<semaphore_mem>>) src(%dma_wait3A_400 : memref<78x128xi32, #tpu.memory_space<hbm>>) dst(%dma_wait3A_397 : memref<78x128xi32, #tpu.memory_space<vmem>>)
      tpu.yield
    }) : () -> ()
    %broadcast_in_dim3A = arith.constant 0 : i32
    %broadcast_in_dim3A_8 = vector.broadcast %broadcast_in_dim3A : i32 to vector<16xi32>
    %broadcast_in_dim3A_9 = arith.constant 10000 : i32
    %broadcast_in_dim3A_10 = vector.broadcast %broadcast_in_dim3A_9 : i32 to vector<16xi32>
    %swap3A = arith.constant 78 : i32
    %swap3A_11 = arith.index_cast %swap3A : i32 to index
    %swap3A_12 = arith.constant 0 : index
    %swap3A_13 = tpu.vector_load %arg6[%swap3A_11, %swap3A_12] {strides = array<i32>} : memref<80x128xi32, #tpu.memory_space<vmem>>, vector<1x16xi32>,
    %swap3A_14 = vector.shape_cast %swap3A_13 : vector<1x16xi32> to vector<16xi32>
    %swap3A_15 = vector.shape_cast %broadcast_in_dim3A_8 : vector<16xi32> to vector<1x16xi32>
    tpu.vector_store %arg6[%swap3A_11, %swap3A_12], %swap3A_15 {strides = array<i32>} : memref<80x128xi32, #tpu.memory_space<vmem>>, vector<1x16xi32>,
    %swap3A_16 = arith.constant 78 : i32
    %swap3A_17 = arith.index_cast %swap3A_16 : i32 to index
    %swap3A_18 = arith.constant 0 : index
    %swap3A_19 = tpu.vector_load %arg7[%swap3A_17, %swap3A_18] {strides = array<i32>} : memref<80x128xi32, #tpu.memory_space<vmem>>, vector<1x16xi32>,
    %swap3A_20 = vector.shape_cast %swap3A_19 : vector<1x16xi32> to vector<16xi32>
    %swap3A_21 = vector.shape_cast %broadcast_in_dim3A_10 : vector<16xi32> to vector<1x16xi32>
    tpu.vector_store %arg7[%swap3A_17, %swap3A_18], %swap3A_21 {strides = array<i32>} : memref<80x128xi32, #tpu.memory_space<vmem>>, vector<1x16xi32>,
    %swap3A_22 = arith.constant 78 : i32
    %swap3A_23 = arith.index_cast %swap3A_22 : i32 to index
    %swap3A_24 = arith.constant 16 : index
    %swap3A_25 = tpu.vector_load %arg6[%swap3A_23, %swap3A_24] {strides = array<i32>} : memref<80x128xi32, #tpu.memory_space<vmem>>, vector<1x16xi32>,
    %swap3A_26 = vector.shape_cast %swap3A_25 : vector<1x16xi32> to vector<16xi32>
    %swap3A_27 = vector.shape_cast %broadcast_in_dim3A_8 : vector<16xi32> to vector<1x16xi32>
    tpu.vector_store %arg6[%swap3A_23, %swap3A_24], %swap3A_27 {strides = array<i32>} : memref<80x128xi32, #tpu.memory_space<vmem>>, vector<1x16xi32>,
    %swap3A_28 = arith.constant 78 : i32
    %swap3A_29 = arith.index_cast %swap3A_28 : i32 to index
    %swap3A_30 = arith.constant 16 : index
    %swap3A_31 = tpu.vector_load %arg7[%swap3A_29, %swap3A_30] {strides = array<i32>} : memref<80x128xi32, #tpu.memory_space<vmem>>, vector<1x16xi32>,
    %swap3A_32 = vector.shape_cast %swap3A_31 : vector<1x16xi32> to vector<16xi32>
    %swap3A_33 = vector.shape_cast %broadcast_in_dim3A_10 : vector<16xi32> to vector<1x16xi32>
    tpu.vector_store %arg7[%swap3A_29, %swap3A_30], %swap3A_33 {strides = array<i32>} : memref<80x128xi32, #tpu.memory_space<vmem>>, vector<1x16xi32>,
    %swap3A_34 = arith.constant 78 : i32
    %swap3A_35 = arith.index_cast %swap3A_34 : i32 to index
    %swap3A_36 = arith.constant 32 : index
    %swap3A_37 = tpu.vector_load %arg6[%swap3A_35, %swap3A_36] {strides = array<i32>} : memref<80x128xi32, #tpu.memory_space<vmem>>, vector<1x16xi32>,
    %swap3A_38 = vector.shape_cast %swap3A_37 : vector<1x16xi32> to vector<16xi32>
    %swap3A_39 = vector.shape_cast %broadcast_in_dim3A_8 : vector<16xi32> to vector<1x16xi32>
    tpu.vector_store %arg6[%swap3A_35, %swap3A_36], %swap3A_39 {strides = array<i32>} : memref<80x128xi32, #tpu.memory_space<vmem>>, vector<1x16xi32>,
    %swap3A_40 = arith.constant 78 : i32
    %swap3A_41 = arith.index_cast %swap3A_40 : i32 to index
    %swap3A_42 = arith.constant 32 : index
    %swap3A_43 = tpu.vector_load %arg7[%swap3A_41, %swap3A_42] {strides = array<i32>} : memref<80x128xi32, #tpu.memory_space<vmem>>, vector<1x16xi32>,
    %swap3A_44 = vector.shape_cast %swap3A_43 : vector<1x16xi32> to vector<16xi32>
    %swap3A_45 = vector.shape_cast %broadcast_in_dim3A_10 : vector<16xi32> to vector<1x16xi32>
    tpu.vector_store %arg7[%swap3A_41, %swap3A_42], %swap3A_45 {strides = array<i32>} : memref<80x128xi32, #tpu.memory_space<vmem>>, vector<1x16xi32>,
    %swap3A_46 = arith.constant 78 : i32
    %swap3A_47 = arith.index_cast %swap3A_46 : i32 to index
    %swap3A_48 = arith.constant 48 : index
    %swap3A_49 = tpu.vector_load %arg6[%swap3A_47, %swap3A_48] {strides = array<i32>} : memref<80x128xi32, #tpu.memory_space<vmem>>, vector<1x16xi32>,
    %swap3A_50 = vector.shape_cast %swap3A_49 : vector<1x16xi32> to vector<16xi32>
    %swap3A_51 = vector.shape_cast %broadcast_in_dim3A_8 : vector<16xi32> to vector<1x16xi32>
    tpu.vector_store %arg6[%swap3A_47, %swap3A_48], %swap3A_51 {strides = array<i32>} : memref<80x128xi32, #tpu.memory_space<vmem>>, vector<1x16xi32>,
    %swap3A_52 = arith.constant 78 : i32
    %swap3A_53 = arith.index_cast %swap3A_52 : i32 to index
    %swap3A_54 = arith.constant 48 : index
    %swap3A_55 = tpu.vector_load %arg7[%swap3A_53, %swap3A_54] {strides = array<i32>} : memref<80x128xi32, #tpu.memory_space<vmem>>, vector<1x16xi32>,
    %swap3A_56 = vector.shape_cast %swap3A_55 : vector<1x16xi32> to vector<16xi32>
    %swap3A_57 = vector.shape_cast %broadcast_in_dim3A_10 : vector<16xi32> to vector<1x16xi32>
    tpu.vector_store %arg7[%swap3A_53, %swap3A_54], %swap3A_57 {strides = array<i32>} : memref<80x128xi32, #tpu.memory_space<vmem>>, vector<1x16xi32>,
    %swap3A_58 = arith.constant 78 : i32
    %swap3A_59 = arith.index_cast %swap3A_58 : i32 to index
    %swap3A_60 = arith.constant 64 : index
    %swap3A_61 = tpu.vector_load %arg6[%swap3A_59, %swap3A_60] {strides = array<i32>} : memref<80x128xi32, #tpu.memory_space<vmem>>, vector<1x16xi32>,
    %swap3A_62 = vector.shape_cast %swap3A_61 : vector<1x16xi32> to vector<16xi32>
    %swap3A_63 = vector.shape_cast %broadcast_in_dim3A_8 : vector<16xi32> to vector<1x16xi32>
    tpu.vector_store %arg6[%swap3A_59, %swap3A_60], %swap3A_63 {strides = array<i32>} : memref<80x128xi32, #tpu.memory_space<vmem>>, vector<1x16xi32>,
    %swap3A_64 = arith.constant 78 : i32
    %swap3A_65 = arith.index_cast %swap3A_64 : i32 to index
    %swap3A_66 = arith.constant 64 : index
    %swap3A_67 = tpu.vector_load %arg7[%swap3A_65, %swap3A_66] {strides = array<i32>} : memref<80x128xi32, #tpu.memory_space<vmem>>, vector<1x16xi32>,
    %swap3A_68 = vector.shape_cast %swap3A_67 : vector<1x16xi32> to vector<16xi32>
    %swap3A_69 = vector.shape_cast %broadcast_in_dim3A_10 : vector<16xi32> to vector<1x16xi32>
    tpu.vector_store %arg7[%swap3A_65, %swap3A_66], %swap3A_69 {strides = array<i32>} : memref<80x128xi32, #tpu.memory_space<vmem>>, vector<1x16xi32>,
    %swap3A_70 = arith.constant 78 : i32
    %swap3A_71 = arith.index_cast %swap3A_70 : i32 to index
    %swap3A_72 = arith.constant 80 : index
    %swap3A_73 = tpu.vector_load %arg6[%swap3A_71, %swap3A_72] {strides = array<i32>} : memref<80x128xi32, #tpu.memory_space<vmem>>, vector<1x16xi32>,
    %swap3A_74 = vector.shape_cast %swap3A_73 : vector<1x16xi32> to vector<16xi32>
    %swap3A_75 = vector.shape_cast %broadcast_in_dim3A_8 : vector<16xi32> to vector<1x16xi32>
    tpu.vector_store %arg6[%swap3A_71, %swap3A_72], %swap3A_75 {strides = array<i32>} : memref<80x128xi32, #tpu.memory_space<vmem>>, vector<1x16xi32>,
    %swap3A_76 = arith.constant 78 : i32
    %swap3A_77 = arith.index_cast %swap3A_76 : i32 to index
    %swap3A_78 = arith.constant 80 : index
    %swap3A_79 = tpu.vector_load %arg7[%swap3A_77, %swap3A_78] {strides = array<i32>} : memref<80x128xi32, #tpu.memory_space<vmem>>, vector<1x16xi32>,
    %swap3A_80 = vector.shape_cast %swap3A_79 : vector<1x16xi32> to vector<16xi32>
    %swap3A_81 = vector.shape_cast %broadcast_in_dim3A_10 : vector<16xi32> to vector<1x16xi32>
    tpu.vector_store %arg7[%swap3A_77, %swap3A_78], %swap3A_81 {strides = array<i32>} : memref<80x128xi32, #tpu.memory_space<vmem>>, vector<1x16xi32>,
    %swap3A_82 = arith.constant 78 : i32
    %swap3A_83 = arith.index_cast %swap3A_82 : i32 to index
    %swap3A_84 = arith.constant 96 : index
    %swap3A_85 = tpu.vector_load %arg6[%swap3A_83, %swap3A_84] {strides = array<i32>} : memref<80x128xi32, #tpu.memory_space<vmem>>, vector<1x16xi32>,
    %swap3A_86 = vector.shape_cast %swap3A_85 : vector<1x16xi32> to vector<16xi32>
    %swap3A_87 = vector.shape_cast %broadcast_in_dim3A_8 : vector<16xi32> to vector<1x16xi32>
    tpu.vector_store %arg6[%swap3A_83, %swap3A_84], %swap3A_87 {strides = array<i32>} : memref<80x128xi32, #tpu.memory_space<vmem>>, vector<1x16xi32>,
    %swap3A_88 = arith.constant 78 : i32
    %swap3A_89 = arith.index_cast %swap3A_88 : i32 to index
    %swap3A_90 = arith.constant 96 : index
    %swap3A_91 = tpu.vector_load %arg7[%swap3A_89, %swap3A_90] {strides = array<i32>} : memref<80x128xi32, #tpu.memory_space<vmem>>, vector<1x16xi32>,
    %swap3A_92 = vector.shape_cast %swap3A_91 : vector<1x16xi32> to vector<16xi32>
    %swap3A_93 = vector.shape_cast %broadcast_in_dim3A_10 : vector<16xi32> to vector<1x16xi32>
    tpu.vector_store %arg7[%swap3A_89, %swap3A_90], %swap3A_93 {strides = array<i32>} : memref<80x128xi32, #tpu.memory_space<vmem>>, vector<1x16xi32>,
    %swap3A_94 = arith.constant 78 : i32
    %swap3A_95 = arith.index_cast %swap3A_94 : i32 to index
    %swap3A_96 = arith.constant 112 : index
    %swap3A_97 = tpu.vector_load %arg6[%swap3A_95, %swap3A_96] {strides = array<i32>} : memref<80x128xi32, #tpu.memory_space<vmem>>, vector<1x16xi32>,
    %swap3A_98 = vector.shape_cast %swap3A_97 : vector<1x16xi32> to vector<16xi32>
    %swap3A_99 = vector.shape_cast %broadcast_in_dim3A_8 : vector<16xi32> to vector<1x16xi32>
    tpu.vector_store %arg6[%swap3A_95, %swap3A_96], %swap3A_99 {strides = array<i32>} : memref<80x128xi32, #tpu.memory_space<vmem>>, vector<1x16xi32>,
    %swap3A_100 = arith.constant 78 : i32
    %swap3A_101 = arith.index_cast %swap3A_100 : i32 to index
    %swap3A_102 = arith.constant 112 : index
    %swap3A_103 = tpu.vector_load %arg7[%swap3A_101, %swap3A_102] {strides = array<i32>} : memref<80x128xi32, #tpu.memory_space<vmem>>, vector<1x16xi32>,
    %swap3A_104 = vector.shape_cast %swap3A_103 : vector<1x16xi32> to vector<16xi32>
    %swap3A_105 = vector.shape_cast %broadcast_in_dim3A_10 : vector<16xi32> to vector<1x16xi32>
    tpu.vector_store %arg7[%swap3A_101, %swap3A_102], %swap3A_105 {strides = array<i32>} : memref<80x128xi32, #tpu.memory_space<vmem>>, vector<1x16xi32>,
    %swap3A_106 = arith.constant 79 : i32
    %swap3A_107 = arith.index_cast %swap3A_106 : i32 to index
    %swap3A_108 = arith.constant 0 : index
    %swap3A_109 = tpu.vector_load %arg6[%swap3A_107, %swap3A_108] {strides = array<i32>} : memref<80x128xi32, #tpu.memory_space<vmem>>, vector<1x16xi32>,
    %swap3A_110 = vector.shape_cast %swap3A_109 : vector<1x16xi32> to vector<16xi32>
    %swap3A_111 = vector.shape_cast %broadcast_in_dim3A_8 : vector<16xi32> to vector<1x16xi32>
    tpu.vector_store %arg6[%swap3A_107, %swap3A_108], %swap3A_111 {strides = array<i32>} : memref<80x128xi32, #tpu.memory_space<vmem>>, vector<1x16xi32>,
    %swap3A_112 = arith.constant 79 : i32
    %swap3A_113 = arith.index_cast %swap3A_112 : i32 to index
    %swap3A_114 = arith.constant 0 : index
    %swap3A_115 = tpu.vector_load %arg7[%swap3A_113, %swap3A_114] {strides = array<i32>} : memref<80x128xi32, #tpu.memory_space<vmem>>, vector<1x16xi32>,
    %swap3A_116 = vector.shape_cast %swap3A_115 : vector<1x16xi32> to vector<16xi32>
    %swap3A_117 = vector.shape_cast %broadcast_in_dim3A_10 : vector<16xi32> to vector<1x16xi32>
    tpu.vector_store %arg7[%swap3A_113, %swap3A_114], %swap3A_117 {strides = array<i32>} : memref<80x128xi32, #tpu.memory_space<vmem>>, vector<1x16xi32>,
    %swap3A_118 = arith.constant 79 : i32
    %swap3A_119 = arith.index_cast %swap3A_118 : i32 to index
    %swap3A_120 = arith.constant 16 : index
    %swap3A_121 = tpu.vector_load %arg6[%swap3A_119, %swap3A_120] {strides = array<i32>} : memref<80x128xi32, #tpu.memory_space<vmem>>, vector<1x16xi32>,
    %swap3A_122 = vector.shape_cast %swap3A_121 : vector<1x16xi32> to vector<16xi32>
    %swap3A_123 = vector.shape_cast %broadcast_in_dim3A_8 : vector<16xi32> to vector<1x16xi32>
    tpu.vector_store %arg6[%swap3A_119, %swap3A_120], %swap3A_123 {strides = array<i32>} : memref<80x128xi32, #tpu.memory_space<vmem>>, vector<1x16xi32>,
    %swap3A_124 = arith.constant 79 : i32
    %swap3A_125 = arith.index_cast %swap3A_124 : i32 to index
    %swap3A_126 = arith.constant 16 : index
    %swap3A_127 = tpu.vector_load %arg7[%swap3A_125, %swap3A_126] {strides = array<i32>} : memref<80x128xi32, #tpu.memory_space<vmem>>, vector<1x16xi32>,
    %swap3A_128 = vector.shape_cast %swap3A_127 : vector<1x16xi32> to vector<16xi32>
    %swap3A_129 = vector.shape_cast %broadcast_in_dim3A_10 : vector<16xi32> to vector<1x16xi32>
    tpu.vector_store %arg7[%swap3A_125, %swap3A_126], %swap3A_129 {strides = array<i32>} : memref<80x128xi32, #tpu.memory_space<vmem>>, vector<1x16xi32>,
    %swap3A_130 = arith.constant 79 : i32
    %swap3A_131 = arith.index_cast %swap3A_130 : i32 to index
    %swap3A_132 = arith.constant 32 : index
    %swap3A_133 = tpu.vector_load %arg6[%swap3A_131, %swap3A_132] {strides = array<i32>} : memref<80x128xi32, #tpu.memory_space<vmem>>, vector<1x16xi32>,
    %swap3A_134 = vector.shape_cast %swap3A_133 : vector<1x16xi32> to vector<16xi32>
    %swap3A_135 = vector.shape_cast %broadcast_in_dim3A_8 : vector<16xi32> to vector<1x16xi32>
    tpu.vector_store %arg6[%swap3A_131, %swap3A_132], %swap3A_135 {strides = array<i32>} : memref<80x128xi32, #tpu.memory_space<vmem>>, vector<1x16xi32>,
    %swap3A_136 = arith.constant 79 : i32
    %swap3A_137 = arith.index_cast %swap3A_136 : i32 to index
    %swap3A_138 = arith.constant 32 : index
    %swap3A_139 = tpu.vector_load %arg7[%swap3A_137, %swap3A_138] {strides = array<i32>} : memref<80x128xi32, #tpu.memory_space<vmem>>, vector<1x16xi32>,
    %swap3A_140 = vector.shape_cast %swap3A_139 : vector<1x16xi32> to vector<16xi32>
    %swap3A_141 = vector.shape_cast %broadcast_in_dim3A_10 : vector<16xi32> to vector<1x16xi32>
    tpu.vector_store %arg7[%swap3A_137, %swap3A_138], %swap3A_141 {strides = array<i32>} : memref<80x128xi32, #tpu.memory_space<vmem>>, vector<1x16xi32>,
    %swap3A_142 = arith.constant 79 : i32
    %swap3A_143 = arith.index_cast %swap3A_142 : i32 to index
    %swap3A_144 = arith.constant 48 : index
    %swap3A_145 = tpu.vector_load %arg6[%swap3A_143, %swap3A_144] {strides = array<i32>} : memref<80x128xi32, #tpu.memory_space<vmem>>, vector<1x16xi32>,
    %swap3A_146 = vector.shape_cast %swap3A_145 : vector<1x16xi32> to vector<16xi32>
    %swap3A_147 = vector.shape_cast %broadcast_in_dim3A_8 : vector<16xi32> to vector<1x16xi32>
    tpu.vector_store %arg6[%swap3A_143, %swap3A_144], %swap3A_147 {strides = array<i32>} : memref<80x128xi32, #tpu.memory_space<vmem>>, vector<1x16xi32>,
    %swap3A_148 = arith.constant 79 : i32
    %swap3A_149 = arith.index_cast %swap3A_148 : i32 to index
    %swap3A_150 = arith.constant 48 : index
    %swap3A_151 = tpu.vector_load %arg7[%swap3A_149, %swap3A_150] {strides = array<i32>} : memref<80x128xi32, #tpu.memory_space<vmem>>, vector<1x16xi32>,
    %swap3A_152 = vector.shape_cast %swap3A_151 : vector<1x16xi32> to vector<16xi32>
    %swap3A_153 = vector.shape_cast %broadcast_in_dim3A_10 : vector<16xi32> to vector<1x16xi32>
    tpu.vector_store %arg7[%swap3A_149, %swap3A_150], %swap3A_153 {strides = array<i32>} : memref<80x128xi32, #tpu.memory_space<vmem>>, vector<1x16xi32>,
    %swap3A_154 = arith.constant 79 : i32
    %swap3A_155 = arith.index_cast %swap3A_154 : i32 to index
    %swap3A_156 = arith.constant 64 : index
    %swap3A_157 = tpu.vector_load %arg6[%swap3A_155, %swap3A_156] {strides = array<i32>} : memref<80x128xi32, #tpu.memory_space<vmem>>, vector<1x16xi32>,
    %swap3A_158 = vector.shape_cast %swap3A_157 : vector<1x16xi32> to vector<16xi32>
    %swap3A_159 = vector.shape_cast %broadcast_in_dim3A_8 : vector<16xi32> to vector<1x16xi32>
    tpu.vector_store %arg6[%swap3A_155, %swap3A_156], %swap3A_159 {strides = array<i32>} : memref<80x128xi32, #tpu.memory_space<vmem>>, vector<1x16xi32>,
    %swap3A_160 = arith.constant 79 : i32
    %swap3A_161 = arith.index_cast %swap3A_160 : i32 to index
    %swap3A_162 = arith.constant 64 : index
    %swap3A_163 = tpu.vector_load %arg7[%swap3A_161, %swap3A_162] {strides = array<i32>} : memref<80x128xi32, #tpu.memory_space<vmem>>, vector<1x16xi32>,
    %swap3A_164 = vector.shape_cast %swap3A_163 : vector<1x16xi32> to vector<16xi32>
    %swap3A_165 = vector.shape_cast %broadcast_in_dim3A_10 : vector<16xi32> to vector<1x16xi32>
    tpu.vector_store %arg7[%swap3A_161, %swap3A_162], %swap3A_165 {strides = array<i32>} : memref<80x128xi32, #tpu.memory_space<vmem>>, vector<1x16xi32>,
    %swap3A_166 = arith.constant 79 : i32
    %swap3A_167 = arith.index_cast %swap3A_166 : i32 to index
    %swap3A_168 = arith.constant 80 : index
    %swap3A_169 = tpu.vector_load %arg6[%swap3A_167, %swap3A_168] {strides = array<i32>} : memref<80x128xi32, #tpu.memory_space<vmem>>, vector<1x16xi32>,
    %swap3A_170 = vector.shape_cast %swap3A_169 : vector<1x16xi32> to vector<16xi32>
    %swap3A_171 = vector.shape_cast %broadcast_in_dim3A_8 : vector<16xi32> to vector<1x16xi32>
    tpu.vector_store %arg6[%swap3A_167, %swap3A_168], %swap3A_171 {strides = array<i32>} : memref<80x128xi32, #tpu.memory_space<vmem>>, vector<1x16xi32>,
    %swap3A_172 = arith.constant 79 : i32
    %swap3A_173 = arith.index_cast %swap3A_172 : i32 to index
    %swap3A_174 = arith.constant 80 : index
    %swap3A_175 = tpu.vector_load %arg7[%swap3A_173, %swap3A_174] {strides = array<i32>} : memref<80x128xi32, #tpu.memory_space<vmem>>, vector<1x16xi32>,
    %swap3A_176 = vector.shape_cast %swap3A_175 : vector<1x16xi32> to vector<16xi32>
    %swap3A_177 = vector.shape_cast %broadcast_in_dim3A_10 : vector<16xi32> to vector<1x16xi32>
    tpu.vector_store %arg7[%swap3A_173, %swap3A_174], %swap3A_177 {strides = array<i32>} : memref<80x128xi32, #tpu.memory_space<vmem>>, vector<1x16xi32>,
    %swap3A_178 = arith.constant 79 : i32
    %swap3A_179 = arith.index_cast %swap3A_178 : i32 to index
    %swap3A_180 = arith.constant 96 : index
    %swap3A_181 = tpu.vector_load %arg6[%swap3A_179, %swap3A_180] {strides = array<i32>} : memref<80x128xi32, #tpu.memory_space<vmem>>, vector<1x16xi32>,
    %swap3A_182 = vector.shape_cast %swap3A_181 : vector<1x16xi32> to vector<16xi32>
    %swap3A_183 = vector.shape_cast %broadcast_in_dim3A_8 : vector<16xi32> to vector<1x16xi32>
    tpu.vector_store %arg6[%swap3A_179, %swap3A_180], %swap3A_183 {strides = array<i32>} : memref<80x128xi32, #tpu.memory_space<vmem>>, vector<1x16xi32>,
    %swap3A_184 = arith.constant 79 : i32
    %swap3A_185 = arith.index_cast %swap3A_184 : i32 to index
    %swap3A_186 = arith.constant 96 : index
    %swap3A_187 = tpu.vector_load %arg7[%swap3A_185, %swap3A_186] {strides = array<i32>} : memref<80x128xi32, #tpu.memory_space<vmem>>, vector<1x16xi32>,
    %swap3A_188 = vector.shape_cast %swap3A_187 : vector<1x16xi32> to vector<16xi32>
    %swap3A_189 = vector.shape_cast %broadcast_in_dim3A_10 : vector<16xi32> to vector<1x16xi32>
    tpu.vector_store %arg7[%swap3A_185, %swap3A_186], %swap3A_189 {strides = array<i32>} : memref<80x128xi32, #tpu.memory_space<vmem>>, vector<1x16xi32>,
    %swap3A_190 = arith.constant 79 : i32
    %swap3A_191 = arith.index_cast %swap3A_190 : i32 to index
    %swap3A_192 = arith.constant 112 : index
    %swap3A_193 = tpu.vector_load %arg6[%swap3A_191, %swap3A_192] {strides = array<i32>} : memref<80x128xi32, #tpu.memory_space<vmem>>, vector<1x16xi32>,
    %swap3A_194 = vector.shape_cast %swap3A_193 : vector<1x16xi32> to vector<16xi32>
    %swap3A_195 = vector.shape_cast %broadcast_in_dim3A_8 : vector<16xi32> to vector<1x16xi32>
    tpu.vector_store %arg6[%swap3A_191, %swap3A_192], %swap3A_195 {strides = array<i32>} : memref<80x128xi32, #tpu.memory_space<vmem>>, vector<1x16xi32>,
    %swap3A_196 = arith.constant 79 : i32
    %swap3A_197 = arith.index_cast %swap3A_196 : i32 to index
    %swap3A_198 = arith.constant 112 : index
    %swap3A_199 = tpu.vector_load %arg7[%swap3A_197, %swap3A_198] {strides = array<i32>} : memref<80x128xi32, #tpu.memory_space<vmem>>, vector<1x16xi32>,
    %swap3A_200 = vector.shape_cast %swap3A_199 : vector<1x16xi32> to vector<16xi32>
    %swap3A_201 = vector.shape_cast %broadcast_in_dim3A_10 : vector<16xi32> to vector<1x16xi32>
    tpu.vector_store %arg7[%swap3A_197, %swap3A_198], %swap3A_201 {strides = array<i32>} : memref<80x128xi32, #tpu.memory_space<vmem>>, vector<1x16xi32>,
    %lt3A = arith.constant 4 : i32
    %lt3A_202 = arith.cmpi slt, %add3A, %lt3A : i32
    %convert_element_type3A = arith.extui %lt3A_202 : i1 to i32
    %cond3A = arith.constant 0 : i32
    %cond3A_203 = arith.cmpi ne, %convert_element_type3A, %cond3A : i32
    scf.if %cond3A_203 {
      %add3A_376 = arith.constant 2496 : i32
      %add3A_377 = arith.addi %add3A_376, %add3A : i32
      %run_scoped3A_378 = arith.constant 0 : i32
      "tpu.region"() ({
        %run_scoped3A_382 = tpu.sem_alloc : memref<!tpu.dma_semaphore, #tpu.memory_space<semaphore_mem>>
        %dma_start3A_383 = arith.constant 78 : i32
        %dma_start3A_384 = arith.constant 0 : i32
        %dma_start3A_385 = tpu.memref_slice %arg6[%dma_start3A_383, %dma_start3A_384] : memref<80x128xi32, #tpu.memory_space<vmem>> -> memref<1x128xi32, #tpu.memory_space<vmem>>
        %dma_start3A_386 = arith.constant 0 : i32
        %dma_start3A_387 = tpu.memref_slice %arg3[%run_scoped3A_378, %add3A_377, %dma_start3A_386] : memref<2x2500x128xi32, #tpu.memory_space<hbm>> -> memref<1x1x128xi32, #tpu.memory_space<hbm>>
        %dma_start3A_388 = tpu.memref_squeeze %dma_start3A_387 : memref<1x1x128xi32, #tpu.memory_space<hbm>> -> memref<1x128xi32, #tpu.memory_space<hbm>>
        %dma_start3A_389 = arith.constant 78 : i32
        %dma_start3A_390 = arith.constant 0 : i32
        %dma_start3A_391 = tpu.memref_slice %arg6[%dma_start3A_389, %dma_start3A_390] : memref<80x128xi32, #tpu.memory_space<vmem>> -> memref<1x128xi32, #tpu.memory_space<vmem>>
        %dma_start3A_392 = arith.constant 0 : i32
        %dma_start3A_393 = tpu.memref_slice %arg3[%run_scoped3A_378, %add3A_377, %dma_start3A_392] : memref<2x2500x128xi32, #tpu.memory_space<hbm>> -> memref<1x1x128xi32, #tpu.memory_space<hbm>>
        %dma_start3A_394 = tpu.memref_squeeze %dma_start3A_393 : memref<1x1x128xi32, #tpu.memory_space<hbm>> -> memref<1x128xi32, #tpu.memory_space<hbm>>
        tpu.enqueue_dma source(%dma_start3A_394 : memref<1x128xi32, #tpu.memory_space<hbm>>) target(%dma_start3A_391 : memref<1x128xi32, #tpu.memory_space<vmem>>) target_semaphore(%run_scoped3A_382 : memref<!tpu.dma_semaphore, #tpu.memory_space<semaphore_mem>>)
        %dma_wait3A_395 = arith.constant 78 : i32
        %dma_wait3A_396 = arith.constant 0 : i32
        %dma_wait3A_397 = tpu.memref_slice %arg6[%dma_wait3A_395, %dma_wait3A_396] : memref<80x128xi32, #tpu.memory_space<vmem>> -> memref<1x128xi32, #tpu.memory_space<vmem>>
        %dma_wait3A_398 = arith.constant 0 : i32
        %dma_wait3A_399 = tpu.memref_slice %arg3[%run_scoped3A_378, %add3A_377, %dma_wait3A_398] : memref<2x2500x128xi32, #tpu.memory_space<hbm>> -> memref<1x1x128xi32, #tpu.memory_space<hbm>>
        %dma_wait3A_400 = tpu.memref_squeeze %dma_wait3A_399 : memref<1x1x128xi32, #tpu.memory_space<hbm>> -> memref<1x128xi32, #tpu.memory_space<hbm>>
        %dma_wait3A_401 = arith.constant 78 : i32
        %dma_wait3A_402 = arith.constant 0 : i32
        %dma_wait3A_403 = tpu.memref_slice %arg6[%dma_wait3A_401, %dma_wait3A_402] : memref<80x128xi32, #tpu.memory_space<vmem>> -> memref<1x128xi32, #tpu.memory_space<vmem>>
        %dma_wait3A_404 = arith.constant 0 : i32
        %dma_wait3A_405 = tpu.memref_slice %arg3[%run_scoped3A_378, %add3A_377, %dma_wait3A_404] : memref<2x2500x128xi32, #tpu.memory_space<hbm>> -> memref<1x1x128xi32, #tpu.memory_space<hbm>>
        %dma_wait3A_406 = tpu.memref_squeeze %dma_wait3A_405 : memref<1x1x128xi32, #tpu.memory_space<hbm>> -> memref<1x128xi32, #tpu.memory_space<hbm>>
        tpu.wait_dma2 semaphore(%run_scoped3A_382 : memref<!tpu.dma_semaphore, #tpu.memory_space<semaphore_mem>>) src(%dma_wait3A_406 : memref<1x128xi32, #tpu.memory_space<hbm>>) dst(%dma_wait3A_403 : memref<1x128xi32, #tpu.memory_space<vmem>>)
        tpu.yield
      }) : () -> ()
      %add3A_379 = arith.constant 2496 : i32
      %add3A_380 = arith.addi %add3A_379, %add3A : i32
      %run_scoped3A_381 = arith.constant 1 : i32
      "tpu.region"() ({
        %run_scoped3A_382 = tpu.sem_alloc : memref<!tpu.dma_semaphore, #tpu.memory_space<semaphore_mem>>
        %dma_start3A_383 = arith.constant 78 : i32
        %dma_start3A_384 = arith.constant 0 : i32
        %dma_start3A_385 = tpu.memref_slice %arg7[%dma_start3A_383, %dma_start3A_384] : memref<80x128xi32, #tpu.memory_space<vmem>> -> memref<1x128xi32, #tpu.memory_space<vmem>>
        %dma_start3A_386 = arith.constant 0 : i32
        %dma_start3A_387 = tpu.memref_slice %arg3[%run_scoped3A_381, %add3A_380, %dma_start3A_386] : memref<2x2500x128xi32, #tpu.memory_space<hbm>> -> memref<1x1x128xi32, #tpu.memory_space<hbm>>
        %dma_start3A_388 = tpu.memref_squeeze %dma_start3A_387 : memref<1x1x128xi32, #tpu.memory_space<hbm>> -> memref<1x128xi32, #tpu.memory_space<hbm>>
        %dma_start3A_389 = arith.constant 78 : i32
        %dma_start3A_390 = arith.constant 0 : i32
        %dma_start3A_391 = tpu.memref_slice %arg7[%dma_start3A_389, %dma_start3A_390] : memref<80x128xi32, #tpu.memory_space<vmem>> -> memref<1x128xi32, #tpu.memory_space<vmem>>
        %dma_start3A_392 = arith.constant 0 : i32
        %dma_start3A_393 = tpu.memref_slice %arg3[%run_scoped3A_381, %add3A_380, %dma_start3A_392] : memref<2x2500x128xi32, #tpu.memory_space<hbm>> -> memref<1x1x128xi32, #tpu.memory_space<hbm>>
        %dma_start3A_394 = tpu.memref_squeeze %dma_start3A_393 : memref<1x1x128xi32, #tpu.memory_space<hbm>> -> memref<1x128xi32, #tpu.memory_space<hbm>>
        tpu.enqueue_dma source(%dma_start3A_394 : memref<1x128xi32, #tpu.memory_space<hbm>>) target(%dma_start3A_391 : memref<1x128xi32, #tpu.memory_space<vmem>>) target_semaphore(%run_scoped3A_382 : memref<!tpu.dma_semaphore, #tpu.memory_space<semaphore_mem>>)
        %dma_wait3A_395 = arith.constant 78 : i32
        %dma_wait3A_396 = arith.constant 0 : i32
        %dma_wait3A_397 = tpu.memref_slice %arg7[%dma_wait3A_395, %dma_wait3A_396] : memref<80x128xi32, #tpu.memory_space<vmem>> -> memref<1x128xi32, #tpu.memory_space<vmem>>
        %dma_wait3A_398 = arith.constant 0 : i32
        %dma_wait3A_399 = tpu.memref_slice %arg3[%run_scoped3A_381, %add3A_380, %dma_wait3A_398] : memref<2x2500x128xi32, #tpu.memory_space<hbm>> -> memref<1x1x128xi32, #tpu.memory_space<hbm>>
        %dma_wait3A_400 = tpu.memref_squeeze %dma_wait3A_399 : memref<1x1x128xi32, #tpu.memory_space<hbm>> -> memref<1x128xi32, #tpu.memory_space<hbm>>
        %dma_wait3A_401 = arith.constant 78 : i32
        %dma_wait3A_402 = arith.constant 0 : i32
        %dma_wait3A_403 = tpu.memref_slice %arg7[%dma_wait3A_401, %dma_wait3A_402] : memref<80x128xi32, #tpu.memory_space<vmem>> -> memref<1x128xi32, #tpu.memory_space<vmem>>
        %dma_wait3A_404 = arith.constant 0 : i32
        %dma_wait3A_405 = tpu.memref_slice %arg3[%run_scoped3A_381, %add3A_380, %dma_wait3A_404] : memref<2x2500x128xi32, #tpu.memory_space<hbm>> -> memref<1x1x128xi32, #tpu.memory_space<hbm>>
        %dma_wait3A_406 = tpu.memref_squeeze %dma_wait3A_405 : memref<1x1x128xi32, #tpu.memory_space<hbm>> -> memref<1x128xi32, #tpu.memory_space<hbm>>
        tpu.wait_dma2 semaphore(%run_scoped3A_382 : memref<!tpu.dma_semaphore, #tpu.memory_space<semaphore_mem>>) src(%dma_wait3A_406 : memref<1x128xi32, #tpu.memory_space<hbm>>) dst(%dma_wait3A_403 : memref<1x128xi32, #tpu.memory_space<vmem>>)
        tpu.yield
      }) : () -> ()
    } else {
    }
    %barrier3A = arith.constant 0 : index
    tpu.barrier barrier_id(%barrier3A)
    %dma_start3A = arith.constant 0 : i32
    %dma_start3A_204 = arith.constant 0 : i32
    %dma_start3A_205 = arith.constant 0 : i32
    %dma_start3A_206 = arith.constant 0 : i32
    %dma_start3A_207 = tpu.memref_slice %arg8[%dma_start3A_204, %dma_start3A_205, %dma_start3A_206] : memref<8x128x32xf32, #tpu.memory_space<vmem>> -> memref<1x128x32xf32, #tpu.memory_space<vmem>>
    %dma_start3A_208 = tpu.memref_squeeze %dma_start3A_207 : memref<1x128x32xf32, #tpu.memory_space<vmem>> -> memref<128x32xf32, #tpu.memory_space<vmem>>
    %dma_start3A_209 = arith.constant 0 : i32
    %dma_start3A_210 = tpu.memref_slice %arg6[%dma_start3A, %dma_start3A_209] : memref<80x128xi32, #tpu.memory_space<vmem>> -> memref<1x128xi32, #tpu.memory_space<vmem>>
    %dma_start3A_211 = tpu.memref_squeeze %dma_start3A_210 : memref<1x128xi32, #tpu.memory_space<vmem>> -> memref<128xi32, #tpu.memory_space<vmem>>
    %dma_start3A_212 = arith.constant 0 : i32
    %dma_start3A_213 = arith.constant 0 : i32
    %dma_start3A_214 = tpu.memref_slice %arg10[%dma_start3A_212, %dma_start3A_213] : memref<10112x32xf32, #tpu.memory_space<vmem_shared>> -> memref<10112x32xf32, #tpu.memory_space<vmem_shared>>
    tpu.enqueue_indirect_dma source(%dma_start3A_214 : memref<10112x32xf32, #tpu.memory_space<vmem_shared>>) target(%dma_start3A_208 : memref<128x32xf32, #tpu.memory_space<vmem>>) offsets(%dma_start3A_211 : memref<128xi32, #tpu.memory_space<vmem>>) semaphore(%arg11 : memref<!tpu.dma_semaphore, #tpu.memory_space<semaphore_mem>>)
    %dma_start3A_215 = arith.constant 1 : i32
    %dma_start3A_216 = arith.constant 1 : i32
    %dma_start3A_217 = arith.constant 0 : i32
    %dma_start3A_218 = arith.constant 0 : i32
    %dma_start3A_219 = tpu.memref_slice %arg8[%dma_start3A_216, %dma_start3A_217, %dma_start3A_218] : memref<8x128x32xf32, #tpu.memory_space<vmem>> -> memref<1x128x32xf32, #tpu.memory_space<vmem>>
    %dma_start3A_220 = tpu.memref_squeeze %dma_start3A_219 : memref<1x128x32xf32, #tpu.memory_space<vmem>> -> memref<128x32xf32, #tpu.memory_space<vmem>>
    %dma_start3A_221 = arith.constant 0 : i32
    %dma_start3A_222 = tpu.memref_slice %arg6[%dma_start3A_215, %dma_start3A_221] : memref<80x128xi32, #tpu.memory_space<vmem>> -> memref<1x128xi32, #tpu.memory_space<vmem>>
    %dma_start3A_223 = tpu.memref_squeeze %dma_start3A_222 : memref<1x128xi32, #tpu.memory_space<vmem>> -> memref<128xi32, #tpu.memory_space<vmem>>
    %dma_start3A_224 = arith.constant 0 : i32
    %dma_start3A_225 = arith.constant 0 : i32
    %dma_start3A_226 = tpu.memref_slice %arg10[%dma_start3A_224, %dma_start3A_225] : memref<10112x32xf32, #tpu.memory_space<vmem_shared>> -> memref<10112x32xf32, #tpu.memory_space<vmem_shared>>
    tpu.enqueue_indirect_dma source(%dma_start3A_226 : memref<10112x32xf32, #tpu.memory_space<vmem_shared>>) target(%dma_start3A_220 : memref<128x32xf32, #tpu.memory_space<vmem>>) offsets(%dma_start3A_223 : memref<128xi32, #tpu.memory_space<vmem>>) semaphore(%arg12 : memref<!tpu.dma_semaphore, #tpu.memory_space<semaphore_mem>>)
    %dma_start3A_227 = arith.constant 2 : i32
    %dma_start3A_228 = arith.constant 2 : i32
    %dma_start3A_229 = arith.constant 0 : i32
    %dma_start3A_230 = arith.constant 0 : i32
    %dma_start3A_231 = tpu.memref_slice %arg8[%dma_start3A_228, %dma_start3A_229, %dma_start3A_230] : memref<8x128x32xf32, #tpu.memory_space<vmem>> -> memref<1x128x32xf32, #tpu.memory_space<vmem>>
    %dma_start3A_232 = tpu.memref_squeeze %dma_start3A_231 : memref<1x128x32xf32, #tpu.memory_space<vmem>> -> memref<128x32xf32, #tpu.memory_space<vmem>>
    %dma_start3A_233 = arith.constant 0 : i32
    %dma_start3A_234 = tpu.memref_slice %arg6[%dma_start3A_227, %dma_start3A_233] : memref<80x128xi32, #tpu.memory_space<vmem>> -> memref<1x128xi32, #tpu.memory_space<vmem>>
    %dma_start3A_235 = tpu.memref_squeeze %dma_start3A_234 : memref<1x128xi32, #tpu.memory_space<vmem>> -> memref<128xi32, #tpu.memory_space<vmem>>
    %dma_start3A_236 = arith.constant 0 : i32
    %dma_start3A_237 = arith.constant 0 : i32
    %dma_start3A_238 = tpu.memref_slice %arg10[%dma_start3A_236, %dma_start3A_237] : memref<10112x32xf32, #tpu.memory_space<vmem_shared>> -> memref<10112x32xf32, #tpu.memory_space<vmem_shared>>
    tpu.enqueue_indirect_dma source(%dma_start3A_238 : memref<10112x32xf32, #tpu.memory_space<vmem_shared>>) target(%dma_start3A_232 : memref<128x32xf32, #tpu.memory_space<vmem>>) offsets(%dma_start3A_235 : memref<128xi32, #tpu.memory_space<vmem>>) semaphore(%arg13 : memref<!tpu.dma_semaphore, #tpu.memory_space<semaphore_mem>>)
    %dma_start3A_239 = arith.constant 3 : i32
    %dma_start3A_240 = arith.constant 3 : i32
    %dma_start3A_241 = arith.constant 0 : i32
    %dma_start3A_242 = arith.constant 0 : i32
    %dma_start3A_243 = tpu.memref_slice %arg8[%dma_start3A_240, %dma_start3A_241, %dma_start3A_242] : memref<8x128x32xf32, #tpu.memory_space<vmem>> -> memref<1x128x32xf32, #tpu.memory_space<vmem>>
    %dma_start3A_244 = tpu.memref_squeeze %dma_start3A_243 : memref<1x128x32xf32, #tpu.memory_space<vmem>> -> memref<128x32xf32, #tpu.memory_space<vmem>>
    %dma_start3A_245 = arith.constant 0 : i32
    %dma_start3A_246 = tpu.memref_slice %arg6[%dma_start3A_239, %dma_start3A_245] : memref<80x128xi32, #tpu.memory_space<vmem>> -> memref<1x128xi32, #tpu.memory_space<vmem>>
    %dma_start3A_247 = tpu.memref_squeeze %dma_start3A_246 : memref<1x128xi32, #tpu.memory_space<vmem>> -> memref<128xi32, #tpu.memory_space<vmem>>
    %dma_start3A_248 = arith.constant 0 : i32
    %dma_start3A_249 = arith.constant 0 : i32
    %dma_start3A_250 = tpu.memref_slice %arg10[%dma_start3A_248, %dma_start3A_249] : memref<10112x32xf32, #tpu.memory_space<vmem_shared>> -> memref<10112x32xf32, #tpu.memory_space<vmem_shared>>
    tpu.enqueue_indirect_dma source(%dma_start3A_250 : memref<10112x32xf32, #tpu.memory_space<vmem_shared>>) target(%dma_start3A_244 : memref<128x32xf32, #tpu.memory_space<vmem>>) offsets(%dma_start3A_247 : memref<128xi32, #tpu.memory_space<vmem>>) semaphore(%arg14 : memref<!tpu.dma_semaphore, #tpu.memory_space<semaphore_mem>>)
    %dma_start3A_251 = arith.constant 4 : i32
    %dma_start3A_252 = arith.constant 4 : i32
    %dma_start3A_253 = arith.constant 0 : i32
    %dma_start3A_254 = arith.constant 0 : i32
    %dma_start3A_255 = tpu.memref_slice %arg8[%dma_start3A_252, %dma_start3A_253, %dma_start3A_254] : memref<8x128x32xf32, #tpu.memory_space<vmem>> -> memref<1x128x32xf32, #tpu.memory_space<vmem>>
    %dma_start3A_256 = tpu.memref_squeeze %dma_start3A_255 : memref<1x128x32xf32, #tpu.memory_space<vmem>> -> memref<128x32xf32, #tpu.memory_space<vmem>>
    %dma_start3A_257 = arith.constant 0 : i32
    %dma_start3A_258 = tpu.memref_slice %arg6[%dma_start3A_251, %dma_start3A_257] : memref<80x128xi32, #tpu.memory_space<vmem>> -> memref<1x128xi32, #tpu.memory_space<vmem>>
    %dma_start3A_259 = tpu.memref_squeeze %dma_start3A_258 : memref<1x128xi32, #tpu.memory_space<vmem>> -> memref<128xi32, #tpu.memory_space<vmem>>
    %dma_start3A_260 = arith.constant 0 : i32
    %dma_start3A_261 = arith.constant 0 : i32
    %dma_start3A_262 = tpu.memref_slice %arg10[%dma_start3A_260, %dma_start3A_261] : memref<10112x32xf32, #tpu.memory_space<vmem_shared>> -> memref<10112x32xf32, #tpu.memory_space<vmem_shared>>
    tpu.enqueue_indirect_dma source(%dma_start3A_262 : memref<10112x32xf32, #tpu.memory_space<vmem_shared>>) target(%dma_start3A_256 : memref<128x32xf32, #tpu.memory_space<vmem>>) offsets(%dma_start3A_259 : memref<128xi32, #tpu.memory_space<vmem>>) semaphore(%arg15 : memref<!tpu.dma_semaphore, #tpu.memory_space<semaphore_mem>>)
    %dma_start3A_263 = arith.constant 5 : i32
    %dma_start3A_264 = arith.constant 5 : i32
    %dma_start3A_265 = arith.constant 0 : i32
    %dma_start3A_266 = arith.constant 0 : i32
    %dma_start3A_267 = tpu.memref_slice %arg8[%dma_start3A_264, %dma_start3A_265, %dma_start3A_266] : memref<8x128x32xf32, #tpu.memory_space<vmem>> -> memref<1x128x32xf32, #tpu.memory_space<vmem>>
    %dma_start3A_268 = tpu.memref_squeeze %dma_start3A_267 : memref<1x128x32xf32, #tpu.memory_space<vmem>> -> memref<128x32xf32, #tpu.memory_space<vmem>>
    %dma_start3A_269 = arith.constant 0 : i32
    %dma_start3A_270 = tpu.memref_slice %arg6[%dma_start3A_263, %dma_start3A_269] : memref<80x128xi32, #tpu.memory_space<vmem>> -> memref<1x128xi32, #tpu.memory_space<vmem>>
    %dma_start3A_271 = tpu.memref_squeeze %dma_start3A_270 : memref<1x128xi32, #tpu.memory_space<vmem>> -> memref<128xi32, #tpu.memory_space<vmem>>
    %dma_start3A_272 = arith.constant 0 : i32
    %dma_start3A_273 = arith.constant 0 : i32
    %dma_start3A_274 = tpu.memref_slice %arg10[%dma_start3A_272, %dma_start3A_273] : memref<10112x32xf32, #tpu.memory_space<vmem_shared>> -> memref<10112x32xf32, #tpu.memory_space<vmem_shared>>
    tpu.enqueue_indirect_dma source(%dma_start3A_274 : memref<10112x32xf32, #tpu.memory_space<vmem_shared>>) target(%dma_start3A_268 : memref<128x32xf32, #tpu.memory_space<vmem>>) offsets(%dma_start3A_271 : memref<128xi32, #tpu.memory_space<vmem>>) semaphore(%arg16 : memref<!tpu.dma_semaphore, #tpu.memory_space<semaphore_mem>>)
    %scan3A = arith.constant 0 : i32
    %scan3A_275 = arith.constant 0 : i32
    %scan3A_276 = arith.constant 10 : i32
    %scan3A_277 = arith.addi %scan3A_275, %scan3A_276 : i32
    %scan3A_278 = arith.constant 1 : i32
    scf.for %scan3A_376 = %scan3A_275 to %scan3A_277 step %scan3A_278  : i32 {
      %mul3A_377 = arith.constant 8 : i32
      %mul3A_378 = arith.muli %scan3A_376, %mul3A_377 : i32
      %add3A_379 = arith.constant 0 : i32
      %add3A_380 = arith.addi %mul3A_378, %add3A_379 : i32
      %dma_wait3A_381 = arith.constant 0 : i32
      %dma_wait3A_382 = arith.constant 0 : i32
      %dma_wait3A_383 = arith.constant 0 : i32
      %dma_wait3A_384 = tpu.memref_slice %arg8[%dma_wait3A_381, %dma_wait3A_382, %dma_wait3A_383] : memref<8x128x32xf32, #tpu.memory_space<vmem>> -> memref<1x128x32xf32, #tpu.memory_space<vmem>>
      %dma_wait3A_385 = tpu.memref_squeeze %dma_wait3A_384 : memref<1x128x32xf32, #tpu.memory_space<vmem>> -> memref<128x32xf32, #tpu.memory_space<vmem>>
      %dma_wait3A_386 = arith.constant 0 : i32
      %dma_wait3A_387 = tpu.memref_slice %arg6[%add3A_380, %dma_wait3A_386] : memref<80x128xi32, #tpu.memory_space<vmem>> -> memref<1x128xi32, #tpu.memory_space<vmem>>
      %dma_wait3A_388 = tpu.memref_squeeze %dma_wait3A_387 : memref<1x128xi32, #tpu.memory_space<vmem>> -> memref<128xi32, #tpu.memory_space<vmem>>
      %dma_wait3A_389 = arith.constant 0 : i32
      %dma_wait3A_390 = arith.constant 0 : i32
      %dma_wait3A_391 = tpu.memref_slice %arg10[%dma_wait3A_389, %dma_wait3A_390] : memref<10112x32xf32, #tpu.memory_space<vmem_shared>> -> memref<10112x32xf32, #tpu.memory_space<vmem_shared>>
      tpu.wait_indirect_dma semaphore(%arg11 : memref<!tpu.dma_semaphore, #tpu.memory_space<semaphore_mem>>) src(%dma_wait3A_391 : memref<10112x32xf32, #tpu.memory_space<vmem_shared>>) dst(%dma_wait3A_385 : memref<128x32xf32, #tpu.memory_space<vmem>>)
      %dma_start3A_392 = arith.constant 0 : i32
      %dma_start3A_393 = arith.constant 0 : i32
      %dma_start3A_394 = arith.constant 0 : i32
      %dma_start3A_395 = tpu.memref_slice %arg8[%dma_start3A_392, %dma_start3A_393, %dma_start3A_394] : memref<8x128x32xf32, #tpu.memory_space<vmem>> -> memref<1x128x32xf32, #tpu.memory_space<vmem>>
      %dma_start3A_396 = tpu.memref_squeeze %dma_start3A_395 : memref<1x128x32xf32, #tpu.memory_space<vmem>> -> memref<128x32xf32, #tpu.memory_space<vmem>>
      %dma_start3A_397 = arith.constant 0 : i32
      %dma_start3A_398 = tpu.memref_slice %arg7[%add3A_380, %dma_start3A_397] : memref<80x128xi32, #tpu.memory_space<vmem>> -> memref<1x128xi32, #tpu.memory_space<vmem>>
      %dma_start3A_399 = tpu.memref_squeeze %dma_start3A_398 : memref<1x128xi32, #tpu.memory_space<vmem>> -> memref<128xi32, #tpu.memory_space<vmem>>
      %dma_start3A_400 = arith.constant 0 : i32
      %dma_start3A_401 = arith.constant 0 : i32
      %dma_start3A_402 = tpu.memref_slice %arg9[%dma_start3A_400, %dma_start3A_401] : memref<10112x32xf32, #tpu.memory_space<vmem_shared>> -> memref<10112x32xf32, #tpu.memory_space<vmem_shared>>
      tpu.enqueue_indirect_dma source(%dma_start3A_396 : memref<128x32xf32, #tpu.memory_space<vmem>>) target(%dma_start3A_402 : memref<10112x32xf32, #tpu.memory_space<vmem_shared>>) offsets(%dma_start3A_399 : memref<128xi32, #tpu.memory_space<vmem>>) semaphore(%arg19 : memref<!tpu.dma_semaphore, #tpu.memory_space<semaphore_mem>>) {add = true}
      %add3A_403 = arith.constant 6 : i32
      %add3A_404 = arith.addi %add3A_380, %add3A_403 : i32
      %lt3A_405 = arith.constant 80 : i32
      %lt3A_406 = arith.cmpi slt, %add3A_404, %lt3A_405 : i32
      %ge3A = arith.constant 2 : i32
      %ge3A_407 = arith.cmpi sge, %add3A_380, %ge3A : i32
      %and3A = arith.andi %lt3A_406, %ge3A_407 : i1
      %convert_element_type3A_408 = arith.extui %and3A : i1 to i32
      %cond3A_409 = arith.constant 0 : i32
      %cond3A_410 = arith.cmpi ne, %convert_element_type3A_408, %cond3A_409 : i32
      scf.if %cond3A_410 {
        %dma_wait3A_703 = arith.constant 6 : i32
        %dma_wait3A_704 = arith.constant 0 : i32
        %dma_wait3A_705 = arith.constant 0 : i32
        %dma_wait3A_706 = tpu.memref_slice %arg8[%dma_wait3A_703, %dma_wait3A_704, %dma_wait3A_705] : memref<8x128x32xf32, #tpu.memory_space<vmem>> -> memref<1x128x32xf32, #tpu.memory_space<vmem>>
        %dma_wait3A_707 = tpu.memref_squeeze %dma_wait3A_706 : memref<1x128x32xf32, #tpu.memory_space<vmem>> -> memref<128x32xf32, #tpu.memory_space<vmem>>
        %dma_wait3A_708 = arith.constant 0 : i32
        %dma_wait3A_709 = tpu.memref_slice %arg7[%add3A_380, %dma_wait3A_708] : memref<80x128xi32, #tpu.memory_space<vmem>> -> memref<1x128xi32, #tpu.memory_space<vmem>>
        %dma_wait3A_710 = tpu.memref_squeeze %dma_wait3A_709 : memref<1x128xi32, #tpu.memory_space<vmem>> -> memref<128xi32, #tpu.memory_space<vmem>>
        %dma_wait3A_711 = arith.constant 0 : i32
        %dma_wait3A_712 = arith.constant 0 : i32
        %dma_wait3A_713 = tpu.memref_slice %arg9[%dma_wait3A_711, %dma_wait3A_712] : memref<10112x32xf32, #tpu.memory_space<vmem_shared>> -> memref<10112x32xf32, #tpu.memory_space<vmem_shared>>
        tpu.wait_indirect_dma semaphore(%arg25 : memref<!tpu.dma_semaphore, #tpu.memory_space<semaphore_mem>>) src(%dma_wait3A_707 : memref<128x32xf32, #tpu.memory_space<vmem>>) dst(%dma_wait3A_713 : memref<10112x32xf32, #tpu.memory_space<vmem_shared>>)
      } else {
      }
      %lt3A_411 = arith.constant 80 : i32
      %lt3A_412 = arith.cmpi slt, %add3A_404, %lt3A_411 : i32
      %convert_element_type3A_413 = arith.extui %lt3A_412 : i1 to i32
      %cond3A_414 = arith.constant 0 : i32
      %cond3A_415 = arith.cmpi ne, %convert_element_type3A_413, %cond3A_414 : i32
      scf.if %cond3A_415 {
        %dma_start3A_703 = arith.constant 6 : i32
        %dma_start3A_704 = arith.constant 0 : i32
        %dma_start3A_705 = arith.constant 0 : i32
        %dma_start3A_706 = tpu.memref_slice %arg8[%dma_start3A_703, %dma_start3A_704, %dma_start3A_705] : memref<8x128x32xf32, #tpu.memory_space<vmem>> -> memref<1x128x32xf32, #tpu.memory_space<vmem>>
        %dma_start3A_707 = tpu.memref_squeeze %dma_start3A_706 : memref<1x128x32xf32, #tpu.memory_space<vmem>> -> memref<128x32xf32, #tpu.memory_space<vmem>>
        %dma_start3A_708 = arith.constant 0 : i32
        %dma_start3A_709 = tpu.memref_slice %arg6[%add3A_404, %dma_start3A_708] : memref<80x128xi32, #tpu.memory_space<vmem>> -> memref<1x128xi32, #tpu.memory_space<vmem>>
        %dma_start3A_710 = tpu.memref_squeeze %dma_start3A_709 : memref<1x128xi32, #tpu.memory_space<vmem>> -> memref<128xi32, #tpu.memory_space<vmem>>
        %dma_start3A_711 = arith.constant 0 : i32
        %dma_start3A_712 = arith.constant 0 : i32
        %dma_start3A_713 = tpu.memref_slice %arg10[%dma_start3A_711, %dma_start3A_712] : memref<10112x32xf32, #tpu.memory_space<vmem_shared>> -> memref<10112x32xf32, #tpu.memory_space<vmem_shared>>
        tpu.enqueue_indirect_dma source(%dma_start3A_713 : memref<10112x32xf32, #tpu.memory_space<vmem_shared>>) target(%dma_start3A_707 : memref<128x32xf32, #tpu.memory_space<vmem>>) offsets(%dma_start3A_710 : memref<128xi32, #tpu.memory_space<vmem>>) semaphore(%arg17 : memref<!tpu.dma_semaphore, #tpu.memory_space<semaphore_mem>>)
      } else {
      }
      %mul3A_416 = arith.constant 8 : i32
      %mul3A_417 = arith.muli %scan3A_376, %mul3A_416 : i32
      %add3A_418 = arith.constant 1 : i32
      %add3A_419 = arith.addi %mul3A_417, %add3A_418 : i32
      %dma_wait3A_420 = arith.constant 1 : i32
      %dma_wait3A_421 = arith.constant 0 : i32
      %dma_wait3A_422 = arith.constant 0 : i32
      %dma_wait3A_423 = tpu.memref_slice %arg8[%dma_wait3A_420, %dma_wait3A_421, %dma_wait3A_422] : memref<8x128x32xf32, #tpu.memory_space<vmem>> -> memref<1x128x32xf32, #tpu.memory_space<vmem>>
      %dma_wait3A_424 = tpu.memref_squeeze %dma_wait3A_423 : memref<1x128x32xf32, #tpu.memory_space<vmem>> -> memref<128x32xf32, #tpu.memory_space<vmem>>
      %dma_wait3A_425 = arith.constant 0 : i32
      %dma_wait3A_426 = tpu.memref_slice %arg6[%add3A_419, %dma_wait3A_425] : memref<80x128xi32, #tpu.memory_space<vmem>> -> memref<1x128xi32, #tpu.memory_space<vmem>>
      %dma_wait3A_427 = tpu.memref_squeeze %dma_wait3A_426 : memref<1x128xi32, #tpu.memory_space<vmem>> -> memref<128xi32, #tpu.memory_space<vmem>>
      %dma_wait3A_428 = arith.constant 0 : i32
      %dma_wait3A_429 = arith.constant 0 : i32
      %dma_wait3A_430 = tpu.memref_slice %arg10[%dma_wait3A_428, %dma_wait3A_429] : memref<10112x32xf32, #tpu.memory_space<vmem_shared>> -> memref<10112x32xf32, #tpu.memory_space<vmem_shared>>
      tpu.wait_indirect_dma semaphore(%arg12 : memref<!tpu.dma_semaphore, #tpu.memory_space<semaphore_mem>>) src(%dma_wait3A_430 : memref<10112x32xf32, #tpu.memory_space<vmem_shared>>) dst(%dma_wait3A_424 : memref<128x32xf32, #tpu.memory_space<vmem>>)
      %dma_start3A_431 = arith.constant 1 : i32
      %dma_start3A_432 = arith.constant 0 : i32
      %dma_start3A_433 = arith.constant 0 : i32
      %dma_start3A_434 = tpu.memref_slice %arg8[%dma_start3A_431, %dma_start3A_432, %dma_start3A_433] : memref<8x128x32xf32, #tpu.memory_space<vmem>> -> memref<1x128x32xf32, #tpu.memory_space<vmem>>
      %dma_start3A_435 = tpu.memref_squeeze %dma_start3A_434 : memref<1x128x32xf32, #tpu.memory_space<vmem>> -> memref<128x32xf32, #tpu.memory_space<vmem>>
      %dma_start3A_436 = arith.constant 0 : i32
      %dma_start3A_437 = tpu.memref_slice %arg7[%add3A_419, %dma_start3A_436] : memref<80x128xi32, #tpu.memory_space<vmem>> -> memref<1x128xi32, #tpu.memory_space<vmem>>
      %dma_start3A_438 = tpu.memref_squeeze %dma_start3A_437 : memref<1x128xi32, #tpu.memory_space<vmem>> -> memref<128xi32, #tpu.memory_space<vmem>>
      %dma_start3A_439 = arith.constant 0 : i32
      %dma_start3A_440 = arith.constant 0 : i32
      %dma_start3A_441 = tpu.memref_slice %arg9[%dma_start3A_439, %dma_start3A_440] : memref<10112x32xf32, #tpu.memory_space<vmem_shared>> -> memref<10112x32xf32, #tpu.memory_space<vmem_shared>>
      tpu.enqueue_indirect_dma source(%dma_start3A_435 : memref<128x32xf32, #tpu.memory_space<vmem>>) target(%dma_start3A_441 : memref<10112x32xf32, #tpu.memory_space<vmem_shared>>) offsets(%dma_start3A_438 : memref<128xi32, #tpu.memory_space<vmem>>) semaphore(%arg20 : memref<!tpu.dma_semaphore, #tpu.memory_space<semaphore_mem>>) {add = true}
      %add3A_442 = arith.constant 6 : i32
      %add3A_443 = arith.addi %add3A_419, %add3A_442 : i32
      %lt3A_444 = arith.constant 80 : i32
      %lt3A_445 = arith.cmpi slt, %add3A_443, %lt3A_444 : i32
      %ge3A_446 = arith.constant 2 : i32
      %ge3A_447 = arith.cmpi sge, %add3A_419, %ge3A_446 : i32
      %and3A_448 = arith.andi %lt3A_445, %ge3A_447 : i1
      %convert_element_type3A_449 = arith.extui %and3A_448 : i1 to i32
      %cond3A_450 = arith.constant 0 : i32
      %cond3A_451 = arith.cmpi ne, %convert_element_type3A_449, %cond3A_450 : i32
      scf.if %cond3A_451 {
        %dma_wait3A_703 = arith.constant 7 : i32
        %dma_wait3A_704 = arith.constant 0 : i32
        %dma_wait3A_705 = arith.constant 0 : i32
        %dma_wait3A_706 = tpu.memref_slice %arg8[%dma_wait3A_703, %dma_wait3A_704, %dma_wait3A_705] : memref<8x128x32xf32, #tpu.memory_space<vmem>> -> memref<1x128x32xf32, #tpu.memory_space<vmem>>
        %dma_wait3A_707 = tpu.memref_squeeze %dma_wait3A_706 : memref<1x128x32xf32, #tpu.memory_space<vmem>> -> memref<128x32xf32, #tpu.memory_space<vmem>>
        %dma_wait3A_708 = arith.constant 0 : i32
        %dma_wait3A_709 = tpu.memref_slice %arg7[%add3A_419, %dma_wait3A_708] : memref<80x128xi32, #tpu.memory_space<vmem>> -> memref<1x128xi32, #tpu.memory_space<vmem>>
        %dma_wait3A_710 = tpu.memref_squeeze %dma_wait3A_709 : memref<1x128xi32, #tpu.memory_space<vmem>> -> memref<128xi32, #tpu.memory_space<vmem>>
        %dma_wait3A_711 = arith.constant 0 : i32
        %dma_wait3A_712 = arith.constant 0 : i32
        %dma_wait3A_713 = tpu.memref_slice %arg9[%dma_wait3A_711, %dma_wait3A_712] : memref<10112x32xf32, #tpu.memory_space<vmem_shared>> -> memref<10112x32xf32, #tpu.memory_space<vmem_shared>>
        tpu.wait_indirect_dma semaphore(%arg26 : memref<!tpu.dma_semaphore, #tpu.memory_space<semaphore_mem>>) src(%dma_wait3A_707 : memref<128x32xf32, #tpu.memory_space<vmem>>) dst(%dma_wait3A_713 : memref<10112x32xf32, #tpu.memory_space<vmem_shared>>)
      } else {
      }
      %lt3A_452 = arith.constant 80 : i32
      %lt3A_453 = arith.cmpi slt, %add3A_443, %lt3A_452 : i32
      %convert_element_type3A_454 = arith.extui %lt3A_453 : i1 to i32
      %cond3A_455 = arith.constant 0 : i32
      %cond3A_456 = arith.cmpi ne, %convert_element_type3A_454, %cond3A_455 : i32
      scf.if %cond3A_456 {
        %dma_start3A_703 = arith.constant 7 : i32
        %dma_start3A_704 = arith.constant 0 : i32
        %dma_start3A_705 = arith.constant 0 : i32
        %dma_start3A_706 = tpu.memref_slice %arg8[%dma_start3A_703, %dma_start3A_704, %dma_start3A_705] : memref<8x128x32xf32, #tpu.memory_space<vmem>> -> memref<1x128x32xf32, #tpu.memory_space<vmem>>
        %dma_start3A_707 = tpu.memref_squeeze %dma_start3A_706 : memref<1x128x32xf32, #tpu.memory_space<vmem>> -> memref<128x32xf32, #tpu.memory_space<vmem>>
        %dma_start3A_708 = arith.constant 0 : i32
        %dma_start3A_709 = tpu.memref_slice %arg6[%add3A_443, %dma_start3A_708] : memref<80x128xi32, #tpu.memory_space<vmem>> -> memref<1x128xi32, #tpu.memory_space<vmem>>
        %dma_start3A_710 = tpu.memref_squeeze %dma_start3A_709 : memref<1x128xi32, #tpu.memory_space<vmem>> -> memref<128xi32, #tpu.memory_space<vmem>>
        %dma_start3A_711 = arith.constant 0 : i32
        %dma_start3A_712 = arith.constant 0 : i32
        %dma_start3A_713 = tpu.memref_slice %arg10[%dma_start3A_711, %dma_start3A_712] : memref<10112x32xf32, #tpu.memory_space<vmem_shared>> -> memref<10112x32xf32, #tpu.memory_space<vmem_shared>>
        tpu.enqueue_indirect_dma source(%dma_start3A_713 : memref<10112x32xf32, #tpu.memory_space<vmem_shared>>) target(%dma_start3A_707 : memref<128x32xf32, #tpu.memory_space<vmem>>) offsets(%dma_start3A_710 : memref<128xi32, #tpu.memory_space<vmem>>) semaphore(%arg18 : memref<!tpu.dma_semaphore, #tpu.memory_space<semaphore_mem>>)
      } else {
      }
      %mul3A_457 = arith.constant 8 : i32
      %mul3A_458 = arith.muli %scan3A_376, %mul3A_457 : i32
      %add3A_459 = arith.constant 2 : i32
      %add3A_460 = arith.addi %mul3A_458, %add3A_459 : i32
      %dma_wait3A_461 = arith.constant 2 : i32
      %dma_wait3A_462 = arith.constant 0 : i32
      %dma_wait3A_463 = arith.constant 0 : i32
      %dma_wait3A_464 = tpu.memref_slice %arg8[%dma_wait3A_461, %dma_wait3A_462, %dma_wait3A_463] : memref<8x128x32xf32, #tpu.memory_space<vmem>> -> memref<1x128x32xf32, #tpu.memory_space<vmem>>
      %dma_wait3A_465 = tpu.memref_squeeze %dma_wait3A_464 : memref<1x128x32xf32, #tpu.memory_space<vmem>> -> memref<128x32xf32, #tpu.memory_space<vmem>>
      %dma_wait3A_466 = arith.constant 0 : i32
      %dma_wait3A_467 = tpu.memref_slice %arg6[%add3A_460, %dma_wait3A_466] : memref<80x128xi32, #tpu.memory_space<vmem>> -> memref<1x128xi32, #tpu.memory_space<vmem>>
      %dma_wait3A_468 = tpu.memref_squeeze %dma_wait3A_467 : memref<1x128xi32, #tpu.memory_space<vmem>> -> memref<128xi32, #tpu.memory_space<vmem>>
      %dma_wait3A_469 = arith.constant 0 : i32
      %dma_wait3A_470 = arith.constant 0 : i32
      %dma_wait3A_471 = tpu.memref_slice %arg10[%dma_wait3A_469, %dma_wait3A_470] : memref<10112x32xf32, #tpu.memory_space<vmem_shared>> -> memref<10112x32xf32, #tpu.memory_space<vmem_shared>>
      tpu.wait_indirect_dma semaphore(%arg13 : memref<!tpu.dma_semaphore, #tpu.memory_space<semaphore_mem>>) src(%dma_wait3A_471 : memref<10112x32xf32, #tpu.memory_space<vmem_shared>>) dst(%dma_wait3A_465 : memref<128x32xf32, #tpu.memory_space<vmem>>)
      %dma_start3A_472 = arith.constant 2 : i32
      %dma_start3A_473 = arith.constant 0 : i32
      %dma_start3A_474 = arith.constant 0 : i32
      %dma_start3A_475 = tpu.memref_slice %arg8[%dma_start3A_472, %dma_start3A_473, %dma_start3A_474] : memref<8x128x32xf32, #tpu.memory_space<vmem>> -> memref<1x128x32xf32, #tpu.memory_space<vmem>>
      %dma_start3A_476 = tpu.memref_squeeze %dma_start3A_475 : memref<1x128x32xf32, #tpu.memory_space<vmem>> -> memref<128x32xf32, #tpu.memory_space<vmem>>
      %dma_start3A_477 = arith.constant 0 : i32
      %dma_start3A_478 = tpu.memref_slice %arg7[%add3A_460, %dma_start3A_477] : memref<80x128xi32, #tpu.memory_space<vmem>> -> memref<1x128xi32, #tpu.memory_space<vmem>>
      %dma_start3A_479 = tpu.memref_squeeze %dma_start3A_478 : memref<1x128xi32, #tpu.memory_space<vmem>> -> memref<128xi32, #tpu.memory_space<vmem>>
      %dma_start3A_480 = arith.constant 0 : i32
      %dma_start3A_481 = arith.constant 0 : i32
      %dma_start3A_482 = tpu.memref_slice %arg9[%dma_start3A_480, %dma_start3A_481] : memref<10112x32xf32, #tpu.memory_space<vmem_shared>> -> memref<10112x32xf32, #tpu.memory_space<vmem_shared>>
      tpu.enqueue_indirect_dma source(%dma_start3A_476 : memref<128x32xf32, #tpu.memory_space<vmem>>) target(%dma_start3A_482 : memref<10112x32xf32, #tpu.memory_space<vmem_shared>>) offsets(%dma_start3A_479 : memref<128xi32, #tpu.memory_space<vmem>>) semaphore(%arg21 : memref<!tpu.dma_semaphore, #tpu.memory_space<semaphore_mem>>) {add = true}
      %add3A_483 = arith.constant 6 : i32
      %add3A_484 = arith.addi %add3A_460, %add3A_483 : i32
      %lt3A_485 = arith.constant 80 : i32
      %lt3A_486 = arith.cmpi slt, %add3A_484, %lt3A_485 : i32
      %ge3A_487 = arith.constant 2 : i32
      %ge3A_488 = arith.cmpi sge, %add3A_460, %ge3A_487 : i32
      %and3A_489 = arith.andi %lt3A_486, %ge3A_488 : i1
      %convert_element_type3A_490 = arith.extui %and3A_489 : i1 to i32
      %cond3A_491 = arith.constant 0 : i32
      %cond3A_492 = arith.cmpi ne, %convert_element_type3A_490, %cond3A_491 : i32
      scf.if %cond3A_492 {
        %dma_wait3A_703 = arith.constant 0 : i32
        %dma_wait3A_704 = arith.constant 0 : i32
        %dma_wait3A_705 = arith.constant 0 : i32
        %dma_wait3A_706 = tpu.memref_slice %arg8[%dma_wait3A_703, %dma_wait3A_704, %dma_wait3A_705] : memref<8x128x32xf32, #tpu.memory_space<vmem>> -> memref<1x128x32xf32, #tpu.memory_space<vmem>>
        %dma_wait3A_707 = tpu.memref_squeeze %dma_wait3A_706 : memref<1x128x32xf32, #tpu.memory_space<vmem>> -> memref<128x32xf32, #tpu.memory_space<vmem>>
        %dma_wait3A_708 = arith.constant 0 : i32
        %dma_wait3A_709 = tpu.memref_slice %arg7[%add3A_460, %dma_wait3A_708] : memref<80x128xi32, #tpu.memory_space<vmem>> -> memref<1x128xi32, #tpu.memory_space<vmem>>
        %dma_wait3A_710 = tpu.memref_squeeze %dma_wait3A_709 : memref<1x128xi32, #tpu.memory_space<vmem>> -> memref<128xi32, #tpu.memory_space<vmem>>
        %dma_wait3A_711 = arith.constant 0 : i32
        %dma_wait3A_712 = arith.constant 0 : i32
        %dma_wait3A_713 = tpu.memref_slice %arg9[%dma_wait3A_711, %dma_wait3A_712] : memref<10112x32xf32, #tpu.memory_space<vmem_shared>> -> memref<10112x32xf32, #tpu.memory_space<vmem_shared>>
        tpu.wait_indirect_dma semaphore(%arg19 : memref<!tpu.dma_semaphore, #tpu.memory_space<semaphore_mem>>) src(%dma_wait3A_707 : memref<128x32xf32, #tpu.memory_space<vmem>>) dst(%dma_wait3A_713 : memref<10112x32xf32, #tpu.memory_space<vmem_shared>>)
      } else {
      }
      %lt3A_493 = arith.constant 80 : i32
      %lt3A_494 = arith.cmpi slt, %add3A_484, %lt3A_493 : i32
      %convert_element_type3A_495 = arith.extui %lt3A_494 : i1 to i32
      %cond3A_496 = arith.constant 0 : i32
      %cond3A_497 = arith.cmpi ne, %convert_element_type3A_495, %cond3A_496 : i32
      scf.if %cond3A_497 {
        %dma_start3A_703 = arith.constant 0 : i32
        %dma_start3A_704 = arith.constant 0 : i32
        %dma_start3A_705 = arith.constant 0 : i32
        %dma_start3A_706 = tpu.memref_slice %arg8[%dma_start3A_703, %dma_start3A_704, %dma_start3A_705] : memref<8x128x32xf32, #tpu.memory_space<vmem>> -> memref<1x128x32xf32, #tpu.memory_space<vmem>>
        %dma_start3A_707 = tpu.memref_squeeze %dma_start3A_706 : memref<1x128x32xf32, #tpu.memory_space<vmem>> -> memref<128x32xf32, #tpu.memory_space<vmem>>
        %dma_start3A_708 = arith.constant 0 : i32
        %dma_start3A_709 = tpu.memref_slice %arg6[%add3A_484, %dma_start3A_708] : memref<80x128xi32, #tpu.memory_space<vmem>> -> memref<1x128xi32, #tpu.memory_space<vmem>>
        %dma_start3A_710 = tpu.memref_squeeze %dma_start3A_709 : memref<1x128xi32, #tpu.memory_space<vmem>> -> memref<128xi32, #tpu.memory_space<vmem>>
        %dma_start3A_711 = arith.constant 0 : i32
        %dma_start3A_712 = arith.constant 0 : i32
        %dma_start3A_713 = tpu.memref_slice %arg10[%dma_start3A_711, %dma_start3A_712] : memref<10112x32xf32, #tpu.memory_space<vmem_shared>> -> memref<10112x32xf32, #tpu.memory_space<vmem_shared>>
        tpu.enqueue_indirect_dma source(%dma_start3A_713 : memref<10112x32xf32, #tpu.memory_space<vmem_shared>>) target(%dma_start3A_707 : memref<128x32xf32, #tpu.memory_space<vmem>>) offsets(%dma_start3A_710 : memref<128xi32, #tpu.memory_space<vmem>>) semaphore(%arg11 : memref<!tpu.dma_semaphore, #tpu.memory_space<semaphore_mem>>)
      } else {
      }
      %mul3A_498 = arith.constant 8 : i32
      %mul3A_499 = arith.muli %scan3A_376, %mul3A_498 : i32
      %add3A_500 = arith.constant 3 : i32
      %add3A_501 = arith.addi %mul3A_499, %add3A_500 : i32
      %dma_wait3A_502 = arith.constant 3 : i32
      %dma_wait3A_503 = arith.constant 0 : i32
      %dma_wait3A_504 = arith.constant 0 : i32
      %dma_wait3A_505 = tpu.memref_slice %arg8[%dma_wait3A_502, %dma_wait3A_503, %dma_wait3A_504] : memref<8x128x32xf32, #tpu.memory_space<vmem>> -> memref<1x128x32xf32, #tpu.memory_space<vmem>>
      %dma_wait3A_506 = tpu.memref_squeeze %dma_wait3A_505 : memref<1x128x32xf32, #tpu.memory_space<vmem>> -> memref<128x32xf32, #tpu.memory_space<vmem>>
      %dma_wait3A_507 = arith.constant 0 : i32
      %dma_wait3A_508 = tpu.memref_slice %arg6[%add3A_501, %dma_wait3A_507] : memref<80x128xi32, #tpu.memory_space<vmem>> -> memref<1x128xi32, #tpu.memory_space<vmem>>
      %dma_wait3A_509 = tpu.memref_squeeze %dma_wait3A_508 : memref<1x128xi32, #tpu.memory_space<vmem>> -> memref<128xi32, #tpu.memory_space<vmem>>
      %dma_wait3A_510 = arith.constant 0 : i32
      %dma_wait3A_511 = arith.constant 0 : i32
      %dma_wait3A_512 = tpu.memref_slice %arg10[%dma_wait3A_510, %dma_wait3A_511] : memref<10112x32xf32, #tpu.memory_space<vmem_shared>> -> memref<10112x32xf32, #tpu.memory_space<vmem_shared>>
      tpu.wait_indirect_dma semaphore(%arg14 : memref<!tpu.dma_semaphore, #tpu.memory_space<semaphore_mem>>) src(%dma_wait3A_512 : memref<10112x32xf32, #tpu.memory_space<vmem_shared>>) dst(%dma_wait3A_506 : memref<128x32xf32, #tpu.memory_space<vmem>>)
      %dma_start3A_513 = arith.constant 3 : i32
      %dma_start3A_514 = arith.constant 0 : i32
      %dma_start3A_515 = arith.constant 0 : i32
      %dma_start3A_516 = tpu.memref_slice %arg8[%dma_start3A_513, %dma_start3A_514, %dma_start3A_515] : memref<8x128x32xf32, #tpu.memory_space<vmem>> -> memref<1x128x32xf32, #tpu.memory_space<vmem>>
      %dma_start3A_517 = tpu.memref_squeeze %dma_start3A_516 : memref<1x128x32xf32, #tpu.memory_space<vmem>> -> memref<128x32xf32, #tpu.memory_space<vmem>>
      %dma_start3A_518 = arith.constant 0 : i32
      %dma_start3A_519 = tpu.memref_slice %arg7[%add3A_501, %dma_start3A_518] : memref<80x128xi32, #tpu.memory_space<vmem>> -> memref<1x128xi32, #tpu.memory_space<vmem>>
      %dma_start3A_520 = tpu.memref_squeeze %dma_start3A_519 : memref<1x128xi32, #tpu.memory_space<vmem>> -> memref<128xi32, #tpu.memory_space<vmem>>
      %dma_start3A_521 = arith.constant 0 : i32
      %dma_start3A_522 = arith.constant 0 : i32
      %dma_start3A_523 = tpu.memref_slice %arg9[%dma_start3A_521, %dma_start3A_522] : memref<10112x32xf32, #tpu.memory_space<vmem_shared>> -> memref<10112x32xf32, #tpu.memory_space<vmem_shared>>
      tpu.enqueue_indirect_dma source(%dma_start3A_517 : memref<128x32xf32, #tpu.memory_space<vmem>>) target(%dma_start3A_523 : memref<10112x32xf32, #tpu.memory_space<vmem_shared>>) offsets(%dma_start3A_520 : memref<128xi32, #tpu.memory_space<vmem>>) semaphore(%arg22 : memref<!tpu.dma_semaphore, #tpu.memory_space<semaphore_mem>>) {add = true}
      %add3A_524 = arith.constant 6 : i32
      %add3A_525 = arith.addi %add3A_501, %add3A_524 : i32
      %lt3A_526 = arith.constant 80 : i32
      %lt3A_527 = arith.cmpi slt, %add3A_525, %lt3A_526 : i32
      %ge3A_528 = arith.constant 2 : i32
      %ge3A_529 = arith.cmpi sge, %add3A_501, %ge3A_528 : i32
      %and3A_530 = arith.andi %lt3A_527, %ge3A_529 : i1
      %convert_element_type3A_531 = arith.extui %and3A_530 : i1 to i32
      %cond3A_532 = arith.constant 0 : i32
      %cond3A_533 = arith.cmpi ne, %convert_element_type3A_531, %cond3A_532 : i32
      scf.if %cond3A_533 {
        %dma_wait3A_703 = arith.constant 1 : i32
        %dma_wait3A_704 = arith.constant 0 : i32
        %dma_wait3A_705 = arith.constant 0 : i32
        %dma_wait3A_706 = tpu.memref_slice %arg8[%dma_wait3A_703, %dma_wait3A_704, %dma_wait3A_705] : memref<8x128x32xf32, #tpu.memory_space<vmem>> -> memref<1x128x32xf32, #tpu.memory_space<vmem>>
        %dma_wait3A_707 = tpu.memref_squeeze %dma_wait3A_706 : memref<1x128x32xf32, #tpu.memory_space<vmem>> -> memref<128x32xf32, #tpu.memory_space<vmem>>
        %dma_wait3A_708 = arith.constant 0 : i32
        %dma_wait3A_709 = tpu.memref_slice %arg7[%add3A_501, %dma_wait3A_708] : memref<80x128xi32, #tpu.memory_space<vmem>> -> memref<1x128xi32, #tpu.memory_space<vmem>>
        %dma_wait3A_710 = tpu.memref_squeeze %dma_wait3A_709 : memref<1x128xi32, #tpu.memory_space<vmem>> -> memref<128xi32, #tpu.memory_space<vmem>>
        %dma_wait3A_711 = arith.constant 0 : i32
        %dma_wait3A_712 = arith.constant 0 : i32
        %dma_wait3A_713 = tpu.memref_slice %arg9[%dma_wait3A_711, %dma_wait3A_712] : memref<10112x32xf32, #tpu.memory_space<vmem_shared>> -> memref<10112x32xf32, #tpu.memory_space<vmem_shared>>
        tpu.wait_indirect_dma semaphore(%arg20 : memref<!tpu.dma_semaphore, #tpu.memory_space<semaphore_mem>>) src(%dma_wait3A_707 : memref<128x32xf32, #tpu.memory_space<vmem>>) dst(%dma_wait3A_713 : memref<10112x32xf32, #tpu.memory_space<vmem_shared>>)
      } else {
      }
      %lt3A_534 = arith.constant 80 : i32
      %lt3A_535 = arith.cmpi slt, %add3A_525, %lt3A_534 : i32
      %convert_element_type3A_536 = arith.extui %lt3A_535 : i1 to i32
      %cond3A_537 = arith.constant 0 : i32
      %cond3A_538 = arith.cmpi ne, %convert_element_type3A_536, %cond3A_537 : i32
      scf.if %cond3A_538 {
        %dma_start3A_703 = arith.constant 1 : i32
        %dma_start3A_704 = arith.constant 0 : i32
        %dma_start3A_705 = arith.constant 0 : i32
        %dma_start3A_706 = tpu.memref_slice %arg8[%dma_start3A_703, %dma_start3A_704, %dma_start3A_705] : memref<8x128x32xf32, #tpu.memory_space<vmem>> -> memref<1x128x32xf32, #tpu.memory_space<vmem>>
        %dma_start3A_707 = tpu.memref_squeeze %dma_start3A_706 : memref<1x128x32xf32, #tpu.memory_space<vmem>> -> memref<128x32xf32, #tpu.memory_space<vmem>>
        %dma_start3A_708 = arith.constant 0 : i32
        %dma_start3A_709 = tpu.memref_slice %arg6[%add3A_525, %dma_start3A_708] : memref<80x128xi32, #tpu.memory_space<vmem>> -> memref<1x128xi32, #tpu.memory_space<vmem>>
        %dma_start3A_710 = tpu.memref_squeeze %dma_start3A_709 : memref<1x128xi32, #tpu.memory_space<vmem>> -> memref<128xi32, #tpu.memory_space<vmem>>
        %dma_start3A_711 = arith.constant 0 : i32
        %dma_start3A_712 = arith.constant 0 : i32
        %dma_start3A_713 = tpu.memref_slice %arg10[%dma_start3A_711, %dma_start3A_712] : memref<10112x32xf32, #tpu.memory_space<vmem_shared>> -> memref<10112x32xf32, #tpu.memory_space<vmem_shared>>
        tpu.enqueue_indirect_dma source(%dma_start3A_713 : memref<10112x32xf32, #tpu.memory_space<vmem_shared>>) target(%dma_start3A_707 : memref<128x32xf32, #tpu.memory_space<vmem>>) offsets(%dma_start3A_710 : memref<128xi32, #tpu.memory_space<vmem>>) semaphore(%arg12 : memref<!tpu.dma_semaphore, #tpu.memory_space<semaphore_mem>>)
      } else {
      }
      %mul3A_539 = arith.constant 8 : i32
      %mul3A_540 = arith.muli %scan3A_376, %mul3A_539 : i32
      %add3A_541 = arith.constant 4 : i32
      %add3A_542 = arith.addi %mul3A_540, %add3A_541 : i32
      %dma_wait3A_543 = arith.constant 4 : i32
      %dma_wait3A_544 = arith.constant 0 : i32
      %dma_wait3A_545 = arith.constant 0 : i32
      %dma_wait3A_546 = tpu.memref_slice %arg8[%dma_wait3A_543, %dma_wait3A_544, %dma_wait3A_545] : memref<8x128x32xf32, #tpu.memory_space<vmem>> -> memref<1x128x32xf32, #tpu.memory_space<vmem>>
      %dma_wait3A_547 = tpu.memref_squeeze %dma_wait3A_546 : memref<1x128x32xf32, #tpu.memory_space<vmem>> -> memref<128x32xf32, #tpu.memory_space<vmem>>
      %dma_wait3A_548 = arith.constant 0 : i32
      %dma_wait3A_549 = tpu.memref_slice %arg6[%add3A_542, %dma_wait3A_548] : memref<80x128xi32, #tpu.memory_space<vmem>> -> memref<1x128xi32, #tpu.memory_space<vmem>>
      %dma_wait3A_550 = tpu.memref_squeeze %dma_wait3A_549 : memref<1x128xi32, #tpu.memory_space<vmem>> -> memref<128xi32, #tpu.memory_space<vmem>>
      %dma_wait3A_551 = arith.constant 0 : i32
      %dma_wait3A_552 = arith.constant 0 : i32
      %dma_wait3A_553 = tpu.memref_slice %arg10[%dma_wait3A_551, %dma_wait3A_552] : memref<10112x32xf32, #tpu.memory_space<vmem_shared>> -> memref<10112x32xf32, #tpu.memory_space<vmem_shared>>
      tpu.wait_indirect_dma semaphore(%arg15 : memref<!tpu.dma_semaphore, #tpu.memory_space<semaphore_mem>>) src(%dma_wait3A_553 : memref<10112x32xf32, #tpu.memory_space<vmem_shared>>) dst(%dma_wait3A_547 : memref<128x32xf32, #tpu.memory_space<vmem>>)
      %dma_start3A_554 = arith.constant 4 : i32
      %dma_start3A_555 = arith.constant 0 : i32
      %dma_start3A_556 = arith.constant 0 : i32
      %dma_start3A_557 = tpu.memref_slice %arg8[%dma_start3A_554, %dma_start3A_555, %dma_start3A_556] : memref<8x128x32xf32, #tpu.memory_space<vmem>> -> memref<1x128x32xf32, #tpu.memory_space<vmem>>
      %dma_start3A_558 = tpu.memref_squeeze %dma_start3A_557 : memref<1x128x32xf32, #tpu.memory_space<vmem>> -> memref<128x32xf32, #tpu.memory_space<vmem>>
      %dma_start3A_559 = arith.constant 0 : i32
      %dma_start3A_560 = tpu.memref_slice %arg7[%add3A_542, %dma_start3A_559] : memref<80x128xi32, #tpu.memory_space<vmem>> -> memref<1x128xi32, #tpu.memory_space<vmem>>
      %dma_start3A_561 = tpu.memref_squeeze %dma_start3A_560 : memref<1x128xi32, #tpu.memory_space<vmem>> -> memref<128xi32, #tpu.memory_space<vmem>>
      %dma_start3A_562 = arith.constant 0 : i32
      %dma_start3A_563 = arith.constant 0 : i32
      %dma_start3A_564 = tpu.memref_slice %arg9[%dma_start3A_562, %dma_start3A_563] : memref<10112x32xf32, #tpu.memory_space<vmem_shared>> -> memref<10112x32xf32, #tpu.memory_space<vmem_shared>>
      tpu.enqueue_indirect_dma source(%dma_start3A_558 : memref<128x32xf32, #tpu.memory_space<vmem>>) target(%dma_start3A_564 : memref<10112x32xf32, #tpu.memory_space<vmem_shared>>) offsets(%dma_start3A_561 : memref<128xi32, #tpu.memory_space<vmem>>) semaphore(%arg23 : memref<!tpu.dma_semaphore, #tpu.memory_space<semaphore_mem>>) {add = true}
      %add3A_565 = arith.constant 6 : i32
      %add3A_566 = arith.addi %add3A_542, %add3A_565 : i32
      %lt3A_567 = arith.constant 80 : i32
      %lt3A_568 = arith.cmpi slt, %add3A_566, %lt3A_567 : i32
      %ge3A_569 = arith.constant 2 : i32
      %ge3A_570 = arith.cmpi sge, %add3A_542, %ge3A_569 : i32
      %and3A_571 = arith.andi %lt3A_568, %ge3A_570 : i1
      %convert_element_type3A_572 = arith.extui %and3A_571 : i1 to i32
      %cond3A_573 = arith.constant 0 : i32
      %cond3A_574 = arith.cmpi ne, %convert_element_type3A_572, %cond3A_573 : i32
      scf.if %cond3A_574 {
        %dma_wait3A_703 = arith.constant 2 : i32
        %dma_wait3A_704 = arith.constant 0 : i32
        %dma_wait3A_705 = arith.constant 0 : i32
        %dma_wait3A_706 = tpu.memref_slice %arg8[%dma_wait3A_703, %dma_wait3A_704, %dma_wait3A_705] : memref<8x128x32xf32, #tpu.memory_space<vmem>> -> memref<1x128x32xf32, #tpu.memory_space<vmem>>
        %dma_wait3A_707 = tpu.memref_squeeze %dma_wait3A_706 : memref<1x128x32xf32, #tpu.memory_space<vmem>> -> memref<128x32xf32, #tpu.memory_space<vmem>>
        %dma_wait3A_708 = arith.constant 0 : i32
        %dma_wait3A_709 = tpu.memref_slice %arg7[%add3A_542, %dma_wait3A_708] : memref<80x128xi32, #tpu.memory_space<vmem>> -> memref<1x128xi32, #tpu.memory_space<vmem>>
        %dma_wait3A_710 = tpu.memref_squeeze %dma_wait3A_709 : memref<1x128xi32, #tpu.memory_space<vmem>> -> memref<128xi32, #tpu.memory_space<vmem>>
        %dma_wait3A_711 = arith.constant 0 : i32
        %dma_wait3A_712 = arith.constant 0 : i32
        %dma_wait3A_713 = tpu.memref_slice %arg9[%dma_wait3A_711, %dma_wait3A_712] : memref<10112x32xf32, #tpu.memory_space<vmem_shared>> -> memref<10112x32xf32, #tpu.memory_space<vmem_shared>>
        tpu.wait_indirect_dma semaphore(%arg21 : memref<!tpu.dma_semaphore, #tpu.memory_space<semaphore_mem>>) src(%dma_wait3A_707 : memref<128x32xf32, #tpu.memory_space<vmem>>) dst(%dma_wait3A_713 : memref<10112x32xf32, #tpu.memory_space<vmem_shared>>)
      } else {
      }
      %lt3A_575 = arith.constant 80 : i32
      %lt3A_576 = arith.cmpi slt, %add3A_566, %lt3A_575 : i32
      %convert_element_type3A_577 = arith.extui %lt3A_576 : i1 to i32
      %cond3A_578 = arith.constant 0 : i32
      %cond3A_579 = arith.cmpi ne, %convert_element_type3A_577, %cond3A_578 : i32
      scf.if %cond3A_579 {
        %dma_start3A_703 = arith.constant 2 : i32
        %dma_start3A_704 = arith.constant 0 : i32
        %dma_start3A_705 = arith.constant 0 : i32
        %dma_start3A_706 = tpu.memref_slice %arg8[%dma_start3A_703, %dma_start3A_704, %dma_start3A_705] : memref<8x128x32xf32, #tpu.memory_space<vmem>> -> memref<1x128x32xf32, #tpu.memory_space<vmem>>
        %dma_start3A_707 = tpu.memref_squeeze %dma_start3A_706 : memref<1x128x32xf32, #tpu.memory_space<vmem>> -> memref<128x32xf32, #tpu.memory_space<vmem>>
        %dma_start3A_708 = arith.constant 0 : i32
        %dma_start3A_709 = tpu.memref_slice %arg6[%add3A_566, %dma_start3A_708] : memref<80x128xi32, #tpu.memory_space<vmem>> -> memref<1x128xi32, #tpu.memory_space<vmem>>
        %dma_start3A_710 = tpu.memref_squeeze %dma_start3A_709 : memref<1x128xi32, #tpu.memory_space<vmem>> -> memref<128xi32, #tpu.memory_space<vmem>>
        %dma_start3A_711 = arith.constant 0 : i32
        %dma_start3A_712 = arith.constant 0 : i32
        %dma_start3A_713 = tpu.memref_slice %arg10[%dma_start3A_711, %dma_start3A_712] : memref<10112x32xf32, #tpu.memory_space<vmem_shared>> -> memref<10112x32xf32, #tpu.memory_space<vmem_shared>>
        tpu.enqueue_indirect_dma source(%dma_start3A_713 : memref<10112x32xf32, #tpu.memory_space<vmem_shared>>) target(%dma_start3A_707 : memref<128x32xf32, #tpu.memory_space<vmem>>) offsets(%dma_start3A_710 : memref<128xi32, #tpu.memory_space<vmem>>) semaphore(%arg13 : memref<!tpu.dma_semaphore, #tpu.memory_space<semaphore_mem>>)
      } else {
      }
      %mul3A_580 = arith.constant 8 : i32
      %mul3A_581 = arith.muli %scan3A_376, %mul3A_580 : i32
      %add3A_582 = arith.constant 5 : i32
      %add3A_583 = arith.addi %mul3A_581, %add3A_582 : i32
      %dma_wait3A_584 = arith.constant 5 : i32
      %dma_wait3A_585 = arith.constant 0 : i32
      %dma_wait3A_586 = arith.constant 0 : i32
      %dma_wait3A_587 = tpu.memref_slice %arg8[%dma_wait3A_584, %dma_wait3A_585, %dma_wait3A_586] : memref<8x128x32xf32, #tpu.memory_space<vmem>> -> memref<1x128x32xf32, #tpu.memory_space<vmem>>
      %dma_wait3A_588 = tpu.memref_squeeze %dma_wait3A_587 : memref<1x128x32xf32, #tpu.memory_space<vmem>> -> memref<128x32xf32, #tpu.memory_space<vmem>>
      %dma_wait3A_589 = arith.constant 0 : i32
      %dma_wait3A_590 = tpu.memref_slice %arg6[%add3A_583, %dma_wait3A_589] : memref<80x128xi32, #tpu.memory_space<vmem>> -> memref<1x128xi32, #tpu.memory_space<vmem>>
      %dma_wait3A_591 = tpu.memref_squeeze %dma_wait3A_590 : memref<1x128xi32, #tpu.memory_space<vmem>> -> memref<128xi32, #tpu.memory_space<vmem>>
      %dma_wait3A_592 = arith.constant 0 : i32
      %dma_wait3A_593 = arith.constant 0 : i32
      %dma_wait3A_594 = tpu.memref_slice %arg10[%dma_wait3A_592, %dma_wait3A_593] : memref<10112x32xf32, #tpu.memory_space<vmem_shared>> -> memref<10112x32xf32, #tpu.memory_space<vmem_shared>>
      tpu.wait_indirect_dma semaphore(%arg16 : memref<!tpu.dma_semaphore, #tpu.memory_space<semaphore_mem>>) src(%dma_wait3A_594 : memref<10112x32xf32, #tpu.memory_space<vmem_shared>>) dst(%dma_wait3A_588 : memref<128x32xf32, #tpu.memory_space<vmem>>)
      %dma_start3A_595 = arith.constant 5 : i32
      %dma_start3A_596 = arith.constant 0 : i32
      %dma_start3A_597 = arith.constant 0 : i32
      %dma_start3A_598 = tpu.memref_slice %arg8[%dma_start3A_595, %dma_start3A_596, %dma_start3A_597] : memref<8x128x32xf32, #tpu.memory_space<vmem>> -> memref<1x128x32xf32, #tpu.memory_space<vmem>>
      %dma_start3A_599 = tpu.memref_squeeze %dma_start3A_598 : memref<1x128x32xf32, #tpu.memory_space<vmem>> -> memref<128x32xf32, #tpu.memory_space<vmem>>
      %dma_start3A_600 = arith.constant 0 : i32
      %dma_start3A_601 = tpu.memref_slice %arg7[%add3A_583, %dma_start3A_600] : memref<80x128xi32, #tpu.memory_space<vmem>> -> memref<1x128xi32, #tpu.memory_space<vmem>>
      %dma_start3A_602 = tpu.memref_squeeze %dma_start3A_601 : memref<1x128xi32, #tpu.memory_space<vmem>> -> memref<128xi32, #tpu.memory_space<vmem>>
      %dma_start3A_603 = arith.constant 0 : i32
      %dma_start3A_604 = arith.constant 0 : i32
      %dma_start3A_605 = tpu.memref_slice %arg9[%dma_start3A_603, %dma_start3A_604] : memref<10112x32xf32, #tpu.memory_space<vmem_shared>> -> memref<10112x32xf32, #tpu.memory_space<vmem_shared>>
      tpu.enqueue_indirect_dma source(%dma_start3A_599 : memref<128x32xf32, #tpu.memory_space<vmem>>) target(%dma_start3A_605 : memref<10112x32xf32, #tpu.memory_space<vmem_shared>>) offsets(%dma_start3A_602 : memref<128xi32, #tpu.memory_space<vmem>>) semaphore(%arg24 : memref<!tpu.dma_semaphore, #tpu.memory_space<semaphore_mem>>) {add = true}
      %add3A_606 = arith.constant 6 : i32
      %add3A_607 = arith.addi %add3A_583, %add3A_606 : i32
      %lt3A_608 = arith.constant 80 : i32
      %lt3A_609 = arith.cmpi slt, %add3A_607, %lt3A_608 : i32
      %ge3A_610 = arith.constant 2 : i32
      %ge3A_611 = arith.cmpi sge, %add3A_583, %ge3A_610 : i32
      %and3A_612 = arith.andi %lt3A_609, %ge3A_611 : i1
      %convert_element_type3A_613 = arith.extui %and3A_612 : i1 to i32
      %cond3A_614 = arith.constant 0 : i32
      %cond3A_615 = arith.cmpi ne, %convert_element_type3A_613, %cond3A_614 : i32
      scf.if %cond3A_615 {
        %dma_wait3A_703 = arith.constant 3 : i32
        %dma_wait3A_704 = arith.constant 0 : i32
        %dma_wait3A_705 = arith.constant 0 : i32
        %dma_wait3A_706 = tpu.memref_slice %arg8[%dma_wait3A_703, %dma_wait3A_704, %dma_wait3A_705] : memref<8x128x32xf32, #tpu.memory_space<vmem>> -> memref<1x128x32xf32, #tpu.memory_space<vmem>>
        %dma_wait3A_707 = tpu.memref_squeeze %dma_wait3A_706 : memref<1x128x32xf32, #tpu.memory_space<vmem>> -> memref<128x32xf32, #tpu.memory_space<vmem>>
        %dma_wait3A_708 = arith.constant 0 : i32
        %dma_wait3A_709 = tpu.memref_slice %arg7[%add3A_583, %dma_wait3A_708] : memref<80x128xi32, #tpu.memory_space<vmem>> -> memref<1x128xi32, #tpu.memory_space<vmem>>
        %dma_wait3A_710 = tpu.memref_squeeze %dma_wait3A_709 : memref<1x128xi32, #tpu.memory_space<vmem>> -> memref<128xi32, #tpu.memory_space<vmem>>
        %dma_wait3A_711 = arith.constant 0 : i32
        %dma_wait3A_712 = arith.constant 0 : i32
        %dma_wait3A_713 = tpu.memref_slice %arg9[%dma_wait3A_711, %dma_wait3A_712] : memref<10112x32xf32, #tpu.memory_space<vmem_shared>> -> memref<10112x32xf32, #tpu.memory_space<vmem_shared>>
        tpu.wait_indirect_dma semaphore(%arg22 : memref<!tpu.dma_semaphore, #tpu.memory_space<semaphore_mem>>) src(%dma_wait3A_707 : memref<128x32xf32, #tpu.memory_space<vmem>>) dst(%dma_wait3A_713 : memref<10112x32xf32, #tpu.memory_space<vmem_shared>>)
      } else {
      }
      %lt3A_616 = arith.constant 80 : i32
      %lt3A_617 = arith.cmpi slt, %add3A_607, %lt3A_616 : i32
      %convert_element_type3A_618 = arith.extui %lt3A_617 : i1 to i32
      %cond3A_619 = arith.constant 0 : i32
      %cond3A_620 = arith.cmpi ne, %convert_element_type3A_618, %cond3A_619 : i32
      scf.if %cond3A_620 {
        %dma_start3A_703 = arith.constant 3 : i32
        %dma_start3A_704 = arith.constant 0 : i32
        %dma_start3A_705 = arith.constant 0 : i32
        %dma_start3A_706 = tpu.memref_slice %arg8[%dma_start3A_703, %dma_start3A_704, %dma_start3A_705] : memref<8x128x32xf32, #tpu.memory_space<vmem>> -> memref<1x128x32xf32, #tpu.memory_space<vmem>>
        %dma_start3A_707 = tpu.memref_squeeze %dma_start3A_706 : memref<1x128x32xf32, #tpu.memory_space<vmem>> -> memref<128x32xf32, #tpu.memory_space<vmem>>
        %dma_start3A_708 = arith.constant 0 : i32
        %dma_start3A_709 = tpu.memref_slice %arg6[%add3A_607, %dma_start3A_708] : memref<80x128xi32, #tpu.memory_space<vmem>> -> memref<1x128xi32, #tpu.memory_space<vmem>>
        %dma_start3A_710 = tpu.memref_squeeze %dma_start3A_709 : memref<1x128xi32, #tpu.memory_space<vmem>> -> memref<128xi32, #tpu.memory_space<vmem>>
        %dma_start3A_711 = arith.constant 0 : i32
        %dma_start3A_712 = arith.constant 0 : i32
        %dma_start3A_713 = tpu.memref_slice %arg10[%dma_start3A_711, %dma_start3A_712] : memref<10112x32xf32, #tpu.memory_space<vmem_shared>> -> memref<10112x32xf32, #tpu.memory_space<vmem_shared>>
        tpu.enqueue_indirect_dma source(%dma_start3A_713 : memref<10112x32xf32, #tpu.memory_space<vmem_shared>>) target(%dma_start3A_707 : memref<128x32xf32, #tpu.memory_space<vmem>>) offsets(%dma_start3A_710 : memref<128xi32, #tpu.memory_space<vmem>>) semaphore(%arg14 : memref<!tpu.dma_semaphore, #tpu.memory_space<semaphore_mem>>)
      } else {
      }
      %mul3A_621 = arith.constant 8 : i32
      %mul3A_622 = arith.muli %scan3A_376, %mul3A_621 : i32
      %add3A_623 = arith.constant 6 : i32
      %add3A_624 = arith.addi %mul3A_622, %add3A_623 : i32
      %dma_wait3A_625 = arith.constant 6 : i32
      %dma_wait3A_626 = arith.constant 0 : i32
      %dma_wait3A_627 = arith.constant 0 : i32
      %dma_wait3A_628 = tpu.memref_slice %arg8[%dma_wait3A_625, %dma_wait3A_626, %dma_wait3A_627] : memref<8x128x32xf32, #tpu.memory_space<vmem>> -> memref<1x128x32xf32, #tpu.memory_space<vmem>>
      %dma_wait3A_629 = tpu.memref_squeeze %dma_wait3A_628 : memref<1x128x32xf32, #tpu.memory_space<vmem>> -> memref<128x32xf32, #tpu.memory_space<vmem>>
      %dma_wait3A_630 = arith.constant 0 : i32
      %dma_wait3A_631 = tpu.memref_slice %arg6[%add3A_624, %dma_wait3A_630] : memref<80x128xi32, #tpu.memory_space<vmem>> -> memref<1x128xi32, #tpu.memory_space<vmem>>
      %dma_wait3A_632 = tpu.memref_squeeze %dma_wait3A_631 : memref<1x128xi32, #tpu.memory_space<vmem>> -> memref<128xi32, #tpu.memory_space<vmem>>
      %dma_wait3A_633 = arith.constant 0 : i32
      %dma_wait3A_634 = arith.constant 0 : i32
      %dma_wait3A_635 = tpu.memref_slice %arg10[%dma_wait3A_633, %dma_wait3A_634] : memref<10112x32xf32, #tpu.memory_space<vmem_shared>> -> memref<10112x32xf32, #tpu.memory_space<vmem_shared>>
      tpu.wait_indirect_dma semaphore(%arg17 : memref<!tpu.dma_semaphore, #tpu.memory_space<semaphore_mem>>) src(%dma_wait3A_635 : memref<10112x32xf32, #tpu.memory_space<vmem_shared>>) dst(%dma_wait3A_629 : memref<128x32xf32, #tpu.memory_space<vmem>>)
      %dma_start3A_636 = arith.constant 6 : i32
      %dma_start3A_637 = arith.constant 0 : i32
      %dma_start3A_638 = arith.constant 0 : i32
      %dma_start3A_639 = tpu.memref_slice %arg8[%dma_start3A_636, %dma_start3A_637, %dma_start3A_638] : memref<8x128x32xf32, #tpu.memory_space<vmem>> -> memref<1x128x32xf32, #tpu.memory_space<vmem>>
      %dma_start3A_640 = tpu.memref_squeeze %dma_start3A_639 : memref<1x128x32xf32, #tpu.memory_space<vmem>> -> memref<128x32xf32, #tpu.memory_space<vmem>>
      %dma_start3A_641 = arith.constant 0 : i32
      %dma_start3A_642 = tpu.memref_slice %arg7[%add3A_624, %dma_start3A_641] : memref<80x128xi32, #tpu.memory_space<vmem>> -> memref<1x128xi32, #tpu.memory_space<vmem>>
      %dma_start3A_643 = tpu.memref_squeeze %dma_start3A_642 : memref<1x128xi32, #tpu.memory_space<vmem>> -> memref<128xi32, #tpu.memory_space<vmem>>
      %dma_start3A_644 = arith.constant 0 : i32
      %dma_start3A_645 = arith.constant 0 : i32
      %dma_start3A_646 = tpu.memref_slice %arg9[%dma_start3A_644, %dma_start3A_645] : memref<10112x32xf32, #tpu.memory_space<vmem_shared>> -> memref<10112x32xf32, #tpu.memory_space<vmem_shared>>
      tpu.enqueue_indirect_dma source(%dma_start3A_640 : memref<128x32xf32, #tpu.memory_space<vmem>>) target(%dma_start3A_646 : memref<10112x32xf32, #tpu.memory_space<vmem_shared>>) offsets(%dma_start3A_643 : memref<128xi32, #tpu.memory_space<vmem>>) semaphore(%arg25 : memref<!tpu.dma_semaphore, #tpu.memory_space<semaphore_mem>>) {add = true}
      %add3A_647 = arith.constant 6 : i32
      %add3A_648 = arith.addi %add3A_624, %add3A_647 : i32
      %lt3A_649 = arith.constant 80 : i32
      %lt3A_650 = arith.cmpi slt, %add3A_648, %lt3A_649 : i32
      %ge3A_651 = arith.constant 2 : i32
      %ge3A_652 = arith.cmpi sge, %add3A_624, %ge3A_651 : i32
      %and3A_653 = arith.andi %lt3A_650, %ge3A_652 : i1
      %convert_element_type3A_654 = arith.extui %and3A_653 : i1 to i32
      %cond3A_655 = arith.constant 0 : i32
      %cond3A_656 = arith.cmpi ne, %convert_element_type3A_654, %cond3A_655 : i32
      scf.if %cond3A_656 {
        %dma_wait3A_703 = arith.constant 4 : i32
        %dma_wait3A_704 = arith.constant 0 : i32
        %dma_wait3A_705 = arith.constant 0 : i32
        %dma_wait3A_706 = tpu.memref_slice %arg8[%dma_wait3A_703, %dma_wait3A_704, %dma_wait3A_705] : memref<8x128x32xf32, #tpu.memory_space<vmem>> -> memref<1x128x32xf32, #tpu.memory_space<vmem>>
        %dma_wait3A_707 = tpu.memref_squeeze %dma_wait3A_706 : memref<1x128x32xf32, #tpu.memory_space<vmem>> -> memref<128x32xf32, #tpu.memory_space<vmem>>
        %dma_wait3A_708 = arith.constant 0 : i32
        %dma_wait3A_709 = tpu.memref_slice %arg7[%add3A_624, %dma_wait3A_708] : memref<80x128xi32, #tpu.memory_space<vmem>> -> memref<1x128xi32, #tpu.memory_space<vmem>>
        %dma_wait3A_710 = tpu.memref_squeeze %dma_wait3A_709 : memref<1x128xi32, #tpu.memory_space<vmem>> -> memref<128xi32, #tpu.memory_space<vmem>>
        %dma_wait3A_711 = arith.constant 0 : i32
        %dma_wait3A_712 = arith.constant 0 : i32
        %dma_wait3A_713 = tpu.memref_slice %arg9[%dma_wait3A_711, %dma_wait3A_712] : memref<10112x32xf32, #tpu.memory_space<vmem_shared>> -> memref<10112x32xf32, #tpu.memory_space<vmem_shared>>
        tpu.wait_indirect_dma semaphore(%arg23 : memref<!tpu.dma_semaphore, #tpu.memory_space<semaphore_mem>>) src(%dma_wait3A_707 : memref<128x32xf32, #tpu.memory_space<vmem>>) dst(%dma_wait3A_713 : memref<10112x32xf32, #tpu.memory_space<vmem_shared>>)
      } else {
      }
      %lt3A_657 = arith.constant 80 : i32
      %lt3A_658 = arith.cmpi slt, %add3A_648, %lt3A_657 : i32
      %convert_element_type3A_659 = arith.extui %lt3A_658 : i1 to i32
      %cond3A_660 = arith.constant 0 : i32
      %cond3A_661 = arith.cmpi ne, %convert_element_type3A_659, %cond3A_660 : i32
      scf.if %cond3A_661 {
        %dma_start3A_703 = arith.constant 4 : i32
        %dma_start3A_704 = arith.constant 0 : i32
        %dma_start3A_705 = arith.constant 0 : i32
        %dma_start3A_706 = tpu.memref_slice %arg8[%dma_start3A_703, %dma_start3A_704, %dma_start3A_705] : memref<8x128x32xf32, #tpu.memory_space<vmem>> -> memref<1x128x32xf32, #tpu.memory_space<vmem>>
        %dma_start3A_707 = tpu.memref_squeeze %dma_start3A_706 : memref<1x128x32xf32, #tpu.memory_space<vmem>> -> memref<128x32xf32, #tpu.memory_space<vmem>>
        %dma_start3A_708 = arith.constant 0 : i32
        %dma_start3A_709 = tpu.memref_slice %arg6[%add3A_648, %dma_start3A_708] : memref<80x128xi32, #tpu.memory_space<vmem>> -> memref<1x128xi32, #tpu.memory_space<vmem>>
        %dma_start3A_710 = tpu.memref_squeeze %dma_start3A_709 : memref<1x128xi32, #tpu.memory_space<vmem>> -> memref<128xi32, #tpu.memory_space<vmem>>
        %dma_start3A_711 = arith.constant 0 : i32
        %dma_start3A_712 = arith.constant 0 : i32
        %dma_start3A_713 = tpu.memref_slice %arg10[%dma_start3A_711, %dma_start3A_712] : memref<10112x32xf32, #tpu.memory_space<vmem_shared>> -> memref<10112x32xf32, #tpu.memory_space<vmem_shared>>
        tpu.enqueue_indirect_dma source(%dma_start3A_713 : memref<10112x32xf32, #tpu.memory_space<vmem_shared>>) target(%dma_start3A_707 : memref<128x32xf32, #tpu.memory_space<vmem>>) offsets(%dma_start3A_710 : memref<128xi32, #tpu.memory_space<vmem>>) semaphore(%arg15 : memref<!tpu.dma_semaphore, #tpu.memory_space<semaphore_mem>>)
      } else {
      }
      %mul3A_662 = arith.constant 8 : i32
      %mul3A_663 = arith.muli %scan3A_376, %mul3A_662 : i32
      %add3A_664 = arith.constant 7 : i32
      %add3A_665 = arith.addi %mul3A_663, %add3A_664 : i32
      %dma_wait3A_666 = arith.constant 7 : i32
      %dma_wait3A_667 = arith.constant 0 : i32
      %dma_wait3A_668 = arith.constant 0 : i32
      %dma_wait3A_669 = tpu.memref_slice %arg8[%dma_wait3A_666, %dma_wait3A_667, %dma_wait3A_668] : memref<8x128x32xf32, #tpu.memory_space<vmem>> -> memref<1x128x32xf32, #tpu.memory_space<vmem>>
      %dma_wait3A_670 = tpu.memref_squeeze %dma_wait3A_669 : memref<1x128x32xf32, #tpu.memory_space<vmem>> -> memref<128x32xf32, #tpu.memory_space<vmem>>
      %dma_wait3A_671 = arith.constant 0 : i32
      %dma_wait3A_672 = tpu.memref_slice %arg6[%add3A_665, %dma_wait3A_671] : memref<80x128xi32, #tpu.memory_space<vmem>> -> memref<1x128xi32, #tpu.memory_space<vmem>>
      %dma_wait3A_673 = tpu.memref_squeeze %dma_wait3A_672 : memref<1x128xi32, #tpu.memory_space<vmem>> -> memref<128xi32, #tpu.memory_space<vmem>>
      %dma_wait3A_674 = arith.constant 0 : i32
      %dma_wait3A_675 = arith.constant 0 : i32
      %dma_wait3A_676 = tpu.memref_slice %arg10[%dma_wait3A_674, %dma_wait3A_675] : memref<10112x32xf32, #tpu.memory_space<vmem_shared>> -> memref<10112x32xf32, #tpu.memory_space<vmem_shared>>
      tpu.wait_indirect_dma semaphore(%arg18 : memref<!tpu.dma_semaphore, #tpu.memory_space<semaphore_mem>>) src(%dma_wait3A_676 : memref<10112x32xf32, #tpu.memory_space<vmem_shared>>) dst(%dma_wait3A_670 : memref<128x32xf32, #tpu.memory_space<vmem>>)
      %dma_start3A_677 = arith.constant 7 : i32
      %dma_start3A_678 = arith.constant 0 : i32
      %dma_start3A_679 = arith.constant 0 : i32
      %dma_start3A_680 = tpu.memref_slice %arg8[%dma_start3A_677, %dma_start3A_678, %dma_start3A_679] : memref<8x128x32xf32, #tpu.memory_space<vmem>> -> memref<1x128x32xf32, #tpu.memory_space<vmem>>
      %dma_start3A_681 = tpu.memref_squeeze %dma_start3A_680 : memref<1x128x32xf32, #tpu.memory_space<vmem>> -> memref<128x32xf32, #tpu.memory_space<vmem>>
      %dma_start3A_682 = arith.constant 0 : i32
      %dma_start3A_683 = tpu.memref_slice %arg7[%add3A_665, %dma_start3A_682] : memref<80x128xi32, #tpu.memory_space<vmem>> -> memref<1x128xi32, #tpu.memory_space<vmem>>
      %dma_start3A_684 = tpu.memref_squeeze %dma_start3A_683 : memref<1x128xi32, #tpu.memory_space<vmem>> -> memref<128xi32, #tpu.memory_space<vmem>>
      %dma_start3A_685 = arith.constant 0 : i32
      %dma_start3A_686 = arith.constant 0 : i32
      %dma_start3A_687 = tpu.memref_slice %arg9[%dma_start3A_685, %dma_start3A_686] : memref<10112x32xf32, #tpu.memory_space<vmem_shared>> -> memref<10112x32xf32, #tpu.memory_space<vmem_shared>>
      tpu.enqueue_indirect_dma source(%dma_start3A_681 : memref<128x32xf32, #tpu.memory_space<vmem>>) target(%dma_start3A_687 : memref<10112x32xf32, #tpu.memory_space<vmem_shared>>) offsets(%dma_start3A_684 : memref<128xi32, #tpu.memory_space<vmem>>) semaphore(%arg26 : memref<!tpu.dma_semaphore, #tpu.memory_space<semaphore_mem>>) {add = true}
      %add3A_688 = arith.constant 6 : i32
      %add3A_689 = arith.addi %add3A_665, %add3A_688 : i32
      %lt3A_690 = arith.constant 80 : i32
      %lt3A_691 = arith.cmpi slt, %add3A_689, %lt3A_690 : i32
      %ge3A_692 = arith.constant 2 : i32
      %ge3A_693 = arith.cmpi sge, %add3A_665, %ge3A_692 : i32
      %and3A_694 = arith.andi %lt3A_691, %ge3A_693 : i1
      %convert_element_type3A_695 = arith.extui %and3A_694 : i1 to i32
      %cond3A_696 = arith.constant 0 : i32
      %cond3A_697 = arith.cmpi ne, %convert_element_type3A_695, %cond3A_696 : i32
      scf.if %cond3A_697 {
        %dma_wait3A_703 = arith.constant 5 : i32
        %dma_wait3A_704 = arith.constant 0 : i32
        %dma_wait3A_705 = arith.constant 0 : i32
        %dma_wait3A_706 = tpu.memref_slice %arg8[%dma_wait3A_703, %dma_wait3A_704, %dma_wait3A_705] : memref<8x128x32xf32, #tpu.memory_space<vmem>> -> memref<1x128x32xf32, #tpu.memory_space<vmem>>
        %dma_wait3A_707 = tpu.memref_squeeze %dma_wait3A_706 : memref<1x128x32xf32, #tpu.memory_space<vmem>> -> memref<128x32xf32, #tpu.memory_space<vmem>>
        %dma_wait3A_708 = arith.constant 0 : i32
        %dma_wait3A_709 = tpu.memref_slice %arg7[%add3A_665, %dma_wait3A_708] : memref<80x128xi32, #tpu.memory_space<vmem>> -> memref<1x128xi32, #tpu.memory_space<vmem>>
        %dma_wait3A_710 = tpu.memref_squeeze %dma_wait3A_709 : memref<1x128xi32, #tpu.memory_space<vmem>> -> memref<128xi32, #tpu.memory_space<vmem>>
        %dma_wait3A_711 = arith.constant 0 : i32
        %dma_wait3A_712 = arith.constant 0 : i32
        %dma_wait3A_713 = tpu.memref_slice %arg9[%dma_wait3A_711, %dma_wait3A_712] : memref<10112x32xf32, #tpu.memory_space<vmem_shared>> -> memref<10112x32xf32, #tpu.memory_space<vmem_shared>>
        tpu.wait_indirect_dma semaphore(%arg24 : memref<!tpu.dma_semaphore, #tpu.memory_space<semaphore_mem>>) src(%dma_wait3A_707 : memref<128x32xf32, #tpu.memory_space<vmem>>) dst(%dma_wait3A_713 : memref<10112x32xf32, #tpu.memory_space<vmem_shared>>)
      } else {
      }
      %lt3A_698 = arith.constant 80 : i32
      %lt3A_699 = arith.cmpi slt, %add3A_689, %lt3A_698 : i32
      %convert_element_type3A_700 = arith.extui %lt3A_699 : i1 to i32
      %cond3A_701 = arith.constant 0 : i32
      %cond3A_702 = arith.cmpi ne, %convert_element_type3A_700, %cond3A_701 : i32
      scf.if %cond3A_702 {
        %dma_start3A_703 = arith.constant 5 : i32
        %dma_start3A_704 = arith.constant 0 : i32
        %dma_start3A_705 = arith.constant 0 : i32
        %dma_start3A_706 = tpu.memref_slice %arg8[%dma_start3A_703, %dma_start3A_704, %dma_start3A_705] : memref<8x128x32xf32, #tpu.memory_space<vmem>> -> memref<1x128x32xf32, #tpu.memory_space<vmem>>
        %dma_start3A_707 = tpu.memref_squeeze %dma_start3A_706 : memref<1x128x32xf32, #tpu.memory_space<vmem>> -> memref<128x32xf32, #tpu.memory_space<vmem>>
        %dma_start3A_708 = arith.constant 0 : i32
        %dma_start3A_709 = tpu.memref_slice %arg6[%add3A_689, %dma_start3A_708] : memref<80x128xi32, #tpu.memory_space<vmem>> -> memref<1x128xi32, #tpu.memory_space<vmem>>
        %dma_start3A_710 = tpu.memref_squeeze %dma_start3A_709 : memref<1x128xi32, #tpu.memory_space<vmem>> -> memref<128xi32, #tpu.memory_space<vmem>>
        %dma_start3A_711 = arith.constant 0 : i32
        %dma_start3A_712 = arith.constant 0 : i32
        %dma_start3A_713 = tpu.memref_slice %arg10[%dma_start3A_711, %dma_start3A_712] : memref<10112x32xf32, #tpu.memory_space<vmem_shared>> -> memref<10112x32xf32, #tpu.memory_space<vmem_shared>>
        tpu.enqueue_indirect_dma source(%dma_start3A_713 : memref<10112x32xf32, #tpu.memory_space<vmem_shared>>) target(%dma_start3A_707 : memref<128x32xf32, #tpu.memory_space<vmem>>) offsets(%dma_start3A_710 : memref<128xi32, #tpu.memory_space<vmem>>) semaphore(%arg16 : memref<!tpu.dma_semaphore, #tpu.memory_space<semaphore_mem>>)
      } else {
      }
    }
    %scan3A_279 = arith.constant 10 : i32
    %dma_wait3A = arith.constant 0 : i32
    %dma_wait3A_280 = arith.constant 0 : i32
    %dma_wait3A_281 = arith.constant 0 : i32
    %dma_wait3A_282 = arith.constant 0 : i32
    %dma_wait3A_283 = tpu.memref_slice %arg8[%dma_wait3A, %dma_wait3A_281, %dma_wait3A_282] : memref<8x128x32xf32, #tpu.memory_space<vmem>> -> memref<1x128x32xf32, #tpu.memory_space<vmem>>
    %dma_wait3A_284 = tpu.memref_squeeze %dma_wait3A_283 : memref<1x128x32xf32, #tpu.memory_space<vmem>> -> memref<128x32xf32, #tpu.memory_space<vmem>>
    %dma_wait3A_285 = arith.constant 0 : i32
    %dma_wait3A_286 = tpu.memref_slice %arg7[%dma_wait3A_280, %dma_wait3A_285] : memref<80x128xi32, #tpu.memory_space<vmem>> -> memref<1x128xi32, #tpu.memory_space<vmem>>
    %dma_wait3A_287 = tpu.memref_squeeze %dma_wait3A_286 : memref<1x128xi32, #tpu.memory_space<vmem>> -> memref<128xi32, #tpu.memory_space<vmem>>
    %dma_wait3A_288 = arith.constant 0 : i32
    %dma_wait3A_289 = arith.constant 0 : i32
    %dma_wait3A_290 = tpu.memref_slice %arg9[%dma_wait3A_288, %dma_wait3A_289] : memref<10112x32xf32, #tpu.memory_space<vmem_shared>> -> memref<10112x32xf32, #tpu.memory_space<vmem_shared>>
    tpu.wait_indirect_dma semaphore(%arg19 : memref<!tpu.dma_semaphore, #tpu.memory_space<semaphore_mem>>) src(%dma_wait3A_284 : memref<128x32xf32, #tpu.memory_space<vmem>>) dst(%dma_wait3A_290 : memref<10112x32xf32, #tpu.memory_space<vmem_shared>>)
    %dma_wait3A_291 = arith.constant 1 : i32
    %dma_wait3A_292 = arith.constant 0 : i32
    %dma_wait3A_293 = arith.constant 0 : i32
    %dma_wait3A_294 = arith.constant 0 : i32
    %dma_wait3A_295 = tpu.memref_slice %arg8[%dma_wait3A_291, %dma_wait3A_293, %dma_wait3A_294] : memref<8x128x32xf32, #tpu.memory_space<vmem>> -> memref<1x128x32xf32, #tpu.memory_space<vmem>>
    %dma_wait3A_296 = tpu.memref_squeeze %dma_wait3A_295 : memref<1x128x32xf32, #tpu.memory_space<vmem>> -> memref<128x32xf32, #tpu.memory_space<vmem>>
    %dma_wait3A_297 = arith.constant 0 : i32
    %dma_wait3A_298 = tpu.memref_slice %arg7[%dma_wait3A_292, %dma_wait3A_297] : memref<80x128xi32, #tpu.memory_space<vmem>> -> memref<1x128xi32, #tpu.memory_space<vmem>>
    %dma_wait3A_299 = tpu.memref_squeeze %dma_wait3A_298 : memref<1x128xi32, #tpu.memory_space<vmem>> -> memref<128xi32, #tpu.memory_space<vmem>>
    %dma_wait3A_300 = arith.constant 0 : i32
    %dma_wait3A_301 = arith.constant 0 : i32
    %dma_wait3A_302 = tpu.memref_slice %arg9[%dma_wait3A_300, %dma_wait3A_301] : memref<10112x32xf32, #tpu.memory_space<vmem_shared>> -> memref<10112x32xf32, #tpu.memory_space<vmem_shared>>
    tpu.wait_indirect_dma semaphore(%arg20 : memref<!tpu.dma_semaphore, #tpu.memory_space<semaphore_mem>>) src(%dma_wait3A_296 : memref<128x32xf32, #tpu.memory_space<vmem>>) dst(%dma_wait3A_302 : memref<10112x32xf32, #tpu.memory_space<vmem_shared>>)
    %dma_wait3A_303 = arith.constant 2 : i32
    %dma_wait3A_304 = arith.constant 0 : i32
    %dma_wait3A_305 = arith.constant 0 : i32
    %dma_wait3A_306 = arith.constant 0 : i32
    %dma_wait3A_307 = tpu.memref_slice %arg8[%dma_wait3A_303, %dma_wait3A_305, %dma_wait3A_306] : memref<8x128x32xf32, #tpu.memory_space<vmem>> -> memref<1x128x32xf32, #tpu.memory_space<vmem>>
    %dma_wait3A_308 = tpu.memref_squeeze %dma_wait3A_307 : memref<1x128x32xf32, #tpu.memory_space<vmem>> -> memref<128x32xf32, #tpu.memory_space<vmem>>
    %dma_wait3A_309 = arith.constant 0 : i32
    %dma_wait3A_310 = tpu.memref_slice %arg7[%dma_wait3A_304, %dma_wait3A_309] : memref<80x128xi32, #tpu.memory_space<vmem>> -> memref<1x128xi32, #tpu.memory_space<vmem>>
    %dma_wait3A_311 = tpu.memref_squeeze %dma_wait3A_310 : memref<1x128xi32, #tpu.memory_space<vmem>> -> memref<128xi32, #tpu.memory_space<vmem>>
    %dma_wait3A_312 = arith.constant 0 : i32
    %dma_wait3A_313 = arith.constant 0 : i32
    %dma_wait3A_314 = tpu.memref_slice %arg9[%dma_wait3A_312, %dma_wait3A_313] : memref<10112x32xf32, #tpu.memory_space<vmem_shared>> -> memref<10112x32xf32, #tpu.memory_space<vmem_shared>>
    tpu.wait_indirect_dma semaphore(%arg21 : memref<!tpu.dma_semaphore, #tpu.memory_space<semaphore_mem>>) src(%dma_wait3A_308 : memref<128x32xf32, #tpu.memory_space<vmem>>) dst(%dma_wait3A_314 : memref<10112x32xf32, #tpu.memory_space<vmem_shared>>)
    %dma_wait3A_315 = arith.constant 3 : i32
    %dma_wait3A_316 = arith.constant 0 : i32
    %dma_wait3A_317 = arith.constant 0 : i32
    %dma_wait3A_318 = arith.constant 0 : i32
    %dma_wait3A_319 = tpu.memref_slice %arg8[%dma_wait3A_315, %dma_wait3A_317, %dma_wait3A_318] : memref<8x128x32xf32, #tpu.memory_space<vmem>> -> memref<1x128x32xf32, #tpu.memory_space<vmem>>
    %dma_wait3A_320 = tpu.memref_squeeze %dma_wait3A_319 : memref<1x128x32xf32, #tpu.memory_space<vmem>> -> memref<128x32xf32, #tpu.memory_space<vmem>>
    %dma_wait3A_321 = arith.constant 0 : i32
    %dma_wait3A_322 = tpu.memref_slice %arg7[%dma_wait3A_316, %dma_wait3A_321] : memref<80x128xi32, #tpu.memory_space<vmem>> -> memref<1x128xi32, #tpu.memory_space<vmem>>
    %dma_wait3A_323 = tpu.memref_squeeze %dma_wait3A_322 : memref<1x128xi32, #tpu.memory_space<vmem>> -> memref<128xi32, #tpu.memory_space<vmem>>
    %dma_wait3A_324 = arith.constant 0 : i32
    %dma_wait3A_325 = arith.constant 0 : i32
    %dma_wait3A_326 = tpu.memref_slice %arg9[%dma_wait3A_324, %dma_wait3A_325] : memref<10112x32xf32, #tpu.memory_space<vmem_shared>> -> memref<10112x32xf32, #tpu.memory_space<vmem_shared>>
    tpu.wait_indirect_dma semaphore(%arg22 : memref<!tpu.dma_semaphore, #tpu.memory_space<semaphore_mem>>) src(%dma_wait3A_320 : memref<128x32xf32, #tpu.memory_space<vmem>>) dst(%dma_wait3A_326 : memref<10112x32xf32, #tpu.memory_space<vmem_shared>>)
    %dma_wait3A_327 = arith.constant 4 : i32
    %dma_wait3A_328 = arith.constant 0 : i32
    %dma_wait3A_329 = arith.constant 0 : i32
    %dma_wait3A_330 = arith.constant 0 : i32
    %dma_wait3A_331 = tpu.memref_slice %arg8[%dma_wait3A_327, %dma_wait3A_329, %dma_wait3A_330] : memref<8x128x32xf32, #tpu.memory_space<vmem>> -> memref<1x128x32xf32, #tpu.memory_space<vmem>>
    %dma_wait3A_332 = tpu.memref_squeeze %dma_wait3A_331 : memref<1x128x32xf32, #tpu.memory_space<vmem>> -> memref<128x32xf32, #tpu.memory_space<vmem>>
    %dma_wait3A_333 = arith.constant 0 : i32
    %dma_wait3A_334 = tpu.memref_slice %arg7[%dma_wait3A_328, %dma_wait3A_333] : memref<80x128xi32, #tpu.memory_space<vmem>> -> memref<1x128xi32, #tpu.memory_space<vmem>>
    %dma_wait3A_335 = tpu.memref_squeeze %dma_wait3A_334 : memref<1x128xi32, #tpu.memory_space<vmem>> -> memref<128xi32, #tpu.memory_space<vmem>>
    %dma_wait3A_336 = arith.constant 0 : i32
    %dma_wait3A_337 = arith.constant 0 : i32
    %dma_wait3A_338 = tpu.memref_slice %arg9[%dma_wait3A_336, %dma_wait3A_337] : memref<10112x32xf32, #tpu.memory_space<vmem_shared>> -> memref<10112x32xf32, #tpu.memory_space<vmem_shared>>
    tpu.wait_indirect_dma semaphore(%arg23 : memref<!tpu.dma_semaphore, #tpu.memory_space<semaphore_mem>>) src(%dma_wait3A_332 : memref<128x32xf32, #tpu.memory_space<vmem>>) dst(%dma_wait3A_338 : memref<10112x32xf32, #tpu.memory_space<vmem_shared>>)
    %dma_wait3A_339 = arith.constant 5 : i32
    %dma_wait3A_340 = arith.constant 0 : i32
    %dma_wait3A_341 = arith.constant 0 : i32
    %dma_wait3A_342 = arith.constant 0 : i32
    %dma_wait3A_343 = tpu.memref_slice %arg8[%dma_wait3A_339, %dma_wait3A_341, %dma_wait3A_342] : memref<8x128x32xf32, #tpu.memory_space<vmem>> -> memref<1x128x32xf32, #tpu.memory_space<vmem>>
    %dma_wait3A_344 = tpu.memref_squeeze %dma_wait3A_343 : memref<1x128x32xf32, #tpu.memory_space<vmem>> -> memref<128x32xf32, #tpu.memory_space<vmem>>
    %dma_wait3A_345 = arith.constant 0 : i32
    %dma_wait3A_346 = tpu.memref_slice %arg7[%dma_wait3A_340, %dma_wait3A_345] : memref<80x128xi32, #tpu.memory_space<vmem>> -> memref<1x128xi32, #tpu.memory_space<vmem>>
    %dma_wait3A_347 = tpu.memref_squeeze %dma_wait3A_346 : memref<1x128xi32, #tpu.memory_space<vmem>> -> memref<128xi32, #tpu.memory_space<vmem>>
    %dma_wait3A_348 = arith.constant 0 : i32
    %dma_wait3A_349 = arith.constant 0 : i32
    %dma_wait3A_350 = tpu.memref_slice %arg9[%dma_wait3A_348, %dma_wait3A_349] : memref<10112x32xf32, #tpu.memory_space<vmem_shared>> -> memref<10112x32xf32, #tpu.memory_space<vmem_shared>>
    tpu.wait_indirect_dma semaphore(%arg24 : memref<!tpu.dma_semaphore, #tpu.memory_space<semaphore_mem>>) src(%dma_wait3A_344 : memref<128x32xf32, #tpu.memory_space<vmem>>) dst(%dma_wait3A_350 : memref<10112x32xf32, #tpu.memory_space<vmem_shared>>)
    %dma_wait3A_351 = arith.constant 6 : i32
    %dma_wait3A_352 = arith.constant 0 : i32
    %dma_wait3A_353 = arith.constant 0 : i32
    %dma_wait3A_354 = arith.constant 0 : i32
    %dma_wait3A_355 = tpu.memref_slice %arg8[%dma_wait3A_351, %dma_wait3A_353, %dma_wait3A_354] : memref<8x128x32xf32, #tpu.memory_space<vmem>> -> memref<1x128x32xf32, #tpu.memory_space<vmem>>
    %dma_wait3A_356 = tpu.memref_squeeze %dma_wait3A_355 : memref<1x128x32xf32, #tpu.memory_space<vmem>> -> memref<128x32xf32, #tpu.memory_space<vmem>>
    %dma_wait3A_357 = arith.constant 0 : i32
    %dma_wait3A_358 = tpu.memref_slice %arg7[%dma_wait3A_352, %dma_wait3A_357] : memref<80x128xi32, #tpu.memory_space<vmem>> -> memref<1x128xi32, #tpu.memory_space<vmem>>
    %dma_wait3A_359 = tpu.memref_squeeze %dma_wait3A_358 : memref<1x128xi32, #tpu.memory_space<vmem>> -> memref<128xi32, #tpu.memory_space<vmem>>
    %dma_wait3A_360 = arith.constant 0 : i32
    %dma_wait3A_361 = arith.constant 0 : i32
    %dma_wait3A_362 = tpu.memref_slice %arg9[%dma_wait3A_360, %dma_wait3A_361] : memref<10112x32xf32, #tpu.memory_space<vmem_shared>> -> memref<10112x32xf32, #tpu.memory_space<vmem_shared>>
    tpu.wait_indirect_dma semaphore(%arg25 : memref<!tpu.dma_semaphore, #tpu.memory_space<semaphore_mem>>) src(%dma_wait3A_356 : memref<128x32xf32, #tpu.memory_space<vmem>>) dst(%dma_wait3A_362 : memref<10112x32xf32, #tpu.memory_space<vmem_shared>>)
    %dma_wait3A_363 = arith.constant 7 : i32
    %dma_wait3A_364 = arith.constant 0 : i32
    %dma_wait3A_365 = arith.constant 0 : i32
    %dma_wait3A_366 = arith.constant 0 : i32
    %dma_wait3A_367 = tpu.memref_slice %arg8[%dma_wait3A_363, %dma_wait3A_365, %dma_wait3A_366] : memref<8x128x32xf32, #tpu.memory_space<vmem>> -> memref<1x128x32xf32, #tpu.memory_space<vmem>>
    %dma_wait3A_368 = tpu.memref_squeeze %dma_wait3A_367 : memref<1x128x32xf32, #tpu.memory_space<vmem>> -> memref<128x32xf32, #tpu.memory_space<vmem>>
    %dma_wait3A_369 = arith.constant 0 : i32
    %dma_wait3A_370 = tpu.memref_slice %arg7[%dma_wait3A_364, %dma_wait3A_369] : memref<80x128xi32, #tpu.memory_space<vmem>> -> memref<1x128xi32, #tpu.memory_space<vmem>>
    %dma_wait3A_371 = tpu.memref_squeeze %dma_wait3A_370 : memref<1x128xi32, #tpu.memory_space<vmem>> -> memref<128xi32, #tpu.memory_space<vmem>>
    %dma_wait3A_372 = arith.constant 0 : i32
    %dma_wait3A_373 = arith.constant 0 : i32
    %dma_wait3A_374 = tpu.memref_slice %arg9[%dma_wait3A_372, %dma_wait3A_373] : memref<10112x32xf32, #tpu.memory_space<vmem_shared>> -> memref<10112x32xf32, #tpu.memory_space<vmem_shared>>
    tpu.wait_indirect_dma semaphore(%arg26 : memref<!tpu.dma_semaphore, #tpu.memory_space<semaphore_mem>>) src(%dma_wait3A_368 : memref<128x32xf32, #tpu.memory_space<vmem>>) dst(%dma_wait3A_374 : memref<10112x32xf32, #tpu.memory_space<vmem_shared>>)
    %barrier3A_375 = arith.constant 0 : index
    tpu.barrier barrier_id(%barrier3A_375)
    "tpu.region"() ({
      %run_scoped3A_376 = tpu.sem_alloc : memref<!tpu.dma_semaphore, #tpu.memory_space<semaphore_mem>>
      %dma_start3A_377 = arith.constant 0 : i32
      %dma_start3A_378 = tpu.memref_slice %arg5[%arg0, %mul3A_2, %dma_start3A_377] : memref<2x10112x32xf32, #tpu.memory_space<hbm>> -> memref<1x632x32xf32, #tpu.memory_space<hbm>>
      %dma_start3A_379 = tpu.memref_squeeze %dma_start3A_378 : memref<1x632x32xf32, #tpu.memory_space<hbm>> -> memref<632x32xf32, #tpu.memory_space<hbm>>
      %dma_start3A_380 = arith.constant 0 : i32
      %dma_start3A_381 = tpu.memref_slice %arg9[%mul3A_2, %dma_start3A_380] : memref<10112x32xf32, #tpu.memory_space<vmem_shared>> -> memref<632x32xf32, #tpu.memory_space<vmem_shared>>
      tpu.enqueue_dma source(%dma_start3A_381 : memref<632x32xf32, #tpu.memory_space<vmem_shared>>) target(%dma_start3A_379 : memref<632x32xf32, #tpu.memory_space<hbm>>) target_semaphore(%run_scoped3A_376 : memref<!tpu.dma_semaphore, #tpu.memory_space<semaphore_mem>>)
      %dma_wait3A_382 = arith.constant 0 : i32
      %dma_wait3A_383 = tpu.memref_slice %arg5[%arg0, %mul3A_2, %dma_wait3A_382] : memref<2x10112x32xf32, #tpu.memory_space<hbm>> -> memref<1x632x32xf32, #tpu.memory_space<hbm>>
      %dma_wait3A_384 = tpu.memref_squeeze %dma_wait3A_383 : memref<1x632x32xf32, #tpu.memory_space<hbm>> -> memref<632x32xf32, #tpu.memory_space<hbm>>
      %dma_wait3A_385 = arith.constant 0 : i32
      %dma_wait3A_386 = tpu.memref_slice %arg9[%mul3A_2, %dma_wait3A_385] : memref<10112x32xf32, #tpu.memory_space<vmem_shared>> -> memref<632x32xf32, #tpu.memory_space<vmem_shared>>
      tpu.wait_dma2 semaphore(%run_scoped3A_376 : memref<!tpu.dma_semaphore, #tpu.memory_space<semaphore_mem>>) src(%dma_wait3A_386 : memref<632x32xf32, #tpu.memory_space<vmem_shared>>) dst(%dma_wait3A_384 : memref<632x32xf32, #tpu.memory_space<hbm>>)
      tpu.yield
    }) : () -> ()
    return
  }
}

#map = affine_map<(d0, d1) -> (0, 0)>
#map1 = affine_map<(d0, d1) -> (0, 0, 0)>
module attributes {stable_mosaic.version = 14 : i64} {
  func.func @_sc_agg(%arg0: i32, %arg1: i32, %arg2: memref<10112x32xf32, #tpu.memory_space<hbm>>, %arg3: memref<2x2500x128xi32, #tpu.memory_space<hbm>>, %arg4: memref<128x32xf32, #tpu.memory_space<hbm>>, %arg5: memref<10112x32xf32, #tpu.memory_space<hbm>>, %arg6: memref<10112x32xf32, #tpu.memory_space<hbm>>, %arg7: memref<2x10112x32xf32, #tpu.memory_space<hbm>>, %arg8: memref<2x10112x32xf32, #tpu.memory_space<hbm>>, %arg9: memref<80x128xi32, #tpu.memory_space<vmem>>, %arg10: memref<80x128xi32, #tpu.memory_space<vmem>>, %arg11: memref<8x128x32xf32, #tpu.memory_space<vmem>>, %arg12: memref<128x32xf32, #tpu.memory_space<vmem>>, %arg13: memref<10112x32xf32, #tpu.memory_space<vmem_shared>>, %arg14: memref<10112x32xf32, #tpu.memory_space<vmem_shared>>, %arg15: memref<10112x32xf32, #tpu.memory_space<vmem_shared>>, %arg16: memref<!tpu.dma_semaphore, #tpu.memory_space<semaphore_mem>>, %arg17: memref<!tpu.dma_semaphore, #tpu.memory_space<semaphore_mem>>, %arg18: memref<!tpu.dma_semaphore, #tpu.memory_space<semaphore_mem>>, %arg19: memref<!tpu.dma_semaphore, #tpu.memory_space<semaphore_mem>>, %arg20: memref<!tpu.dma_semaphore, #tpu.memory_space<semaphore_mem>>, %arg21: memref<!tpu.dma_semaphore, #tpu.memory_space<semaphore_mem>>, %arg22: memref<!tpu.dma_semaphore, #tpu.memory_space<semaphore_mem>>, %arg23: memref<!tpu.dma_semaphore, #tpu.memory_space<semaphore_mem>>, %arg24: memref<!tpu.dma_semaphore, #tpu.memory_space<semaphore_mem>>, %arg25: memref<!tpu.dma_semaphore, #tpu.memory_space<semaphore_mem>>, %arg26: memref<!tpu.dma_semaphore, #tpu.memory_space<semaphore_mem>>, %arg27: memref<!tpu.dma_semaphore, #tpu.memory_space<semaphore_mem>>, %arg28: memref<!tpu.dma_semaphore, #tpu.memory_space<semaphore_mem>>, %arg29: memref<!tpu.dma_semaphore, #tpu.memory_space<semaphore_mem>>, %arg30: memref<!tpu.dma_semaphore, #tpu.memory_space<semaphore_mem>>, %arg31: memref<!tpu.dma_semaphore, #tpu.memory_space<semaphore_mem>>, %arg32: memref<!tpu.dma_semaphore, #tpu.memory_space<semaphore_mem>>) attributes {dimension_semantics = [#tpu.dimension_semantics<core_parallel>, #tpu.dimension_semantics<subcore_parallel>], iteration_bounds = array<i64: 2, 16>, scalar_prefetch = 0 : i64, scratch_operands = 24 : i64, tpu.core_type = #tpu.core_type<sc_vector_subcore>, window_params = [{transform_indices = #map}, {transform_indices = #map1}, {transform_indices = #map}, {transform_indices = #map}, {transform_indices = #map}, {transform_indices = #map1}, {transform_indices = #map1}]} {
    %mul3A = arith.constant 16 : i32
    %mul3A_0 = arith.muli %arg0, %mul3A : i32
    %add3A = arith.addi %mul3A_0, %arg1 : i32
    %mul3A_1 = arith.constant 632 : i32
    %mul3A_2 = arith.muli %arg1, %mul3A_1 : i32
    "tpu.region"() ({
      %run_scoped3A_382 = tpu.sem_alloc : memref<!tpu.dma_semaphore, #tpu.memory_space<semaphore_mem>>
      %dma_start3A_383 = arith.constant 0 : i32
      %dma_start3A_384 = tpu.memref_slice %arg13[%mul3A_2, %dma_start3A_383] : memref<10112x32xf32, #tpu.memory_space<vmem_shared>> -> memref<632x32xf32, #tpu.memory_space<vmem_shared>>
      %dma_start3A_385 = arith.constant 0 : i32
      %dma_start3A_386 = tpu.memref_slice %arg5[%mul3A_2, %dma_start3A_385] : memref<10112x32xf32, #tpu.memory_space<hbm>> -> memref<632x32xf32, #tpu.memory_space<hbm>>
      tpu.enqueue_dma source(%dma_start3A_386 : memref<632x32xf32, #tpu.memory_space<hbm>>) target(%dma_start3A_384 : memref<632x32xf32, #tpu.memory_space<vmem_shared>>) target_semaphore(%run_scoped3A_382 : memref<!tpu.dma_semaphore, #tpu.memory_space<semaphore_mem>>)
      %dma_wait3A_387 = arith.constant 0 : i32
      %dma_wait3A_388 = tpu.memref_slice %arg13[%mul3A_2, %dma_wait3A_387] : memref<10112x32xf32, #tpu.memory_space<vmem_shared>> -> memref<632x32xf32, #tpu.memory_space<vmem_shared>>
      %dma_wait3A_389 = arith.constant 0 : i32
      %dma_wait3A_390 = tpu.memref_slice %arg5[%mul3A_2, %dma_wait3A_389] : memref<10112x32xf32, #tpu.memory_space<hbm>> -> memref<632x32xf32, #tpu.memory_space<hbm>>
      tpu.wait_dma2 semaphore(%run_scoped3A_382 : memref<!tpu.dma_semaphore, #tpu.memory_space<semaphore_mem>>) src(%dma_wait3A_390 : memref<632x32xf32, #tpu.memory_space<hbm>>) dst(%dma_wait3A_388 : memref<632x32xf32, #tpu.memory_space<vmem_shared>>)
      tpu.yield
    }) : () -> ()
    "tpu.region"() ({
      %run_scoped3A_382 = tpu.sem_alloc : memref<!tpu.dma_semaphore, #tpu.memory_space<semaphore_mem>>
      %dma_start3A_383 = arith.constant 0 : i32
      %dma_start3A_384 = tpu.memref_slice %arg14[%mul3A_2, %dma_start3A_383] : memref<10112x32xf32, #tpu.memory_space<vmem_shared>> -> memref<632x32xf32, #tpu.memory_space<vmem_shared>>
      %dma_start3A_385 = arith.constant 0 : i32
      %dma_start3A_386 = tpu.memref_slice %arg2[%mul3A_2, %dma_start3A_385] : memref<10112x32xf32, #tpu.memory_space<hbm>> -> memref<632x32xf32, #tpu.memory_space<hbm>>
      tpu.enqueue_dma source(%dma_start3A_386 : memref<632x32xf32, #tpu.memory_space<hbm>>) target(%dma_start3A_384 : memref<632x32xf32, #tpu.memory_space<vmem_shared>>) target_semaphore(%run_scoped3A_382 : memref<!tpu.dma_semaphore, #tpu.memory_space<semaphore_mem>>)
      %dma_wait3A_387 = arith.constant 0 : i32
      %dma_wait3A_388 = tpu.memref_slice %arg14[%mul3A_2, %dma_wait3A_387] : memref<10112x32xf32, #tpu.memory_space<vmem_shared>> -> memref<632x32xf32, #tpu.memory_space<vmem_shared>>
      %dma_wait3A_389 = arith.constant 0 : i32
      %dma_wait3A_390 = tpu.memref_slice %arg2[%mul3A_2, %dma_wait3A_389] : memref<10112x32xf32, #tpu.memory_space<hbm>> -> memref<632x32xf32, #tpu.memory_space<hbm>>
      tpu.wait_dma2 semaphore(%run_scoped3A_382 : memref<!tpu.dma_semaphore, #tpu.memory_space<semaphore_mem>>) src(%dma_wait3A_390 : memref<632x32xf32, #tpu.memory_space<hbm>>) dst(%dma_wait3A_388 : memref<632x32xf32, #tpu.memory_space<vmem_shared>>)
      tpu.yield
    }) : () -> ()
    "tpu.region"() ({
      %run_scoped3A_382 = tpu.sem_alloc : memref<!tpu.dma_semaphore, #tpu.memory_space<semaphore_mem>>
      %dma_start3A_383 = arith.constant 0 : i32
      %dma_start3A_384 = tpu.memref_slice %arg15[%mul3A_2, %dma_start3A_383] : memref<10112x32xf32, #tpu.memory_space<vmem_shared>> -> memref<632x32xf32, #tpu.memory_space<vmem_shared>>
      %dma_start3A_385 = arith.constant 0 : i32
      %dma_start3A_386 = tpu.memref_slice %arg6[%mul3A_2, %dma_start3A_385] : memref<10112x32xf32, #tpu.memory_space<hbm>> -> memref<632x32xf32, #tpu.memory_space<hbm>>
      tpu.enqueue_dma source(%dma_start3A_386 : memref<632x32xf32, #tpu.memory_space<hbm>>) target(%dma_start3A_384 : memref<632x32xf32, #tpu.memory_space<vmem_shared>>) target_semaphore(%run_scoped3A_382 : memref<!tpu.dma_semaphore, #tpu.memory_space<semaphore_mem>>)
      %dma_wait3A_387 = arith.constant 0 : i32
      %dma_wait3A_388 = tpu.memref_slice %arg15[%mul3A_2, %dma_wait3A_387] : memref<10112x32xf32, #tpu.memory_space<vmem_shared>> -> memref<632x32xf32, #tpu.memory_space<vmem_shared>>
      %dma_wait3A_389 = arith.constant 0 : i32
      %dma_wait3A_390 = tpu.memref_slice %arg6[%mul3A_2, %dma_wait3A_389] : memref<10112x32xf32, #tpu.memory_space<hbm>> -> memref<632x32xf32, #tpu.memory_space<hbm>>
      tpu.wait_dma2 semaphore(%run_scoped3A_382 : memref<!tpu.dma_semaphore, #tpu.memory_space<semaphore_mem>>) src(%dma_wait3A_390 : memref<632x32xf32, #tpu.memory_space<hbm>>) dst(%dma_wait3A_388 : memref<632x32xf32, #tpu.memory_space<vmem_shared>>)
      tpu.yield
    }) : () -> ()
    "tpu.region"() ({
      %run_scoped3A_382 = tpu.sem_alloc : memref<!tpu.dma_semaphore, #tpu.memory_space<semaphore_mem>>
      tpu.enqueue_dma source(%arg4 : memref<128x32xf32, #tpu.memory_space<hbm>>) target(%arg12 : memref<128x32xf32, #tpu.memory_space<vmem>>) target_semaphore(%run_scoped3A_382 : memref<!tpu.dma_semaphore, #tpu.memory_space<semaphore_mem>>)
      tpu.wait_dma2 semaphore(%run_scoped3A_382 : memref<!tpu.dma_semaphore, #tpu.memory_space<semaphore_mem>>) src(%arg4 : memref<128x32xf32, #tpu.memory_space<hbm>>) dst(%arg12 : memref<128x32xf32, #tpu.memory_space<vmem>>)
      tpu.yield
    }) : () -> ()
    %mul3A_3 = arith.constant 78 : i32
    %mul3A_4 = arith.muli %add3A, %mul3A_3 : i32
    %run_scoped3A = arith.constant 0 : i32
    "tpu.region"() ({
      %run_scoped3A_382 = tpu.sem_alloc : memref<!tpu.dma_semaphore, #tpu.memory_space<semaphore_mem>>
      %dma_start3A_383 = arith.constant 0 : i32
      %dma_start3A_384 = arith.constant 0 : i32
      %dma_start3A_385 = tpu.memref_slice %arg9[%dma_start3A_383, %dma_start3A_384] : memref<80x128xi32, #tpu.memory_space<vmem>> -> memref<78x128xi32, #tpu.memory_space<vmem>>
      %dma_start3A_386 = arith.constant 0 : i32
      %dma_start3A_387 = tpu.memref_slice %arg3[%run_scoped3A, %mul3A_4, %dma_start3A_386] : memref<2x2500x128xi32, #tpu.memory_space<hbm>> -> memref<1x78x128xi32, #tpu.memory_space<hbm>>
      %dma_start3A_388 = tpu.memref_squeeze %dma_start3A_387 : memref<1x78x128xi32, #tpu.memory_space<hbm>> -> memref<78x128xi32, #tpu.memory_space<hbm>>
      %dma_start3A_389 = arith.constant 0 : i32
      %dma_start3A_390 = arith.constant 0 : i32
      %dma_start3A_391 = tpu.memref_slice %arg9[%dma_start3A_389, %dma_start3A_390] : memref<80x128xi32, #tpu.memory_space<vmem>> -> memref<78x128xi32, #tpu.memory_space<vmem>>
      %dma_start3A_392 = arith.constant 0 : i32
      %dma_start3A_393 = tpu.memref_slice %arg3[%run_scoped3A, %mul3A_4, %dma_start3A_392] : memref<2x2500x128xi32, #tpu.memory_space<hbm>> -> memref<1x78x128xi32, #tpu.memory_space<hbm>>
      %dma_start3A_394 = tpu.memref_squeeze %dma_start3A_393 : memref<1x78x128xi32, #tpu.memory_space<hbm>> -> memref<78x128xi32, #tpu.memory_space<hbm>>
      tpu.enqueue_dma source(%dma_start3A_394 : memref<78x128xi32, #tpu.memory_space<hbm>>) target(%dma_start3A_391 : memref<78x128xi32, #tpu.memory_space<vmem>>) target_semaphore(%run_scoped3A_382 : memref<!tpu.dma_semaphore, #tpu.memory_space<semaphore_mem>>)
      %dma_wait3A_395 = arith.constant 0 : i32
      %dma_wait3A_396 = arith.constant 0 : i32
      %dma_wait3A_397 = tpu.memref_slice %arg9[%dma_wait3A_395, %dma_wait3A_396] : memref<80x128xi32, #tpu.memory_space<vmem>> -> memref<78x128xi32, #tpu.memory_space<vmem>>
      %dma_wait3A_398 = arith.constant 0 : i32
      %dma_wait3A_399 = tpu.memref_slice %arg3[%run_scoped3A, %mul3A_4, %dma_wait3A_398] : memref<2x2500x128xi32, #tpu.memory_space<hbm>> -> memref<1x78x128xi32, #tpu.memory_space<hbm>>
      %dma_wait3A_400 = tpu.memref_squeeze %dma_wait3A_399 : memref<1x78x128xi32, #tpu.memory_space<hbm>> -> memref<78x128xi32, #tpu.memory_space<hbm>>
      %dma_wait3A_401 = arith.constant 0 : i32
      %dma_wait3A_402 = arith.constant 0 : i32
      %dma_wait3A_403 = tpu.memref_slice %arg9[%dma_wait3A_401, %dma_wait3A_402] : memref<80x128xi32, #tpu.memory_space<vmem>> -> memref<78x128xi32, #tpu.memory_space<vmem>>
      %dma_wait3A_404 = arith.constant 0 : i32
      %dma_wait3A_405 = tpu.memref_slice %arg3[%run_scoped3A, %mul3A_4, %dma_wait3A_404] : memref<2x2500x128xi32, #tpu.memory_space<hbm>> -> memref<1x78x128xi32, #tpu.memory_space<hbm>>
      %dma_wait3A_406 = tpu.memref_squeeze %dma_wait3A_405 : memref<1x78x128xi32, #tpu.memory_space<hbm>> -> memref<78x128xi32, #tpu.memory_space<hbm>>
      tpu.wait_dma2 semaphore(%run_scoped3A_382 : memref<!tpu.dma_semaphore, #tpu.memory_space<semaphore_mem>>) src(%dma_wait3A_406 : memref<78x128xi32, #tpu.memory_space<hbm>>) dst(%dma_wait3A_403 : memref<78x128xi32, #tpu.memory_space<vmem>>)
      tpu.yield
    }) : () -> ()
    %mul3A_5 = arith.constant 78 : i32
    %mul3A_6 = arith.muli %add3A, %mul3A_5 : i32
    %run_scoped3A_7 = arith.constant 1 : i32
    "tpu.region"() ({
      %run_scoped3A_382 = tpu.sem_alloc : memref<!tpu.dma_semaphore, #tpu.memory_space<semaphore_mem>>
      %dma_start3A_383 = arith.constant 0 : i32
      %dma_start3A_384 = arith.constant 0 : i32
      %dma_start3A_385 = tpu.memref_slice %arg10[%dma_start3A_383, %dma_start3A_384] : memref<80x128xi32, #tpu.memory_space<vmem>> -> memref<78x128xi32, #tpu.memory_space<vmem>>
      %dma_start3A_386 = arith.constant 0 : i32
      %dma_start3A_387 = tpu.memref_slice %arg3[%run_scoped3A_7, %mul3A_6, %dma_start3A_386] : memref<2x2500x128xi32, #tpu.memory_space<hbm>> -> memref<1x78x128xi32, #tpu.memory_space<hbm>>
      %dma_start3A_388 = tpu.memref_squeeze %dma_start3A_387 : memref<1x78x128xi32, #tpu.memory_space<hbm>> -> memref<78x128xi32, #tpu.memory_space<hbm>>
      %dma_start3A_389 = arith.constant 0 : i32
      %dma_start3A_390 = arith.constant 0 : i32
      %dma_start3A_391 = tpu.memref_slice %arg10[%dma_start3A_389, %dma_start3A_390] : memref<80x128xi32, #tpu.memory_space<vmem>> -> memref<78x128xi32, #tpu.memory_space<vmem>>
      %dma_start3A_392 = arith.constant 0 : i32
      %dma_start3A_393 = tpu.memref_slice %arg3[%run_scoped3A_7, %mul3A_6, %dma_start3A_392] : memref<2x2500x128xi32, #tpu.memory_space<hbm>> -> memref<1x78x128xi32, #tpu.memory_space<hbm>>
      %dma_start3A_394 = tpu.memref_squeeze %dma_start3A_393 : memref<1x78x128xi32, #tpu.memory_space<hbm>> -> memref<78x128xi32, #tpu.memory_space<hbm>>
      tpu.enqueue_dma source(%dma_start3A_394 : memref<78x128xi32, #tpu.memory_space<hbm>>) target(%dma_start3A_391 : memref<78x128xi32, #tpu.memory_space<vmem>>) target_semaphore(%run_scoped3A_382 : memref<!tpu.dma_semaphore, #tpu.memory_space<semaphore_mem>>)
      %dma_wait3A_395 = arith.constant 0 : i32
      %dma_wait3A_396 = arith.constant 0 : i32
      %dma_wait3A_397 = tpu.memref_slice %arg10[%dma_wait3A_395, %dma_wait3A_396] : memref<80x128xi32, #tpu.memory_space<vmem>> -> memref<78x128xi32, #tpu.memory_space<vmem>>
      %dma_wait3A_398 = arith.constant 0 : i32
      %dma_wait3A_399 = tpu.memref_slice %arg3[%run_scoped3A_7, %mul3A_6, %dma_wait3A_398] : memref<2x2500x128xi32, #tpu.memory_space<hbm>> -> memref<1x78x128xi32, #tpu.memory_space<hbm>>
      %dma_wait3A_400 = tpu.memref_squeeze %dma_wait3A_399 : memref<1x78x128xi32, #tpu.memory_space<hbm>> -> memref<78x128xi32, #tpu.memory_space<hbm>>
      %dma_wait3A_401 = arith.constant 0 : i32
      %dma_wait3A_402 = arith.constant 0 : i32
      %dma_wait3A_403 = tpu.memref_slice %arg10[%dma_wait3A_401, %dma_wait3A_402] : memref<80x128xi32, #tpu.memory_space<vmem>> -> memref<78x128xi32, #tpu.memory_space<vmem>>
      %dma_wait3A_404 = arith.constant 0 : i32
      %dma_wait3A_405 = tpu.memref_slice %arg3[%run_scoped3A_7, %mul3A_6, %dma_wait3A_404] : memref<2x2500x128xi32, #tpu.memory_space<hbm>> -> memref<1x78x128xi32, #tpu.memory_space<hbm>>
      %dma_wait3A_406 = tpu.memref_squeeze %dma_wait3A_405 : memref<1x78x128xi32, #tpu.memory_space<hbm>> -> memref<78x128xi32, #tpu.memory_space<hbm>>
      tpu.wait_dma2 semaphore(%run_scoped3A_382 : memref<!tpu.dma_semaphore, #tpu.memory_space<semaphore_mem>>) src(%dma_wait3A_406 : memref<78x128xi32, #tpu.memory_space<hbm>>) dst(%dma_wait3A_403 : memref<78x128xi32, #tpu.memory_space<vmem>>)
      tpu.yield
    }) : () -> ()
    %broadcast_in_dim3A = arith.constant 0 : i32
    %broadcast_in_dim3A_8 = vector.broadcast %broadcast_in_dim3A : i32 to vector<16xi32>
    %broadcast_in_dim3A_9 = arith.constant 10000 : i32
    %broadcast_in_dim3A_10 = vector.broadcast %broadcast_in_dim3A_9 : i32 to vector<16xi32>
    %swap3A = arith.constant 78 : i32
    %swap3A_11 = arith.index_cast %swap3A : i32 to index
    %swap3A_12 = arith.constant 0 : index
    %swap3A_13 = tpu.vector_load %arg9[%swap3A_11, %swap3A_12] {strides = array<i32>} : memref<80x128xi32, #tpu.memory_space<vmem>>, vector<1x16xi32>,
    %swap3A_14 = vector.shape_cast %swap3A_13 : vector<1x16xi32> to vector<16xi32>
    %swap3A_15 = vector.shape_cast %broadcast_in_dim3A_8 : vector<16xi32> to vector<1x16xi32>
    tpu.vector_store %arg9[%swap3A_11, %swap3A_12], %swap3A_15 {strides = array<i32>} : memref<80x128xi32, #tpu.memory_space<vmem>>, vector<1x16xi32>,
    %swap3A_16 = arith.constant 78 : i32
    %swap3A_17 = arith.index_cast %swap3A_16 : i32 to index
    %swap3A_18 = arith.constant 0 : index
    %swap3A_19 = tpu.vector_load %arg10[%swap3A_17, %swap3A_18] {strides = array<i32>} : memref<80x128xi32, #tpu.memory_space<vmem>>, vector<1x16xi32>,
    %swap3A_20 = vector.shape_cast %swap3A_19 : vector<1x16xi32> to vector<16xi32>
    %swap3A_21 = vector.shape_cast %broadcast_in_dim3A_10 : vector<16xi32> to vector<1x16xi32>
    tpu.vector_store %arg10[%swap3A_17, %swap3A_18], %swap3A_21 {strides = array<i32>} : memref<80x128xi32, #tpu.memory_space<vmem>>, vector<1x16xi32>,
    %swap3A_22 = arith.constant 78 : i32
    %swap3A_23 = arith.index_cast %swap3A_22 : i32 to index
    %swap3A_24 = arith.constant 16 : index
    %swap3A_25 = tpu.vector_load %arg9[%swap3A_23, %swap3A_24] {strides = array<i32>} : memref<80x128xi32, #tpu.memory_space<vmem>>, vector<1x16xi32>,
    %swap3A_26 = vector.shape_cast %swap3A_25 : vector<1x16xi32> to vector<16xi32>
    %swap3A_27 = vector.shape_cast %broadcast_in_dim3A_8 : vector<16xi32> to vector<1x16xi32>
    tpu.vector_store %arg9[%swap3A_23, %swap3A_24], %swap3A_27 {strides = array<i32>} : memref<80x128xi32, #tpu.memory_space<vmem>>, vector<1x16xi32>,
    %swap3A_28 = arith.constant 78 : i32
    %swap3A_29 = arith.index_cast %swap3A_28 : i32 to index
    %swap3A_30 = arith.constant 16 : index
    %swap3A_31 = tpu.vector_load %arg10[%swap3A_29, %swap3A_30] {strides = array<i32>} : memref<80x128xi32, #tpu.memory_space<vmem>>, vector<1x16xi32>,
    %swap3A_32 = vector.shape_cast %swap3A_31 : vector<1x16xi32> to vector<16xi32>
    %swap3A_33 = vector.shape_cast %broadcast_in_dim3A_10 : vector<16xi32> to vector<1x16xi32>
    tpu.vector_store %arg10[%swap3A_29, %swap3A_30], %swap3A_33 {strides = array<i32>} : memref<80x128xi32, #tpu.memory_space<vmem>>, vector<1x16xi32>,
    %swap3A_34 = arith.constant 78 : i32
    %swap3A_35 = arith.index_cast %swap3A_34 : i32 to index
    %swap3A_36 = arith.constant 32 : index
    %swap3A_37 = tpu.vector_load %arg9[%swap3A_35, %swap3A_36] {strides = array<i32>} : memref<80x128xi32, #tpu.memory_space<vmem>>, vector<1x16xi32>,
    %swap3A_38 = vector.shape_cast %swap3A_37 : vector<1x16xi32> to vector<16xi32>
    %swap3A_39 = vector.shape_cast %broadcast_in_dim3A_8 : vector<16xi32> to vector<1x16xi32>
    tpu.vector_store %arg9[%swap3A_35, %swap3A_36], %swap3A_39 {strides = array<i32>} : memref<80x128xi32, #tpu.memory_space<vmem>>, vector<1x16xi32>,
    %swap3A_40 = arith.constant 78 : i32
    %swap3A_41 = arith.index_cast %swap3A_40 : i32 to index
    %swap3A_42 = arith.constant 32 : index
    %swap3A_43 = tpu.vector_load %arg10[%swap3A_41, %swap3A_42] {strides = array<i32>} : memref<80x128xi32, #tpu.memory_space<vmem>>, vector<1x16xi32>,
    %swap3A_44 = vector.shape_cast %swap3A_43 : vector<1x16xi32> to vector<16xi32>
    %swap3A_45 = vector.shape_cast %broadcast_in_dim3A_10 : vector<16xi32> to vector<1x16xi32>
    tpu.vector_store %arg10[%swap3A_41, %swap3A_42], %swap3A_45 {strides = array<i32>} : memref<80x128xi32, #tpu.memory_space<vmem>>, vector<1x16xi32>,
    %swap3A_46 = arith.constant 78 : i32
    %swap3A_47 = arith.index_cast %swap3A_46 : i32 to index
    %swap3A_48 = arith.constant 48 : index
    %swap3A_49 = tpu.vector_load %arg9[%swap3A_47, %swap3A_48] {strides = array<i32>} : memref<80x128xi32, #tpu.memory_space<vmem>>, vector<1x16xi32>,
    %swap3A_50 = vector.shape_cast %swap3A_49 : vector<1x16xi32> to vector<16xi32>
    %swap3A_51 = vector.shape_cast %broadcast_in_dim3A_8 : vector<16xi32> to vector<1x16xi32>
    tpu.vector_store %arg9[%swap3A_47, %swap3A_48], %swap3A_51 {strides = array<i32>} : memref<80x128xi32, #tpu.memory_space<vmem>>, vector<1x16xi32>,
    %swap3A_52 = arith.constant 78 : i32
    %swap3A_53 = arith.index_cast %swap3A_52 : i32 to index
    %swap3A_54 = arith.constant 48 : index
    %swap3A_55 = tpu.vector_load %arg10[%swap3A_53, %swap3A_54] {strides = array<i32>} : memref<80x128xi32, #tpu.memory_space<vmem>>, vector<1x16xi32>,
    %swap3A_56 = vector.shape_cast %swap3A_55 : vector<1x16xi32> to vector<16xi32>
    %swap3A_57 = vector.shape_cast %broadcast_in_dim3A_10 : vector<16xi32> to vector<1x16xi32>
    tpu.vector_store %arg10[%swap3A_53, %swap3A_54], %swap3A_57 {strides = array<i32>} : memref<80x128xi32, #tpu.memory_space<vmem>>, vector<1x16xi32>,
    %swap3A_58 = arith.constant 78 : i32
    %swap3A_59 = arith.index_cast %swap3A_58 : i32 to index
    %swap3A_60 = arith.constant 64 : index
    %swap3A_61 = tpu.vector_load %arg9[%swap3A_59, %swap3A_60] {strides = array<i32>} : memref<80x128xi32, #tpu.memory_space<vmem>>, vector<1x16xi32>,
    %swap3A_62 = vector.shape_cast %swap3A_61 : vector<1x16xi32> to vector<16xi32>
    %swap3A_63 = vector.shape_cast %broadcast_in_dim3A_8 : vector<16xi32> to vector<1x16xi32>
    tpu.vector_store %arg9[%swap3A_59, %swap3A_60], %swap3A_63 {strides = array<i32>} : memref<80x128xi32, #tpu.memory_space<vmem>>, vector<1x16xi32>,
    %swap3A_64 = arith.constant 78 : i32
    %swap3A_65 = arith.index_cast %swap3A_64 : i32 to index
    %swap3A_66 = arith.constant 64 : index
    %swap3A_67 = tpu.vector_load %arg10[%swap3A_65, %swap3A_66] {strides = array<i32>} : memref<80x128xi32, #tpu.memory_space<vmem>>, vector<1x16xi32>,
    %swap3A_68 = vector.shape_cast %swap3A_67 : vector<1x16xi32> to vector<16xi32>
    %swap3A_69 = vector.shape_cast %broadcast_in_dim3A_10 : vector<16xi32> to vector<1x16xi32>
    tpu.vector_store %arg10[%swap3A_65, %swap3A_66], %swap3A_69 {strides = array<i32>} : memref<80x128xi32, #tpu.memory_space<vmem>>, vector<1x16xi32>,
    %swap3A_70 = arith.constant 78 : i32
    %swap3A_71 = arith.index_cast %swap3A_70 : i32 to index
    %swap3A_72 = arith.constant 80 : index
    %swap3A_73 = tpu.vector_load %arg9[%swap3A_71, %swap3A_72] {strides = array<i32>} : memref<80x128xi32, #tpu.memory_space<vmem>>, vector<1x16xi32>,
    %swap3A_74 = vector.shape_cast %swap3A_73 : vector<1x16xi32> to vector<16xi32>
    %swap3A_75 = vector.shape_cast %broadcast_in_dim3A_8 : vector<16xi32> to vector<1x16xi32>
    tpu.vector_store %arg9[%swap3A_71, %swap3A_72], %swap3A_75 {strides = array<i32>} : memref<80x128xi32, #tpu.memory_space<vmem>>, vector<1x16xi32>,
    %swap3A_76 = arith.constant 78 : i32
    %swap3A_77 = arith.index_cast %swap3A_76 : i32 to index
    %swap3A_78 = arith.constant 80 : index
    %swap3A_79 = tpu.vector_load %arg10[%swap3A_77, %swap3A_78] {strides = array<i32>} : memref<80x128xi32, #tpu.memory_space<vmem>>, vector<1x16xi32>,
    %swap3A_80 = vector.shape_cast %swap3A_79 : vector<1x16xi32> to vector<16xi32>
    %swap3A_81 = vector.shape_cast %broadcast_in_dim3A_10 : vector<16xi32> to vector<1x16xi32>
    tpu.vector_store %arg10[%swap3A_77, %swap3A_78], %swap3A_81 {strides = array<i32>} : memref<80x128xi32, #tpu.memory_space<vmem>>, vector<1x16xi32>,
    %swap3A_82 = arith.constant 78 : i32
    %swap3A_83 = arith.index_cast %swap3A_82 : i32 to index
    %swap3A_84 = arith.constant 96 : index
    %swap3A_85 = tpu.vector_load %arg9[%swap3A_83, %swap3A_84] {strides = array<i32>} : memref<80x128xi32, #tpu.memory_space<vmem>>, vector<1x16xi32>,
    %swap3A_86 = vector.shape_cast %swap3A_85 : vector<1x16xi32> to vector<16xi32>
    %swap3A_87 = vector.shape_cast %broadcast_in_dim3A_8 : vector<16xi32> to vector<1x16xi32>
    tpu.vector_store %arg9[%swap3A_83, %swap3A_84], %swap3A_87 {strides = array<i32>} : memref<80x128xi32, #tpu.memory_space<vmem>>, vector<1x16xi32>,
    %swap3A_88 = arith.constant 78 : i32
    %swap3A_89 = arith.index_cast %swap3A_88 : i32 to index
    %swap3A_90 = arith.constant 96 : index
    %swap3A_91 = tpu.vector_load %arg10[%swap3A_89, %swap3A_90] {strides = array<i32>} : memref<80x128xi32, #tpu.memory_space<vmem>>, vector<1x16xi32>,
    %swap3A_92 = vector.shape_cast %swap3A_91 : vector<1x16xi32> to vector<16xi32>
    %swap3A_93 = vector.shape_cast %broadcast_in_dim3A_10 : vector<16xi32> to vector<1x16xi32>
    tpu.vector_store %arg10[%swap3A_89, %swap3A_90], %swap3A_93 {strides = array<i32>} : memref<80x128xi32, #tpu.memory_space<vmem>>, vector<1x16xi32>,
    %swap3A_94 = arith.constant 78 : i32
    %swap3A_95 = arith.index_cast %swap3A_94 : i32 to index
    %swap3A_96 = arith.constant 112 : index
    %swap3A_97 = tpu.vector_load %arg9[%swap3A_95, %swap3A_96] {strides = array<i32>} : memref<80x128xi32, #tpu.memory_space<vmem>>, vector<1x16xi32>,
    %swap3A_98 = vector.shape_cast %swap3A_97 : vector<1x16xi32> to vector<16xi32>
    %swap3A_99 = vector.shape_cast %broadcast_in_dim3A_8 : vector<16xi32> to vector<1x16xi32>
    tpu.vector_store %arg9[%swap3A_95, %swap3A_96], %swap3A_99 {strides = array<i32>} : memref<80x128xi32, #tpu.memory_space<vmem>>, vector<1x16xi32>,
    %swap3A_100 = arith.constant 78 : i32
    %swap3A_101 = arith.index_cast %swap3A_100 : i32 to index
    %swap3A_102 = arith.constant 112 : index
    %swap3A_103 = tpu.vector_load %arg10[%swap3A_101, %swap3A_102] {strides = array<i32>} : memref<80x128xi32, #tpu.memory_space<vmem>>, vector<1x16xi32>,
    %swap3A_104 = vector.shape_cast %swap3A_103 : vector<1x16xi32> to vector<16xi32>
    %swap3A_105 = vector.shape_cast %broadcast_in_dim3A_10 : vector<16xi32> to vector<1x16xi32>
    tpu.vector_store %arg10[%swap3A_101, %swap3A_102], %swap3A_105 {strides = array<i32>} : memref<80x128xi32, #tpu.memory_space<vmem>>, vector<1x16xi32>,
    %swap3A_106 = arith.constant 79 : i32
    %swap3A_107 = arith.index_cast %swap3A_106 : i32 to index
    %swap3A_108 = arith.constant 0 : index
    %swap3A_109 = tpu.vector_load %arg9[%swap3A_107, %swap3A_108] {strides = array<i32>} : memref<80x128xi32, #tpu.memory_space<vmem>>, vector<1x16xi32>,
    %swap3A_110 = vector.shape_cast %swap3A_109 : vector<1x16xi32> to vector<16xi32>
    %swap3A_111 = vector.shape_cast %broadcast_in_dim3A_8 : vector<16xi32> to vector<1x16xi32>
    tpu.vector_store %arg9[%swap3A_107, %swap3A_108], %swap3A_111 {strides = array<i32>} : memref<80x128xi32, #tpu.memory_space<vmem>>, vector<1x16xi32>,
    %swap3A_112 = arith.constant 79 : i32
    %swap3A_113 = arith.index_cast %swap3A_112 : i32 to index
    %swap3A_114 = arith.constant 0 : index
    %swap3A_115 = tpu.vector_load %arg10[%swap3A_113, %swap3A_114] {strides = array<i32>} : memref<80x128xi32, #tpu.memory_space<vmem>>, vector<1x16xi32>,
    %swap3A_116 = vector.shape_cast %swap3A_115 : vector<1x16xi32> to vector<16xi32>
    %swap3A_117 = vector.shape_cast %broadcast_in_dim3A_10 : vector<16xi32> to vector<1x16xi32>
    tpu.vector_store %arg10[%swap3A_113, %swap3A_114], %swap3A_117 {strides = array<i32>} : memref<80x128xi32, #tpu.memory_space<vmem>>, vector<1x16xi32>,
    %swap3A_118 = arith.constant 79 : i32
    %swap3A_119 = arith.index_cast %swap3A_118 : i32 to index
    %swap3A_120 = arith.constant 16 : index
    %swap3A_121 = tpu.vector_load %arg9[%swap3A_119, %swap3A_120] {strides = array<i32>} : memref<80x128xi32, #tpu.memory_space<vmem>>, vector<1x16xi32>,
    %swap3A_122 = vector.shape_cast %swap3A_121 : vector<1x16xi32> to vector<16xi32>
    %swap3A_123 = vector.shape_cast %broadcast_in_dim3A_8 : vector<16xi32> to vector<1x16xi32>
    tpu.vector_store %arg9[%swap3A_119, %swap3A_120], %swap3A_123 {strides = array<i32>} : memref<80x128xi32, #tpu.memory_space<vmem>>, vector<1x16xi32>,
    %swap3A_124 = arith.constant 79 : i32
    %swap3A_125 = arith.index_cast %swap3A_124 : i32 to index
    %swap3A_126 = arith.constant 16 : index
    %swap3A_127 = tpu.vector_load %arg10[%swap3A_125, %swap3A_126] {strides = array<i32>} : memref<80x128xi32, #tpu.memory_space<vmem>>, vector<1x16xi32>,
    %swap3A_128 = vector.shape_cast %swap3A_127 : vector<1x16xi32> to vector<16xi32>
    %swap3A_129 = vector.shape_cast %broadcast_in_dim3A_10 : vector<16xi32> to vector<1x16xi32>
    tpu.vector_store %arg10[%swap3A_125, %swap3A_126], %swap3A_129 {strides = array<i32>} : memref<80x128xi32, #tpu.memory_space<vmem>>, vector<1x16xi32>,
    %swap3A_130 = arith.constant 79 : i32
    %swap3A_131 = arith.index_cast %swap3A_130 : i32 to index
    %swap3A_132 = arith.constant 32 : index
    %swap3A_133 = tpu.vector_load %arg9[%swap3A_131, %swap3A_132] {strides = array<i32>} : memref<80x128xi32, #tpu.memory_space<vmem>>, vector<1x16xi32>,
    %swap3A_134 = vector.shape_cast %swap3A_133 : vector<1x16xi32> to vector<16xi32>
    %swap3A_135 = vector.shape_cast %broadcast_in_dim3A_8 : vector<16xi32> to vector<1x16xi32>
    tpu.vector_store %arg9[%swap3A_131, %swap3A_132], %swap3A_135 {strides = array<i32>} : memref<80x128xi32, #tpu.memory_space<vmem>>, vector<1x16xi32>,
    %swap3A_136 = arith.constant 79 : i32
    %swap3A_137 = arith.index_cast %swap3A_136 : i32 to index
    %swap3A_138 = arith.constant 32 : index
    %swap3A_139 = tpu.vector_load %arg10[%swap3A_137, %swap3A_138] {strides = array<i32>} : memref<80x128xi32, #tpu.memory_space<vmem>>, vector<1x16xi32>,
    %swap3A_140 = vector.shape_cast %swap3A_139 : vector<1x16xi32> to vector<16xi32>
    %swap3A_141 = vector.shape_cast %broadcast_in_dim3A_10 : vector<16xi32> to vector<1x16xi32>
    tpu.vector_store %arg10[%swap3A_137, %swap3A_138], %swap3A_141 {strides = array<i32>} : memref<80x128xi32, #tpu.memory_space<vmem>>, vector<1x16xi32>,
    %swap3A_142 = arith.constant 79 : i32
    %swap3A_143 = arith.index_cast %swap3A_142 : i32 to index
    %swap3A_144 = arith.constant 48 : index
    %swap3A_145 = tpu.vector_load %arg9[%swap3A_143, %swap3A_144] {strides = array<i32>} : memref<80x128xi32, #tpu.memory_space<vmem>>, vector<1x16xi32>,
    %swap3A_146 = vector.shape_cast %swap3A_145 : vector<1x16xi32> to vector<16xi32>
    %swap3A_147 = vector.shape_cast %broadcast_in_dim3A_8 : vector<16xi32> to vector<1x16xi32>
    tpu.vector_store %arg9[%swap3A_143, %swap3A_144], %swap3A_147 {strides = array<i32>} : memref<80x128xi32, #tpu.memory_space<vmem>>, vector<1x16xi32>,
    %swap3A_148 = arith.constant 79 : i32
    %swap3A_149 = arith.index_cast %swap3A_148 : i32 to index
    %swap3A_150 = arith.constant 48 : index
    %swap3A_151 = tpu.vector_load %arg10[%swap3A_149, %swap3A_150] {strides = array<i32>} : memref<80x128xi32, #tpu.memory_space<vmem>>, vector<1x16xi32>,
    %swap3A_152 = vector.shape_cast %swap3A_151 : vector<1x16xi32> to vector<16xi32>
    %swap3A_153 = vector.shape_cast %broadcast_in_dim3A_10 : vector<16xi32> to vector<1x16xi32>
    tpu.vector_store %arg10[%swap3A_149, %swap3A_150], %swap3A_153 {strides = array<i32>} : memref<80x128xi32, #tpu.memory_space<vmem>>, vector<1x16xi32>,
    %swap3A_154 = arith.constant 79 : i32
    %swap3A_155 = arith.index_cast %swap3A_154 : i32 to index
    %swap3A_156 = arith.constant 64 : index
    %swap3A_157 = tpu.vector_load %arg9[%swap3A_155, %swap3A_156] {strides = array<i32>} : memref<80x128xi32, #tpu.memory_space<vmem>>, vector<1x16xi32>,
    %swap3A_158 = vector.shape_cast %swap3A_157 : vector<1x16xi32> to vector<16xi32>
    %swap3A_159 = vector.shape_cast %broadcast_in_dim3A_8 : vector<16xi32> to vector<1x16xi32>
    tpu.vector_store %arg9[%swap3A_155, %swap3A_156], %swap3A_159 {strides = array<i32>} : memref<80x128xi32, #tpu.memory_space<vmem>>, vector<1x16xi32>,
    %swap3A_160 = arith.constant 79 : i32
    %swap3A_161 = arith.index_cast %swap3A_160 : i32 to index
    %swap3A_162 = arith.constant 64 : index
    %swap3A_163 = tpu.vector_load %arg10[%swap3A_161, %swap3A_162] {strides = array<i32>} : memref<80x128xi32, #tpu.memory_space<vmem>>, vector<1x16xi32>,
    %swap3A_164 = vector.shape_cast %swap3A_163 : vector<1x16xi32> to vector<16xi32>
    %swap3A_165 = vector.shape_cast %broadcast_in_dim3A_10 : vector<16xi32> to vector<1x16xi32>
    tpu.vector_store %arg10[%swap3A_161, %swap3A_162], %swap3A_165 {strides = array<i32>} : memref<80x128xi32, #tpu.memory_space<vmem>>, vector<1x16xi32>,
    %swap3A_166 = arith.constant 79 : i32
    %swap3A_167 = arith.index_cast %swap3A_166 : i32 to index
    %swap3A_168 = arith.constant 80 : index
    %swap3A_169 = tpu.vector_load %arg9[%swap3A_167, %swap3A_168] {strides = array<i32>} : memref<80x128xi32, #tpu.memory_space<vmem>>, vector<1x16xi32>,
    %swap3A_170 = vector.shape_cast %swap3A_169 : vector<1x16xi32> to vector<16xi32>
    %swap3A_171 = vector.shape_cast %broadcast_in_dim3A_8 : vector<16xi32> to vector<1x16xi32>
    tpu.vector_store %arg9[%swap3A_167, %swap3A_168], %swap3A_171 {strides = array<i32>} : memref<80x128xi32, #tpu.memory_space<vmem>>, vector<1x16xi32>,
    %swap3A_172 = arith.constant 79 : i32
    %swap3A_173 = arith.index_cast %swap3A_172 : i32 to index
    %swap3A_174 = arith.constant 80 : index
    %swap3A_175 = tpu.vector_load %arg10[%swap3A_173, %swap3A_174] {strides = array<i32>} : memref<80x128xi32, #tpu.memory_space<vmem>>, vector<1x16xi32>,
    %swap3A_176 = vector.shape_cast %swap3A_175 : vector<1x16xi32> to vector<16xi32>
    %swap3A_177 = vector.shape_cast %broadcast_in_dim3A_10 : vector<16xi32> to vector<1x16xi32>
    tpu.vector_store %arg10[%swap3A_173, %swap3A_174], %swap3A_177 {strides = array<i32>} : memref<80x128xi32, #tpu.memory_space<vmem>>, vector<1x16xi32>,
    %swap3A_178 = arith.constant 79 : i32
    %swap3A_179 = arith.index_cast %swap3A_178 : i32 to index
    %swap3A_180 = arith.constant 96 : index
    %swap3A_181 = tpu.vector_load %arg9[%swap3A_179, %swap3A_180] {strides = array<i32>} : memref<80x128xi32, #tpu.memory_space<vmem>>, vector<1x16xi32>,
    %swap3A_182 = vector.shape_cast %swap3A_181 : vector<1x16xi32> to vector<16xi32>
    %swap3A_183 = vector.shape_cast %broadcast_in_dim3A_8 : vector<16xi32> to vector<1x16xi32>
    tpu.vector_store %arg9[%swap3A_179, %swap3A_180], %swap3A_183 {strides = array<i32>} : memref<80x128xi32, #tpu.memory_space<vmem>>, vector<1x16xi32>,
    %swap3A_184 = arith.constant 79 : i32
    %swap3A_185 = arith.index_cast %swap3A_184 : i32 to index
    %swap3A_186 = arith.constant 96 : index
    %swap3A_187 = tpu.vector_load %arg10[%swap3A_185, %swap3A_186] {strides = array<i32>} : memref<80x128xi32, #tpu.memory_space<vmem>>, vector<1x16xi32>,
    %swap3A_188 = vector.shape_cast %swap3A_187 : vector<1x16xi32> to vector<16xi32>
    %swap3A_189 = vector.shape_cast %broadcast_in_dim3A_10 : vector<16xi32> to vector<1x16xi32>
    tpu.vector_store %arg10[%swap3A_185, %swap3A_186], %swap3A_189 {strides = array<i32>} : memref<80x128xi32, #tpu.memory_space<vmem>>, vector<1x16xi32>,
    %swap3A_190 = arith.constant 79 : i32
    %swap3A_191 = arith.index_cast %swap3A_190 : i32 to index
    %swap3A_192 = arith.constant 112 : index
    %swap3A_193 = tpu.vector_load %arg9[%swap3A_191, %swap3A_192] {strides = array<i32>} : memref<80x128xi32, #tpu.memory_space<vmem>>, vector<1x16xi32>,
    %swap3A_194 = vector.shape_cast %swap3A_193 : vector<1x16xi32> to vector<16xi32>
    %swap3A_195 = vector.shape_cast %broadcast_in_dim3A_8 : vector<16xi32> to vector<1x16xi32>
    tpu.vector_store %arg9[%swap3A_191, %swap3A_192], %swap3A_195 {strides = array<i32>} : memref<80x128xi32, #tpu.memory_space<vmem>>, vector<1x16xi32>,
    %swap3A_196 = arith.constant 79 : i32
    %swap3A_197 = arith.index_cast %swap3A_196 : i32 to index
    %swap3A_198 = arith.constant 112 : index
    %swap3A_199 = tpu.vector_load %arg10[%swap3A_197, %swap3A_198] {strides = array<i32>} : memref<80x128xi32, #tpu.memory_space<vmem>>, vector<1x16xi32>,
    %swap3A_200 = vector.shape_cast %swap3A_199 : vector<1x16xi32> to vector<16xi32>
    %swap3A_201 = vector.shape_cast %broadcast_in_dim3A_10 : vector<16xi32> to vector<1x16xi32>
    tpu.vector_store %arg10[%swap3A_197, %swap3A_198], %swap3A_201 {strides = array<i32>} : memref<80x128xi32, #tpu.memory_space<vmem>>, vector<1x16xi32>,
    %lt3A = arith.constant 4 : i32
    %lt3A_202 = arith.cmpi slt, %add3A, %lt3A : i32
    %convert_element_type3A = arith.extui %lt3A_202 : i1 to i32
    %cond3A = arith.constant 0 : i32
    %cond3A_203 = arith.cmpi ne, %convert_element_type3A, %cond3A : i32
    scf.if %cond3A_203 {
      %add3A_382 = arith.constant 2496 : i32
      %add3A_383 = arith.addi %add3A_382, %add3A : i32
      %run_scoped3A_384 = arith.constant 0 : i32
      "tpu.region"() ({
        %run_scoped3A_388 = tpu.sem_alloc : memref<!tpu.dma_semaphore, #tpu.memory_space<semaphore_mem>>
        %dma_start3A_389 = arith.constant 78 : i32
        %dma_start3A_390 = arith.constant 0 : i32
        %dma_start3A_391 = tpu.memref_slice %arg9[%dma_start3A_389, %dma_start3A_390] : memref<80x128xi32, #tpu.memory_space<vmem>> -> memref<1x128xi32, #tpu.memory_space<vmem>>
        %dma_start3A_392 = arith.constant 0 : i32
        %dma_start3A_393 = tpu.memref_slice %arg3[%run_scoped3A_384, %add3A_383, %dma_start3A_392] : memref<2x2500x128xi32, #tpu.memory_space<hbm>> -> memref<1x1x128xi32, #tpu.memory_space<hbm>>
        %dma_start3A_394 = tpu.memref_squeeze %dma_start3A_393 : memref<1x1x128xi32, #tpu.memory_space<hbm>> -> memref<1x128xi32, #tpu.memory_space<hbm>>
        %dma_start3A_395 = arith.constant 78 : i32
        %dma_start3A_396 = arith.constant 0 : i32
        %dma_start3A_397 = tpu.memref_slice %arg9[%dma_start3A_395, %dma_start3A_396] : memref<80x128xi32, #tpu.memory_space<vmem>> -> memref<1x128xi32, #tpu.memory_space<vmem>>
        %dma_start3A_398 = arith.constant 0 : i32
        %dma_start3A_399 = tpu.memref_slice %arg3[%run_scoped3A_384, %add3A_383, %dma_start3A_398] : memref<2x2500x128xi32, #tpu.memory_space<hbm>> -> memref<1x1x128xi32, #tpu.memory_space<hbm>>
        %dma_start3A_400 = tpu.memref_squeeze %dma_start3A_399 : memref<1x1x128xi32, #tpu.memory_space<hbm>> -> memref<1x128xi32, #tpu.memory_space<hbm>>
        tpu.enqueue_dma source(%dma_start3A_400 : memref<1x128xi32, #tpu.memory_space<hbm>>) target(%dma_start3A_397 : memref<1x128xi32, #tpu.memory_space<vmem>>) target_semaphore(%run_scoped3A_388 : memref<!tpu.dma_semaphore, #tpu.memory_space<semaphore_mem>>)
        %dma_wait3A_401 = arith.constant 78 : i32
        %dma_wait3A_402 = arith.constant 0 : i32
        %dma_wait3A_403 = tpu.memref_slice %arg9[%dma_wait3A_401, %dma_wait3A_402] : memref<80x128xi32, #tpu.memory_space<vmem>> -> memref<1x128xi32, #tpu.memory_space<vmem>>
        %dma_wait3A_404 = arith.constant 0 : i32
        %dma_wait3A_405 = tpu.memref_slice %arg3[%run_scoped3A_384, %add3A_383, %dma_wait3A_404] : memref<2x2500x128xi32, #tpu.memory_space<hbm>> -> memref<1x1x128xi32, #tpu.memory_space<hbm>>
        %dma_wait3A_406 = tpu.memref_squeeze %dma_wait3A_405 : memref<1x1x128xi32, #tpu.memory_space<hbm>> -> memref<1x128xi32, #tpu.memory_space<hbm>>
        %dma_wait3A_407 = arith.constant 78 : i32
        %dma_wait3A_408 = arith.constant 0 : i32
        %dma_wait3A_409 = tpu.memref_slice %arg9[%dma_wait3A_407, %dma_wait3A_408] : memref<80x128xi32, #tpu.memory_space<vmem>> -> memref<1x128xi32, #tpu.memory_space<vmem>>
        %dma_wait3A_410 = arith.constant 0 : i32
        %dma_wait3A_411 = tpu.memref_slice %arg3[%run_scoped3A_384, %add3A_383, %dma_wait3A_410] : memref<2x2500x128xi32, #tpu.memory_space<hbm>> -> memref<1x1x128xi32, #tpu.memory_space<hbm>>
        %dma_wait3A_412 = tpu.memref_squeeze %dma_wait3A_411 : memref<1x1x128xi32, #tpu.memory_space<hbm>> -> memref<1x128xi32, #tpu.memory_space<hbm>>
        tpu.wait_dma2 semaphore(%run_scoped3A_388 : memref<!tpu.dma_semaphore, #tpu.memory_space<semaphore_mem>>) src(%dma_wait3A_412 : memref<1x128xi32, #tpu.memory_space<hbm>>) dst(%dma_wait3A_409 : memref<1x128xi32, #tpu.memory_space<vmem>>)
        tpu.yield
      }) : () -> ()
      %add3A_385 = arith.constant 2496 : i32
      %add3A_386 = arith.addi %add3A_385, %add3A : i32
      %run_scoped3A_387 = arith.constant 1 : i32
      "tpu.region"() ({
        %run_scoped3A_388 = tpu.sem_alloc : memref<!tpu.dma_semaphore, #tpu.memory_space<semaphore_mem>>
        %dma_start3A_389 = arith.constant 78 : i32
        %dma_start3A_390 = arith.constant 0 : i32
        %dma_start3A_391 = tpu.memref_slice %arg10[%dma_start3A_389, %dma_start3A_390] : memref<80x128xi32, #tpu.memory_space<vmem>> -> memref<1x128xi32, #tpu.memory_space<vmem>>
        %dma_start3A_392 = arith.constant 0 : i32
        %dma_start3A_393 = tpu.memref_slice %arg3[%run_scoped3A_387, %add3A_386, %dma_start3A_392] : memref<2x2500x128xi32, #tpu.memory_space<hbm>> -> memref<1x1x128xi32, #tpu.memory_space<hbm>>
        %dma_start3A_394 = tpu.memref_squeeze %dma_start3A_393 : memref<1x1x128xi32, #tpu.memory_space<hbm>> -> memref<1x128xi32, #tpu.memory_space<hbm>>
        %dma_start3A_395 = arith.constant 78 : i32
        %dma_start3A_396 = arith.constant 0 : i32
        %dma_start3A_397 = tpu.memref_slice %arg10[%dma_start3A_395, %dma_start3A_396] : memref<80x128xi32, #tpu.memory_space<vmem>> -> memref<1x128xi32, #tpu.memory_space<vmem>>
        %dma_start3A_398 = arith.constant 0 : i32
        %dma_start3A_399 = tpu.memref_slice %arg3[%run_scoped3A_387, %add3A_386, %dma_start3A_398] : memref<2x2500x128xi32, #tpu.memory_space<hbm>> -> memref<1x1x128xi32, #tpu.memory_space<hbm>>
        %dma_start3A_400 = tpu.memref_squeeze %dma_start3A_399 : memref<1x1x128xi32, #tpu.memory_space<hbm>> -> memref<1x128xi32, #tpu.memory_space<hbm>>
        tpu.enqueue_dma source(%dma_start3A_400 : memref<1x128xi32, #tpu.memory_space<hbm>>) target(%dma_start3A_397 : memref<1x128xi32, #tpu.memory_space<vmem>>) target_semaphore(%run_scoped3A_388 : memref<!tpu.dma_semaphore, #tpu.memory_space<semaphore_mem>>)
        %dma_wait3A_401 = arith.constant 78 : i32
        %dma_wait3A_402 = arith.constant 0 : i32
        %dma_wait3A_403 = tpu.memref_slice %arg10[%dma_wait3A_401, %dma_wait3A_402] : memref<80x128xi32, #tpu.memory_space<vmem>> -> memref<1x128xi32, #tpu.memory_space<vmem>>
        %dma_wait3A_404 = arith.constant 0 : i32
        %dma_wait3A_405 = tpu.memref_slice %arg3[%run_scoped3A_387, %add3A_386, %dma_wait3A_404] : memref<2x2500x128xi32, #tpu.memory_space<hbm>> -> memref<1x1x128xi32, #tpu.memory_space<hbm>>
        %dma_wait3A_406 = tpu.memref_squeeze %dma_wait3A_405 : memref<1x1x128xi32, #tpu.memory_space<hbm>> -> memref<1x128xi32, #tpu.memory_space<hbm>>
        %dma_wait3A_407 = arith.constant 78 : i32
        %dma_wait3A_408 = arith.constant 0 : i32
        %dma_wait3A_409 = tpu.memref_slice %arg10[%dma_wait3A_407, %dma_wait3A_408] : memref<80x128xi32, #tpu.memory_space<vmem>> -> memref<1x128xi32, #tpu.memory_space<vmem>>
        %dma_wait3A_410 = arith.constant 0 : i32
        %dma_wait3A_411 = tpu.memref_slice %arg3[%run_scoped3A_387, %add3A_386, %dma_wait3A_410] : memref<2x2500x128xi32, #tpu.memory_space<hbm>> -> memref<1x1x128xi32, #tpu.memory_space<hbm>>
        %dma_wait3A_412 = tpu.memref_squeeze %dma_wait3A_411 : memref<1x1x128xi32, #tpu.memory_space<hbm>> -> memref<1x128xi32, #tpu.memory_space<hbm>>
        tpu.wait_dma2 semaphore(%run_scoped3A_388 : memref<!tpu.dma_semaphore, #tpu.memory_space<semaphore_mem>>) src(%dma_wait3A_412 : memref<1x128xi32, #tpu.memory_space<hbm>>) dst(%dma_wait3A_409 : memref<1x128xi32, #tpu.memory_space<vmem>>)
        tpu.yield
      }) : () -> ()
    } else {
    }
    %barrier3A = arith.constant 0 : index
    tpu.barrier barrier_id(%barrier3A)
    %dma_start3A = arith.constant 0 : i32
    %dma_start3A_204 = arith.constant 0 : i32
    %dma_start3A_205 = arith.constant 0 : i32
    %dma_start3A_206 = arith.constant 0 : i32
    %dma_start3A_207 = tpu.memref_slice %arg11[%dma_start3A_204, %dma_start3A_205, %dma_start3A_206] : memref<8x128x32xf32, #tpu.memory_space<vmem>> -> memref<1x128x32xf32, #tpu.memory_space<vmem>>
    %dma_start3A_208 = tpu.memref_squeeze %dma_start3A_207 : memref<1x128x32xf32, #tpu.memory_space<vmem>> -> memref<128x32xf32, #tpu.memory_space<vmem>>
    %dma_start3A_209 = arith.constant 0 : i32
    %dma_start3A_210 = tpu.memref_slice %arg9[%dma_start3A, %dma_start3A_209] : memref<80x128xi32, #tpu.memory_space<vmem>> -> memref<1x128xi32, #tpu.memory_space<vmem>>
    %dma_start3A_211 = tpu.memref_squeeze %dma_start3A_210 : memref<1x128xi32, #tpu.memory_space<vmem>> -> memref<128xi32, #tpu.memory_space<vmem>>
    %dma_start3A_212 = arith.constant 0 : i32
    %dma_start3A_213 = arith.constant 0 : i32
    %dma_start3A_214 = tpu.memref_slice %arg14[%dma_start3A_212, %dma_start3A_213] : memref<10112x32xf32, #tpu.memory_space<vmem_shared>> -> memref<10112x32xf32, #tpu.memory_space<vmem_shared>>
    tpu.enqueue_indirect_dma source(%dma_start3A_214 : memref<10112x32xf32, #tpu.memory_space<vmem_shared>>) target(%dma_start3A_208 : memref<128x32xf32, #tpu.memory_space<vmem>>) offsets(%dma_start3A_211 : memref<128xi32, #tpu.memory_space<vmem>>) semaphore(%arg16 : memref<!tpu.dma_semaphore, #tpu.memory_space<semaphore_mem>>)
    %dma_start3A_215 = arith.constant 1 : i32
    %dma_start3A_216 = arith.constant 1 : i32
    %dma_start3A_217 = arith.constant 0 : i32
    %dma_start3A_218 = arith.constant 0 : i32
    %dma_start3A_219 = tpu.memref_slice %arg11[%dma_start3A_216, %dma_start3A_217, %dma_start3A_218] : memref<8x128x32xf32, #tpu.memory_space<vmem>> -> memref<1x128x32xf32, #tpu.memory_space<vmem>>
    %dma_start3A_220 = tpu.memref_squeeze %dma_start3A_219 : memref<1x128x32xf32, #tpu.memory_space<vmem>> -> memref<128x32xf32, #tpu.memory_space<vmem>>
    %dma_start3A_221 = arith.constant 0 : i32
    %dma_start3A_222 = tpu.memref_slice %arg9[%dma_start3A_215, %dma_start3A_221] : memref<80x128xi32, #tpu.memory_space<vmem>> -> memref<1x128xi32, #tpu.memory_space<vmem>>
    %dma_start3A_223 = tpu.memref_squeeze %dma_start3A_222 : memref<1x128xi32, #tpu.memory_space<vmem>> -> memref<128xi32, #tpu.memory_space<vmem>>
    %dma_start3A_224 = arith.constant 0 : i32
    %dma_start3A_225 = arith.constant 0 : i32
    %dma_start3A_226 = tpu.memref_slice %arg14[%dma_start3A_224, %dma_start3A_225] : memref<10112x32xf32, #tpu.memory_space<vmem_shared>> -> memref<10112x32xf32, #tpu.memory_space<vmem_shared>>
    tpu.enqueue_indirect_dma source(%dma_start3A_226 : memref<10112x32xf32, #tpu.memory_space<vmem_shared>>) target(%dma_start3A_220 : memref<128x32xf32, #tpu.memory_space<vmem>>) offsets(%dma_start3A_223 : memref<128xi32, #tpu.memory_space<vmem>>) semaphore(%arg17 : memref<!tpu.dma_semaphore, #tpu.memory_space<semaphore_mem>>)
    %dma_start3A_227 = arith.constant 2 : i32
    %dma_start3A_228 = arith.constant 2 : i32
    %dma_start3A_229 = arith.constant 0 : i32
    %dma_start3A_230 = arith.constant 0 : i32
    %dma_start3A_231 = tpu.memref_slice %arg11[%dma_start3A_228, %dma_start3A_229, %dma_start3A_230] : memref<8x128x32xf32, #tpu.memory_space<vmem>> -> memref<1x128x32xf32, #tpu.memory_space<vmem>>
    %dma_start3A_232 = tpu.memref_squeeze %dma_start3A_231 : memref<1x128x32xf32, #tpu.memory_space<vmem>> -> memref<128x32xf32, #tpu.memory_space<vmem>>
    %dma_start3A_233 = arith.constant 0 : i32
    %dma_start3A_234 = tpu.memref_slice %arg9[%dma_start3A_227, %dma_start3A_233] : memref<80x128xi32, #tpu.memory_space<vmem>> -> memref<1x128xi32, #tpu.memory_space<vmem>>
    %dma_start3A_235 = tpu.memref_squeeze %dma_start3A_234 : memref<1x128xi32, #tpu.memory_space<vmem>> -> memref<128xi32, #tpu.memory_space<vmem>>
    %dma_start3A_236 = arith.constant 0 : i32
    %dma_start3A_237 = arith.constant 0 : i32
    %dma_start3A_238 = tpu.memref_slice %arg14[%dma_start3A_236, %dma_start3A_237] : memref<10112x32xf32, #tpu.memory_space<vmem_shared>> -> memref<10112x32xf32, #tpu.memory_space<vmem_shared>>
    tpu.enqueue_indirect_dma source(%dma_start3A_238 : memref<10112x32xf32, #tpu.memory_space<vmem_shared>>) target(%dma_start3A_232 : memref<128x32xf32, #tpu.memory_space<vmem>>) offsets(%dma_start3A_235 : memref<128xi32, #tpu.memory_space<vmem>>) semaphore(%arg18 : memref<!tpu.dma_semaphore, #tpu.memory_space<semaphore_mem>>)
    %dma_start3A_239 = arith.constant 3 : i32
    %dma_start3A_240 = arith.constant 3 : i32
    %dma_start3A_241 = arith.constant 0 : i32
    %dma_start3A_242 = arith.constant 0 : i32
    %dma_start3A_243 = tpu.memref_slice %arg11[%dma_start3A_240, %dma_start3A_241, %dma_start3A_242] : memref<8x128x32xf32, #tpu.memory_space<vmem>> -> memref<1x128x32xf32, #tpu.memory_space<vmem>>
    %dma_start3A_244 = tpu.memref_squeeze %dma_start3A_243 : memref<1x128x32xf32, #tpu.memory_space<vmem>> -> memref<128x32xf32, #tpu.memory_space<vmem>>
    %dma_start3A_245 = arith.constant 0 : i32
    %dma_start3A_246 = tpu.memref_slice %arg9[%dma_start3A_239, %dma_start3A_245] : memref<80x128xi32, #tpu.memory_space<vmem>> -> memref<1x128xi32, #tpu.memory_space<vmem>>
    %dma_start3A_247 = tpu.memref_squeeze %dma_start3A_246 : memref<1x128xi32, #tpu.memory_space<vmem>> -> memref<128xi32, #tpu.memory_space<vmem>>
    %dma_start3A_248 = arith.constant 0 : i32
    %dma_start3A_249 = arith.constant 0 : i32
    %dma_start3A_250 = tpu.memref_slice %arg14[%dma_start3A_248, %dma_start3A_249] : memref<10112x32xf32, #tpu.memory_space<vmem_shared>> -> memref<10112x32xf32, #tpu.memory_space<vmem_shared>>
    tpu.enqueue_indirect_dma source(%dma_start3A_250 : memref<10112x32xf32, #tpu.memory_space<vmem_shared>>) target(%dma_start3A_244 : memref<128x32xf32, #tpu.memory_space<vmem>>) offsets(%dma_start3A_247 : memref<128xi32, #tpu.memory_space<vmem>>) semaphore(%arg19 : memref<!tpu.dma_semaphore, #tpu.memory_space<semaphore_mem>>)
    %dma_start3A_251 = arith.constant 4 : i32
    %dma_start3A_252 = arith.constant 4 : i32
    %dma_start3A_253 = arith.constant 0 : i32
    %dma_start3A_254 = arith.constant 0 : i32
    %dma_start3A_255 = tpu.memref_slice %arg11[%dma_start3A_252, %dma_start3A_253, %dma_start3A_254] : memref<8x128x32xf32, #tpu.memory_space<vmem>> -> memref<1x128x32xf32, #tpu.memory_space<vmem>>
    %dma_start3A_256 = tpu.memref_squeeze %dma_start3A_255 : memref<1x128x32xf32, #tpu.memory_space<vmem>> -> memref<128x32xf32, #tpu.memory_space<vmem>>
    %dma_start3A_257 = arith.constant 0 : i32
    %dma_start3A_258 = tpu.memref_slice %arg9[%dma_start3A_251, %dma_start3A_257] : memref<80x128xi32, #tpu.memory_space<vmem>> -> memref<1x128xi32, #tpu.memory_space<vmem>>
    %dma_start3A_259 = tpu.memref_squeeze %dma_start3A_258 : memref<1x128xi32, #tpu.memory_space<vmem>> -> memref<128xi32, #tpu.memory_space<vmem>>
    %dma_start3A_260 = arith.constant 0 : i32
    %dma_start3A_261 = arith.constant 0 : i32
    %dma_start3A_262 = tpu.memref_slice %arg14[%dma_start3A_260, %dma_start3A_261] : memref<10112x32xf32, #tpu.memory_space<vmem_shared>> -> memref<10112x32xf32, #tpu.memory_space<vmem_shared>>
    tpu.enqueue_indirect_dma source(%dma_start3A_262 : memref<10112x32xf32, #tpu.memory_space<vmem_shared>>) target(%dma_start3A_256 : memref<128x32xf32, #tpu.memory_space<vmem>>) offsets(%dma_start3A_259 : memref<128xi32, #tpu.memory_space<vmem>>) semaphore(%arg20 : memref<!tpu.dma_semaphore, #tpu.memory_space<semaphore_mem>>)
    %dma_start3A_263 = arith.constant 5 : i32
    %dma_start3A_264 = arith.constant 5 : i32
    %dma_start3A_265 = arith.constant 0 : i32
    %dma_start3A_266 = arith.constant 0 : i32
    %dma_start3A_267 = tpu.memref_slice %arg11[%dma_start3A_264, %dma_start3A_265, %dma_start3A_266] : memref<8x128x32xf32, #tpu.memory_space<vmem>> -> memref<1x128x32xf32, #tpu.memory_space<vmem>>
    %dma_start3A_268 = tpu.memref_squeeze %dma_start3A_267 : memref<1x128x32xf32, #tpu.memory_space<vmem>> -> memref<128x32xf32, #tpu.memory_space<vmem>>
    %dma_start3A_269 = arith.constant 0 : i32
    %dma_start3A_270 = tpu.memref_slice %arg9[%dma_start3A_263, %dma_start3A_269] : memref<80x128xi32, #tpu.memory_space<vmem>> -> memref<1x128xi32, #tpu.memory_space<vmem>>
    %dma_start3A_271 = tpu.memref_squeeze %dma_start3A_270 : memref<1x128xi32, #tpu.memory_space<vmem>> -> memref<128xi32, #tpu.memory_space<vmem>>
    %dma_start3A_272 = arith.constant 0 : i32
    %dma_start3A_273 = arith.constant 0 : i32
    %dma_start3A_274 = tpu.memref_slice %arg14[%dma_start3A_272, %dma_start3A_273] : memref<10112x32xf32, #tpu.memory_space<vmem_shared>> -> memref<10112x32xf32, #tpu.memory_space<vmem_shared>>
    tpu.enqueue_indirect_dma source(%dma_start3A_274 : memref<10112x32xf32, #tpu.memory_space<vmem_shared>>) target(%dma_start3A_268 : memref<128x32xf32, #tpu.memory_space<vmem>>) offsets(%dma_start3A_271 : memref<128xi32, #tpu.memory_space<vmem>>) semaphore(%arg21 : memref<!tpu.dma_semaphore, #tpu.memory_space<semaphore_mem>>)
    %scan3A = arith.constant 0 : i32
    %scan3A_275 = arith.constant 0 : i32
    %scan3A_276 = arith.constant 10 : i32
    %scan3A_277 = arith.addi %scan3A_275, %scan3A_276 : i32
    %scan3A_278 = arith.constant 1 : i32
    scf.for %scan3A_382 = %scan3A_275 to %scan3A_277 step %scan3A_278  : i32 {
      %mul3A_383 = arith.constant 8 : i32
      %mul3A_384 = arith.muli %scan3A_382, %mul3A_383 : i32
      %add3A_385 = arith.constant 0 : i32
      %add3A_386 = arith.addi %mul3A_384, %add3A_385 : i32
      %dma_wait3A_387 = arith.constant 0 : i32
      %dma_wait3A_388 = arith.constant 0 : i32
      %dma_wait3A_389 = arith.constant 0 : i32
      %dma_wait3A_390 = tpu.memref_slice %arg11[%dma_wait3A_387, %dma_wait3A_388, %dma_wait3A_389] : memref<8x128x32xf32, #tpu.memory_space<vmem>> -> memref<1x128x32xf32, #tpu.memory_space<vmem>>
      %dma_wait3A_391 = tpu.memref_squeeze %dma_wait3A_390 : memref<1x128x32xf32, #tpu.memory_space<vmem>> -> memref<128x32xf32, #tpu.memory_space<vmem>>
      %dma_wait3A_392 = arith.constant 0 : i32
      %dma_wait3A_393 = tpu.memref_slice %arg9[%add3A_386, %dma_wait3A_392] : memref<80x128xi32, #tpu.memory_space<vmem>> -> memref<1x128xi32, #tpu.memory_space<vmem>>
      %dma_wait3A_394 = tpu.memref_squeeze %dma_wait3A_393 : memref<1x128xi32, #tpu.memory_space<vmem>> -> memref<128xi32, #tpu.memory_space<vmem>>
      %dma_wait3A_395 = arith.constant 0 : i32
      %dma_wait3A_396 = arith.constant 0 : i32
      %dma_wait3A_397 = tpu.memref_slice %arg14[%dma_wait3A_395, %dma_wait3A_396] : memref<10112x32xf32, #tpu.memory_space<vmem_shared>> -> memref<10112x32xf32, #tpu.memory_space<vmem_shared>>
      tpu.wait_indirect_dma semaphore(%arg16 : memref<!tpu.dma_semaphore, #tpu.memory_space<semaphore_mem>>) src(%dma_wait3A_397 : memref<10112x32xf32, #tpu.memory_space<vmem_shared>>) dst(%dma_wait3A_391 : memref<128x32xf32, #tpu.memory_space<vmem>>)
      %dma_start3A_398 = arith.constant 0 : i32
      %dma_start3A_399 = arith.constant 0 : i32
      %dma_start3A_400 = arith.constant 0 : i32
      %dma_start3A_401 = tpu.memref_slice %arg11[%dma_start3A_398, %dma_start3A_399, %dma_start3A_400] : memref<8x128x32xf32, #tpu.memory_space<vmem>> -> memref<1x128x32xf32, #tpu.memory_space<vmem>>
      %dma_start3A_402 = tpu.memref_squeeze %dma_start3A_401 : memref<1x128x32xf32, #tpu.memory_space<vmem>> -> memref<128x32xf32, #tpu.memory_space<vmem>>
      %dma_start3A_403 = arith.constant 0 : i32
      %dma_start3A_404 = tpu.memref_slice %arg10[%add3A_386, %dma_start3A_403] : memref<80x128xi32, #tpu.memory_space<vmem>> -> memref<1x128xi32, #tpu.memory_space<vmem>>
      %dma_start3A_405 = tpu.memref_squeeze %dma_start3A_404 : memref<1x128xi32, #tpu.memory_space<vmem>> -> memref<128xi32, #tpu.memory_space<vmem>>
      %dma_start3A_406 = arith.constant 0 : i32
      %dma_start3A_407 = arith.constant 0 : i32
      %dma_start3A_408 = tpu.memref_slice %arg13[%dma_start3A_406, %dma_start3A_407] : memref<10112x32xf32, #tpu.memory_space<vmem_shared>> -> memref<10112x32xf32, #tpu.memory_space<vmem_shared>>
      tpu.enqueue_indirect_dma source(%dma_start3A_402 : memref<128x32xf32, #tpu.memory_space<vmem>>) target(%dma_start3A_408 : memref<10112x32xf32, #tpu.memory_space<vmem_shared>>) offsets(%dma_start3A_405 : memref<128xi32, #tpu.memory_space<vmem>>) semaphore(%arg24 : memref<!tpu.dma_semaphore, #tpu.memory_space<semaphore_mem>>) {add = true}
      %dma_start3A_409 = arith.constant 0 : i32
      %dma_start3A_410 = tpu.memref_slice %arg10[%add3A_386, %dma_start3A_409] : memref<80x128xi32, #tpu.memory_space<vmem>> -> memref<1x128xi32, #tpu.memory_space<vmem>>
      %dma_start3A_411 = tpu.memref_squeeze %dma_start3A_410 : memref<1x128xi32, #tpu.memory_space<vmem>> -> memref<128xi32, #tpu.memory_space<vmem>>
      %dma_start3A_412 = arith.constant 0 : i32
      %dma_start3A_413 = arith.constant 0 : i32
      %dma_start3A_414 = tpu.memref_slice %arg15[%dma_start3A_412, %dma_start3A_413] : memref<10112x32xf32, #tpu.memory_space<vmem_shared>> -> memref<10112x32xf32, #tpu.memory_space<vmem_shared>>
      tpu.enqueue_indirect_dma source(%arg12 : memref<128x32xf32, #tpu.memory_space<vmem>>) target(%dma_start3A_414 : memref<10112x32xf32, #tpu.memory_space<vmem_shared>>) offsets(%dma_start3A_411 : memref<128xi32, #tpu.memory_space<vmem>>) semaphore(%arg32 : memref<!tpu.dma_semaphore, #tpu.memory_space<semaphore_mem>>) {add = true}
      %add3A_415 = arith.constant 6 : i32
      %add3A_416 = arith.addi %add3A_386, %add3A_415 : i32
      %lt3A_417 = arith.constant 80 : i32
      %lt3A_418 = arith.cmpi slt, %add3A_416, %lt3A_417 : i32
      %ge3A = arith.constant 2 : i32
      %ge3A_419 = arith.cmpi sge, %add3A_386, %ge3A : i32
      %and3A = arith.andi %lt3A_418, %ge3A_419 : i1
      %convert_element_type3A_420 = arith.extui %and3A : i1 to i32
      %cond3A_421 = arith.constant 0 : i32
      %cond3A_422 = arith.cmpi ne, %convert_element_type3A_420, %cond3A_421 : i32
      scf.if %cond3A_422 {
        %dma_wait3A_757 = arith.constant 6 : i32
        %dma_wait3A_758 = arith.constant 0 : i32
        %dma_wait3A_759 = arith.constant 0 : i32
        %dma_wait3A_760 = tpu.memref_slice %arg11[%dma_wait3A_757, %dma_wait3A_758, %dma_wait3A_759] : memref<8x128x32xf32, #tpu.memory_space<vmem>> -> memref<1x128x32xf32, #tpu.memory_space<vmem>>
        %dma_wait3A_761 = tpu.memref_squeeze %dma_wait3A_760 : memref<1x128x32xf32, #tpu.memory_space<vmem>> -> memref<128x32xf32, #tpu.memory_space<vmem>>
        %dma_wait3A_762 = arith.constant 0 : i32
        %dma_wait3A_763 = tpu.memref_slice %arg10[%add3A_386, %dma_wait3A_762] : memref<80x128xi32, #tpu.memory_space<vmem>> -> memref<1x128xi32, #tpu.memory_space<vmem>>
        %dma_wait3A_764 = tpu.memref_squeeze %dma_wait3A_763 : memref<1x128xi32, #tpu.memory_space<vmem>> -> memref<128xi32, #tpu.memory_space<vmem>>
        %dma_wait3A_765 = arith.constant 0 : i32
        %dma_wait3A_766 = arith.constant 0 : i32
        %dma_wait3A_767 = tpu.memref_slice %arg13[%dma_wait3A_765, %dma_wait3A_766] : memref<10112x32xf32, #tpu.memory_space<vmem_shared>> -> memref<10112x32xf32, #tpu.memory_space<vmem_shared>>
        tpu.wait_indirect_dma semaphore(%arg30 : memref<!tpu.dma_semaphore, #tpu.memory_space<semaphore_mem>>) src(%dma_wait3A_761 : memref<128x32xf32, #tpu.memory_space<vmem>>) dst(%dma_wait3A_767 : memref<10112x32xf32, #tpu.memory_space<vmem_shared>>)
      } else {
      }
      %lt3A_423 = arith.constant 80 : i32
      %lt3A_424 = arith.cmpi slt, %add3A_416, %lt3A_423 : i32
      %convert_element_type3A_425 = arith.extui %lt3A_424 : i1 to i32
      %cond3A_426 = arith.constant 0 : i32
      %cond3A_427 = arith.cmpi ne, %convert_element_type3A_425, %cond3A_426 : i32
      scf.if %cond3A_427 {
        %dma_start3A_757 = arith.constant 6 : i32
        %dma_start3A_758 = arith.constant 0 : i32
        %dma_start3A_759 = arith.constant 0 : i32
        %dma_start3A_760 = tpu.memref_slice %arg11[%dma_start3A_757, %dma_start3A_758, %dma_start3A_759] : memref<8x128x32xf32, #tpu.memory_space<vmem>> -> memref<1x128x32xf32, #tpu.memory_space<vmem>>
        %dma_start3A_761 = tpu.memref_squeeze %dma_start3A_760 : memref<1x128x32xf32, #tpu.memory_space<vmem>> -> memref<128x32xf32, #tpu.memory_space<vmem>>
        %dma_start3A_762 = arith.constant 0 : i32
        %dma_start3A_763 = tpu.memref_slice %arg9[%add3A_416, %dma_start3A_762] : memref<80x128xi32, #tpu.memory_space<vmem>> -> memref<1x128xi32, #tpu.memory_space<vmem>>
        %dma_start3A_764 = tpu.memref_squeeze %dma_start3A_763 : memref<1x128xi32, #tpu.memory_space<vmem>> -> memref<128xi32, #tpu.memory_space<vmem>>
        %dma_start3A_765 = arith.constant 0 : i32
        %dma_start3A_766 = arith.constant 0 : i32
        %dma_start3A_767 = tpu.memref_slice %arg14[%dma_start3A_765, %dma_start3A_766] : memref<10112x32xf32, #tpu.memory_space<vmem_shared>> -> memref<10112x32xf32, #tpu.memory_space<vmem_shared>>
        tpu.enqueue_indirect_dma source(%dma_start3A_767 : memref<10112x32xf32, #tpu.memory_space<vmem_shared>>) target(%dma_start3A_761 : memref<128x32xf32, #tpu.memory_space<vmem>>) offsets(%dma_start3A_764 : memref<128xi32, #tpu.memory_space<vmem>>) semaphore(%arg22 : memref<!tpu.dma_semaphore, #tpu.memory_space<semaphore_mem>>)
      } else {
      }
      %mul3A_428 = arith.constant 8 : i32
      %mul3A_429 = arith.muli %scan3A_382, %mul3A_428 : i32
      %add3A_430 = arith.constant 1 : i32
      %add3A_431 = arith.addi %mul3A_429, %add3A_430 : i32
      %dma_wait3A_432 = arith.constant 1 : i32
      %dma_wait3A_433 = arith.constant 0 : i32
      %dma_wait3A_434 = arith.constant 0 : i32
      %dma_wait3A_435 = tpu.memref_slice %arg11[%dma_wait3A_432, %dma_wait3A_433, %dma_wait3A_434] : memref<8x128x32xf32, #tpu.memory_space<vmem>> -> memref<1x128x32xf32, #tpu.memory_space<vmem>>
      %dma_wait3A_436 = tpu.memref_squeeze %dma_wait3A_435 : memref<1x128x32xf32, #tpu.memory_space<vmem>> -> memref<128x32xf32, #tpu.memory_space<vmem>>
      %dma_wait3A_437 = arith.constant 0 : i32
      %dma_wait3A_438 = tpu.memref_slice %arg9[%add3A_431, %dma_wait3A_437] : memref<80x128xi32, #tpu.memory_space<vmem>> -> memref<1x128xi32, #tpu.memory_space<vmem>>
      %dma_wait3A_439 = tpu.memref_squeeze %dma_wait3A_438 : memref<1x128xi32, #tpu.memory_space<vmem>> -> memref<128xi32, #tpu.memory_space<vmem>>
      %dma_wait3A_440 = arith.constant 0 : i32
      %dma_wait3A_441 = arith.constant 0 : i32
      %dma_wait3A_442 = tpu.memref_slice %arg14[%dma_wait3A_440, %dma_wait3A_441] : memref<10112x32xf32, #tpu.memory_space<vmem_shared>> -> memref<10112x32xf32, #tpu.memory_space<vmem_shared>>
      tpu.wait_indirect_dma semaphore(%arg17 : memref<!tpu.dma_semaphore, #tpu.memory_space<semaphore_mem>>) src(%dma_wait3A_442 : memref<10112x32xf32, #tpu.memory_space<vmem_shared>>) dst(%dma_wait3A_436 : memref<128x32xf32, #tpu.memory_space<vmem>>)
      %dma_start3A_443 = arith.constant 1 : i32
      %dma_start3A_444 = arith.constant 0 : i32
      %dma_start3A_445 = arith.constant 0 : i32
      %dma_start3A_446 = tpu.memref_slice %arg11[%dma_start3A_443, %dma_start3A_444, %dma_start3A_445] : memref<8x128x32xf32, #tpu.memory_space<vmem>> -> memref<1x128x32xf32, #tpu.memory_space<vmem>>
      %dma_start3A_447 = tpu.memref_squeeze %dma_start3A_446 : memref<1x128x32xf32, #tpu.memory_space<vmem>> -> memref<128x32xf32, #tpu.memory_space<vmem>>
      %dma_start3A_448 = arith.constant 0 : i32
      %dma_start3A_449 = tpu.memref_slice %arg10[%add3A_431, %dma_start3A_448] : memref<80x128xi32, #tpu.memory_space<vmem>> -> memref<1x128xi32, #tpu.memory_space<vmem>>
      %dma_start3A_450 = tpu.memref_squeeze %dma_start3A_449 : memref<1x128xi32, #tpu.memory_space<vmem>> -> memref<128xi32, #tpu.memory_space<vmem>>
      %dma_start3A_451 = arith.constant 0 : i32
      %dma_start3A_452 = arith.constant 0 : i32
      %dma_start3A_453 = tpu.memref_slice %arg13[%dma_start3A_451, %dma_start3A_452] : memref<10112x32xf32, #tpu.memory_space<vmem_shared>> -> memref<10112x32xf32, #tpu.memory_space<vmem_shared>>
      tpu.enqueue_indirect_dma source(%dma_start3A_447 : memref<128x32xf32, #tpu.memory_space<vmem>>) target(%dma_start3A_453 : memref<10112x32xf32, #tpu.memory_space<vmem_shared>>) offsets(%dma_start3A_450 : memref<128xi32, #tpu.memory_space<vmem>>) semaphore(%arg25 : memref<!tpu.dma_semaphore, #tpu.memory_space<semaphore_mem>>) {add = true}
      %dma_start3A_454 = arith.constant 0 : i32
      %dma_start3A_455 = tpu.memref_slice %arg10[%add3A_431, %dma_start3A_454] : memref<80x128xi32, #tpu.memory_space<vmem>> -> memref<1x128xi32, #tpu.memory_space<vmem>>
      %dma_start3A_456 = tpu.memref_squeeze %dma_start3A_455 : memref<1x128xi32, #tpu.memory_space<vmem>> -> memref<128xi32, #tpu.memory_space<vmem>>
      %dma_start3A_457 = arith.constant 0 : i32
      %dma_start3A_458 = arith.constant 0 : i32
      %dma_start3A_459 = tpu.memref_slice %arg15[%dma_start3A_457, %dma_start3A_458] : memref<10112x32xf32, #tpu.memory_space<vmem_shared>> -> memref<10112x32xf32, #tpu.memory_space<vmem_shared>>
      tpu.enqueue_indirect_dma source(%arg12 : memref<128x32xf32, #tpu.memory_space<vmem>>) target(%dma_start3A_459 : memref<10112x32xf32, #tpu.memory_space<vmem_shared>>) offsets(%dma_start3A_456 : memref<128xi32, #tpu.memory_space<vmem>>) semaphore(%arg32 : memref<!tpu.dma_semaphore, #tpu.memory_space<semaphore_mem>>) {add = true}
      %add3A_460 = arith.constant 6 : i32
      %add3A_461 = arith.addi %add3A_431, %add3A_460 : i32
      %lt3A_462 = arith.constant 80 : i32
      %lt3A_463 = arith.cmpi slt, %add3A_461, %lt3A_462 : i32
      %ge3A_464 = arith.constant 2 : i32
      %ge3A_465 = arith.cmpi sge, %add3A_431, %ge3A_464 : i32
      %and3A_466 = arith.andi %lt3A_463, %ge3A_465 : i1
      %convert_element_type3A_467 = arith.extui %and3A_466 : i1 to i32
      %cond3A_468 = arith.constant 0 : i32
      %cond3A_469 = arith.cmpi ne, %convert_element_type3A_467, %cond3A_468 : i32
      scf.if %cond3A_469 {
        %dma_wait3A_757 = arith.constant 7 : i32
        %dma_wait3A_758 = arith.constant 0 : i32
        %dma_wait3A_759 = arith.constant 0 : i32
        %dma_wait3A_760 = tpu.memref_slice %arg11[%dma_wait3A_757, %dma_wait3A_758, %dma_wait3A_759] : memref<8x128x32xf32, #tpu.memory_space<vmem>> -> memref<1x128x32xf32, #tpu.memory_space<vmem>>
        %dma_wait3A_761 = tpu.memref_squeeze %dma_wait3A_760 : memref<1x128x32xf32, #tpu.memory_space<vmem>> -> memref<128x32xf32, #tpu.memory_space<vmem>>
        %dma_wait3A_762 = arith.constant 0 : i32
        %dma_wait3A_763 = tpu.memref_slice %arg10[%add3A_431, %dma_wait3A_762] : memref<80x128xi32, #tpu.memory_space<vmem>> -> memref<1x128xi32, #tpu.memory_space<vmem>>
        %dma_wait3A_764 = tpu.memref_squeeze %dma_wait3A_763 : memref<1x128xi32, #tpu.memory_space<vmem>> -> memref<128xi32, #tpu.memory_space<vmem>>
        %dma_wait3A_765 = arith.constant 0 : i32
        %dma_wait3A_766 = arith.constant 0 : i32
        %dma_wait3A_767 = tpu.memref_slice %arg13[%dma_wait3A_765, %dma_wait3A_766] : memref<10112x32xf32, #tpu.memory_space<vmem_shared>> -> memref<10112x32xf32, #tpu.memory_space<vmem_shared>>
        tpu.wait_indirect_dma semaphore(%arg31 : memref<!tpu.dma_semaphore, #tpu.memory_space<semaphore_mem>>) src(%dma_wait3A_761 : memref<128x32xf32, #tpu.memory_space<vmem>>) dst(%dma_wait3A_767 : memref<10112x32xf32, #tpu.memory_space<vmem_shared>>)
      } else {
      }
      %lt3A_470 = arith.constant 80 : i32
      %lt3A_471 = arith.cmpi slt, %add3A_461, %lt3A_470 : i32
      %convert_element_type3A_472 = arith.extui %lt3A_471 : i1 to i32
      %cond3A_473 = arith.constant 0 : i32
      %cond3A_474 = arith.cmpi ne, %convert_element_type3A_472, %cond3A_473 : i32
      scf.if %cond3A_474 {
        %dma_start3A_757 = arith.constant 7 : i32
        %dma_start3A_758 = arith.constant 0 : i32
        %dma_start3A_759 = arith.constant 0 : i32
        %dma_start3A_760 = tpu.memref_slice %arg11[%dma_start3A_757, %dma_start3A_758, %dma_start3A_759] : memref<8x128x32xf32, #tpu.memory_space<vmem>> -> memref<1x128x32xf32, #tpu.memory_space<vmem>>
        %dma_start3A_761 = tpu.memref_squeeze %dma_start3A_760 : memref<1x128x32xf32, #tpu.memory_space<vmem>> -> memref<128x32xf32, #tpu.memory_space<vmem>>
        %dma_start3A_762 = arith.constant 0 : i32
        %dma_start3A_763 = tpu.memref_slice %arg9[%add3A_461, %dma_start3A_762] : memref<80x128xi32, #tpu.memory_space<vmem>> -> memref<1x128xi32, #tpu.memory_space<vmem>>
        %dma_start3A_764 = tpu.memref_squeeze %dma_start3A_763 : memref<1x128xi32, #tpu.memory_space<vmem>> -> memref<128xi32, #tpu.memory_space<vmem>>
        %dma_start3A_765 = arith.constant 0 : i32
        %dma_start3A_766 = arith.constant 0 : i32
        %dma_start3A_767 = tpu.memref_slice %arg14[%dma_start3A_765, %dma_start3A_766] : memref<10112x32xf32, #tpu.memory_space<vmem_shared>> -> memref<10112x32xf32, #tpu.memory_space<vmem_shared>>
        tpu.enqueue_indirect_dma source(%dma_start3A_767 : memref<10112x32xf32, #tpu.memory_space<vmem_shared>>) target(%dma_start3A_761 : memref<128x32xf32, #tpu.memory_space<vmem>>) offsets(%dma_start3A_764 : memref<128xi32, #tpu.memory_space<vmem>>) semaphore(%arg23 : memref<!tpu.dma_semaphore, #tpu.memory_space<semaphore_mem>>)
      } else {
      }
      %mul3A_475 = arith.constant 8 : i32
      %mul3A_476 = arith.muli %scan3A_382, %mul3A_475 : i32
      %add3A_477 = arith.constant 2 : i32
      %add3A_478 = arith.addi %mul3A_476, %add3A_477 : i32
      %dma_wait3A_479 = arith.constant 2 : i32
      %dma_wait3A_480 = arith.constant 0 : i32
      %dma_wait3A_481 = arith.constant 0 : i32
      %dma_wait3A_482 = tpu.memref_slice %arg11[%dma_wait3A_479, %dma_wait3A_480, %dma_wait3A_481] : memref<8x128x32xf32, #tpu.memory_space<vmem>> -> memref<1x128x32xf32, #tpu.memory_space<vmem>>
      %dma_wait3A_483 = tpu.memref_squeeze %dma_wait3A_482 : memref<1x128x32xf32, #tpu.memory_space<vmem>> -> memref<128x32xf32, #tpu.memory_space<vmem>>
      %dma_wait3A_484 = arith.constant 0 : i32
      %dma_wait3A_485 = tpu.memref_slice %arg9[%add3A_478, %dma_wait3A_484] : memref<80x128xi32, #tpu.memory_space<vmem>> -> memref<1x128xi32, #tpu.memory_space<vmem>>
      %dma_wait3A_486 = tpu.memref_squeeze %dma_wait3A_485 : memref<1x128xi32, #tpu.memory_space<vmem>> -> memref<128xi32, #tpu.memory_space<vmem>>
      %dma_wait3A_487 = arith.constant 0 : i32
      %dma_wait3A_488 = arith.constant 0 : i32
      %dma_wait3A_489 = tpu.memref_slice %arg14[%dma_wait3A_487, %dma_wait3A_488] : memref<10112x32xf32, #tpu.memory_space<vmem_shared>> -> memref<10112x32xf32, #tpu.memory_space<vmem_shared>>
      tpu.wait_indirect_dma semaphore(%arg18 : memref<!tpu.dma_semaphore, #tpu.memory_space<semaphore_mem>>) src(%dma_wait3A_489 : memref<10112x32xf32, #tpu.memory_space<vmem_shared>>) dst(%dma_wait3A_483 : memref<128x32xf32, #tpu.memory_space<vmem>>)
      %dma_start3A_490 = arith.constant 2 : i32
      %dma_start3A_491 = arith.constant 0 : i32
      %dma_start3A_492 = arith.constant 0 : i32
      %dma_start3A_493 = tpu.memref_slice %arg11[%dma_start3A_490, %dma_start3A_491, %dma_start3A_492] : memref<8x128x32xf32, #tpu.memory_space<vmem>> -> memref<1x128x32xf32, #tpu.memory_space<vmem>>
      %dma_start3A_494 = tpu.memref_squeeze %dma_start3A_493 : memref<1x128x32xf32, #tpu.memory_space<vmem>> -> memref<128x32xf32, #tpu.memory_space<vmem>>
      %dma_start3A_495 = arith.constant 0 : i32
      %dma_start3A_496 = tpu.memref_slice %arg10[%add3A_478, %dma_start3A_495] : memref<80x128xi32, #tpu.memory_space<vmem>> -> memref<1x128xi32, #tpu.memory_space<vmem>>
      %dma_start3A_497 = tpu.memref_squeeze %dma_start3A_496 : memref<1x128xi32, #tpu.memory_space<vmem>> -> memref<128xi32, #tpu.memory_space<vmem>>
      %dma_start3A_498 = arith.constant 0 : i32
      %dma_start3A_499 = arith.constant 0 : i32
      %dma_start3A_500 = tpu.memref_slice %arg13[%dma_start3A_498, %dma_start3A_499] : memref<10112x32xf32, #tpu.memory_space<vmem_shared>> -> memref<10112x32xf32, #tpu.memory_space<vmem_shared>>
      tpu.enqueue_indirect_dma source(%dma_start3A_494 : memref<128x32xf32, #tpu.memory_space<vmem>>) target(%dma_start3A_500 : memref<10112x32xf32, #tpu.memory_space<vmem_shared>>) offsets(%dma_start3A_497 : memref<128xi32, #tpu.memory_space<vmem>>) semaphore(%arg26 : memref<!tpu.dma_semaphore, #tpu.memory_space<semaphore_mem>>) {add = true}
      %dma_start3A_501 = arith.constant 0 : i32
      %dma_start3A_502 = tpu.memref_slice %arg10[%add3A_478, %dma_start3A_501] : memref<80x128xi32, #tpu.memory_space<vmem>> -> memref<1x128xi32, #tpu.memory_space<vmem>>
      %dma_start3A_503 = tpu.memref_squeeze %dma_start3A_502 : memref<1x128xi32, #tpu.memory_space<vmem>> -> memref<128xi32, #tpu.memory_space<vmem>>
      %dma_start3A_504 = arith.constant 0 : i32
      %dma_start3A_505 = arith.constant 0 : i32
      %dma_start3A_506 = tpu.memref_slice %arg15[%dma_start3A_504, %dma_start3A_505] : memref<10112x32xf32, #tpu.memory_space<vmem_shared>> -> memref<10112x32xf32, #tpu.memory_space<vmem_shared>>
      tpu.enqueue_indirect_dma source(%arg12 : memref<128x32xf32, #tpu.memory_space<vmem>>) target(%dma_start3A_506 : memref<10112x32xf32, #tpu.memory_space<vmem_shared>>) offsets(%dma_start3A_503 : memref<128xi32, #tpu.memory_space<vmem>>) semaphore(%arg32 : memref<!tpu.dma_semaphore, #tpu.memory_space<semaphore_mem>>) {add = true}
      %add3A_507 = arith.constant 6 : i32
      %add3A_508 = arith.addi %add3A_478, %add3A_507 : i32
      %lt3A_509 = arith.constant 80 : i32
      %lt3A_510 = arith.cmpi slt, %add3A_508, %lt3A_509 : i32
      %ge3A_511 = arith.constant 2 : i32
      %ge3A_512 = arith.cmpi sge, %add3A_478, %ge3A_511 : i32
      %and3A_513 = arith.andi %lt3A_510, %ge3A_512 : i1
      %convert_element_type3A_514 = arith.extui %and3A_513 : i1 to i32
      %cond3A_515 = arith.constant 0 : i32
      %cond3A_516 = arith.cmpi ne, %convert_element_type3A_514, %cond3A_515 : i32
      scf.if %cond3A_516 {
        %dma_wait3A_757 = arith.constant 0 : i32
        %dma_wait3A_758 = arith.constant 0 : i32
        %dma_wait3A_759 = arith.constant 0 : i32
        %dma_wait3A_760 = tpu.memref_slice %arg11[%dma_wait3A_757, %dma_wait3A_758, %dma_wait3A_759] : memref<8x128x32xf32, #tpu.memory_space<vmem>> -> memref<1x128x32xf32, #tpu.memory_space<vmem>>
        %dma_wait3A_761 = tpu.memref_squeeze %dma_wait3A_760 : memref<1x128x32xf32, #tpu.memory_space<vmem>> -> memref<128x32xf32, #tpu.memory_space<vmem>>
        %dma_wait3A_762 = arith.constant 0 : i32
        %dma_wait3A_763 = tpu.memref_slice %arg10[%add3A_478, %dma_wait3A_762] : memref<80x128xi32, #tpu.memory_space<vmem>> -> memref<1x128xi32, #tpu.memory_space<vmem>>
        %dma_wait3A_764 = tpu.memref_squeeze %dma_wait3A_763 : memref<1x128xi32, #tpu.memory_space<vmem>> -> memref<128xi32, #tpu.memory_space<vmem>>
        %dma_wait3A_765 = arith.constant 0 : i32
        %dma_wait3A_766 = arith.constant 0 : i32
        %dma_wait3A_767 = tpu.memref_slice %arg13[%dma_wait3A_765, %dma_wait3A_766] : memref<10112x32xf32, #tpu.memory_space<vmem_shared>> -> memref<10112x32xf32, #tpu.memory_space<vmem_shared>>
        tpu.wait_indirect_dma semaphore(%arg24 : memref<!tpu.dma_semaphore, #tpu.memory_space<semaphore_mem>>) src(%dma_wait3A_761 : memref<128x32xf32, #tpu.memory_space<vmem>>) dst(%dma_wait3A_767 : memref<10112x32xf32, #tpu.memory_space<vmem_shared>>)
      } else {
      }
      %lt3A_517 = arith.constant 80 : i32
      %lt3A_518 = arith.cmpi slt, %add3A_508, %lt3A_517 : i32
      %convert_element_type3A_519 = arith.extui %lt3A_518 : i1 to i32
      %cond3A_520 = arith.constant 0 : i32
      %cond3A_521 = arith.cmpi ne, %convert_element_type3A_519, %cond3A_520 : i32
      scf.if %cond3A_521 {
        %dma_start3A_757 = arith.constant 0 : i32
        %dma_start3A_758 = arith.constant 0 : i32
        %dma_start3A_759 = arith.constant 0 : i32
        %dma_start3A_760 = tpu.memref_slice %arg11[%dma_start3A_757, %dma_start3A_758, %dma_start3A_759] : memref<8x128x32xf32, #tpu.memory_space<vmem>> -> memref<1x128x32xf32, #tpu.memory_space<vmem>>
        %dma_start3A_761 = tpu.memref_squeeze %dma_start3A_760 : memref<1x128x32xf32, #tpu.memory_space<vmem>> -> memref<128x32xf32, #tpu.memory_space<vmem>>
        %dma_start3A_762 = arith.constant 0 : i32
        %dma_start3A_763 = tpu.memref_slice %arg9[%add3A_508, %dma_start3A_762] : memref<80x128xi32, #tpu.memory_space<vmem>> -> memref<1x128xi32, #tpu.memory_space<vmem>>
        %dma_start3A_764 = tpu.memref_squeeze %dma_start3A_763 : memref<1x128xi32, #tpu.memory_space<vmem>> -> memref<128xi32, #tpu.memory_space<vmem>>
        %dma_start3A_765 = arith.constant 0 : i32
        %dma_start3A_766 = arith.constant 0 : i32
        %dma_start3A_767 = tpu.memref_slice %arg14[%dma_start3A_765, %dma_start3A_766] : memref<10112x32xf32, #tpu.memory_space<vmem_shared>> -> memref<10112x32xf32, #tpu.memory_space<vmem_shared>>
        tpu.enqueue_indirect_dma source(%dma_start3A_767 : memref<10112x32xf32, #tpu.memory_space<vmem_shared>>) target(%dma_start3A_761 : memref<128x32xf32, #tpu.memory_space<vmem>>) offsets(%dma_start3A_764 : memref<128xi32, #tpu.memory_space<vmem>>) semaphore(%arg16 : memref<!tpu.dma_semaphore, #tpu.memory_space<semaphore_mem>>)
      } else {
      }
      %mul3A_522 = arith.constant 8 : i32
      %mul3A_523 = arith.muli %scan3A_382, %mul3A_522 : i32
      %add3A_524 = arith.constant 3 : i32
      %add3A_525 = arith.addi %mul3A_523, %add3A_524 : i32
      %dma_wait3A_526 = arith.constant 3 : i32
      %dma_wait3A_527 = arith.constant 0 : i32
      %dma_wait3A_528 = arith.constant 0 : i32
      %dma_wait3A_529 = tpu.memref_slice %arg11[%dma_wait3A_526, %dma_wait3A_527, %dma_wait3A_528] : memref<8x128x32xf32, #tpu.memory_space<vmem>> -> memref<1x128x32xf32, #tpu.memory_space<vmem>>
      %dma_wait3A_530 = tpu.memref_squeeze %dma_wait3A_529 : memref<1x128x32xf32, #tpu.memory_space<vmem>> -> memref<128x32xf32, #tpu.memory_space<vmem>>
      %dma_wait3A_531 = arith.constant 0 : i32
      %dma_wait3A_532 = tpu.memref_slice %arg9[%add3A_525, %dma_wait3A_531] : memref<80x128xi32, #tpu.memory_space<vmem>> -> memref<1x128xi32, #tpu.memory_space<vmem>>
      %dma_wait3A_533 = tpu.memref_squeeze %dma_wait3A_532 : memref<1x128xi32, #tpu.memory_space<vmem>> -> memref<128xi32, #tpu.memory_space<vmem>>
      %dma_wait3A_534 = arith.constant 0 : i32
      %dma_wait3A_535 = arith.constant 0 : i32
      %dma_wait3A_536 = tpu.memref_slice %arg14[%dma_wait3A_534, %dma_wait3A_535] : memref<10112x32xf32, #tpu.memory_space<vmem_shared>> -> memref<10112x32xf32, #tpu.memory_space<vmem_shared>>
      tpu.wait_indirect_dma semaphore(%arg19 : memref<!tpu.dma_semaphore, #tpu.memory_space<semaphore_mem>>) src(%dma_wait3A_536 : memref<10112x32xf32, #tpu.memory_space<vmem_shared>>) dst(%dma_wait3A_530 : memref<128x32xf32, #tpu.memory_space<vmem>>)
      %dma_start3A_537 = arith.constant 3 : i32
      %dma_start3A_538 = arith.constant 0 : i32
      %dma_start3A_539 = arith.constant 0 : i32
      %dma_start3A_540 = tpu.memref_slice %arg11[%dma_start3A_537, %dma_start3A_538, %dma_start3A_539] : memref<8x128x32xf32, #tpu.memory_space<vmem>> -> memref<1x128x32xf32, #tpu.memory_space<vmem>>
      %dma_start3A_541 = tpu.memref_squeeze %dma_start3A_540 : memref<1x128x32xf32, #tpu.memory_space<vmem>> -> memref<128x32xf32, #tpu.memory_space<vmem>>
      %dma_start3A_542 = arith.constant 0 : i32
      %dma_start3A_543 = tpu.memref_slice %arg10[%add3A_525, %dma_start3A_542] : memref<80x128xi32, #tpu.memory_space<vmem>> -> memref<1x128xi32, #tpu.memory_space<vmem>>
      %dma_start3A_544 = tpu.memref_squeeze %dma_start3A_543 : memref<1x128xi32, #tpu.memory_space<vmem>> -> memref<128xi32, #tpu.memory_space<vmem>>
      %dma_start3A_545 = arith.constant 0 : i32
      %dma_start3A_546 = arith.constant 0 : i32
      %dma_start3A_547 = tpu.memref_slice %arg13[%dma_start3A_545, %dma_start3A_546] : memref<10112x32xf32, #tpu.memory_space<vmem_shared>> -> memref<10112x32xf32, #tpu.memory_space<vmem_shared>>
      tpu.enqueue_indirect_dma source(%dma_start3A_541 : memref<128x32xf32, #tpu.memory_space<vmem>>) target(%dma_start3A_547 : memref<10112x32xf32, #tpu.memory_space<vmem_shared>>) offsets(%dma_start3A_544 : memref<128xi32, #tpu.memory_space<vmem>>) semaphore(%arg27 : memref<!tpu.dma_semaphore, #tpu.memory_space<semaphore_mem>>) {add = true}
      %dma_start3A_548 = arith.constant 0 : i32
      %dma_start3A_549 = tpu.memref_slice %arg10[%add3A_525, %dma_start3A_548] : memref<80x128xi32, #tpu.memory_space<vmem>> -> memref<1x128xi32, #tpu.memory_space<vmem>>
      %dma_start3A_550 = tpu.memref_squeeze %dma_start3A_549 : memref<1x128xi32, #tpu.memory_space<vmem>> -> memref<128xi32, #tpu.memory_space<vmem>>
      %dma_start3A_551 = arith.constant 0 : i32
      %dma_start3A_552 = arith.constant 0 : i32
      %dma_start3A_553 = tpu.memref_slice %arg15[%dma_start3A_551, %dma_start3A_552] : memref<10112x32xf32, #tpu.memory_space<vmem_shared>> -> memref<10112x32xf32, #tpu.memory_space<vmem_shared>>
      tpu.enqueue_indirect_dma source(%arg12 : memref<128x32xf32, #tpu.memory_space<vmem>>) target(%dma_start3A_553 : memref<10112x32xf32, #tpu.memory_space<vmem_shared>>) offsets(%dma_start3A_550 : memref<128xi32, #tpu.memory_space<vmem>>) semaphore(%arg32 : memref<!tpu.dma_semaphore, #tpu.memory_space<semaphore_mem>>) {add = true}
      %add3A_554 = arith.constant 6 : i32
      %add3A_555 = arith.addi %add3A_525, %add3A_554 : i32
      %lt3A_556 = arith.constant 80 : i32
      %lt3A_557 = arith.cmpi slt, %add3A_555, %lt3A_556 : i32
      %ge3A_558 = arith.constant 2 : i32
      %ge3A_559 = arith.cmpi sge, %add3A_525, %ge3A_558 : i32
      %and3A_560 = arith.andi %lt3A_557, %ge3A_559 : i1
      %convert_element_type3A_561 = arith.extui %and3A_560 : i1 to i32
      %cond3A_562 = arith.constant 0 : i32
      %cond3A_563 = arith.cmpi ne, %convert_element_type3A_561, %cond3A_562 : i32
      scf.if %cond3A_563 {
        %dma_wait3A_757 = arith.constant 1 : i32
        %dma_wait3A_758 = arith.constant 0 : i32
        %dma_wait3A_759 = arith.constant 0 : i32
        %dma_wait3A_760 = tpu.memref_slice %arg11[%dma_wait3A_757, %dma_wait3A_758, %dma_wait3A_759] : memref<8x128x32xf32, #tpu.memory_space<vmem>> -> memref<1x128x32xf32, #tpu.memory_space<vmem>>
        %dma_wait3A_761 = tpu.memref_squeeze %dma_wait3A_760 : memref<1x128x32xf32, #tpu.memory_space<vmem>> -> memref<128x32xf32, #tpu.memory_space<vmem>>
        %dma_wait3A_762 = arith.constant 0 : i32
        %dma_wait3A_763 = tpu.memref_slice %arg10[%add3A_525, %dma_wait3A_762] : memref<80x128xi32, #tpu.memory_space<vmem>> -> memref<1x128xi32, #tpu.memory_space<vmem>>
        %dma_wait3A_764 = tpu.memref_squeeze %dma_wait3A_763 : memref<1x128xi32, #tpu.memory_space<vmem>> -> memref<128xi32, #tpu.memory_space<vmem>>
        %dma_wait3A_765 = arith.constant 0 : i32
        %dma_wait3A_766 = arith.constant 0 : i32
        %dma_wait3A_767 = tpu.memref_slice %arg13[%dma_wait3A_765, %dma_wait3A_766] : memref<10112x32xf32, #tpu.memory_space<vmem_shared>> -> memref<10112x32xf32, #tpu.memory_space<vmem_shared>>
        tpu.wait_indirect_dma semaphore(%arg25 : memref<!tpu.dma_semaphore, #tpu.memory_space<semaphore_mem>>) src(%dma_wait3A_761 : memref<128x32xf32, #tpu.memory_space<vmem>>) dst(%dma_wait3A_767 : memref<10112x32xf32, #tpu.memory_space<vmem_shared>>)
      } else {
      }
      %lt3A_564 = arith.constant 80 : i32
      %lt3A_565 = arith.cmpi slt, %add3A_555, %lt3A_564 : i32
      %convert_element_type3A_566 = arith.extui %lt3A_565 : i1 to i32
      %cond3A_567 = arith.constant 0 : i32
      %cond3A_568 = arith.cmpi ne, %convert_element_type3A_566, %cond3A_567 : i32
      scf.if %cond3A_568 {
        %dma_start3A_757 = arith.constant 1 : i32
        %dma_start3A_758 = arith.constant 0 : i32
        %dma_start3A_759 = arith.constant 0 : i32
        %dma_start3A_760 = tpu.memref_slice %arg11[%dma_start3A_757, %dma_start3A_758, %dma_start3A_759] : memref<8x128x32xf32, #tpu.memory_space<vmem>> -> memref<1x128x32xf32, #tpu.memory_space<vmem>>
        %dma_start3A_761 = tpu.memref_squeeze %dma_start3A_760 : memref<1x128x32xf32, #tpu.memory_space<vmem>> -> memref<128x32xf32, #tpu.memory_space<vmem>>
        %dma_start3A_762 = arith.constant 0 : i32
        %dma_start3A_763 = tpu.memref_slice %arg9[%add3A_555, %dma_start3A_762] : memref<80x128xi32, #tpu.memory_space<vmem>> -> memref<1x128xi32, #tpu.memory_space<vmem>>
        %dma_start3A_764 = tpu.memref_squeeze %dma_start3A_763 : memref<1x128xi32, #tpu.memory_space<vmem>> -> memref<128xi32, #tpu.memory_space<vmem>>
        %dma_start3A_765 = arith.constant 0 : i32
        %dma_start3A_766 = arith.constant 0 : i32
        %dma_start3A_767 = tpu.memref_slice %arg14[%dma_start3A_765, %dma_start3A_766] : memref<10112x32xf32, #tpu.memory_space<vmem_shared>> -> memref<10112x32xf32, #tpu.memory_space<vmem_shared>>
        tpu.enqueue_indirect_dma source(%dma_start3A_767 : memref<10112x32xf32, #tpu.memory_space<vmem_shared>>) target(%dma_start3A_761 : memref<128x32xf32, #tpu.memory_space<vmem>>) offsets(%dma_start3A_764 : memref<128xi32, #tpu.memory_space<vmem>>) semaphore(%arg17 : memref<!tpu.dma_semaphore, #tpu.memory_space<semaphore_mem>>)
      } else {
      }
      %mul3A_569 = arith.constant 8 : i32
      %mul3A_570 = arith.muli %scan3A_382, %mul3A_569 : i32
      %add3A_571 = arith.constant 4 : i32
      %add3A_572 = arith.addi %mul3A_570, %add3A_571 : i32
      %dma_wait3A_573 = arith.constant 4 : i32
      %dma_wait3A_574 = arith.constant 0 : i32
      %dma_wait3A_575 = arith.constant 0 : i32
      %dma_wait3A_576 = tpu.memref_slice %arg11[%dma_wait3A_573, %dma_wait3A_574, %dma_wait3A_575] : memref<8x128x32xf32, #tpu.memory_space<vmem>> -> memref<1x128x32xf32, #tpu.memory_space<vmem>>
      %dma_wait3A_577 = tpu.memref_squeeze %dma_wait3A_576 : memref<1x128x32xf32, #tpu.memory_space<vmem>> -> memref<128x32xf32, #tpu.memory_space<vmem>>
      %dma_wait3A_578 = arith.constant 0 : i32
      %dma_wait3A_579 = tpu.memref_slice %arg9[%add3A_572, %dma_wait3A_578] : memref<80x128xi32, #tpu.memory_space<vmem>> -> memref<1x128xi32, #tpu.memory_space<vmem>>
      %dma_wait3A_580 = tpu.memref_squeeze %dma_wait3A_579 : memref<1x128xi32, #tpu.memory_space<vmem>> -> memref<128xi32, #tpu.memory_space<vmem>>
      %dma_wait3A_581 = arith.constant 0 : i32
      %dma_wait3A_582 = arith.constant 0 : i32
      %dma_wait3A_583 = tpu.memref_slice %arg14[%dma_wait3A_581, %dma_wait3A_582] : memref<10112x32xf32, #tpu.memory_space<vmem_shared>> -> memref<10112x32xf32, #tpu.memory_space<vmem_shared>>
      tpu.wait_indirect_dma semaphore(%arg20 : memref<!tpu.dma_semaphore, #tpu.memory_space<semaphore_mem>>) src(%dma_wait3A_583 : memref<10112x32xf32, #tpu.memory_space<vmem_shared>>) dst(%dma_wait3A_577 : memref<128x32xf32, #tpu.memory_space<vmem>>)
      %dma_start3A_584 = arith.constant 4 : i32
      %dma_start3A_585 = arith.constant 0 : i32
      %dma_start3A_586 = arith.constant 0 : i32
      %dma_start3A_587 = tpu.memref_slice %arg11[%dma_start3A_584, %dma_start3A_585, %dma_start3A_586] : memref<8x128x32xf32, #tpu.memory_space<vmem>> -> memref<1x128x32xf32, #tpu.memory_space<vmem>>
      %dma_start3A_588 = tpu.memref_squeeze %dma_start3A_587 : memref<1x128x32xf32, #tpu.memory_space<vmem>> -> memref<128x32xf32, #tpu.memory_space<vmem>>
      %dma_start3A_589 = arith.constant 0 : i32
      %dma_start3A_590 = tpu.memref_slice %arg10[%add3A_572, %dma_start3A_589] : memref<80x128xi32, #tpu.memory_space<vmem>> -> memref<1x128xi32, #tpu.memory_space<vmem>>
      %dma_start3A_591 = tpu.memref_squeeze %dma_start3A_590 : memref<1x128xi32, #tpu.memory_space<vmem>> -> memref<128xi32, #tpu.memory_space<vmem>>
      %dma_start3A_592 = arith.constant 0 : i32
      %dma_start3A_593 = arith.constant 0 : i32
      %dma_start3A_594 = tpu.memref_slice %arg13[%dma_start3A_592, %dma_start3A_593] : memref<10112x32xf32, #tpu.memory_space<vmem_shared>> -> memref<10112x32xf32, #tpu.memory_space<vmem_shared>>
      tpu.enqueue_indirect_dma source(%dma_start3A_588 : memref<128x32xf32, #tpu.memory_space<vmem>>) target(%dma_start3A_594 : memref<10112x32xf32, #tpu.memory_space<vmem_shared>>) offsets(%dma_start3A_591 : memref<128xi32, #tpu.memory_space<vmem>>) semaphore(%arg28 : memref<!tpu.dma_semaphore, #tpu.memory_space<semaphore_mem>>) {add = true}
      %dma_start3A_595 = arith.constant 0 : i32
      %dma_start3A_596 = tpu.memref_slice %arg10[%add3A_572, %dma_start3A_595] : memref<80x128xi32, #tpu.memory_space<vmem>> -> memref<1x128xi32, #tpu.memory_space<vmem>>
      %dma_start3A_597 = tpu.memref_squeeze %dma_start3A_596 : memref<1x128xi32, #tpu.memory_space<vmem>> -> memref<128xi32, #tpu.memory_space<vmem>>
      %dma_start3A_598 = arith.constant 0 : i32
      %dma_start3A_599 = arith.constant 0 : i32
      %dma_start3A_600 = tpu.memref_slice %arg15[%dma_start3A_598, %dma_start3A_599] : memref<10112x32xf32, #tpu.memory_space<vmem_shared>> -> memref<10112x32xf32, #tpu.memory_space<vmem_shared>>
      tpu.enqueue_indirect_dma source(%arg12 : memref<128x32xf32, #tpu.memory_space<vmem>>) target(%dma_start3A_600 : memref<10112x32xf32, #tpu.memory_space<vmem_shared>>) offsets(%dma_start3A_597 : memref<128xi32, #tpu.memory_space<vmem>>) semaphore(%arg32 : memref<!tpu.dma_semaphore, #tpu.memory_space<semaphore_mem>>) {add = true}
      %add3A_601 = arith.constant 6 : i32
      %add3A_602 = arith.addi %add3A_572, %add3A_601 : i32
      %lt3A_603 = arith.constant 80 : i32
      %lt3A_604 = arith.cmpi slt, %add3A_602, %lt3A_603 : i32
      %ge3A_605 = arith.constant 2 : i32
      %ge3A_606 = arith.cmpi sge, %add3A_572, %ge3A_605 : i32
      %and3A_607 = arith.andi %lt3A_604, %ge3A_606 : i1
      %convert_element_type3A_608 = arith.extui %and3A_607 : i1 to i32
      %cond3A_609 = arith.constant 0 : i32
      %cond3A_610 = arith.cmpi ne, %convert_element_type3A_608, %cond3A_609 : i32
      scf.if %cond3A_610 {
        %dma_wait3A_757 = arith.constant 2 : i32
        %dma_wait3A_758 = arith.constant 0 : i32
        %dma_wait3A_759 = arith.constant 0 : i32
        %dma_wait3A_760 = tpu.memref_slice %arg11[%dma_wait3A_757, %dma_wait3A_758, %dma_wait3A_759] : memref<8x128x32xf32, #tpu.memory_space<vmem>> -> memref<1x128x32xf32, #tpu.memory_space<vmem>>
        %dma_wait3A_761 = tpu.memref_squeeze %dma_wait3A_760 : memref<1x128x32xf32, #tpu.memory_space<vmem>> -> memref<128x32xf32, #tpu.memory_space<vmem>>
        %dma_wait3A_762 = arith.constant 0 : i32
        %dma_wait3A_763 = tpu.memref_slice %arg10[%add3A_572, %dma_wait3A_762] : memref<80x128xi32, #tpu.memory_space<vmem>> -> memref<1x128xi32, #tpu.memory_space<vmem>>
        %dma_wait3A_764 = tpu.memref_squeeze %dma_wait3A_763 : memref<1x128xi32, #tpu.memory_space<vmem>> -> memref<128xi32, #tpu.memory_space<vmem>>
        %dma_wait3A_765 = arith.constant 0 : i32
        %dma_wait3A_766 = arith.constant 0 : i32
        %dma_wait3A_767 = tpu.memref_slice %arg13[%dma_wait3A_765, %dma_wait3A_766] : memref<10112x32xf32, #tpu.memory_space<vmem_shared>> -> memref<10112x32xf32, #tpu.memory_space<vmem_shared>>
        tpu.wait_indirect_dma semaphore(%arg26 : memref<!tpu.dma_semaphore, #tpu.memory_space<semaphore_mem>>) src(%dma_wait3A_761 : memref<128x32xf32, #tpu.memory_space<vmem>>) dst(%dma_wait3A_767 : memref<10112x32xf32, #tpu.memory_space<vmem_shared>>)
      } else {
      }
      %lt3A_611 = arith.constant 80 : i32
      %lt3A_612 = arith.cmpi slt, %add3A_602, %lt3A_611 : i32
      %convert_element_type3A_613 = arith.extui %lt3A_612 : i1 to i32
      %cond3A_614 = arith.constant 0 : i32
      %cond3A_615 = arith.cmpi ne, %convert_element_type3A_613, %cond3A_614 : i32
      scf.if %cond3A_615 {
        %dma_start3A_757 = arith.constant 2 : i32
        %dma_start3A_758 = arith.constant 0 : i32
        %dma_start3A_759 = arith.constant 0 : i32
        %dma_start3A_760 = tpu.memref_slice %arg11[%dma_start3A_757, %dma_start3A_758, %dma_start3A_759] : memref<8x128x32xf32, #tpu.memory_space<vmem>> -> memref<1x128x32xf32, #tpu.memory_space<vmem>>
        %dma_start3A_761 = tpu.memref_squeeze %dma_start3A_760 : memref<1x128x32xf32, #tpu.memory_space<vmem>> -> memref<128x32xf32, #tpu.memory_space<vmem>>
        %dma_start3A_762 = arith.constant 0 : i32
        %dma_start3A_763 = tpu.memref_slice %arg9[%add3A_602, %dma_start3A_762] : memref<80x128xi32, #tpu.memory_space<vmem>> -> memref<1x128xi32, #tpu.memory_space<vmem>>
        %dma_start3A_764 = tpu.memref_squeeze %dma_start3A_763 : memref<1x128xi32, #tpu.memory_space<vmem>> -> memref<128xi32, #tpu.memory_space<vmem>>
        %dma_start3A_765 = arith.constant 0 : i32
        %dma_start3A_766 = arith.constant 0 : i32
        %dma_start3A_767 = tpu.memref_slice %arg14[%dma_start3A_765, %dma_start3A_766] : memref<10112x32xf32, #tpu.memory_space<vmem_shared>> -> memref<10112x32xf32, #tpu.memory_space<vmem_shared>>
        tpu.enqueue_indirect_dma source(%dma_start3A_767 : memref<10112x32xf32, #tpu.memory_space<vmem_shared>>) target(%dma_start3A_761 : memref<128x32xf32, #tpu.memory_space<vmem>>) offsets(%dma_start3A_764 : memref<128xi32, #tpu.memory_space<vmem>>) semaphore(%arg18 : memref<!tpu.dma_semaphore, #tpu.memory_space<semaphore_mem>>)
      } else {
      }
      %mul3A_616 = arith.constant 8 : i32
      %mul3A_617 = arith.muli %scan3A_382, %mul3A_616 : i32
      %add3A_618 = arith.constant 5 : i32
      %add3A_619 = arith.addi %mul3A_617, %add3A_618 : i32
      %dma_wait3A_620 = arith.constant 5 : i32
      %dma_wait3A_621 = arith.constant 0 : i32
      %dma_wait3A_622 = arith.constant 0 : i32
      %dma_wait3A_623 = tpu.memref_slice %arg11[%dma_wait3A_620, %dma_wait3A_621, %dma_wait3A_622] : memref<8x128x32xf32, #tpu.memory_space<vmem>> -> memref<1x128x32xf32, #tpu.memory_space<vmem>>
      %dma_wait3A_624 = tpu.memref_squeeze %dma_wait3A_623 : memref<1x128x32xf32, #tpu.memory_space<vmem>> -> memref<128x32xf32, #tpu.memory_space<vmem>>
      %dma_wait3A_625 = arith.constant 0 : i32
      %dma_wait3A_626 = tpu.memref_slice %arg9[%add3A_619, %dma_wait3A_625] : memref<80x128xi32, #tpu.memory_space<vmem>> -> memref<1x128xi32, #tpu.memory_space<vmem>>
      %dma_wait3A_627 = tpu.memref_squeeze %dma_wait3A_626 : memref<1x128xi32, #tpu.memory_space<vmem>> -> memref<128xi32, #tpu.memory_space<vmem>>
      %dma_wait3A_628 = arith.constant 0 : i32
      %dma_wait3A_629 = arith.constant 0 : i32
      %dma_wait3A_630 = tpu.memref_slice %arg14[%dma_wait3A_628, %dma_wait3A_629] : memref<10112x32xf32, #tpu.memory_space<vmem_shared>> -> memref<10112x32xf32, #tpu.memory_space<vmem_shared>>
      tpu.wait_indirect_dma semaphore(%arg21 : memref<!tpu.dma_semaphore, #tpu.memory_space<semaphore_mem>>) src(%dma_wait3A_630 : memref<10112x32xf32, #tpu.memory_space<vmem_shared>>) dst(%dma_wait3A_624 : memref<128x32xf32, #tpu.memory_space<vmem>>)
      %dma_start3A_631 = arith.constant 5 : i32
      %dma_start3A_632 = arith.constant 0 : i32
      %dma_start3A_633 = arith.constant 0 : i32
      %dma_start3A_634 = tpu.memref_slice %arg11[%dma_start3A_631, %dma_start3A_632, %dma_start3A_633] : memref<8x128x32xf32, #tpu.memory_space<vmem>> -> memref<1x128x32xf32, #tpu.memory_space<vmem>>
      %dma_start3A_635 = tpu.memref_squeeze %dma_start3A_634 : memref<1x128x32xf32, #tpu.memory_space<vmem>> -> memref<128x32xf32, #tpu.memory_space<vmem>>
      %dma_start3A_636 = arith.constant 0 : i32
      %dma_start3A_637 = tpu.memref_slice %arg10[%add3A_619, %dma_start3A_636] : memref<80x128xi32, #tpu.memory_space<vmem>> -> memref<1x128xi32, #tpu.memory_space<vmem>>
      %dma_start3A_638 = tpu.memref_squeeze %dma_start3A_637 : memref<1x128xi32, #tpu.memory_space<vmem>> -> memref<128xi32, #tpu.memory_space<vmem>>
      %dma_start3A_639 = arith.constant 0 : i32
      %dma_start3A_640 = arith.constant 0 : i32
      %dma_start3A_641 = tpu.memref_slice %arg13[%dma_start3A_639, %dma_start3A_640] : memref<10112x32xf32, #tpu.memory_space<vmem_shared>> -> memref<10112x32xf32, #tpu.memory_space<vmem_shared>>
      tpu.enqueue_indirect_dma source(%dma_start3A_635 : memref<128x32xf32, #tpu.memory_space<vmem>>) target(%dma_start3A_641 : memref<10112x32xf32, #tpu.memory_space<vmem_shared>>) offsets(%dma_start3A_638 : memref<128xi32, #tpu.memory_space<vmem>>) semaphore(%arg29 : memref<!tpu.dma_semaphore, #tpu.memory_space<semaphore_mem>>) {add = true}
      %dma_start3A_642 = arith.constant 0 : i32
      %dma_start3A_643 = tpu.memref_slice %arg10[%add3A_619, %dma_start3A_642] : memref<80x128xi32, #tpu.memory_space<vmem>> -> memref<1x128xi32, #tpu.memory_space<vmem>>
      %dma_start3A_644 = tpu.memref_squeeze %dma_start3A_643 : memref<1x128xi32, #tpu.memory_space<vmem>> -> memref<128xi32, #tpu.memory_space<vmem>>
      %dma_start3A_645 = arith.constant 0 : i32
      %dma_start3A_646 = arith.constant 0 : i32
      %dma_start3A_647 = tpu.memref_slice %arg15[%dma_start3A_645, %dma_start3A_646] : memref<10112x32xf32, #tpu.memory_space<vmem_shared>> -> memref<10112x32xf32, #tpu.memory_space<vmem_shared>>
      tpu.enqueue_indirect_dma source(%arg12 : memref<128x32xf32, #tpu.memory_space<vmem>>) target(%dma_start3A_647 : memref<10112x32xf32, #tpu.memory_space<vmem_shared>>) offsets(%dma_start3A_644 : memref<128xi32, #tpu.memory_space<vmem>>) semaphore(%arg32 : memref<!tpu.dma_semaphore, #tpu.memory_space<semaphore_mem>>) {add = true}
      %add3A_648 = arith.constant 6 : i32
      %add3A_649 = arith.addi %add3A_619, %add3A_648 : i32
      %lt3A_650 = arith.constant 80 : i32
      %lt3A_651 = arith.cmpi slt, %add3A_649, %lt3A_650 : i32
      %ge3A_652 = arith.constant 2 : i32
      %ge3A_653 = arith.cmpi sge, %add3A_619, %ge3A_652 : i32
      %and3A_654 = arith.andi %lt3A_651, %ge3A_653 : i1
      %convert_element_type3A_655 = arith.extui %and3A_654 : i1 to i32
      %cond3A_656 = arith.constant 0 : i32
      %cond3A_657 = arith.cmpi ne, %convert_element_type3A_655, %cond3A_656 : i32
      scf.if %cond3A_657 {
        %dma_wait3A_757 = arith.constant 3 : i32
        %dma_wait3A_758 = arith.constant 0 : i32
        %dma_wait3A_759 = arith.constant 0 : i32
        %dma_wait3A_760 = tpu.memref_slice %arg11[%dma_wait3A_757, %dma_wait3A_758, %dma_wait3A_759] : memref<8x128x32xf32, #tpu.memory_space<vmem>> -> memref<1x128x32xf32, #tpu.memory_space<vmem>>
        %dma_wait3A_761 = tpu.memref_squeeze %dma_wait3A_760 : memref<1x128x32xf32, #tpu.memory_space<vmem>> -> memref<128x32xf32, #tpu.memory_space<vmem>>
        %dma_wait3A_762 = arith.constant 0 : i32
        %dma_wait3A_763 = tpu.memref_slice %arg10[%add3A_619, %dma_wait3A_762] : memref<80x128xi32, #tpu.memory_space<vmem>> -> memref<1x128xi32, #tpu.memory_space<vmem>>
        %dma_wait3A_764 = tpu.memref_squeeze %dma_wait3A_763 : memref<1x128xi32, #tpu.memory_space<vmem>> -> memref<128xi32, #tpu.memory_space<vmem>>
        %dma_wait3A_765 = arith.constant 0 : i32
        %dma_wait3A_766 = arith.constant 0 : i32
        %dma_wait3A_767 = tpu.memref_slice %arg13[%dma_wait3A_765, %dma_wait3A_766] : memref<10112x32xf32, #tpu.memory_space<vmem_shared>> -> memref<10112x32xf32, #tpu.memory_space<vmem_shared>>
        tpu.wait_indirect_dma semaphore(%arg27 : memref<!tpu.dma_semaphore, #tpu.memory_space<semaphore_mem>>) src(%dma_wait3A_761 : memref<128x32xf32, #tpu.memory_space<vmem>>) dst(%dma_wait3A_767 : memref<10112x32xf32, #tpu.memory_space<vmem_shared>>)
      } else {
      }
      %lt3A_658 = arith.constant 80 : i32
      %lt3A_659 = arith.cmpi slt, %add3A_649, %lt3A_658 : i32
      %convert_element_type3A_660 = arith.extui %lt3A_659 : i1 to i32
      %cond3A_661 = arith.constant 0 : i32
      %cond3A_662 = arith.cmpi ne, %convert_element_type3A_660, %cond3A_661 : i32
      scf.if %cond3A_662 {
        %dma_start3A_757 = arith.constant 3 : i32
        %dma_start3A_758 = arith.constant 0 : i32
        %dma_start3A_759 = arith.constant 0 : i32
        %dma_start3A_760 = tpu.memref_slice %arg11[%dma_start3A_757, %dma_start3A_758, %dma_start3A_759] : memref<8x128x32xf32, #tpu.memory_space<vmem>> -> memref<1x128x32xf32, #tpu.memory_space<vmem>>
        %dma_start3A_761 = tpu.memref_squeeze %dma_start3A_760 : memref<1x128x32xf32, #tpu.memory_space<vmem>> -> memref<128x32xf32, #tpu.memory_space<vmem>>
        %dma_start3A_762 = arith.constant 0 : i32
        %dma_start3A_763 = tpu.memref_slice %arg9[%add3A_649, %dma_start3A_762] : memref<80x128xi32, #tpu.memory_space<vmem>> -> memref<1x128xi32, #tpu.memory_space<vmem>>
        %dma_start3A_764 = tpu.memref_squeeze %dma_start3A_763 : memref<1x128xi32, #tpu.memory_space<vmem>> -> memref<128xi32, #tpu.memory_space<vmem>>
        %dma_start3A_765 = arith.constant 0 : i32
        %dma_start3A_766 = arith.constant 0 : i32
        %dma_start3A_767 = tpu.memref_slice %arg14[%dma_start3A_765, %dma_start3A_766] : memref<10112x32xf32, #tpu.memory_space<vmem_shared>> -> memref<10112x32xf32, #tpu.memory_space<vmem_shared>>
        tpu.enqueue_indirect_dma source(%dma_start3A_767 : memref<10112x32xf32, #tpu.memory_space<vmem_shared>>) target(%dma_start3A_761 : memref<128x32xf32, #tpu.memory_space<vmem>>) offsets(%dma_start3A_764 : memref<128xi32, #tpu.memory_space<vmem>>) semaphore(%arg19 : memref<!tpu.dma_semaphore, #tpu.memory_space<semaphore_mem>>)
      } else {
      }
      %mul3A_663 = arith.constant 8 : i32
      %mul3A_664 = arith.muli %scan3A_382, %mul3A_663 : i32
      %add3A_665 = arith.constant 6 : i32
      %add3A_666 = arith.addi %mul3A_664, %add3A_665 : i32
      %dma_wait3A_667 = arith.constant 6 : i32
      %dma_wait3A_668 = arith.constant 0 : i32
      %dma_wait3A_669 = arith.constant 0 : i32
      %dma_wait3A_670 = tpu.memref_slice %arg11[%dma_wait3A_667, %dma_wait3A_668, %dma_wait3A_669] : memref<8x128x32xf32, #tpu.memory_space<vmem>> -> memref<1x128x32xf32, #tpu.memory_space<vmem>>
      %dma_wait3A_671 = tpu.memref_squeeze %dma_wait3A_670 : memref<1x128x32xf32, #tpu.memory_space<vmem>> -> memref<128x32xf32, #tpu.memory_space<vmem>>
      %dma_wait3A_672 = arith.constant 0 : i32
      %dma_wait3A_673 = tpu.memref_slice %arg9[%add3A_666, %dma_wait3A_672] : memref<80x128xi32, #tpu.memory_space<vmem>> -> memref<1x128xi32, #tpu.memory_space<vmem>>
      %dma_wait3A_674 = tpu.memref_squeeze %dma_wait3A_673 : memref<1x128xi32, #tpu.memory_space<vmem>> -> memref<128xi32, #tpu.memory_space<vmem>>
      %dma_wait3A_675 = arith.constant 0 : i32
      %dma_wait3A_676 = arith.constant 0 : i32
      %dma_wait3A_677 = tpu.memref_slice %arg14[%dma_wait3A_675, %dma_wait3A_676] : memref<10112x32xf32, #tpu.memory_space<vmem_shared>> -> memref<10112x32xf32, #tpu.memory_space<vmem_shared>>
      tpu.wait_indirect_dma semaphore(%arg22 : memref<!tpu.dma_semaphore, #tpu.memory_space<semaphore_mem>>) src(%dma_wait3A_677 : memref<10112x32xf32, #tpu.memory_space<vmem_shared>>) dst(%dma_wait3A_671 : memref<128x32xf32, #tpu.memory_space<vmem>>)
      %dma_start3A_678 = arith.constant 6 : i32
      %dma_start3A_679 = arith.constant 0 : i32
      %dma_start3A_680 = arith.constant 0 : i32
      %dma_start3A_681 = tpu.memref_slice %arg11[%dma_start3A_678, %dma_start3A_679, %dma_start3A_680] : memref<8x128x32xf32, #tpu.memory_space<vmem>> -> memref<1x128x32xf32, #tpu.memory_space<vmem>>
      %dma_start3A_682 = tpu.memref_squeeze %dma_start3A_681 : memref<1x128x32xf32, #tpu.memory_space<vmem>> -> memref<128x32xf32, #tpu.memory_space<vmem>>
      %dma_start3A_683 = arith.constant 0 : i32
      %dma_start3A_684 = tpu.memref_slice %arg10[%add3A_666, %dma_start3A_683] : memref<80x128xi32, #tpu.memory_space<vmem>> -> memref<1x128xi32, #tpu.memory_space<vmem>>
      %dma_start3A_685 = tpu.memref_squeeze %dma_start3A_684 : memref<1x128xi32, #tpu.memory_space<vmem>> -> memref<128xi32, #tpu.memory_space<vmem>>
      %dma_start3A_686 = arith.constant 0 : i32
      %dma_start3A_687 = arith.constant 0 : i32
      %dma_start3A_688 = tpu.memref_slice %arg13[%dma_start3A_686, %dma_start3A_687] : memref<10112x32xf32, #tpu.memory_space<vmem_shared>> -> memref<10112x32xf32, #tpu.memory_space<vmem_shared>>
      tpu.enqueue_indirect_dma source(%dma_start3A_682 : memref<128x32xf32, #tpu.memory_space<vmem>>) target(%dma_start3A_688 : memref<10112x32xf32, #tpu.memory_space<vmem_shared>>) offsets(%dma_start3A_685 : memref<128xi32, #tpu.memory_space<vmem>>) semaphore(%arg30 : memref<!tpu.dma_semaphore, #tpu.memory_space<semaphore_mem>>) {add = true}
      %dma_start3A_689 = arith.constant 0 : i32
      %dma_start3A_690 = tpu.memref_slice %arg10[%add3A_666, %dma_start3A_689] : memref<80x128xi32, #tpu.memory_space<vmem>> -> memref<1x128xi32, #tpu.memory_space<vmem>>
      %dma_start3A_691 = tpu.memref_squeeze %dma_start3A_690 : memref<1x128xi32, #tpu.memory_space<vmem>> -> memref<128xi32, #tpu.memory_space<vmem>>
      %dma_start3A_692 = arith.constant 0 : i32
      %dma_start3A_693 = arith.constant 0 : i32
      %dma_start3A_694 = tpu.memref_slice %arg15[%dma_start3A_692, %dma_start3A_693] : memref<10112x32xf32, #tpu.memory_space<vmem_shared>> -> memref<10112x32xf32, #tpu.memory_space<vmem_shared>>
      tpu.enqueue_indirect_dma source(%arg12 : memref<128x32xf32, #tpu.memory_space<vmem>>) target(%dma_start3A_694 : memref<10112x32xf32, #tpu.memory_space<vmem_shared>>) offsets(%dma_start3A_691 : memref<128xi32, #tpu.memory_space<vmem>>) semaphore(%arg32 : memref<!tpu.dma_semaphore, #tpu.memory_space<semaphore_mem>>) {add = true}
      %add3A_695 = arith.constant 6 : i32
      %add3A_696 = arith.addi %add3A_666, %add3A_695 : i32
      %lt3A_697 = arith.constant 80 : i32
      %lt3A_698 = arith.cmpi slt, %add3A_696, %lt3A_697 : i32
      %ge3A_699 = arith.constant 2 : i32
      %ge3A_700 = arith.cmpi sge, %add3A_666, %ge3A_699 : i32
      %and3A_701 = arith.andi %lt3A_698, %ge3A_700 : i1
      %convert_element_type3A_702 = arith.extui %and3A_701 : i1 to i32
      %cond3A_703 = arith.constant 0 : i32
      %cond3A_704 = arith.cmpi ne, %convert_element_type3A_702, %cond3A_703 : i32
      scf.if %cond3A_704 {
        %dma_wait3A_757 = arith.constant 4 : i32
        %dma_wait3A_758 = arith.constant 0 : i32
        %dma_wait3A_759 = arith.constant 0 : i32
        %dma_wait3A_760 = tpu.memref_slice %arg11[%dma_wait3A_757, %dma_wait3A_758, %dma_wait3A_759] : memref<8x128x32xf32, #tpu.memory_space<vmem>> -> memref<1x128x32xf32, #tpu.memory_space<vmem>>
        %dma_wait3A_761 = tpu.memref_squeeze %dma_wait3A_760 : memref<1x128x32xf32, #tpu.memory_space<vmem>> -> memref<128x32xf32, #tpu.memory_space<vmem>>
        %dma_wait3A_762 = arith.constant 0 : i32
        %dma_wait3A_763 = tpu.memref_slice %arg10[%add3A_666, %dma_wait3A_762] : memref<80x128xi32, #tpu.memory_space<vmem>> -> memref<1x128xi32, #tpu.memory_space<vmem>>
        %dma_wait3A_764 = tpu.memref_squeeze %dma_wait3A_763 : memref<1x128xi32, #tpu.memory_space<vmem>> -> memref<128xi32, #tpu.memory_space<vmem>>
        %dma_wait3A_765 = arith.constant 0 : i32
        %dma_wait3A_766 = arith.constant 0 : i32
        %dma_wait3A_767 = tpu.memref_slice %arg13[%dma_wait3A_765, %dma_wait3A_766] : memref<10112x32xf32, #tpu.memory_space<vmem_shared>> -> memref<10112x32xf32, #tpu.memory_space<vmem_shared>>
        tpu.wait_indirect_dma semaphore(%arg28 : memref<!tpu.dma_semaphore, #tpu.memory_space<semaphore_mem>>) src(%dma_wait3A_761 : memref<128x32xf32, #tpu.memory_space<vmem>>) dst(%dma_wait3A_767 : memref<10112x32xf32, #tpu.memory_space<vmem_shared>>)
      } else {
      }
      %lt3A_705 = arith.constant 80 : i32
      %lt3A_706 = arith.cmpi slt, %add3A_696, %lt3A_705 : i32
      %convert_element_type3A_707 = arith.extui %lt3A_706 : i1 to i32
      %cond3A_708 = arith.constant 0 : i32
      %cond3A_709 = arith.cmpi ne, %convert_element_type3A_707, %cond3A_708 : i32
      scf.if %cond3A_709 {
        %dma_start3A_757 = arith.constant 4 : i32
        %dma_start3A_758 = arith.constant 0 : i32
        %dma_start3A_759 = arith.constant 0 : i32
        %dma_start3A_760 = tpu.memref_slice %arg11[%dma_start3A_757, %dma_start3A_758, %dma_start3A_759] : memref<8x128x32xf32, #tpu.memory_space<vmem>> -> memref<1x128x32xf32, #tpu.memory_space<vmem>>
        %dma_start3A_761 = tpu.memref_squeeze %dma_start3A_760 : memref<1x128x32xf32, #tpu.memory_space<vmem>> -> memref<128x32xf32, #tpu.memory_space<vmem>>
        %dma_start3A_762 = arith.constant 0 : i32
        %dma_start3A_763 = tpu.memref_slice %arg9[%add3A_696, %dma_start3A_762] : memref<80x128xi32, #tpu.memory_space<vmem>> -> memref<1x128xi32, #tpu.memory_space<vmem>>
        %dma_start3A_764 = tpu.memref_squeeze %dma_start3A_763 : memref<1x128xi32, #tpu.memory_space<vmem>> -> memref<128xi32, #tpu.memory_space<vmem>>
        %dma_start3A_765 = arith.constant 0 : i32
        %dma_start3A_766 = arith.constant 0 : i32
        %dma_start3A_767 = tpu.memref_slice %arg14[%dma_start3A_765, %dma_start3A_766] : memref<10112x32xf32, #tpu.memory_space<vmem_shared>> -> memref<10112x32xf32, #tpu.memory_space<vmem_shared>>
        tpu.enqueue_indirect_dma source(%dma_start3A_767 : memref<10112x32xf32, #tpu.memory_space<vmem_shared>>) target(%dma_start3A_761 : memref<128x32xf32, #tpu.memory_space<vmem>>) offsets(%dma_start3A_764 : memref<128xi32, #tpu.memory_space<vmem>>) semaphore(%arg20 : memref<!tpu.dma_semaphore, #tpu.memory_space<semaphore_mem>>)
      } else {
      }
      %mul3A_710 = arith.constant 8 : i32
      %mul3A_711 = arith.muli %scan3A_382, %mul3A_710 : i32
      %add3A_712 = arith.constant 7 : i32
      %add3A_713 = arith.addi %mul3A_711, %add3A_712 : i32
      %dma_wait3A_714 = arith.constant 7 : i32
      %dma_wait3A_715 = arith.constant 0 : i32
      %dma_wait3A_716 = arith.constant 0 : i32
      %dma_wait3A_717 = tpu.memref_slice %arg11[%dma_wait3A_714, %dma_wait3A_715, %dma_wait3A_716] : memref<8x128x32xf32, #tpu.memory_space<vmem>> -> memref<1x128x32xf32, #tpu.memory_space<vmem>>
      %dma_wait3A_718 = tpu.memref_squeeze %dma_wait3A_717 : memref<1x128x32xf32, #tpu.memory_space<vmem>> -> memref<128x32xf32, #tpu.memory_space<vmem>>
      %dma_wait3A_719 = arith.constant 0 : i32
      %dma_wait3A_720 = tpu.memref_slice %arg9[%add3A_713, %dma_wait3A_719] : memref<80x128xi32, #tpu.memory_space<vmem>> -> memref<1x128xi32, #tpu.memory_space<vmem>>
      %dma_wait3A_721 = tpu.memref_squeeze %dma_wait3A_720 : memref<1x128xi32, #tpu.memory_space<vmem>> -> memref<128xi32, #tpu.memory_space<vmem>>
      %dma_wait3A_722 = arith.constant 0 : i32
      %dma_wait3A_723 = arith.constant 0 : i32
      %dma_wait3A_724 = tpu.memref_slice %arg14[%dma_wait3A_722, %dma_wait3A_723] : memref<10112x32xf32, #tpu.memory_space<vmem_shared>> -> memref<10112x32xf32, #tpu.memory_space<vmem_shared>>
      tpu.wait_indirect_dma semaphore(%arg23 : memref<!tpu.dma_semaphore, #tpu.memory_space<semaphore_mem>>) src(%dma_wait3A_724 : memref<10112x32xf32, #tpu.memory_space<vmem_shared>>) dst(%dma_wait3A_718 : memref<128x32xf32, #tpu.memory_space<vmem>>)
      %dma_start3A_725 = arith.constant 7 : i32
      %dma_start3A_726 = arith.constant 0 : i32
      %dma_start3A_727 = arith.constant 0 : i32
      %dma_start3A_728 = tpu.memref_slice %arg11[%dma_start3A_725, %dma_start3A_726, %dma_start3A_727] : memref<8x128x32xf32, #tpu.memory_space<vmem>> -> memref<1x128x32xf32, #tpu.memory_space<vmem>>
      %dma_start3A_729 = tpu.memref_squeeze %dma_start3A_728 : memref<1x128x32xf32, #tpu.memory_space<vmem>> -> memref<128x32xf32, #tpu.memory_space<vmem>>
      %dma_start3A_730 = arith.constant 0 : i32
      %dma_start3A_731 = tpu.memref_slice %arg10[%add3A_713, %dma_start3A_730] : memref<80x128xi32, #tpu.memory_space<vmem>> -> memref<1x128xi32, #tpu.memory_space<vmem>>
      %dma_start3A_732 = tpu.memref_squeeze %dma_start3A_731 : memref<1x128xi32, #tpu.memory_space<vmem>> -> memref<128xi32, #tpu.memory_space<vmem>>
      %dma_start3A_733 = arith.constant 0 : i32
      %dma_start3A_734 = arith.constant 0 : i32
      %dma_start3A_735 = tpu.memref_slice %arg13[%dma_start3A_733, %dma_start3A_734] : memref<10112x32xf32, #tpu.memory_space<vmem_shared>> -> memref<10112x32xf32, #tpu.memory_space<vmem_shared>>
      tpu.enqueue_indirect_dma source(%dma_start3A_729 : memref<128x32xf32, #tpu.memory_space<vmem>>) target(%dma_start3A_735 : memref<10112x32xf32, #tpu.memory_space<vmem_shared>>) offsets(%dma_start3A_732 : memref<128xi32, #tpu.memory_space<vmem>>) semaphore(%arg31 : memref<!tpu.dma_semaphore, #tpu.memory_space<semaphore_mem>>) {add = true}
      %dma_start3A_736 = arith.constant 0 : i32
      %dma_start3A_737 = tpu.memref_slice %arg10[%add3A_713, %dma_start3A_736] : memref<80x128xi32, #tpu.memory_space<vmem>> -> memref<1x128xi32, #tpu.memory_space<vmem>>
      %dma_start3A_738 = tpu.memref_squeeze %dma_start3A_737 : memref<1x128xi32, #tpu.memory_space<vmem>> -> memref<128xi32, #tpu.memory_space<vmem>>
      %dma_start3A_739 = arith.constant 0 : i32
      %dma_start3A_740 = arith.constant 0 : i32
      %dma_start3A_741 = tpu.memref_slice %arg15[%dma_start3A_739, %dma_start3A_740] : memref<10112x32xf32, #tpu.memory_space<vmem_shared>> -> memref<10112x32xf32, #tpu.memory_space<vmem_shared>>
      tpu.enqueue_indirect_dma source(%arg12 : memref<128x32xf32, #tpu.memory_space<vmem>>) target(%dma_start3A_741 : memref<10112x32xf32, #tpu.memory_space<vmem_shared>>) offsets(%dma_start3A_738 : memref<128xi32, #tpu.memory_space<vmem>>) semaphore(%arg32 : memref<!tpu.dma_semaphore, #tpu.memory_space<semaphore_mem>>) {add = true}
      %add3A_742 = arith.constant 6 : i32
      %add3A_743 = arith.addi %add3A_713, %add3A_742 : i32
      %lt3A_744 = arith.constant 80 : i32
      %lt3A_745 = arith.cmpi slt, %add3A_743, %lt3A_744 : i32
      %ge3A_746 = arith.constant 2 : i32
      %ge3A_747 = arith.cmpi sge, %add3A_713, %ge3A_746 : i32
      %and3A_748 = arith.andi %lt3A_745, %ge3A_747 : i1
      %convert_element_type3A_749 = arith.extui %and3A_748 : i1 to i32
      %cond3A_750 = arith.constant 0 : i32
      %cond3A_751 = arith.cmpi ne, %convert_element_type3A_749, %cond3A_750 : i32
      scf.if %cond3A_751 {
        %dma_wait3A_757 = arith.constant 5 : i32
        %dma_wait3A_758 = arith.constant 0 : i32
        %dma_wait3A_759 = arith.constant 0 : i32
        %dma_wait3A_760 = tpu.memref_slice %arg11[%dma_wait3A_757, %dma_wait3A_758, %dma_wait3A_759] : memref<8x128x32xf32, #tpu.memory_space<vmem>> -> memref<1x128x32xf32, #tpu.memory_space<vmem>>
        %dma_wait3A_761 = tpu.memref_squeeze %dma_wait3A_760 : memref<1x128x32xf32, #tpu.memory_space<vmem>> -> memref<128x32xf32, #tpu.memory_space<vmem>>
        %dma_wait3A_762 = arith.constant 0 : i32
        %dma_wait3A_763 = tpu.memref_slice %arg10[%add3A_713, %dma_wait3A_762] : memref<80x128xi32, #tpu.memory_space<vmem>> -> memref<1x128xi32, #tpu.memory_space<vmem>>
        %dma_wait3A_764 = tpu.memref_squeeze %dma_wait3A_763 : memref<1x128xi32, #tpu.memory_space<vmem>> -> memref<128xi32, #tpu.memory_space<vmem>>
        %dma_wait3A_765 = arith.constant 0 : i32
        %dma_wait3A_766 = arith.constant 0 : i32
        %dma_wait3A_767 = tpu.memref_slice %arg13[%dma_wait3A_765, %dma_wait3A_766] : memref<10112x32xf32, #tpu.memory_space<vmem_shared>> -> memref<10112x32xf32, #tpu.memory_space<vmem_shared>>
        tpu.wait_indirect_dma semaphore(%arg29 : memref<!tpu.dma_semaphore, #tpu.memory_space<semaphore_mem>>) src(%dma_wait3A_761 : memref<128x32xf32, #tpu.memory_space<vmem>>) dst(%dma_wait3A_767 : memref<10112x32xf32, #tpu.memory_space<vmem_shared>>)
      } else {
      }
      %lt3A_752 = arith.constant 80 : i32
      %lt3A_753 = arith.cmpi slt, %add3A_743, %lt3A_752 : i32
      %convert_element_type3A_754 = arith.extui %lt3A_753 : i1 to i32
      %cond3A_755 = arith.constant 0 : i32
      %cond3A_756 = arith.cmpi ne, %convert_element_type3A_754, %cond3A_755 : i32
      scf.if %cond3A_756 {
        %dma_start3A_757 = arith.constant 5 : i32
        %dma_start3A_758 = arith.constant 0 : i32
        %dma_start3A_759 = arith.constant 0 : i32
        %dma_start3A_760 = tpu.memref_slice %arg11[%dma_start3A_757, %dma_start3A_758, %dma_start3A_759] : memref<8x128x32xf32, #tpu.memory_space<vmem>> -> memref<1x128x32xf32, #tpu.memory_space<vmem>>
        %dma_start3A_761 = tpu.memref_squeeze %dma_start3A_760 : memref<1x128x32xf32, #tpu.memory_space<vmem>> -> memref<128x32xf32, #tpu.memory_space<vmem>>
        %dma_start3A_762 = arith.constant 0 : i32
        %dma_start3A_763 = tpu.memref_slice %arg9[%add3A_743, %dma_start3A_762] : memref<80x128xi32, #tpu.memory_space<vmem>> -> memref<1x128xi32, #tpu.memory_space<vmem>>
        %dma_start3A_764 = tpu.memref_squeeze %dma_start3A_763 : memref<1x128xi32, #tpu.memory_space<vmem>> -> memref<128xi32, #tpu.memory_space<vmem>>
        %dma_start3A_765 = arith.constant 0 : i32
        %dma_start3A_766 = arith.constant 0 : i32
        %dma_start3A_767 = tpu.memref_slice %arg14[%dma_start3A_765, %dma_start3A_766] : memref<10112x32xf32, #tpu.memory_space<vmem_shared>> -> memref<10112x32xf32, #tpu.memory_space<vmem_shared>>
        tpu.enqueue_indirect_dma source(%dma_start3A_767 : memref<10112x32xf32, #tpu.memory_space<vmem_shared>>) target(%dma_start3A_761 : memref<128x32xf32, #tpu.memory_space<vmem>>) offsets(%dma_start3A_764 : memref<128xi32, #tpu.memory_space<vmem>>) semaphore(%arg21 : memref<!tpu.dma_semaphore, #tpu.memory_space<semaphore_mem>>)
      } else {
      }
    }
    %scan3A_279 = arith.constant 10 : i32
    %dma_wait3A = arith.constant 0 : i32
    %dma_wait3A_280 = arith.constant 0 : i32
    %dma_wait3A_281 = arith.constant 0 : i32
    %dma_wait3A_282 = arith.constant 0 : i32
    %dma_wait3A_283 = tpu.memref_slice %arg11[%dma_wait3A, %dma_wait3A_281, %dma_wait3A_282] : memref<8x128x32xf32, #tpu.memory_space<vmem>> -> memref<1x128x32xf32, #tpu.memory_space<vmem>>
    %dma_wait3A_284 = tpu.memref_squeeze %dma_wait3A_283 : memref<1x128x32xf32, #tpu.memory_space<vmem>> -> memref<128x32xf32, #tpu.memory_space<vmem>>
    %dma_wait3A_285 = arith.constant 0 : i32
    %dma_wait3A_286 = tpu.memref_slice %arg10[%dma_wait3A_280, %dma_wait3A_285] : memref<80x128xi32, #tpu.memory_space<vmem>> -> memref<1x128xi32, #tpu.memory_space<vmem>>
    %dma_wait3A_287 = tpu.memref_squeeze %dma_wait3A_286 : memref<1x128xi32, #tpu.memory_space<vmem>> -> memref<128xi32, #tpu.memory_space<vmem>>
    %dma_wait3A_288 = arith.constant 0 : i32
    %dma_wait3A_289 = arith.constant 0 : i32
    %dma_wait3A_290 = tpu.memref_slice %arg13[%dma_wait3A_288, %dma_wait3A_289] : memref<10112x32xf32, #tpu.memory_space<vmem_shared>> -> memref<10112x32xf32, #tpu.memory_space<vmem_shared>>
    tpu.wait_indirect_dma semaphore(%arg24 : memref<!tpu.dma_semaphore, #tpu.memory_space<semaphore_mem>>) src(%dma_wait3A_284 : memref<128x32xf32, #tpu.memory_space<vmem>>) dst(%dma_wait3A_290 : memref<10112x32xf32, #tpu.memory_space<vmem_shared>>)
    %dma_wait3A_291 = arith.constant 1 : i32
    %dma_wait3A_292 = arith.constant 0 : i32
    %dma_wait3A_293 = arith.constant 0 : i32
    %dma_wait3A_294 = arith.constant 0 : i32
    %dma_wait3A_295 = tpu.memref_slice %arg11[%dma_wait3A_291, %dma_wait3A_293, %dma_wait3A_294] : memref<8x128x32xf32, #tpu.memory_space<vmem>> -> memref<1x128x32xf32, #tpu.memory_space<vmem>>
    %dma_wait3A_296 = tpu.memref_squeeze %dma_wait3A_295 : memref<1x128x32xf32, #tpu.memory_space<vmem>> -> memref<128x32xf32, #tpu.memory_space<vmem>>
    %dma_wait3A_297 = arith.constant 0 : i32
    %dma_wait3A_298 = tpu.memref_slice %arg10[%dma_wait3A_292, %dma_wait3A_297] : memref<80x128xi32, #tpu.memory_space<vmem>> -> memref<1x128xi32, #tpu.memory_space<vmem>>
    %dma_wait3A_299 = tpu.memref_squeeze %dma_wait3A_298 : memref<1x128xi32, #tpu.memory_space<vmem>> -> memref<128xi32, #tpu.memory_space<vmem>>
    %dma_wait3A_300 = arith.constant 0 : i32
    %dma_wait3A_301 = arith.constant 0 : i32
    %dma_wait3A_302 = tpu.memref_slice %arg13[%dma_wait3A_300, %dma_wait3A_301] : memref<10112x32xf32, #tpu.memory_space<vmem_shared>> -> memref<10112x32xf32, #tpu.memory_space<vmem_shared>>
    tpu.wait_indirect_dma semaphore(%arg25 : memref<!tpu.dma_semaphore, #tpu.memory_space<semaphore_mem>>) src(%dma_wait3A_296 : memref<128x32xf32, #tpu.memory_space<vmem>>) dst(%dma_wait3A_302 : memref<10112x32xf32, #tpu.memory_space<vmem_shared>>)
    %dma_wait3A_303 = arith.constant 2 : i32
    %dma_wait3A_304 = arith.constant 0 : i32
    %dma_wait3A_305 = arith.constant 0 : i32
    %dma_wait3A_306 = arith.constant 0 : i32
    %dma_wait3A_307 = tpu.memref_slice %arg11[%dma_wait3A_303, %dma_wait3A_305, %dma_wait3A_306] : memref<8x128x32xf32, #tpu.memory_space<vmem>> -> memref<1x128x32xf32, #tpu.memory_space<vmem>>
    %dma_wait3A_308 = tpu.memref_squeeze %dma_wait3A_307 : memref<1x128x32xf32, #tpu.memory_space<vmem>> -> memref<128x32xf32, #tpu.memory_space<vmem>>
    %dma_wait3A_309 = arith.constant 0 : i32
    %dma_wait3A_310 = tpu.memref_slice %arg10[%dma_wait3A_304, %dma_wait3A_309] : memref<80x128xi32, #tpu.memory_space<vmem>> -> memref<1x128xi32, #tpu.memory_space<vmem>>
    %dma_wait3A_311 = tpu.memref_squeeze %dma_wait3A_310 : memref<1x128xi32, #tpu.memory_space<vmem>> -> memref<128xi32, #tpu.memory_space<vmem>>
    %dma_wait3A_312 = arith.constant 0 : i32
    %dma_wait3A_313 = arith.constant 0 : i32
    %dma_wait3A_314 = tpu.memref_slice %arg13[%dma_wait3A_312, %dma_wait3A_313] : memref<10112x32xf32, #tpu.memory_space<vmem_shared>> -> memref<10112x32xf32, #tpu.memory_space<vmem_shared>>
    tpu.wait_indirect_dma semaphore(%arg26 : memref<!tpu.dma_semaphore, #tpu.memory_space<semaphore_mem>>) src(%dma_wait3A_308 : memref<128x32xf32, #tpu.memory_space<vmem>>) dst(%dma_wait3A_314 : memref<10112x32xf32, #tpu.memory_space<vmem_shared>>)
    %dma_wait3A_315 = arith.constant 3 : i32
    %dma_wait3A_316 = arith.constant 0 : i32
    %dma_wait3A_317 = arith.constant 0 : i32
    %dma_wait3A_318 = arith.constant 0 : i32
    %dma_wait3A_319 = tpu.memref_slice %arg11[%dma_wait3A_315, %dma_wait3A_317, %dma_wait3A_318] : memref<8x128x32xf32, #tpu.memory_space<vmem>> -> memref<1x128x32xf32, #tpu.memory_space<vmem>>
    %dma_wait3A_320 = tpu.memref_squeeze %dma_wait3A_319 : memref<1x128x32xf32, #tpu.memory_space<vmem>> -> memref<128x32xf32, #tpu.memory_space<vmem>>
    %dma_wait3A_321 = arith.constant 0 : i32
    %dma_wait3A_322 = tpu.memref_slice %arg10[%dma_wait3A_316, %dma_wait3A_321] : memref<80x128xi32, #tpu.memory_space<vmem>> -> memref<1x128xi32, #tpu.memory_space<vmem>>
    %dma_wait3A_323 = tpu.memref_squeeze %dma_wait3A_322 : memref<1x128xi32, #tpu.memory_space<vmem>> -> memref<128xi32, #tpu.memory_space<vmem>>
    %dma_wait3A_324 = arith.constant 0 : i32
    %dma_wait3A_325 = arith.constant 0 : i32
    %dma_wait3A_326 = tpu.memref_slice %arg13[%dma_wait3A_324, %dma_wait3A_325] : memref<10112x32xf32, #tpu.memory_space<vmem_shared>> -> memref<10112x32xf32, #tpu.memory_space<vmem_shared>>
    tpu.wait_indirect_dma semaphore(%arg27 : memref<!tpu.dma_semaphore, #tpu.memory_space<semaphore_mem>>) src(%dma_wait3A_320 : memref<128x32xf32, #tpu.memory_space<vmem>>) dst(%dma_wait3A_326 : memref<10112x32xf32, #tpu.memory_space<vmem_shared>>)
    %dma_wait3A_327 = arith.constant 4 : i32
    %dma_wait3A_328 = arith.constant 0 : i32
    %dma_wait3A_329 = arith.constant 0 : i32
    %dma_wait3A_330 = arith.constant 0 : i32
    %dma_wait3A_331 = tpu.memref_slice %arg11[%dma_wait3A_327, %dma_wait3A_329, %dma_wait3A_330] : memref<8x128x32xf32, #tpu.memory_space<vmem>> -> memref<1x128x32xf32, #tpu.memory_space<vmem>>
    %dma_wait3A_332 = tpu.memref_squeeze %dma_wait3A_331 : memref<1x128x32xf32, #tpu.memory_space<vmem>> -> memref<128x32xf32, #tpu.memory_space<vmem>>
    %dma_wait3A_333 = arith.constant 0 : i32
    %dma_wait3A_334 = tpu.memref_slice %arg10[%dma_wait3A_328, %dma_wait3A_333] : memref<80x128xi32, #tpu.memory_space<vmem>> -> memref<1x128xi32, #tpu.memory_space<vmem>>
    %dma_wait3A_335 = tpu.memref_squeeze %dma_wait3A_334 : memref<1x128xi32, #tpu.memory_space<vmem>> -> memref<128xi32, #tpu.memory_space<vmem>>
    %dma_wait3A_336 = arith.constant 0 : i32
    %dma_wait3A_337 = arith.constant 0 : i32
    %dma_wait3A_338 = tpu.memref_slice %arg13[%dma_wait3A_336, %dma_wait3A_337] : memref<10112x32xf32, #tpu.memory_space<vmem_shared>> -> memref<10112x32xf32, #tpu.memory_space<vmem_shared>>
    tpu.wait_indirect_dma semaphore(%arg28 : memref<!tpu.dma_semaphore, #tpu.memory_space<semaphore_mem>>) src(%dma_wait3A_332 : memref<128x32xf32, #tpu.memory_space<vmem>>) dst(%dma_wait3A_338 : memref<10112x32xf32, #tpu.memory_space<vmem_shared>>)
    %dma_wait3A_339 = arith.constant 5 : i32
    %dma_wait3A_340 = arith.constant 0 : i32
    %dma_wait3A_341 = arith.constant 0 : i32
    %dma_wait3A_342 = arith.constant 0 : i32
    %dma_wait3A_343 = tpu.memref_slice %arg11[%dma_wait3A_339, %dma_wait3A_341, %dma_wait3A_342] : memref<8x128x32xf32, #tpu.memory_space<vmem>> -> memref<1x128x32xf32, #tpu.memory_space<vmem>>
    %dma_wait3A_344 = tpu.memref_squeeze %dma_wait3A_343 : memref<1x128x32xf32, #tpu.memory_space<vmem>> -> memref<128x32xf32, #tpu.memory_space<vmem>>
    %dma_wait3A_345 = arith.constant 0 : i32
    %dma_wait3A_346 = tpu.memref_slice %arg10[%dma_wait3A_340, %dma_wait3A_345] : memref<80x128xi32, #tpu.memory_space<vmem>> -> memref<1x128xi32, #tpu.memory_space<vmem>>
    %dma_wait3A_347 = tpu.memref_squeeze %dma_wait3A_346 : memref<1x128xi32, #tpu.memory_space<vmem>> -> memref<128xi32, #tpu.memory_space<vmem>>
    %dma_wait3A_348 = arith.constant 0 : i32
    %dma_wait3A_349 = arith.constant 0 : i32
    %dma_wait3A_350 = tpu.memref_slice %arg13[%dma_wait3A_348, %dma_wait3A_349] : memref<10112x32xf32, #tpu.memory_space<vmem_shared>> -> memref<10112x32xf32, #tpu.memory_space<vmem_shared>>
    tpu.wait_indirect_dma semaphore(%arg29 : memref<!tpu.dma_semaphore, #tpu.memory_space<semaphore_mem>>) src(%dma_wait3A_344 : memref<128x32xf32, #tpu.memory_space<vmem>>) dst(%dma_wait3A_350 : memref<10112x32xf32, #tpu.memory_space<vmem_shared>>)
    %dma_wait3A_351 = arith.constant 6 : i32
    %dma_wait3A_352 = arith.constant 0 : i32
    %dma_wait3A_353 = arith.constant 0 : i32
    %dma_wait3A_354 = arith.constant 0 : i32
    %dma_wait3A_355 = tpu.memref_slice %arg11[%dma_wait3A_351, %dma_wait3A_353, %dma_wait3A_354] : memref<8x128x32xf32, #tpu.memory_space<vmem>> -> memref<1x128x32xf32, #tpu.memory_space<vmem>>
    %dma_wait3A_356 = tpu.memref_squeeze %dma_wait3A_355 : memref<1x128x32xf32, #tpu.memory_space<vmem>> -> memref<128x32xf32, #tpu.memory_space<vmem>>
    %dma_wait3A_357 = arith.constant 0 : i32
    %dma_wait3A_358 = tpu.memref_slice %arg10[%dma_wait3A_352, %dma_wait3A_357] : memref<80x128xi32, #tpu.memory_space<vmem>> -> memref<1x128xi32, #tpu.memory_space<vmem>>
    %dma_wait3A_359 = tpu.memref_squeeze %dma_wait3A_358 : memref<1x128xi32, #tpu.memory_space<vmem>> -> memref<128xi32, #tpu.memory_space<vmem>>
    %dma_wait3A_360 = arith.constant 0 : i32
    %dma_wait3A_361 = arith.constant 0 : i32
    %dma_wait3A_362 = tpu.memref_slice %arg13[%dma_wait3A_360, %dma_wait3A_361] : memref<10112x32xf32, #tpu.memory_space<vmem_shared>> -> memref<10112x32xf32, #tpu.memory_space<vmem_shared>>
    tpu.wait_indirect_dma semaphore(%arg30 : memref<!tpu.dma_semaphore, #tpu.memory_space<semaphore_mem>>) src(%dma_wait3A_356 : memref<128x32xf32, #tpu.memory_space<vmem>>) dst(%dma_wait3A_362 : memref<10112x32xf32, #tpu.memory_space<vmem_shared>>)
    %dma_wait3A_363 = arith.constant 7 : i32
    %dma_wait3A_364 = arith.constant 0 : i32
    %dma_wait3A_365 = arith.constant 0 : i32
    %dma_wait3A_366 = arith.constant 0 : i32
    %dma_wait3A_367 = tpu.memref_slice %arg11[%dma_wait3A_363, %dma_wait3A_365, %dma_wait3A_366] : memref<8x128x32xf32, #tpu.memory_space<vmem>> -> memref<1x128x32xf32, #tpu.memory_space<vmem>>
    %dma_wait3A_368 = tpu.memref_squeeze %dma_wait3A_367 : memref<1x128x32xf32, #tpu.memory_space<vmem>> -> memref<128x32xf32, #tpu.memory_space<vmem>>
    %dma_wait3A_369 = arith.constant 0 : i32
    %dma_wait3A_370 = tpu.memref_slice %arg10[%dma_wait3A_364, %dma_wait3A_369] : memref<80x128xi32, #tpu.memory_space<vmem>> -> memref<1x128xi32, #tpu.memory_space<vmem>>
    %dma_wait3A_371 = tpu.memref_squeeze %dma_wait3A_370 : memref<1x128xi32, #tpu.memory_space<vmem>> -> memref<128xi32, #tpu.memory_space<vmem>>
    %dma_wait3A_372 = arith.constant 0 : i32
    %dma_wait3A_373 = arith.constant 0 : i32
    %dma_wait3A_374 = tpu.memref_slice %arg13[%dma_wait3A_372, %dma_wait3A_373] : memref<10112x32xf32, #tpu.memory_space<vmem_shared>> -> memref<10112x32xf32, #tpu.memory_space<vmem_shared>>
    tpu.wait_indirect_dma semaphore(%arg31 : memref<!tpu.dma_semaphore, #tpu.memory_space<semaphore_mem>>) src(%dma_wait3A_368 : memref<128x32xf32, #tpu.memory_space<vmem>>) dst(%dma_wait3A_374 : memref<10112x32xf32, #tpu.memory_space<vmem_shared>>)
    %scan3A_375 = arith.constant 0 : i32
    %scan3A_376 = arith.constant 0 : i32
    %scan3A_377 = arith.constant 80 : i32
    %scan3A_378 = arith.addi %scan3A_376, %scan3A_377 : i32
    %scan3A_379 = arith.constant 1 : i32
    scf.for %scan3A_382 = %scan3A_376 to %scan3A_378 step %scan3A_379  : i32 {
      %dma_wait3A_383 = arith.constant 0 : i32
      %dma_wait3A_384 = arith.constant 0 : i32
      %dma_wait3A_385 = tpu.memref_slice %arg10[%dma_wait3A_383, %dma_wait3A_384] : memref<80x128xi32, #tpu.memory_space<vmem>> -> memref<1x128xi32, #tpu.memory_space<vmem>>
      %dma_wait3A_386 = tpu.memref_squeeze %dma_wait3A_385 : memref<1x128xi32, #tpu.memory_space<vmem>> -> memref<128xi32, #tpu.memory_space<vmem>>
      %dma_wait3A_387 = arith.constant 0 : i32
      %dma_wait3A_388 = arith.constant 0 : i32
      %dma_wait3A_389 = tpu.memref_slice %arg15[%dma_wait3A_387, %dma_wait3A_388] : memref<10112x32xf32, #tpu.memory_space<vmem_shared>> -> memref<10112x32xf32, #tpu.memory_space<vmem_shared>>
      tpu.wait_indirect_dma semaphore(%arg32 : memref<!tpu.dma_semaphore, #tpu.memory_space<semaphore_mem>>) src(%arg12 : memref<128x32xf32, #tpu.memory_space<vmem>>) dst(%dma_wait3A_389 : memref<10112x32xf32, #tpu.memory_space<vmem_shared>>)
    }
    %scan3A_380 = arith.constant 80 : i32
    %barrier3A_381 = arith.constant 0 : index
    tpu.barrier barrier_id(%barrier3A_381)
    "tpu.region"() ({
      %run_scoped3A_382 = tpu.sem_alloc : memref<!tpu.dma_semaphore, #tpu.memory_space<semaphore_mem>>
      %dma_start3A_383 = arith.constant 0 : i32
      %dma_start3A_384 = tpu.memref_slice %arg7[%arg0, %mul3A_2, %dma_start3A_383] : memref<2x10112x32xf32, #tpu.memory_space<hbm>> -> memref<1x632x32xf32, #tpu.memory_space<hbm>>
      %dma_start3A_385 = tpu.memref_squeeze %dma_start3A_384 : memref<1x632x32xf32, #tpu.memory_space<hbm>> -> memref<632x32xf32, #tpu.memory_space<hbm>>
      %dma_start3A_386 = arith.constant 0 : i32
      %dma_start3A_387 = tpu.memref_slice %arg13[%mul3A_2, %dma_start3A_386] : memref<10112x32xf32, #tpu.memory_space<vmem_shared>> -> memref<632x32xf32, #tpu.memory_space<vmem_shared>>
      tpu.enqueue_dma source(%dma_start3A_387 : memref<632x32xf32, #tpu.memory_space<vmem_shared>>) target(%dma_start3A_385 : memref<632x32xf32, #tpu.memory_space<hbm>>) target_semaphore(%run_scoped3A_382 : memref<!tpu.dma_semaphore, #tpu.memory_space<semaphore_mem>>)
      %dma_wait3A_388 = arith.constant 0 : i32
      %dma_wait3A_389 = tpu.memref_slice %arg7[%arg0, %mul3A_2, %dma_wait3A_388] : memref<2x10112x32xf32, #tpu.memory_space<hbm>> -> memref<1x632x32xf32, #tpu.memory_space<hbm>>
      %dma_wait3A_390 = tpu.memref_squeeze %dma_wait3A_389 : memref<1x632x32xf32, #tpu.memory_space<hbm>> -> memref<632x32xf32, #tpu.memory_space<hbm>>
      %dma_wait3A_391 = arith.constant 0 : i32
      %dma_wait3A_392 = tpu.memref_slice %arg13[%mul3A_2, %dma_wait3A_391] : memref<10112x32xf32, #tpu.memory_space<vmem_shared>> -> memref<632x32xf32, #tpu.memory_space<vmem_shared>>
      tpu.wait_dma2 semaphore(%run_scoped3A_382 : memref<!tpu.dma_semaphore, #tpu.memory_space<semaphore_mem>>) src(%dma_wait3A_392 : memref<632x32xf32, #tpu.memory_space<vmem_shared>>) dst(%dma_wait3A_390 : memref<632x32xf32, #tpu.memory_space<hbm>>)
      tpu.yield
    }) : () -> ()
    "tpu.region"() ({
      %run_scoped3A_382 = tpu.sem_alloc : memref<!tpu.dma_semaphore, #tpu.memory_space<semaphore_mem>>
      %dma_start3A_383 = arith.constant 0 : i32
      %dma_start3A_384 = tpu.memref_slice %arg8[%arg0, %mul3A_2, %dma_start3A_383] : memref<2x10112x32xf32, #tpu.memory_space<hbm>> -> memref<1x632x32xf32, #tpu.memory_space<hbm>>
      %dma_start3A_385 = tpu.memref_squeeze %dma_start3A_384 : memref<1x632x32xf32, #tpu.memory_space<hbm>> -> memref<632x32xf32, #tpu.memory_space<hbm>>
      %dma_start3A_386 = arith.constant 0 : i32
      %dma_start3A_387 = tpu.memref_slice %arg15[%mul3A_2, %dma_start3A_386] : memref<10112x32xf32, #tpu.memory_space<vmem_shared>> -> memref<632x32xf32, #tpu.memory_space<vmem_shared>>
      tpu.enqueue_dma source(%dma_start3A_387 : memref<632x32xf32, #tpu.memory_space<vmem_shared>>) target(%dma_start3A_385 : memref<632x32xf32, #tpu.memory_space<hbm>>) target_semaphore(%run_scoped3A_382 : memref<!tpu.dma_semaphore, #tpu.memory_space<semaphore_mem>>)
      %dma_wait3A_388 = arith.constant 0 : i32
      %dma_wait3A_389 = tpu.memref_slice %arg8[%arg0, %mul3A_2, %dma_wait3A_388] : memref<2x10112x32xf32, #tpu.memory_space<hbm>> -> memref<1x632x32xf32, #tpu.memory_space<hbm>>
      %dma_wait3A_390 = tpu.memref_squeeze %dma_wait3A_389 : memref<1x632x32xf32, #tpu.memory_space<hbm>> -> memref<632x32xf32, #tpu.memory_space<hbm>>
      %dma_wait3A_391 = arith.constant 0 : i32
      %dma_wait3A_392 = tpu.memref_slice %arg15[%mul3A_2, %dma_wait3A_391] : memref<10112x32xf32, #tpu.memory_space<vmem_shared>> -> memref<632x32xf32, #tpu.memory_space<vmem_shared>>
      tpu.wait_dma2 semaphore(%run_scoped3A_382 : memref<!tpu.dma_semaphore, #tpu.memory_space<semaphore_mem>>) src(%dma_wait3A_392 : memref<632x32xf32, #tpu.memory_space<vmem_shared>>) dst(%dma_wait3A_390 : memref<632x32xf32, #tpu.memory_space<hbm>>)
      tpu.yield
    }) : () -> ()
    return
  }
}

#map = affine_map<(d0, d1) -> (0, 0)>
#map1 = affine_map<(d0, d1) -> (0, 0, 0)>
module attributes {stable_mosaic.version = 14 : i64} {
  func.func @_sc_agg(%arg0: i32, %arg1: i32, %arg2: memref<10112x32xf32, #tpu.memory_space<hbm>>, %arg3: memref<2x2500x128xi32, #tpu.memory_space<hbm>>, %arg4: memref<10112x32xf32, #tpu.memory_space<hbm>>, %arg5: memref<2x10112x32xf32, #tpu.memory_space<hbm>>, %arg6: memref<80x128xi32, #tpu.memory_space<vmem>>, %arg7: memref<80x128xi32, #tpu.memory_space<vmem>>, %arg8: memref<8x128x32xf32, #tpu.memory_space<vmem>>, %arg9: memref<10112x32xf32, #tpu.memory_space<vmem_shared>>, %arg10: memref<10112x32xf32, #tpu.memory_space<vmem_shared>>, %arg11: memref<!tpu.dma_semaphore, #tpu.memory_space<semaphore_mem>>, %arg12: memref<!tpu.dma_semaphore, #tpu.memory_space<semaphore_mem>>, %arg13: memref<!tpu.dma_semaphore, #tpu.memory_space<semaphore_mem>>, %arg14: memref<!tpu.dma_semaphore, #tpu.memory_space<semaphore_mem>>, %arg15: memref<!tpu.dma_semaphore, #tpu.memory_space<semaphore_mem>>, %arg16: memref<!tpu.dma_semaphore, #tpu.memory_space<semaphore_mem>>, %arg17: memref<!tpu.dma_semaphore, #tpu.memory_space<semaphore_mem>>, %arg18: memref<!tpu.dma_semaphore, #tpu.memory_space<semaphore_mem>>, %arg19: memref<!tpu.dma_semaphore, #tpu.memory_space<semaphore_mem>>, %arg20: memref<!tpu.dma_semaphore, #tpu.memory_space<semaphore_mem>>, %arg21: memref<!tpu.dma_semaphore, #tpu.memory_space<semaphore_mem>>, %arg22: memref<!tpu.dma_semaphore, #tpu.memory_space<semaphore_mem>>, %arg23: memref<!tpu.dma_semaphore, #tpu.memory_space<semaphore_mem>>, %arg24: memref<!tpu.dma_semaphore, #tpu.memory_space<semaphore_mem>>, %arg25: memref<!tpu.dma_semaphore, #tpu.memory_space<semaphore_mem>>, %arg26: memref<!tpu.dma_semaphore, #tpu.memory_space<semaphore_mem>>, %arg27: memref<!tpu.dma_semaphore, #tpu.memory_space<semaphore_mem>>) attributes {dimension_semantics = [#tpu.dimension_semantics<core_parallel>, #tpu.dimension_semantics<subcore_parallel>], iteration_bounds = array<i64: 2, 16>, scalar_prefetch = 0 : i64, scratch_operands = 22 : i64, tpu.core_type = #tpu.core_type<sc_vector_subcore>, window_params = [{transform_indices = #map}, {transform_indices = #map1}, {transform_indices = #map}, {transform_indices = #map1}]} {
    %mul3A = arith.constant 16 : i32
    %mul3A_0 = arith.muli %arg0, %mul3A : i32
    %add3A = arith.addi %mul3A_0, %arg1 : i32
    %mul3A_1 = arith.constant 632 : i32
    %mul3A_2 = arith.muli %arg1, %mul3A_1 : i32
    "tpu.region"() ({
      %run_scoped3A_376 = tpu.sem_alloc : memref<!tpu.dma_semaphore, #tpu.memory_space<semaphore_mem>>
      %dma_start3A_377 = arith.constant 0 : i32
      %dma_start3A_378 = tpu.memref_slice %arg9[%mul3A_2, %dma_start3A_377] : memref<10112x32xf32, #tpu.memory_space<vmem_shared>> -> memref<632x32xf32, #tpu.memory_space<vmem_shared>>
      %dma_start3A_379 = arith.constant 0 : i32
      %dma_start3A_380 = tpu.memref_slice %arg4[%mul3A_2, %dma_start3A_379] : memref<10112x32xf32, #tpu.memory_space<hbm>> -> memref<632x32xf32, #tpu.memory_space<hbm>>
      tpu.enqueue_dma source(%dma_start3A_380 : memref<632x32xf32, #tpu.memory_space<hbm>>) target(%dma_start3A_378 : memref<632x32xf32, #tpu.memory_space<vmem_shared>>) target_semaphore(%run_scoped3A_376 : memref<!tpu.dma_semaphore, #tpu.memory_space<semaphore_mem>>)
      %dma_wait3A_381 = arith.constant 0 : i32
      %dma_wait3A_382 = tpu.memref_slice %arg9[%mul3A_2, %dma_wait3A_381] : memref<10112x32xf32, #tpu.memory_space<vmem_shared>> -> memref<632x32xf32, #tpu.memory_space<vmem_shared>>
      %dma_wait3A_383 = arith.constant 0 : i32
      %dma_wait3A_384 = tpu.memref_slice %arg4[%mul3A_2, %dma_wait3A_383] : memref<10112x32xf32, #tpu.memory_space<hbm>> -> memref<632x32xf32, #tpu.memory_space<hbm>>
      tpu.wait_dma2 semaphore(%run_scoped3A_376 : memref<!tpu.dma_semaphore, #tpu.memory_space<semaphore_mem>>) src(%dma_wait3A_384 : memref<632x32xf32, #tpu.memory_space<hbm>>) dst(%dma_wait3A_382 : memref<632x32xf32, #tpu.memory_space<vmem_shared>>)
      tpu.yield
    }) : () -> ()
    "tpu.region"() ({
      %run_scoped3A_376 = tpu.sem_alloc : memref<!tpu.dma_semaphore, #tpu.memory_space<semaphore_mem>>
      %dma_start3A_377 = arith.constant 0 : i32
      %dma_start3A_378 = tpu.memref_slice %arg10[%mul3A_2, %dma_start3A_377] : memref<10112x32xf32, #tpu.memory_space<vmem_shared>> -> memref<632x32xf32, #tpu.memory_space<vmem_shared>>
      %dma_start3A_379 = arith.constant 0 : i32
      %dma_start3A_380 = tpu.memref_slice %arg2[%mul3A_2, %dma_start3A_379] : memref<10112x32xf32, #tpu.memory_space<hbm>> -> memref<632x32xf32, #tpu.memory_space<hbm>>
      tpu.enqueue_dma source(%dma_start3A_380 : memref<632x32xf32, #tpu.memory_space<hbm>>) target(%dma_start3A_378 : memref<632x32xf32, #tpu.memory_space<vmem_shared>>) target_semaphore(%run_scoped3A_376 : memref<!tpu.dma_semaphore, #tpu.memory_space<semaphore_mem>>)
      %dma_wait3A_381 = arith.constant 0 : i32
      %dma_wait3A_382 = tpu.memref_slice %arg10[%mul3A_2, %dma_wait3A_381] : memref<10112x32xf32, #tpu.memory_space<vmem_shared>> -> memref<632x32xf32, #tpu.memory_space<vmem_shared>>
      %dma_wait3A_383 = arith.constant 0 : i32
      %dma_wait3A_384 = tpu.memref_slice %arg2[%mul3A_2, %dma_wait3A_383] : memref<10112x32xf32, #tpu.memory_space<hbm>> -> memref<632x32xf32, #tpu.memory_space<hbm>>
      tpu.wait_dma2 semaphore(%run_scoped3A_376 : memref<!tpu.dma_semaphore, #tpu.memory_space<semaphore_mem>>) src(%dma_wait3A_384 : memref<632x32xf32, #tpu.memory_space<hbm>>) dst(%dma_wait3A_382 : memref<632x32xf32, #tpu.memory_space<vmem_shared>>)
      tpu.yield
    }) : () -> ()
    %mul3A_3 = arith.constant 78 : i32
    %mul3A_4 = arith.muli %add3A, %mul3A_3 : i32
    %run_scoped3A = arith.constant 0 : i32
    "tpu.region"() ({
      %run_scoped3A_376 = tpu.sem_alloc : memref<!tpu.dma_semaphore, #tpu.memory_space<semaphore_mem>>
      %dma_start3A_377 = arith.constant 0 : i32
      %dma_start3A_378 = arith.constant 0 : i32
      %dma_start3A_379 = tpu.memref_slice %arg6[%dma_start3A_377, %dma_start3A_378] : memref<80x128xi32, #tpu.memory_space<vmem>> -> memref<78x128xi32, #tpu.memory_space<vmem>>
      %dma_start3A_380 = arith.constant 0 : i32
      %dma_start3A_381 = tpu.memref_slice %arg3[%run_scoped3A, %mul3A_4, %dma_start3A_380] : memref<2x2500x128xi32, #tpu.memory_space<hbm>> -> memref<1x78x128xi32, #tpu.memory_space<hbm>>
      %dma_start3A_382 = tpu.memref_squeeze %dma_start3A_381 : memref<1x78x128xi32, #tpu.memory_space<hbm>> -> memref<78x128xi32, #tpu.memory_space<hbm>>
      %dma_start3A_383 = arith.constant 0 : i32
      %dma_start3A_384 = arith.constant 0 : i32
      %dma_start3A_385 = tpu.memref_slice %arg6[%dma_start3A_383, %dma_start3A_384] : memref<80x128xi32, #tpu.memory_space<vmem>> -> memref<78x128xi32, #tpu.memory_space<vmem>>
      %dma_start3A_386 = arith.constant 0 : i32
      %dma_start3A_387 = tpu.memref_slice %arg3[%run_scoped3A, %mul3A_4, %dma_start3A_386] : memref<2x2500x128xi32, #tpu.memory_space<hbm>> -> memref<1x78x128xi32, #tpu.memory_space<hbm>>
      %dma_start3A_388 = tpu.memref_squeeze %dma_start3A_387 : memref<1x78x128xi32, #tpu.memory_space<hbm>> -> memref<78x128xi32, #tpu.memory_space<hbm>>
      tpu.enqueue_dma source(%dma_start3A_388 : memref<78x128xi32, #tpu.memory_space<hbm>>) target(%dma_start3A_385 : memref<78x128xi32, #tpu.memory_space<vmem>>) target_semaphore(%run_scoped3A_376 : memref<!tpu.dma_semaphore, #tpu.memory_space<semaphore_mem>>)
      %dma_wait3A_389 = arith.constant 0 : i32
      %dma_wait3A_390 = arith.constant 0 : i32
      %dma_wait3A_391 = tpu.memref_slice %arg6[%dma_wait3A_389, %dma_wait3A_390] : memref<80x128xi32, #tpu.memory_space<vmem>> -> memref<78x128xi32, #tpu.memory_space<vmem>>
      %dma_wait3A_392 = arith.constant 0 : i32
      %dma_wait3A_393 = tpu.memref_slice %arg3[%run_scoped3A, %mul3A_4, %dma_wait3A_392] : memref<2x2500x128xi32, #tpu.memory_space<hbm>> -> memref<1x78x128xi32, #tpu.memory_space<hbm>>
      %dma_wait3A_394 = tpu.memref_squeeze %dma_wait3A_393 : memref<1x78x128xi32, #tpu.memory_space<hbm>> -> memref<78x128xi32, #tpu.memory_space<hbm>>
      %dma_wait3A_395 = arith.constant 0 : i32
      %dma_wait3A_396 = arith.constant 0 : i32
      %dma_wait3A_397 = tpu.memref_slice %arg6[%dma_wait3A_395, %dma_wait3A_396] : memref<80x128xi32, #tpu.memory_space<vmem>> -> memref<78x128xi32, #tpu.memory_space<vmem>>
      %dma_wait3A_398 = arith.constant 0 : i32
      %dma_wait3A_399 = tpu.memref_slice %arg3[%run_scoped3A, %mul3A_4, %dma_wait3A_398] : memref<2x2500x128xi32, #tpu.memory_space<hbm>> -> memref<1x78x128xi32, #tpu.memory_space<hbm>>
      %dma_wait3A_400 = tpu.memref_squeeze %dma_wait3A_399 : memref<1x78x128xi32, #tpu.memory_space<hbm>> -> memref<78x128xi32, #tpu.memory_space<hbm>>
      tpu.wait_dma2 semaphore(%run_scoped3A_376 : memref<!tpu.dma_semaphore, #tpu.memory_space<semaphore_mem>>) src(%dma_wait3A_400 : memref<78x128xi32, #tpu.memory_space<hbm>>) dst(%dma_wait3A_397 : memref<78x128xi32, #tpu.memory_space<vmem>>)
      tpu.yield
    }) : () -> ()
    %mul3A_5 = arith.constant 78 : i32
    %mul3A_6 = arith.muli %add3A, %mul3A_5 : i32
    %run_scoped3A_7 = arith.constant 1 : i32
    "tpu.region"() ({
      %run_scoped3A_376 = tpu.sem_alloc : memref<!tpu.dma_semaphore, #tpu.memory_space<semaphore_mem>>
      %dma_start3A_377 = arith.constant 0 : i32
      %dma_start3A_378 = arith.constant 0 : i32
      %dma_start3A_379 = tpu.memref_slice %arg7[%dma_start3A_377, %dma_start3A_378] : memref<80x128xi32, #tpu.memory_space<vmem>> -> memref<78x128xi32, #tpu.memory_space<vmem>>
      %dma_start3A_380 = arith.constant 0 : i32
      %dma_start3A_381 = tpu.memref_slice %arg3[%run_scoped3A_7, %mul3A_6, %dma_start3A_380] : memref<2x2500x128xi32, #tpu.memory_space<hbm>> -> memref<1x78x128xi32, #tpu.memory_space<hbm>>
      %dma_start3A_382 = tpu.memref_squeeze %dma_start3A_381 : memref<1x78x128xi32, #tpu.memory_space<hbm>> -> memref<78x128xi32, #tpu.memory_space<hbm>>
      %dma_start3A_383 = arith.constant 0 : i32
      %dma_start3A_384 = arith.constant 0 : i32
      %dma_start3A_385 = tpu.memref_slice %arg7[%dma_start3A_383, %dma_start3A_384] : memref<80x128xi32, #tpu.memory_space<vmem>> -> memref<78x128xi32, #tpu.memory_space<vmem>>
      %dma_start3A_386 = arith.constant 0 : i32
      %dma_start3A_387 = tpu.memref_slice %arg3[%run_scoped3A_7, %mul3A_6, %dma_start3A_386] : memref<2x2500x128xi32, #tpu.memory_space<hbm>> -> memref<1x78x128xi32, #tpu.memory_space<hbm>>
      %dma_start3A_388 = tpu.memref_squeeze %dma_start3A_387 : memref<1x78x128xi32, #tpu.memory_space<hbm>> -> memref<78x128xi32, #tpu.memory_space<hbm>>
      tpu.enqueue_dma source(%dma_start3A_388 : memref<78x128xi32, #tpu.memory_space<hbm>>) target(%dma_start3A_385 : memref<78x128xi32, #tpu.memory_space<vmem>>) target_semaphore(%run_scoped3A_376 : memref<!tpu.dma_semaphore, #tpu.memory_space<semaphore_mem>>)
      %dma_wait3A_389 = arith.constant 0 : i32
      %dma_wait3A_390 = arith.constant 0 : i32
      %dma_wait3A_391 = tpu.memref_slice %arg7[%dma_wait3A_389, %dma_wait3A_390] : memref<80x128xi32, #tpu.memory_space<vmem>> -> memref<78x128xi32, #tpu.memory_space<vmem>>
      %dma_wait3A_392 = arith.constant 0 : i32
      %dma_wait3A_393 = tpu.memref_slice %arg3[%run_scoped3A_7, %mul3A_6, %dma_wait3A_392] : memref<2x2500x128xi32, #tpu.memory_space<hbm>> -> memref<1x78x128xi32, #tpu.memory_space<hbm>>
      %dma_wait3A_394 = tpu.memref_squeeze %dma_wait3A_393 : memref<1x78x128xi32, #tpu.memory_space<hbm>> -> memref<78x128xi32, #tpu.memory_space<hbm>>
      %dma_wait3A_395 = arith.constant 0 : i32
      %dma_wait3A_396 = arith.constant 0 : i32
      %dma_wait3A_397 = tpu.memref_slice %arg7[%dma_wait3A_395, %dma_wait3A_396] : memref<80x128xi32, #tpu.memory_space<vmem>> -> memref<78x128xi32, #tpu.memory_space<vmem>>
      %dma_wait3A_398 = arith.constant 0 : i32
      %dma_wait3A_399 = tpu.memref_slice %arg3[%run_scoped3A_7, %mul3A_6, %dma_wait3A_398] : memref<2x2500x128xi32, #tpu.memory_space<hbm>> -> memref<1x78x128xi32, #tpu.memory_space<hbm>>
      %dma_wait3A_400 = tpu.memref_squeeze %dma_wait3A_399 : memref<1x78x128xi32, #tpu.memory_space<hbm>> -> memref<78x128xi32, #tpu.memory_space<hbm>>
      tpu.wait_dma2 semaphore(%run_scoped3A_376 : memref<!tpu.dma_semaphore, #tpu.memory_space<semaphore_mem>>) src(%dma_wait3A_400 : memref<78x128xi32, #tpu.memory_space<hbm>>) dst(%dma_wait3A_397 : memref<78x128xi32, #tpu.memory_space<vmem>>)
      tpu.yield
    }) : () -> ()
    %broadcast_in_dim3A = arith.constant 0 : i32
    %broadcast_in_dim3A_8 = vector.broadcast %broadcast_in_dim3A : i32 to vector<16xi32>
    %broadcast_in_dim3A_9 = arith.constant 10000 : i32
    %broadcast_in_dim3A_10 = vector.broadcast %broadcast_in_dim3A_9 : i32 to vector<16xi32>
    %swap3A = arith.constant 78 : i32
    %swap3A_11 = arith.index_cast %swap3A : i32 to index
    %swap3A_12 = arith.constant 0 : index
    %swap3A_13 = tpu.vector_load %arg6[%swap3A_11, %swap3A_12] {strides = array<i32>} : memref<80x128xi32, #tpu.memory_space<vmem>>, vector<1x16xi32>,
    %swap3A_14 = vector.shape_cast %swap3A_13 : vector<1x16xi32> to vector<16xi32>
    %swap3A_15 = vector.shape_cast %broadcast_in_dim3A_8 : vector<16xi32> to vector<1x16xi32>
    tpu.vector_store %arg6[%swap3A_11, %swap3A_12], %swap3A_15 {strides = array<i32>} : memref<80x128xi32, #tpu.memory_space<vmem>>, vector<1x16xi32>,
    %swap3A_16 = arith.constant 78 : i32
    %swap3A_17 = arith.index_cast %swap3A_16 : i32 to index
    %swap3A_18 = arith.constant 0 : index
    %swap3A_19 = tpu.vector_load %arg7[%swap3A_17, %swap3A_18] {strides = array<i32>} : memref<80x128xi32, #tpu.memory_space<vmem>>, vector<1x16xi32>,
    %swap3A_20 = vector.shape_cast %swap3A_19 : vector<1x16xi32> to vector<16xi32>
    %swap3A_21 = vector.shape_cast %broadcast_in_dim3A_10 : vector<16xi32> to vector<1x16xi32>
    tpu.vector_store %arg7[%swap3A_17, %swap3A_18], %swap3A_21 {strides = array<i32>} : memref<80x128xi32, #tpu.memory_space<vmem>>, vector<1x16xi32>,
    %swap3A_22 = arith.constant 78 : i32
    %swap3A_23 = arith.index_cast %swap3A_22 : i32 to index
    %swap3A_24 = arith.constant 16 : index
    %swap3A_25 = tpu.vector_load %arg6[%swap3A_23, %swap3A_24] {strides = array<i32>} : memref<80x128xi32, #tpu.memory_space<vmem>>, vector<1x16xi32>,
    %swap3A_26 = vector.shape_cast %swap3A_25 : vector<1x16xi32> to vector<16xi32>
    %swap3A_27 = vector.shape_cast %broadcast_in_dim3A_8 : vector<16xi32> to vector<1x16xi32>
    tpu.vector_store %arg6[%swap3A_23, %swap3A_24], %swap3A_27 {strides = array<i32>} : memref<80x128xi32, #tpu.memory_space<vmem>>, vector<1x16xi32>,
    %swap3A_28 = arith.constant 78 : i32
    %swap3A_29 = arith.index_cast %swap3A_28 : i32 to index
    %swap3A_30 = arith.constant 16 : index
    %swap3A_31 = tpu.vector_load %arg7[%swap3A_29, %swap3A_30] {strides = array<i32>} : memref<80x128xi32, #tpu.memory_space<vmem>>, vector<1x16xi32>,
    %swap3A_32 = vector.shape_cast %swap3A_31 : vector<1x16xi32> to vector<16xi32>
    %swap3A_33 = vector.shape_cast %broadcast_in_dim3A_10 : vector<16xi32> to vector<1x16xi32>
    tpu.vector_store %arg7[%swap3A_29, %swap3A_30], %swap3A_33 {strides = array<i32>} : memref<80x128xi32, #tpu.memory_space<vmem>>, vector<1x16xi32>,
    %swap3A_34 = arith.constant 78 : i32
    %swap3A_35 = arith.index_cast %swap3A_34 : i32 to index
    %swap3A_36 = arith.constant 32 : index
    %swap3A_37 = tpu.vector_load %arg6[%swap3A_35, %swap3A_36] {strides = array<i32>} : memref<80x128xi32, #tpu.memory_space<vmem>>, vector<1x16xi32>,
    %swap3A_38 = vector.shape_cast %swap3A_37 : vector<1x16xi32> to vector<16xi32>
    %swap3A_39 = vector.shape_cast %broadcast_in_dim3A_8 : vector<16xi32> to vector<1x16xi32>
    tpu.vector_store %arg6[%swap3A_35, %swap3A_36], %swap3A_39 {strides = array<i32>} : memref<80x128xi32, #tpu.memory_space<vmem>>, vector<1x16xi32>,
    %swap3A_40 = arith.constant 78 : i32
    %swap3A_41 = arith.index_cast %swap3A_40 : i32 to index
    %swap3A_42 = arith.constant 32 : index
    %swap3A_43 = tpu.vector_load %arg7[%swap3A_41, %swap3A_42] {strides = array<i32>} : memref<80x128xi32, #tpu.memory_space<vmem>>, vector<1x16xi32>,
    %swap3A_44 = vector.shape_cast %swap3A_43 : vector<1x16xi32> to vector<16xi32>
    %swap3A_45 = vector.shape_cast %broadcast_in_dim3A_10 : vector<16xi32> to vector<1x16xi32>
    tpu.vector_store %arg7[%swap3A_41, %swap3A_42], %swap3A_45 {strides = array<i32>} : memref<80x128xi32, #tpu.memory_space<vmem>>, vector<1x16xi32>,
    %swap3A_46 = arith.constant 78 : i32
    %swap3A_47 = arith.index_cast %swap3A_46 : i32 to index
    %swap3A_48 = arith.constant 48 : index
    %swap3A_49 = tpu.vector_load %arg6[%swap3A_47, %swap3A_48] {strides = array<i32>} : memref<80x128xi32, #tpu.memory_space<vmem>>, vector<1x16xi32>,
    %swap3A_50 = vector.shape_cast %swap3A_49 : vector<1x16xi32> to vector<16xi32>
    %swap3A_51 = vector.shape_cast %broadcast_in_dim3A_8 : vector<16xi32> to vector<1x16xi32>
    tpu.vector_store %arg6[%swap3A_47, %swap3A_48], %swap3A_51 {strides = array<i32>} : memref<80x128xi32, #tpu.memory_space<vmem>>, vector<1x16xi32>,
    %swap3A_52 = arith.constant 78 : i32
    %swap3A_53 = arith.index_cast %swap3A_52 : i32 to index
    %swap3A_54 = arith.constant 48 : index
    %swap3A_55 = tpu.vector_load %arg7[%swap3A_53, %swap3A_54] {strides = array<i32>} : memref<80x128xi32, #tpu.memory_space<vmem>>, vector<1x16xi32>,
    %swap3A_56 = vector.shape_cast %swap3A_55 : vector<1x16xi32> to vector<16xi32>
    %swap3A_57 = vector.shape_cast %broadcast_in_dim3A_10 : vector<16xi32> to vector<1x16xi32>
    tpu.vector_store %arg7[%swap3A_53, %swap3A_54], %swap3A_57 {strides = array<i32>} : memref<80x128xi32, #tpu.memory_space<vmem>>, vector<1x16xi32>,
    %swap3A_58 = arith.constant 78 : i32
    %swap3A_59 = arith.index_cast %swap3A_58 : i32 to index
    %swap3A_60 = arith.constant 64 : index
    %swap3A_61 = tpu.vector_load %arg6[%swap3A_59, %swap3A_60] {strides = array<i32>} : memref<80x128xi32, #tpu.memory_space<vmem>>, vector<1x16xi32>,
    %swap3A_62 = vector.shape_cast %swap3A_61 : vector<1x16xi32> to vector<16xi32>
    %swap3A_63 = vector.shape_cast %broadcast_in_dim3A_8 : vector<16xi32> to vector<1x16xi32>
    tpu.vector_store %arg6[%swap3A_59, %swap3A_60], %swap3A_63 {strides = array<i32>} : memref<80x128xi32, #tpu.memory_space<vmem>>, vector<1x16xi32>,
    %swap3A_64 = arith.constant 78 : i32
    %swap3A_65 = arith.index_cast %swap3A_64 : i32 to index
    %swap3A_66 = arith.constant 64 : index
    %swap3A_67 = tpu.vector_load %arg7[%swap3A_65, %swap3A_66] {strides = array<i32>} : memref<80x128xi32, #tpu.memory_space<vmem>>, vector<1x16xi32>,
    %swap3A_68 = vector.shape_cast %swap3A_67 : vector<1x16xi32> to vector<16xi32>
    %swap3A_69 = vector.shape_cast %broadcast_in_dim3A_10 : vector<16xi32> to vector<1x16xi32>
    tpu.vector_store %arg7[%swap3A_65, %swap3A_66], %swap3A_69 {strides = array<i32>} : memref<80x128xi32, #tpu.memory_space<vmem>>, vector<1x16xi32>,
    %swap3A_70 = arith.constant 78 : i32
    %swap3A_71 = arith.index_cast %swap3A_70 : i32 to index
    %swap3A_72 = arith.constant 80 : index
    %swap3A_73 = tpu.vector_load %arg6[%swap3A_71, %swap3A_72] {strides = array<i32>} : memref<80x128xi32, #tpu.memory_space<vmem>>, vector<1x16xi32>,
    %swap3A_74 = vector.shape_cast %swap3A_73 : vector<1x16xi32> to vector<16xi32>
    %swap3A_75 = vector.shape_cast %broadcast_in_dim3A_8 : vector<16xi32> to vector<1x16xi32>
    tpu.vector_store %arg6[%swap3A_71, %swap3A_72], %swap3A_75 {strides = array<i32>} : memref<80x128xi32, #tpu.memory_space<vmem>>, vector<1x16xi32>,
    %swap3A_76 = arith.constant 78 : i32
    %swap3A_77 = arith.index_cast %swap3A_76 : i32 to index
    %swap3A_78 = arith.constant 80 : index
    %swap3A_79 = tpu.vector_load %arg7[%swap3A_77, %swap3A_78] {strides = array<i32>} : memref<80x128xi32, #tpu.memory_space<vmem>>, vector<1x16xi32>,
    %swap3A_80 = vector.shape_cast %swap3A_79 : vector<1x16xi32> to vector<16xi32>
    %swap3A_81 = vector.shape_cast %broadcast_in_dim3A_10 : vector<16xi32> to vector<1x16xi32>
    tpu.vector_store %arg7[%swap3A_77, %swap3A_78], %swap3A_81 {strides = array<i32>} : memref<80x128xi32, #tpu.memory_space<vmem>>, vector<1x16xi32>,
    %swap3A_82 = arith.constant 78 : i32
    %swap3A_83 = arith.index_cast %swap3A_82 : i32 to index
    %swap3A_84 = arith.constant 96 : index
    %swap3A_85 = tpu.vector_load %arg6[%swap3A_83, %swap3A_84] {strides = array<i32>} : memref<80x128xi32, #tpu.memory_space<vmem>>, vector<1x16xi32>,
    %swap3A_86 = vector.shape_cast %swap3A_85 : vector<1x16xi32> to vector<16xi32>
    %swap3A_87 = vector.shape_cast %broadcast_in_dim3A_8 : vector<16xi32> to vector<1x16xi32>
    tpu.vector_store %arg6[%swap3A_83, %swap3A_84], %swap3A_87 {strides = array<i32>} : memref<80x128xi32, #tpu.memory_space<vmem>>, vector<1x16xi32>,
    %swap3A_88 = arith.constant 78 : i32
    %swap3A_89 = arith.index_cast %swap3A_88 : i32 to index
    %swap3A_90 = arith.constant 96 : index
    %swap3A_91 = tpu.vector_load %arg7[%swap3A_89, %swap3A_90] {strides = array<i32>} : memref<80x128xi32, #tpu.memory_space<vmem>>, vector<1x16xi32>,
    %swap3A_92 = vector.shape_cast %swap3A_91 : vector<1x16xi32> to vector<16xi32>
    %swap3A_93 = vector.shape_cast %broadcast_in_dim3A_10 : vector<16xi32> to vector<1x16xi32>
    tpu.vector_store %arg7[%swap3A_89, %swap3A_90], %swap3A_93 {strides = array<i32>} : memref<80x128xi32, #tpu.memory_space<vmem>>, vector<1x16xi32>,
    %swap3A_94 = arith.constant 78 : i32
    %swap3A_95 = arith.index_cast %swap3A_94 : i32 to index
    %swap3A_96 = arith.constant 112 : index
    %swap3A_97 = tpu.vector_load %arg6[%swap3A_95, %swap3A_96] {strides = array<i32>} : memref<80x128xi32, #tpu.memory_space<vmem>>, vector<1x16xi32>,
    %swap3A_98 = vector.shape_cast %swap3A_97 : vector<1x16xi32> to vector<16xi32>
    %swap3A_99 = vector.shape_cast %broadcast_in_dim3A_8 : vector<16xi32> to vector<1x16xi32>
    tpu.vector_store %arg6[%swap3A_95, %swap3A_96], %swap3A_99 {strides = array<i32>} : memref<80x128xi32, #tpu.memory_space<vmem>>, vector<1x16xi32>,
    %swap3A_100 = arith.constant 78 : i32
    %swap3A_101 = arith.index_cast %swap3A_100 : i32 to index
    %swap3A_102 = arith.constant 112 : index
    %swap3A_103 = tpu.vector_load %arg7[%swap3A_101, %swap3A_102] {strides = array<i32>} : memref<80x128xi32, #tpu.memory_space<vmem>>, vector<1x16xi32>,
    %swap3A_104 = vector.shape_cast %swap3A_103 : vector<1x16xi32> to vector<16xi32>
    %swap3A_105 = vector.shape_cast %broadcast_in_dim3A_10 : vector<16xi32> to vector<1x16xi32>
    tpu.vector_store %arg7[%swap3A_101, %swap3A_102], %swap3A_105 {strides = array<i32>} : memref<80x128xi32, #tpu.memory_space<vmem>>, vector<1x16xi32>,
    %swap3A_106 = arith.constant 79 : i32
    %swap3A_107 = arith.index_cast %swap3A_106 : i32 to index
    %swap3A_108 = arith.constant 0 : index
    %swap3A_109 = tpu.vector_load %arg6[%swap3A_107, %swap3A_108] {strides = array<i32>} : memref<80x128xi32, #tpu.memory_space<vmem>>, vector<1x16xi32>,
    %swap3A_110 = vector.shape_cast %swap3A_109 : vector<1x16xi32> to vector<16xi32>
    %swap3A_111 = vector.shape_cast %broadcast_in_dim3A_8 : vector<16xi32> to vector<1x16xi32>
    tpu.vector_store %arg6[%swap3A_107, %swap3A_108], %swap3A_111 {strides = array<i32>} : memref<80x128xi32, #tpu.memory_space<vmem>>, vector<1x16xi32>,
    %swap3A_112 = arith.constant 79 : i32
    %swap3A_113 = arith.index_cast %swap3A_112 : i32 to index
    %swap3A_114 = arith.constant 0 : index
    %swap3A_115 = tpu.vector_load %arg7[%swap3A_113, %swap3A_114] {strides = array<i32>} : memref<80x128xi32, #tpu.memory_space<vmem>>, vector<1x16xi32>,
    %swap3A_116 = vector.shape_cast %swap3A_115 : vector<1x16xi32> to vector<16xi32>
    %swap3A_117 = vector.shape_cast %broadcast_in_dim3A_10 : vector<16xi32> to vector<1x16xi32>
    tpu.vector_store %arg7[%swap3A_113, %swap3A_114], %swap3A_117 {strides = array<i32>} : memref<80x128xi32, #tpu.memory_space<vmem>>, vector<1x16xi32>,
    %swap3A_118 = arith.constant 79 : i32
    %swap3A_119 = arith.index_cast %swap3A_118 : i32 to index
    %swap3A_120 = arith.constant 16 : index
    %swap3A_121 = tpu.vector_load %arg6[%swap3A_119, %swap3A_120] {strides = array<i32>} : memref<80x128xi32, #tpu.memory_space<vmem>>, vector<1x16xi32>,
    %swap3A_122 = vector.shape_cast %swap3A_121 : vector<1x16xi32> to vector<16xi32>
    %swap3A_123 = vector.shape_cast %broadcast_in_dim3A_8 : vector<16xi32> to vector<1x16xi32>
    tpu.vector_store %arg6[%swap3A_119, %swap3A_120], %swap3A_123 {strides = array<i32>} : memref<80x128xi32, #tpu.memory_space<vmem>>, vector<1x16xi32>,
    %swap3A_124 = arith.constant 79 : i32
    %swap3A_125 = arith.index_cast %swap3A_124 : i32 to index
    %swap3A_126 = arith.constant 16 : index
    %swap3A_127 = tpu.vector_load %arg7[%swap3A_125, %swap3A_126] {strides = array<i32>} : memref<80x128xi32, #tpu.memory_space<vmem>>, vector<1x16xi32>,
    %swap3A_128 = vector.shape_cast %swap3A_127 : vector<1x16xi32> to vector<16xi32>
    %swap3A_129 = vector.shape_cast %broadcast_in_dim3A_10 : vector<16xi32> to vector<1x16xi32>
    tpu.vector_store %arg7[%swap3A_125, %swap3A_126], %swap3A_129 {strides = array<i32>} : memref<80x128xi32, #tpu.memory_space<vmem>>, vector<1x16xi32>,
    %swap3A_130 = arith.constant 79 : i32
    %swap3A_131 = arith.index_cast %swap3A_130 : i32 to index
    %swap3A_132 = arith.constant 32 : index
    %swap3A_133 = tpu.vector_load %arg6[%swap3A_131, %swap3A_132] {strides = array<i32>} : memref<80x128xi32, #tpu.memory_space<vmem>>, vector<1x16xi32>,
    %swap3A_134 = vector.shape_cast %swap3A_133 : vector<1x16xi32> to vector<16xi32>
    %swap3A_135 = vector.shape_cast %broadcast_in_dim3A_8 : vector<16xi32> to vector<1x16xi32>
    tpu.vector_store %arg6[%swap3A_131, %swap3A_132], %swap3A_135 {strides = array<i32>} : memref<80x128xi32, #tpu.memory_space<vmem>>, vector<1x16xi32>,
    %swap3A_136 = arith.constant 79 : i32
    %swap3A_137 = arith.index_cast %swap3A_136 : i32 to index
    %swap3A_138 = arith.constant 32 : index
    %swap3A_139 = tpu.vector_load %arg7[%swap3A_137, %swap3A_138] {strides = array<i32>} : memref<80x128xi32, #tpu.memory_space<vmem>>, vector<1x16xi32>,
    %swap3A_140 = vector.shape_cast %swap3A_139 : vector<1x16xi32> to vector<16xi32>
    %swap3A_141 = vector.shape_cast %broadcast_in_dim3A_10 : vector<16xi32> to vector<1x16xi32>
    tpu.vector_store %arg7[%swap3A_137, %swap3A_138], %swap3A_141 {strides = array<i32>} : memref<80x128xi32, #tpu.memory_space<vmem>>, vector<1x16xi32>,
    %swap3A_142 = arith.constant 79 : i32
    %swap3A_143 = arith.index_cast %swap3A_142 : i32 to index
    %swap3A_144 = arith.constant 48 : index
    %swap3A_145 = tpu.vector_load %arg6[%swap3A_143, %swap3A_144] {strides = array<i32>} : memref<80x128xi32, #tpu.memory_space<vmem>>, vector<1x16xi32>,
    %swap3A_146 = vector.shape_cast %swap3A_145 : vector<1x16xi32> to vector<16xi32>
    %swap3A_147 = vector.shape_cast %broadcast_in_dim3A_8 : vector<16xi32> to vector<1x16xi32>
    tpu.vector_store %arg6[%swap3A_143, %swap3A_144], %swap3A_147 {strides = array<i32>} : memref<80x128xi32, #tpu.memory_space<vmem>>, vector<1x16xi32>,
    %swap3A_148 = arith.constant 79 : i32
    %swap3A_149 = arith.index_cast %swap3A_148 : i32 to index
    %swap3A_150 = arith.constant 48 : index
    %swap3A_151 = tpu.vector_load %arg7[%swap3A_149, %swap3A_150] {strides = array<i32>} : memref<80x128xi32, #tpu.memory_space<vmem>>, vector<1x16xi32>,
    %swap3A_152 = vector.shape_cast %swap3A_151 : vector<1x16xi32> to vector<16xi32>
    %swap3A_153 = vector.shape_cast %broadcast_in_dim3A_10 : vector<16xi32> to vector<1x16xi32>
    tpu.vector_store %arg7[%swap3A_149, %swap3A_150], %swap3A_153 {strides = array<i32>} : memref<80x128xi32, #tpu.memory_space<vmem>>, vector<1x16xi32>,
    %swap3A_154 = arith.constant 79 : i32
    %swap3A_155 = arith.index_cast %swap3A_154 : i32 to index
    %swap3A_156 = arith.constant 64 : index
    %swap3A_157 = tpu.vector_load %arg6[%swap3A_155, %swap3A_156] {strides = array<i32>} : memref<80x128xi32, #tpu.memory_space<vmem>>, vector<1x16xi32>,
    %swap3A_158 = vector.shape_cast %swap3A_157 : vector<1x16xi32> to vector<16xi32>
    %swap3A_159 = vector.shape_cast %broadcast_in_dim3A_8 : vector<16xi32> to vector<1x16xi32>
    tpu.vector_store %arg6[%swap3A_155, %swap3A_156], %swap3A_159 {strides = array<i32>} : memref<80x128xi32, #tpu.memory_space<vmem>>, vector<1x16xi32>,
    %swap3A_160 = arith.constant 79 : i32
    %swap3A_161 = arith.index_cast %swap3A_160 : i32 to index
    %swap3A_162 = arith.constant 64 : index
    %swap3A_163 = tpu.vector_load %arg7[%swap3A_161, %swap3A_162] {strides = array<i32>} : memref<80x128xi32, #tpu.memory_space<vmem>>, vector<1x16xi32>,
    %swap3A_164 = vector.shape_cast %swap3A_163 : vector<1x16xi32> to vector<16xi32>
    %swap3A_165 = vector.shape_cast %broadcast_in_dim3A_10 : vector<16xi32> to vector<1x16xi32>
    tpu.vector_store %arg7[%swap3A_161, %swap3A_162], %swap3A_165 {strides = array<i32>} : memref<80x128xi32, #tpu.memory_space<vmem>>, vector<1x16xi32>,
    %swap3A_166 = arith.constant 79 : i32
    %swap3A_167 = arith.index_cast %swap3A_166 : i32 to index
    %swap3A_168 = arith.constant 80 : index
    %swap3A_169 = tpu.vector_load %arg6[%swap3A_167, %swap3A_168] {strides = array<i32>} : memref<80x128xi32, #tpu.memory_space<vmem>>, vector<1x16xi32>,
    %swap3A_170 = vector.shape_cast %swap3A_169 : vector<1x16xi32> to vector<16xi32>
    %swap3A_171 = vector.shape_cast %broadcast_in_dim3A_8 : vector<16xi32> to vector<1x16xi32>
    tpu.vector_store %arg6[%swap3A_167, %swap3A_168], %swap3A_171 {strides = array<i32>} : memref<80x128xi32, #tpu.memory_space<vmem>>, vector<1x16xi32>,
    %swap3A_172 = arith.constant 79 : i32
    %swap3A_173 = arith.index_cast %swap3A_172 : i32 to index
    %swap3A_174 = arith.constant 80 : index
    %swap3A_175 = tpu.vector_load %arg7[%swap3A_173, %swap3A_174] {strides = array<i32>} : memref<80x128xi32, #tpu.memory_space<vmem>>, vector<1x16xi32>,
    %swap3A_176 = vector.shape_cast %swap3A_175 : vector<1x16xi32> to vector<16xi32>
    %swap3A_177 = vector.shape_cast %broadcast_in_dim3A_10 : vector<16xi32> to vector<1x16xi32>
    tpu.vector_store %arg7[%swap3A_173, %swap3A_174], %swap3A_177 {strides = array<i32>} : memref<80x128xi32, #tpu.memory_space<vmem>>, vector<1x16xi32>,
    %swap3A_178 = arith.constant 79 : i32
    %swap3A_179 = arith.index_cast %swap3A_178 : i32 to index
    %swap3A_180 = arith.constant 96 : index
    %swap3A_181 = tpu.vector_load %arg6[%swap3A_179, %swap3A_180] {strides = array<i32>} : memref<80x128xi32, #tpu.memory_space<vmem>>, vector<1x16xi32>,
    %swap3A_182 = vector.shape_cast %swap3A_181 : vector<1x16xi32> to vector<16xi32>
    %swap3A_183 = vector.shape_cast %broadcast_in_dim3A_8 : vector<16xi32> to vector<1x16xi32>
    tpu.vector_store %arg6[%swap3A_179, %swap3A_180], %swap3A_183 {strides = array<i32>} : memref<80x128xi32, #tpu.memory_space<vmem>>, vector<1x16xi32>,
    %swap3A_184 = arith.constant 79 : i32
    %swap3A_185 = arith.index_cast %swap3A_184 : i32 to index
    %swap3A_186 = arith.constant 96 : index
    %swap3A_187 = tpu.vector_load %arg7[%swap3A_185, %swap3A_186] {strides = array<i32>} : memref<80x128xi32, #tpu.memory_space<vmem>>, vector<1x16xi32>,
    %swap3A_188 = vector.shape_cast %swap3A_187 : vector<1x16xi32> to vector<16xi32>
    %swap3A_189 = vector.shape_cast %broadcast_in_dim3A_10 : vector<16xi32> to vector<1x16xi32>
    tpu.vector_store %arg7[%swap3A_185, %swap3A_186], %swap3A_189 {strides = array<i32>} : memref<80x128xi32, #tpu.memory_space<vmem>>, vector<1x16xi32>,
    %swap3A_190 = arith.constant 79 : i32
    %swap3A_191 = arith.index_cast %swap3A_190 : i32 to index
    %swap3A_192 = arith.constant 112 : index
    %swap3A_193 = tpu.vector_load %arg6[%swap3A_191, %swap3A_192] {strides = array<i32>} : memref<80x128xi32, #tpu.memory_space<vmem>>, vector<1x16xi32>,
    %swap3A_194 = vector.shape_cast %swap3A_193 : vector<1x16xi32> to vector<16xi32>
    %swap3A_195 = vector.shape_cast %broadcast_in_dim3A_8 : vector<16xi32> to vector<1x16xi32>
    tpu.vector_store %arg6[%swap3A_191, %swap3A_192], %swap3A_195 {strides = array<i32>} : memref<80x128xi32, #tpu.memory_space<vmem>>, vector<1x16xi32>,
    %swap3A_196 = arith.constant 79 : i32
    %swap3A_197 = arith.index_cast %swap3A_196 : i32 to index
    %swap3A_198 = arith.constant 112 : index
    %swap3A_199 = tpu.vector_load %arg7[%swap3A_197, %swap3A_198] {strides = array<i32>} : memref<80x128xi32, #tpu.memory_space<vmem>>, vector<1x16xi32>,
    %swap3A_200 = vector.shape_cast %swap3A_199 : vector<1x16xi32> to vector<16xi32>
    %swap3A_201 = vector.shape_cast %broadcast_in_dim3A_10 : vector<16xi32> to vector<1x16xi32>
    tpu.vector_store %arg7[%swap3A_197, %swap3A_198], %swap3A_201 {strides = array<i32>} : memref<80x128xi32, #tpu.memory_space<vmem>>, vector<1x16xi32>,
    %lt3A = arith.constant 4 : i32
    %lt3A_202 = arith.cmpi slt, %add3A, %lt3A : i32
    %convert_element_type3A = arith.extui %lt3A_202 : i1 to i32
    %cond3A = arith.constant 0 : i32
    %cond3A_203 = arith.cmpi ne, %convert_element_type3A, %cond3A : i32
    scf.if %cond3A_203 {
      %add3A_376 = arith.constant 2496 : i32
      %add3A_377 = arith.addi %add3A_376, %add3A : i32
      %run_scoped3A_378 = arith.constant 0 : i32
      "tpu.region"() ({
        %run_scoped3A_382 = tpu.sem_alloc : memref<!tpu.dma_semaphore, #tpu.memory_space<semaphore_mem>>
        %dma_start3A_383 = arith.constant 78 : i32
        %dma_start3A_384 = arith.constant 0 : i32
        %dma_start3A_385 = tpu.memref_slice %arg6[%dma_start3A_383, %dma_start3A_384] : memref<80x128xi32, #tpu.memory_space<vmem>> -> memref<1x128xi32, #tpu.memory_space<vmem>>
        %dma_start3A_386 = arith.constant 0 : i32
        %dma_start3A_387 = tpu.memref_slice %arg3[%run_scoped3A_378, %add3A_377, %dma_start3A_386] : memref<2x2500x128xi32, #tpu.memory_space<hbm>> -> memref<1x1x128xi32, #tpu.memory_space<hbm>>
        %dma_start3A_388 = tpu.memref_squeeze %dma_start3A_387 : memref<1x1x128xi32, #tpu.memory_space<hbm>> -> memref<1x128xi32, #tpu.memory_space<hbm>>
        %dma_start3A_389 = arith.constant 78 : i32
        %dma_start3A_390 = arith.constant 0 : i32
        %dma_start3A_391 = tpu.memref_slice %arg6[%dma_start3A_389, %dma_start3A_390] : memref<80x128xi32, #tpu.memory_space<vmem>> -> memref<1x128xi32, #tpu.memory_space<vmem>>
        %dma_start3A_392 = arith.constant 0 : i32
        %dma_start3A_393 = tpu.memref_slice %arg3[%run_scoped3A_378, %add3A_377, %dma_start3A_392] : memref<2x2500x128xi32, #tpu.memory_space<hbm>> -> memref<1x1x128xi32, #tpu.memory_space<hbm>>
        %dma_start3A_394 = tpu.memref_squeeze %dma_start3A_393 : memref<1x1x128xi32, #tpu.memory_space<hbm>> -> memref<1x128xi32, #tpu.memory_space<hbm>>
        tpu.enqueue_dma source(%dma_start3A_394 : memref<1x128xi32, #tpu.memory_space<hbm>>) target(%dma_start3A_391 : memref<1x128xi32, #tpu.memory_space<vmem>>) target_semaphore(%run_scoped3A_382 : memref<!tpu.dma_semaphore, #tpu.memory_space<semaphore_mem>>)
        %dma_wait3A_395 = arith.constant 78 : i32
        %dma_wait3A_396 = arith.constant 0 : i32
        %dma_wait3A_397 = tpu.memref_slice %arg6[%dma_wait3A_395, %dma_wait3A_396] : memref<80x128xi32, #tpu.memory_space<vmem>> -> memref<1x128xi32, #tpu.memory_space<vmem>>
        %dma_wait3A_398 = arith.constant 0 : i32
        %dma_wait3A_399 = tpu.memref_slice %arg3[%run_scoped3A_378, %add3A_377, %dma_wait3A_398] : memref<2x2500x128xi32, #tpu.memory_space<hbm>> -> memref<1x1x128xi32, #tpu.memory_space<hbm>>
        %dma_wait3A_400 = tpu.memref_squeeze %dma_wait3A_399 : memref<1x1x128xi32, #tpu.memory_space<hbm>> -> memref<1x128xi32, #tpu.memory_space<hbm>>
        %dma_wait3A_401 = arith.constant 78 : i32
        %dma_wait3A_402 = arith.constant 0 : i32
        %dma_wait3A_403 = tpu.memref_slice %arg6[%dma_wait3A_401, %dma_wait3A_402] : memref<80x128xi32, #tpu.memory_space<vmem>> -> memref<1x128xi32, #tpu.memory_space<vmem>>
        %dma_wait3A_404 = arith.constant 0 : i32
        %dma_wait3A_405 = tpu.memref_slice %arg3[%run_scoped3A_378, %add3A_377, %dma_wait3A_404] : memref<2x2500x128xi32, #tpu.memory_space<hbm>> -> memref<1x1x128xi32, #tpu.memory_space<hbm>>
        %dma_wait3A_406 = tpu.memref_squeeze %dma_wait3A_405 : memref<1x1x128xi32, #tpu.memory_space<hbm>> -> memref<1x128xi32, #tpu.memory_space<hbm>>
        tpu.wait_dma2 semaphore(%run_scoped3A_382 : memref<!tpu.dma_semaphore, #tpu.memory_space<semaphore_mem>>) src(%dma_wait3A_406 : memref<1x128xi32, #tpu.memory_space<hbm>>) dst(%dma_wait3A_403 : memref<1x128xi32, #tpu.memory_space<vmem>>)
        tpu.yield
      }) : () -> ()
      %add3A_379 = arith.constant 2496 : i32
      %add3A_380 = arith.addi %add3A_379, %add3A : i32
      %run_scoped3A_381 = arith.constant 1 : i32
      "tpu.region"() ({
        %run_scoped3A_382 = tpu.sem_alloc : memref<!tpu.dma_semaphore, #tpu.memory_space<semaphore_mem>>
        %dma_start3A_383 = arith.constant 78 : i32
        %dma_start3A_384 = arith.constant 0 : i32
        %dma_start3A_385 = tpu.memref_slice %arg7[%dma_start3A_383, %dma_start3A_384] : memref<80x128xi32, #tpu.memory_space<vmem>> -> memref<1x128xi32, #tpu.memory_space<vmem>>
        %dma_start3A_386 = arith.constant 0 : i32
        %dma_start3A_387 = tpu.memref_slice %arg3[%run_scoped3A_381, %add3A_380, %dma_start3A_386] : memref<2x2500x128xi32, #tpu.memory_space<hbm>> -> memref<1x1x128xi32, #tpu.memory_space<hbm>>
        %dma_start3A_388 = tpu.memref_squeeze %dma_start3A_387 : memref<1x1x128xi32, #tpu.memory_space<hbm>> -> memref<1x128xi32, #tpu.memory_space<hbm>>
        %dma_start3A_389 = arith.constant 78 : i32
        %dma_start3A_390 = arith.constant 0 : i32
        %dma_start3A_391 = tpu.memref_slice %arg7[%dma_start3A_389, %dma_start3A_390] : memref<80x128xi32, #tpu.memory_space<vmem>> -> memref<1x128xi32, #tpu.memory_space<vmem>>
        %dma_start3A_392 = arith.constant 0 : i32
        %dma_start3A_393 = tpu.memref_slice %arg3[%run_scoped3A_381, %add3A_380, %dma_start3A_392] : memref<2x2500x128xi32, #tpu.memory_space<hbm>> -> memref<1x1x128xi32, #tpu.memory_space<hbm>>
        %dma_start3A_394 = tpu.memref_squeeze %dma_start3A_393 : memref<1x1x128xi32, #tpu.memory_space<hbm>> -> memref<1x128xi32, #tpu.memory_space<hbm>>
        tpu.enqueue_dma source(%dma_start3A_394 : memref<1x128xi32, #tpu.memory_space<hbm>>) target(%dma_start3A_391 : memref<1x128xi32, #tpu.memory_space<vmem>>) target_semaphore(%run_scoped3A_382 : memref<!tpu.dma_semaphore, #tpu.memory_space<semaphore_mem>>)
        %dma_wait3A_395 = arith.constant 78 : i32
        %dma_wait3A_396 = arith.constant 0 : i32
        %dma_wait3A_397 = tpu.memref_slice %arg7[%dma_wait3A_395, %dma_wait3A_396] : memref<80x128xi32, #tpu.memory_space<vmem>> -> memref<1x128xi32, #tpu.memory_space<vmem>>
        %dma_wait3A_398 = arith.constant 0 : i32
        %dma_wait3A_399 = tpu.memref_slice %arg3[%run_scoped3A_381, %add3A_380, %dma_wait3A_398] : memref<2x2500x128xi32, #tpu.memory_space<hbm>> -> memref<1x1x128xi32, #tpu.memory_space<hbm>>
        %dma_wait3A_400 = tpu.memref_squeeze %dma_wait3A_399 : memref<1x1x128xi32, #tpu.memory_space<hbm>> -> memref<1x128xi32, #tpu.memory_space<hbm>>
        %dma_wait3A_401 = arith.constant 78 : i32
        %dma_wait3A_402 = arith.constant 0 : i32
        %dma_wait3A_403 = tpu.memref_slice %arg7[%dma_wait3A_401, %dma_wait3A_402] : memref<80x128xi32, #tpu.memory_space<vmem>> -> memref<1x128xi32, #tpu.memory_space<vmem>>
        %dma_wait3A_404 = arith.constant 0 : i32
        %dma_wait3A_405 = tpu.memref_slice %arg3[%run_scoped3A_381, %add3A_380, %dma_wait3A_404] : memref<2x2500x128xi32, #tpu.memory_space<hbm>> -> memref<1x1x128xi32, #tpu.memory_space<hbm>>
        %dma_wait3A_406 = tpu.memref_squeeze %dma_wait3A_405 : memref<1x1x128xi32, #tpu.memory_space<hbm>> -> memref<1x128xi32, #tpu.memory_space<hbm>>
        tpu.wait_dma2 semaphore(%run_scoped3A_382 : memref<!tpu.dma_semaphore, #tpu.memory_space<semaphore_mem>>) src(%dma_wait3A_406 : memref<1x128xi32, #tpu.memory_space<hbm>>) dst(%dma_wait3A_403 : memref<1x128xi32, #tpu.memory_space<vmem>>)
        tpu.yield
      }) : () -> ()
    } else {
    }
    %barrier3A = arith.constant 0 : index
    tpu.barrier barrier_id(%barrier3A)
    %dma_start3A = arith.constant 0 : i32
    %dma_start3A_204 = arith.constant 0 : i32
    %dma_start3A_205 = arith.constant 0 : i32
    %dma_start3A_206 = arith.constant 0 : i32
    %dma_start3A_207 = tpu.memref_slice %arg8[%dma_start3A_204, %dma_start3A_205, %dma_start3A_206] : memref<8x128x32xf32, #tpu.memory_space<vmem>> -> memref<1x128x32xf32, #tpu.memory_space<vmem>>
    %dma_start3A_208 = tpu.memref_squeeze %dma_start3A_207 : memref<1x128x32xf32, #tpu.memory_space<vmem>> -> memref<128x32xf32, #tpu.memory_space<vmem>>
    %dma_start3A_209 = arith.constant 0 : i32
    %dma_start3A_210 = tpu.memref_slice %arg6[%dma_start3A, %dma_start3A_209] : memref<80x128xi32, #tpu.memory_space<vmem>> -> memref<1x128xi32, #tpu.memory_space<vmem>>
    %dma_start3A_211 = tpu.memref_squeeze %dma_start3A_210 : memref<1x128xi32, #tpu.memory_space<vmem>> -> memref<128xi32, #tpu.memory_space<vmem>>
    %dma_start3A_212 = arith.constant 0 : i32
    %dma_start3A_213 = arith.constant 0 : i32
    %dma_start3A_214 = tpu.memref_slice %arg10[%dma_start3A_212, %dma_start3A_213] : memref<10112x32xf32, #tpu.memory_space<vmem_shared>> -> memref<10112x32xf32, #tpu.memory_space<vmem_shared>>
    tpu.enqueue_indirect_dma source(%dma_start3A_214 : memref<10112x32xf32, #tpu.memory_space<vmem_shared>>) target(%dma_start3A_208 : memref<128x32xf32, #tpu.memory_space<vmem>>) offsets(%dma_start3A_211 : memref<128xi32, #tpu.memory_space<vmem>>) semaphore(%arg11 : memref<!tpu.dma_semaphore, #tpu.memory_space<semaphore_mem>>)
    %dma_start3A_215 = arith.constant 1 : i32
    %dma_start3A_216 = arith.constant 1 : i32
    %dma_start3A_217 = arith.constant 0 : i32
    %dma_start3A_218 = arith.constant 0 : i32
    %dma_start3A_219 = tpu.memref_slice %arg8[%dma_start3A_216, %dma_start3A_217, %dma_start3A_218] : memref<8x128x32xf32, #tpu.memory_space<vmem>> -> memref<1x128x32xf32, #tpu.memory_space<vmem>>
    %dma_start3A_220 = tpu.memref_squeeze %dma_start3A_219 : memref<1x128x32xf32, #tpu.memory_space<vmem>> -> memref<128x32xf32, #tpu.memory_space<vmem>>
    %dma_start3A_221 = arith.constant 0 : i32
    %dma_start3A_222 = tpu.memref_slice %arg6[%dma_start3A_215, %dma_start3A_221] : memref<80x128xi32, #tpu.memory_space<vmem>> -> memref<1x128xi32, #tpu.memory_space<vmem>>
    %dma_start3A_223 = tpu.memref_squeeze %dma_start3A_222 : memref<1x128xi32, #tpu.memory_space<vmem>> -> memref<128xi32, #tpu.memory_space<vmem>>
    %dma_start3A_224 = arith.constant 0 : i32
    %dma_start3A_225 = arith.constant 0 : i32
    %dma_start3A_226 = tpu.memref_slice %arg10[%dma_start3A_224, %dma_start3A_225] : memref<10112x32xf32, #tpu.memory_space<vmem_shared>> -> memref<10112x32xf32, #tpu.memory_space<vmem_shared>>
    tpu.enqueue_indirect_dma source(%dma_start3A_226 : memref<10112x32xf32, #tpu.memory_space<vmem_shared>>) target(%dma_start3A_220 : memref<128x32xf32, #tpu.memory_space<vmem>>) offsets(%dma_start3A_223 : memref<128xi32, #tpu.memory_space<vmem>>) semaphore(%arg12 : memref<!tpu.dma_semaphore, #tpu.memory_space<semaphore_mem>>)
    %dma_start3A_227 = arith.constant 2 : i32
    %dma_start3A_228 = arith.constant 2 : i32
    %dma_start3A_229 = arith.constant 0 : i32
    %dma_start3A_230 = arith.constant 0 : i32
    %dma_start3A_231 = tpu.memref_slice %arg8[%dma_start3A_228, %dma_start3A_229, %dma_start3A_230] : memref<8x128x32xf32, #tpu.memory_space<vmem>> -> memref<1x128x32xf32, #tpu.memory_space<vmem>>
    %dma_start3A_232 = tpu.memref_squeeze %dma_start3A_231 : memref<1x128x32xf32, #tpu.memory_space<vmem>> -> memref<128x32xf32, #tpu.memory_space<vmem>>
    %dma_start3A_233 = arith.constant 0 : i32
    %dma_start3A_234 = tpu.memref_slice %arg6[%dma_start3A_227, %dma_start3A_233] : memref<80x128xi32, #tpu.memory_space<vmem>> -> memref<1x128xi32, #tpu.memory_space<vmem>>
    %dma_start3A_235 = tpu.memref_squeeze %dma_start3A_234 : memref<1x128xi32, #tpu.memory_space<vmem>> -> memref<128xi32, #tpu.memory_space<vmem>>
    %dma_start3A_236 = arith.constant 0 : i32
    %dma_start3A_237 = arith.constant 0 : i32
    %dma_start3A_238 = tpu.memref_slice %arg10[%dma_start3A_236, %dma_start3A_237] : memref<10112x32xf32, #tpu.memory_space<vmem_shared>> -> memref<10112x32xf32, #tpu.memory_space<vmem_shared>>
    tpu.enqueue_indirect_dma source(%dma_start3A_238 : memref<10112x32xf32, #tpu.memory_space<vmem_shared>>) target(%dma_start3A_232 : memref<128x32xf32, #tpu.memory_space<vmem>>) offsets(%dma_start3A_235 : memref<128xi32, #tpu.memory_space<vmem>>) semaphore(%arg13 : memref<!tpu.dma_semaphore, #tpu.memory_space<semaphore_mem>>)
    %dma_start3A_239 = arith.constant 3 : i32
    %dma_start3A_240 = arith.constant 3 : i32
    %dma_start3A_241 = arith.constant 0 : i32
    %dma_start3A_242 = arith.constant 0 : i32
    %dma_start3A_243 = tpu.memref_slice %arg8[%dma_start3A_240, %dma_start3A_241, %dma_start3A_242] : memref<8x128x32xf32, #tpu.memory_space<vmem>> -> memref<1x128x32xf32, #tpu.memory_space<vmem>>
    %dma_start3A_244 = tpu.memref_squeeze %dma_start3A_243 : memref<1x128x32xf32, #tpu.memory_space<vmem>> -> memref<128x32xf32, #tpu.memory_space<vmem>>
    %dma_start3A_245 = arith.constant 0 : i32
    %dma_start3A_246 = tpu.memref_slice %arg6[%dma_start3A_239, %dma_start3A_245] : memref<80x128xi32, #tpu.memory_space<vmem>> -> memref<1x128xi32, #tpu.memory_space<vmem>>
    %dma_start3A_247 = tpu.memref_squeeze %dma_start3A_246 : memref<1x128xi32, #tpu.memory_space<vmem>> -> memref<128xi32, #tpu.memory_space<vmem>>
    %dma_start3A_248 = arith.constant 0 : i32
    %dma_start3A_249 = arith.constant 0 : i32
    %dma_start3A_250 = tpu.memref_slice %arg10[%dma_start3A_248, %dma_start3A_249] : memref<10112x32xf32, #tpu.memory_space<vmem_shared>> -> memref<10112x32xf32, #tpu.memory_space<vmem_shared>>
    tpu.enqueue_indirect_dma source(%dma_start3A_250 : memref<10112x32xf32, #tpu.memory_space<vmem_shared>>) target(%dma_start3A_244 : memref<128x32xf32, #tpu.memory_space<vmem>>) offsets(%dma_start3A_247 : memref<128xi32, #tpu.memory_space<vmem>>) semaphore(%arg14 : memref<!tpu.dma_semaphore, #tpu.memory_space<semaphore_mem>>)
    %dma_start3A_251 = arith.constant 4 : i32
    %dma_start3A_252 = arith.constant 4 : i32
    %dma_start3A_253 = arith.constant 0 : i32
    %dma_start3A_254 = arith.constant 0 : i32
    %dma_start3A_255 = tpu.memref_slice %arg8[%dma_start3A_252, %dma_start3A_253, %dma_start3A_254] : memref<8x128x32xf32, #tpu.memory_space<vmem>> -> memref<1x128x32xf32, #tpu.memory_space<vmem>>
    %dma_start3A_256 = tpu.memref_squeeze %dma_start3A_255 : memref<1x128x32xf32, #tpu.memory_space<vmem>> -> memref<128x32xf32, #tpu.memory_space<vmem>>
    %dma_start3A_257 = arith.constant 0 : i32
    %dma_start3A_258 = tpu.memref_slice %arg6[%dma_start3A_251, %dma_start3A_257] : memref<80x128xi32, #tpu.memory_space<vmem>> -> memref<1x128xi32, #tpu.memory_space<vmem>>
    %dma_start3A_259 = tpu.memref_squeeze %dma_start3A_258 : memref<1x128xi32, #tpu.memory_space<vmem>> -> memref<128xi32, #tpu.memory_space<vmem>>
    %dma_start3A_260 = arith.constant 0 : i32
    %dma_start3A_261 = arith.constant 0 : i32
    %dma_start3A_262 = tpu.memref_slice %arg10[%dma_start3A_260, %dma_start3A_261] : memref<10112x32xf32, #tpu.memory_space<vmem_shared>> -> memref<10112x32xf32, #tpu.memory_space<vmem_shared>>
    tpu.enqueue_indirect_dma source(%dma_start3A_262 : memref<10112x32xf32, #tpu.memory_space<vmem_shared>>) target(%dma_start3A_256 : memref<128x32xf32, #tpu.memory_space<vmem>>) offsets(%dma_start3A_259 : memref<128xi32, #tpu.memory_space<vmem>>) semaphore(%arg15 : memref<!tpu.dma_semaphore, #tpu.memory_space<semaphore_mem>>)
    %dma_start3A_263 = arith.constant 5 : i32
    %dma_start3A_264 = arith.constant 5 : i32
    %dma_start3A_265 = arith.constant 0 : i32
    %dma_start3A_266 = arith.constant 0 : i32
    %dma_start3A_267 = tpu.memref_slice %arg8[%dma_start3A_264, %dma_start3A_265, %dma_start3A_266] : memref<8x128x32xf32, #tpu.memory_space<vmem>> -> memref<1x128x32xf32, #tpu.memory_space<vmem>>
    %dma_start3A_268 = tpu.memref_squeeze %dma_start3A_267 : memref<1x128x32xf32, #tpu.memory_space<vmem>> -> memref<128x32xf32, #tpu.memory_space<vmem>>
    %dma_start3A_269 = arith.constant 0 : i32
    %dma_start3A_270 = tpu.memref_slice %arg6[%dma_start3A_263, %dma_start3A_269] : memref<80x128xi32, #tpu.memory_space<vmem>> -> memref<1x128xi32, #tpu.memory_space<vmem>>
    %dma_start3A_271 = tpu.memref_squeeze %dma_start3A_270 : memref<1x128xi32, #tpu.memory_space<vmem>> -> memref<128xi32, #tpu.memory_space<vmem>>
    %dma_start3A_272 = arith.constant 0 : i32
    %dma_start3A_273 = arith.constant 0 : i32
    %dma_start3A_274 = tpu.memref_slice %arg10[%dma_start3A_272, %dma_start3A_273] : memref<10112x32xf32, #tpu.memory_space<vmem_shared>> -> memref<10112x32xf32, #tpu.memory_space<vmem_shared>>
    tpu.enqueue_indirect_dma source(%dma_start3A_274 : memref<10112x32xf32, #tpu.memory_space<vmem_shared>>) target(%dma_start3A_268 : memref<128x32xf32, #tpu.memory_space<vmem>>) offsets(%dma_start3A_271 : memref<128xi32, #tpu.memory_space<vmem>>) semaphore(%arg16 : memref<!tpu.dma_semaphore, #tpu.memory_space<semaphore_mem>>)
    %scan3A = arith.constant 0 : i32
    %scan3A_275 = arith.constant 0 : i32
    %scan3A_276 = arith.constant 10 : i32
    %scan3A_277 = arith.addi %scan3A_275, %scan3A_276 : i32
    %scan3A_278 = arith.constant 1 : i32
    scf.for %scan3A_376 = %scan3A_275 to %scan3A_277 step %scan3A_278  : i32 {
      %mul3A_377 = arith.constant 8 : i32
      %mul3A_378 = arith.muli %scan3A_376, %mul3A_377 : i32
      %add3A_379 = arith.constant 0 : i32
      %add3A_380 = arith.addi %mul3A_378, %add3A_379 : i32
      %dma_wait3A_381 = arith.constant 0 : i32
      %dma_wait3A_382 = arith.constant 0 : i32
      %dma_wait3A_383 = arith.constant 0 : i32
      %dma_wait3A_384 = tpu.memref_slice %arg8[%dma_wait3A_381, %dma_wait3A_382, %dma_wait3A_383] : memref<8x128x32xf32, #tpu.memory_space<vmem>> -> memref<1x128x32xf32, #tpu.memory_space<vmem>>
      %dma_wait3A_385 = tpu.memref_squeeze %dma_wait3A_384 : memref<1x128x32xf32, #tpu.memory_space<vmem>> -> memref<128x32xf32, #tpu.memory_space<vmem>>
      %dma_wait3A_386 = arith.constant 0 : i32
      %dma_wait3A_387 = tpu.memref_slice %arg6[%add3A_380, %dma_wait3A_386] : memref<80x128xi32, #tpu.memory_space<vmem>> -> memref<1x128xi32, #tpu.memory_space<vmem>>
      %dma_wait3A_388 = tpu.memref_squeeze %dma_wait3A_387 : memref<1x128xi32, #tpu.memory_space<vmem>> -> memref<128xi32, #tpu.memory_space<vmem>>
      %dma_wait3A_389 = arith.constant 0 : i32
      %dma_wait3A_390 = arith.constant 0 : i32
      %dma_wait3A_391 = tpu.memref_slice %arg10[%dma_wait3A_389, %dma_wait3A_390] : memref<10112x32xf32, #tpu.memory_space<vmem_shared>> -> memref<10112x32xf32, #tpu.memory_space<vmem_shared>>
      tpu.wait_indirect_dma semaphore(%arg11 : memref<!tpu.dma_semaphore, #tpu.memory_space<semaphore_mem>>) src(%dma_wait3A_391 : memref<10112x32xf32, #tpu.memory_space<vmem_shared>>) dst(%dma_wait3A_385 : memref<128x32xf32, #tpu.memory_space<vmem>>)
      %dma_start3A_392 = arith.constant 0 : i32
      %dma_start3A_393 = arith.constant 0 : i32
      %dma_start3A_394 = arith.constant 0 : i32
      %dma_start3A_395 = tpu.memref_slice %arg8[%dma_start3A_392, %dma_start3A_393, %dma_start3A_394] : memref<8x128x32xf32, #tpu.memory_space<vmem>> -> memref<1x128x32xf32, #tpu.memory_space<vmem>>
      %dma_start3A_396 = tpu.memref_squeeze %dma_start3A_395 : memref<1x128x32xf32, #tpu.memory_space<vmem>> -> memref<128x32xf32, #tpu.memory_space<vmem>>
      %dma_start3A_397 = arith.constant 0 : i32
      %dma_start3A_398 = tpu.memref_slice %arg7[%add3A_380, %dma_start3A_397] : memref<80x128xi32, #tpu.memory_space<vmem>> -> memref<1x128xi32, #tpu.memory_space<vmem>>
      %dma_start3A_399 = tpu.memref_squeeze %dma_start3A_398 : memref<1x128xi32, #tpu.memory_space<vmem>> -> memref<128xi32, #tpu.memory_space<vmem>>
      %dma_start3A_400 = arith.constant 0 : i32
      %dma_start3A_401 = arith.constant 0 : i32
      %dma_start3A_402 = tpu.memref_slice %arg9[%dma_start3A_400, %dma_start3A_401] : memref<10112x32xf32, #tpu.memory_space<vmem_shared>> -> memref<10112x32xf32, #tpu.memory_space<vmem_shared>>
      tpu.enqueue_indirect_dma source(%dma_start3A_396 : memref<128x32xf32, #tpu.memory_space<vmem>>) target(%dma_start3A_402 : memref<10112x32xf32, #tpu.memory_space<vmem_shared>>) offsets(%dma_start3A_399 : memref<128xi32, #tpu.memory_space<vmem>>) semaphore(%arg19 : memref<!tpu.dma_semaphore, #tpu.memory_space<semaphore_mem>>) {add = true}
      %add3A_403 = arith.constant 6 : i32
      %add3A_404 = arith.addi %add3A_380, %add3A_403 : i32
      %lt3A_405 = arith.constant 80 : i32
      %lt3A_406 = arith.cmpi slt, %add3A_404, %lt3A_405 : i32
      %ge3A = arith.constant 2 : i32
      %ge3A_407 = arith.cmpi sge, %add3A_380, %ge3A : i32
      %and3A = arith.andi %lt3A_406, %ge3A_407 : i1
      %convert_element_type3A_408 = arith.extui %and3A : i1 to i32
      %cond3A_409 = arith.constant 0 : i32
      %cond3A_410 = arith.cmpi ne, %convert_element_type3A_408, %cond3A_409 : i32
      scf.if %cond3A_410 {
        %dma_wait3A_703 = arith.constant 6 : i32
        %dma_wait3A_704 = arith.constant 0 : i32
        %dma_wait3A_705 = arith.constant 0 : i32
        %dma_wait3A_706 = tpu.memref_slice %arg8[%dma_wait3A_703, %dma_wait3A_704, %dma_wait3A_705] : memref<8x128x32xf32, #tpu.memory_space<vmem>> -> memref<1x128x32xf32, #tpu.memory_space<vmem>>
        %dma_wait3A_707 = tpu.memref_squeeze %dma_wait3A_706 : memref<1x128x32xf32, #tpu.memory_space<vmem>> -> memref<128x32xf32, #tpu.memory_space<vmem>>
        %dma_wait3A_708 = arith.constant 0 : i32
        %dma_wait3A_709 = tpu.memref_slice %arg7[%add3A_380, %dma_wait3A_708] : memref<80x128xi32, #tpu.memory_space<vmem>> -> memref<1x128xi32, #tpu.memory_space<vmem>>
        %dma_wait3A_710 = tpu.memref_squeeze %dma_wait3A_709 : memref<1x128xi32, #tpu.memory_space<vmem>> -> memref<128xi32, #tpu.memory_space<vmem>>
        %dma_wait3A_711 = arith.constant 0 : i32
        %dma_wait3A_712 = arith.constant 0 : i32
        %dma_wait3A_713 = tpu.memref_slice %arg9[%dma_wait3A_711, %dma_wait3A_712] : memref<10112x32xf32, #tpu.memory_space<vmem_shared>> -> memref<10112x32xf32, #tpu.memory_space<vmem_shared>>
        tpu.wait_indirect_dma semaphore(%arg25 : memref<!tpu.dma_semaphore, #tpu.memory_space<semaphore_mem>>) src(%dma_wait3A_707 : memref<128x32xf32, #tpu.memory_space<vmem>>) dst(%dma_wait3A_713 : memref<10112x32xf32, #tpu.memory_space<vmem_shared>>)
      } else {
      }
      %lt3A_411 = arith.constant 80 : i32
      %lt3A_412 = arith.cmpi slt, %add3A_404, %lt3A_411 : i32
      %convert_element_type3A_413 = arith.extui %lt3A_412 : i1 to i32
      %cond3A_414 = arith.constant 0 : i32
      %cond3A_415 = arith.cmpi ne, %convert_element_type3A_413, %cond3A_414 : i32
      scf.if %cond3A_415 {
        %dma_start3A_703 = arith.constant 6 : i32
        %dma_start3A_704 = arith.constant 0 : i32
        %dma_start3A_705 = arith.constant 0 : i32
        %dma_start3A_706 = tpu.memref_slice %arg8[%dma_start3A_703, %dma_start3A_704, %dma_start3A_705] : memref<8x128x32xf32, #tpu.memory_space<vmem>> -> memref<1x128x32xf32, #tpu.memory_space<vmem>>
        %dma_start3A_707 = tpu.memref_squeeze %dma_start3A_706 : memref<1x128x32xf32, #tpu.memory_space<vmem>> -> memref<128x32xf32, #tpu.memory_space<vmem>>
        %dma_start3A_708 = arith.constant 0 : i32
        %dma_start3A_709 = tpu.memref_slice %arg6[%add3A_404, %dma_start3A_708] : memref<80x128xi32, #tpu.memory_space<vmem>> -> memref<1x128xi32, #tpu.memory_space<vmem>>
        %dma_start3A_710 = tpu.memref_squeeze %dma_start3A_709 : memref<1x128xi32, #tpu.memory_space<vmem>> -> memref<128xi32, #tpu.memory_space<vmem>>
        %dma_start3A_711 = arith.constant 0 : i32
        %dma_start3A_712 = arith.constant 0 : i32
        %dma_start3A_713 = tpu.memref_slice %arg10[%dma_start3A_711, %dma_start3A_712] : memref<10112x32xf32, #tpu.memory_space<vmem_shared>> -> memref<10112x32xf32, #tpu.memory_space<vmem_shared>>
        tpu.enqueue_indirect_dma source(%dma_start3A_713 : memref<10112x32xf32, #tpu.memory_space<vmem_shared>>) target(%dma_start3A_707 : memref<128x32xf32, #tpu.memory_space<vmem>>) offsets(%dma_start3A_710 : memref<128xi32, #tpu.memory_space<vmem>>) semaphore(%arg17 : memref<!tpu.dma_semaphore, #tpu.memory_space<semaphore_mem>>)
      } else {
      }
      %mul3A_416 = arith.constant 8 : i32
      %mul3A_417 = arith.muli %scan3A_376, %mul3A_416 : i32
      %add3A_418 = arith.constant 1 : i32
      %add3A_419 = arith.addi %mul3A_417, %add3A_418 : i32
      %dma_wait3A_420 = arith.constant 1 : i32
      %dma_wait3A_421 = arith.constant 0 : i32
      %dma_wait3A_422 = arith.constant 0 : i32
      %dma_wait3A_423 = tpu.memref_slice %arg8[%dma_wait3A_420, %dma_wait3A_421, %dma_wait3A_422] : memref<8x128x32xf32, #tpu.memory_space<vmem>> -> memref<1x128x32xf32, #tpu.memory_space<vmem>>
      %dma_wait3A_424 = tpu.memref_squeeze %dma_wait3A_423 : memref<1x128x32xf32, #tpu.memory_space<vmem>> -> memref<128x32xf32, #tpu.memory_space<vmem>>
      %dma_wait3A_425 = arith.constant 0 : i32
      %dma_wait3A_426 = tpu.memref_slice %arg6[%add3A_419, %dma_wait3A_425] : memref<80x128xi32, #tpu.memory_space<vmem>> -> memref<1x128xi32, #tpu.memory_space<vmem>>
      %dma_wait3A_427 = tpu.memref_squeeze %dma_wait3A_426 : memref<1x128xi32, #tpu.memory_space<vmem>> -> memref<128xi32, #tpu.memory_space<vmem>>
      %dma_wait3A_428 = arith.constant 0 : i32
      %dma_wait3A_429 = arith.constant 0 : i32
      %dma_wait3A_430 = tpu.memref_slice %arg10[%dma_wait3A_428, %dma_wait3A_429] : memref<10112x32xf32, #tpu.memory_space<vmem_shared>> -> memref<10112x32xf32, #tpu.memory_space<vmem_shared>>
      tpu.wait_indirect_dma semaphore(%arg12 : memref<!tpu.dma_semaphore, #tpu.memory_space<semaphore_mem>>) src(%dma_wait3A_430 : memref<10112x32xf32, #tpu.memory_space<vmem_shared>>) dst(%dma_wait3A_424 : memref<128x32xf32, #tpu.memory_space<vmem>>)
      %dma_start3A_431 = arith.constant 1 : i32
      %dma_start3A_432 = arith.constant 0 : i32
      %dma_start3A_433 = arith.constant 0 : i32
      %dma_start3A_434 = tpu.memref_slice %arg8[%dma_start3A_431, %dma_start3A_432, %dma_start3A_433] : memref<8x128x32xf32, #tpu.memory_space<vmem>> -> memref<1x128x32xf32, #tpu.memory_space<vmem>>
      %dma_start3A_435 = tpu.memref_squeeze %dma_start3A_434 : memref<1x128x32xf32, #tpu.memory_space<vmem>> -> memref<128x32xf32, #tpu.memory_space<vmem>>
      %dma_start3A_436 = arith.constant 0 : i32
      %dma_start3A_437 = tpu.memref_slice %arg7[%add3A_419, %dma_start3A_436] : memref<80x128xi32, #tpu.memory_space<vmem>> -> memref<1x128xi32, #tpu.memory_space<vmem>>
      %dma_start3A_438 = tpu.memref_squeeze %dma_start3A_437 : memref<1x128xi32, #tpu.memory_space<vmem>> -> memref<128xi32, #tpu.memory_space<vmem>>
      %dma_start3A_439 = arith.constant 0 : i32
      %dma_start3A_440 = arith.constant 0 : i32
      %dma_start3A_441 = tpu.memref_slice %arg9[%dma_start3A_439, %dma_start3A_440] : memref<10112x32xf32, #tpu.memory_space<vmem_shared>> -> memref<10112x32xf32, #tpu.memory_space<vmem_shared>>
      tpu.enqueue_indirect_dma source(%dma_start3A_435 : memref<128x32xf32, #tpu.memory_space<vmem>>) target(%dma_start3A_441 : memref<10112x32xf32, #tpu.memory_space<vmem_shared>>) offsets(%dma_start3A_438 : memref<128xi32, #tpu.memory_space<vmem>>) semaphore(%arg20 : memref<!tpu.dma_semaphore, #tpu.memory_space<semaphore_mem>>) {add = true}
      %add3A_442 = arith.constant 6 : i32
      %add3A_443 = arith.addi %add3A_419, %add3A_442 : i32
      %lt3A_444 = arith.constant 80 : i32
      %lt3A_445 = arith.cmpi slt, %add3A_443, %lt3A_444 : i32
      %ge3A_446 = arith.constant 2 : i32
      %ge3A_447 = arith.cmpi sge, %add3A_419, %ge3A_446 : i32
      %and3A_448 = arith.andi %lt3A_445, %ge3A_447 : i1
      %convert_element_type3A_449 = arith.extui %and3A_448 : i1 to i32
      %cond3A_450 = arith.constant 0 : i32
      %cond3A_451 = arith.cmpi ne, %convert_element_type3A_449, %cond3A_450 : i32
      scf.if %cond3A_451 {
        %dma_wait3A_703 = arith.constant 7 : i32
        %dma_wait3A_704 = arith.constant 0 : i32
        %dma_wait3A_705 = arith.constant 0 : i32
        %dma_wait3A_706 = tpu.memref_slice %arg8[%dma_wait3A_703, %dma_wait3A_704, %dma_wait3A_705] : memref<8x128x32xf32, #tpu.memory_space<vmem>> -> memref<1x128x32xf32, #tpu.memory_space<vmem>>
        %dma_wait3A_707 = tpu.memref_squeeze %dma_wait3A_706 : memref<1x128x32xf32, #tpu.memory_space<vmem>> -> memref<128x32xf32, #tpu.memory_space<vmem>>
        %dma_wait3A_708 = arith.constant 0 : i32
        %dma_wait3A_709 = tpu.memref_slice %arg7[%add3A_419, %dma_wait3A_708] : memref<80x128xi32, #tpu.memory_space<vmem>> -> memref<1x128xi32, #tpu.memory_space<vmem>>
        %dma_wait3A_710 = tpu.memref_squeeze %dma_wait3A_709 : memref<1x128xi32, #tpu.memory_space<vmem>> -> memref<128xi32, #tpu.memory_space<vmem>>
        %dma_wait3A_711 = arith.constant 0 : i32
        %dma_wait3A_712 = arith.constant 0 : i32
        %dma_wait3A_713 = tpu.memref_slice %arg9[%dma_wait3A_711, %dma_wait3A_712] : memref<10112x32xf32, #tpu.memory_space<vmem_shared>> -> memref<10112x32xf32, #tpu.memory_space<vmem_shared>>
        tpu.wait_indirect_dma semaphore(%arg26 : memref<!tpu.dma_semaphore, #tpu.memory_space<semaphore_mem>>) src(%dma_wait3A_707 : memref<128x32xf32, #tpu.memory_space<vmem>>) dst(%dma_wait3A_713 : memref<10112x32xf32, #tpu.memory_space<vmem_shared>>)
      } else {
      }
      %lt3A_452 = arith.constant 80 : i32
      %lt3A_453 = arith.cmpi slt, %add3A_443, %lt3A_452 : i32
      %convert_element_type3A_454 = arith.extui %lt3A_453 : i1 to i32
      %cond3A_455 = arith.constant 0 : i32
      %cond3A_456 = arith.cmpi ne, %convert_element_type3A_454, %cond3A_455 : i32
      scf.if %cond3A_456 {
        %dma_start3A_703 = arith.constant 7 : i32
        %dma_start3A_704 = arith.constant 0 : i32
        %dma_start3A_705 = arith.constant 0 : i32
        %dma_start3A_706 = tpu.memref_slice %arg8[%dma_start3A_703, %dma_start3A_704, %dma_start3A_705] : memref<8x128x32xf32, #tpu.memory_space<vmem>> -> memref<1x128x32xf32, #tpu.memory_space<vmem>>
        %dma_start3A_707 = tpu.memref_squeeze %dma_start3A_706 : memref<1x128x32xf32, #tpu.memory_space<vmem>> -> memref<128x32xf32, #tpu.memory_space<vmem>>
        %dma_start3A_708 = arith.constant 0 : i32
        %dma_start3A_709 = tpu.memref_slice %arg6[%add3A_443, %dma_start3A_708] : memref<80x128xi32, #tpu.memory_space<vmem>> -> memref<1x128xi32, #tpu.memory_space<vmem>>
        %dma_start3A_710 = tpu.memref_squeeze %dma_start3A_709 : memref<1x128xi32, #tpu.memory_space<vmem>> -> memref<128xi32, #tpu.memory_space<vmem>>
        %dma_start3A_711 = arith.constant 0 : i32
        %dma_start3A_712 = arith.constant 0 : i32
        %dma_start3A_713 = tpu.memref_slice %arg10[%dma_start3A_711, %dma_start3A_712] : memref<10112x32xf32, #tpu.memory_space<vmem_shared>> -> memref<10112x32xf32, #tpu.memory_space<vmem_shared>>
        tpu.enqueue_indirect_dma source(%dma_start3A_713 : memref<10112x32xf32, #tpu.memory_space<vmem_shared>>) target(%dma_start3A_707 : memref<128x32xf32, #tpu.memory_space<vmem>>) offsets(%dma_start3A_710 : memref<128xi32, #tpu.memory_space<vmem>>) semaphore(%arg18 : memref<!tpu.dma_semaphore, #tpu.memory_space<semaphore_mem>>)
      } else {
      }
      %mul3A_457 = arith.constant 8 : i32
      %mul3A_458 = arith.muli %scan3A_376, %mul3A_457 : i32
      %add3A_459 = arith.constant 2 : i32
      %add3A_460 = arith.addi %mul3A_458, %add3A_459 : i32
      %dma_wait3A_461 = arith.constant 2 : i32
      %dma_wait3A_462 = arith.constant 0 : i32
      %dma_wait3A_463 = arith.constant 0 : i32
      %dma_wait3A_464 = tpu.memref_slice %arg8[%dma_wait3A_461, %dma_wait3A_462, %dma_wait3A_463] : memref<8x128x32xf32, #tpu.memory_space<vmem>> -> memref<1x128x32xf32, #tpu.memory_space<vmem>>
      %dma_wait3A_465 = tpu.memref_squeeze %dma_wait3A_464 : memref<1x128x32xf32, #tpu.memory_space<vmem>> -> memref<128x32xf32, #tpu.memory_space<vmem>>
      %dma_wait3A_466 = arith.constant 0 : i32
      %dma_wait3A_467 = tpu.memref_slice %arg6[%add3A_460, %dma_wait3A_466] : memref<80x128xi32, #tpu.memory_space<vmem>> -> memref<1x128xi32, #tpu.memory_space<vmem>>
      %dma_wait3A_468 = tpu.memref_squeeze %dma_wait3A_467 : memref<1x128xi32, #tpu.memory_space<vmem>> -> memref<128xi32, #tpu.memory_space<vmem>>
      %dma_wait3A_469 = arith.constant 0 : i32
      %dma_wait3A_470 = arith.constant 0 : i32
      %dma_wait3A_471 = tpu.memref_slice %arg10[%dma_wait3A_469, %dma_wait3A_470] : memref<10112x32xf32, #tpu.memory_space<vmem_shared>> -> memref<10112x32xf32, #tpu.memory_space<vmem_shared>>
      tpu.wait_indirect_dma semaphore(%arg13 : memref<!tpu.dma_semaphore, #tpu.memory_space<semaphore_mem>>) src(%dma_wait3A_471 : memref<10112x32xf32, #tpu.memory_space<vmem_shared>>) dst(%dma_wait3A_465 : memref<128x32xf32, #tpu.memory_space<vmem>>)
      %dma_start3A_472 = arith.constant 2 : i32
      %dma_start3A_473 = arith.constant 0 : i32
      %dma_start3A_474 = arith.constant 0 : i32
      %dma_start3A_475 = tpu.memref_slice %arg8[%dma_start3A_472, %dma_start3A_473, %dma_start3A_474] : memref<8x128x32xf32, #tpu.memory_space<vmem>> -> memref<1x128x32xf32, #tpu.memory_space<vmem>>
      %dma_start3A_476 = tpu.memref_squeeze %dma_start3A_475 : memref<1x128x32xf32, #tpu.memory_space<vmem>> -> memref<128x32xf32, #tpu.memory_space<vmem>>
      %dma_start3A_477 = arith.constant 0 : i32
      %dma_start3A_478 = tpu.memref_slice %arg7[%add3A_460, %dma_start3A_477] : memref<80x128xi32, #tpu.memory_space<vmem>> -> memref<1x128xi32, #tpu.memory_space<vmem>>
      %dma_start3A_479 = tpu.memref_squeeze %dma_start3A_478 : memref<1x128xi32, #tpu.memory_space<vmem>> -> memref<128xi32, #tpu.memory_space<vmem>>
      %dma_start3A_480 = arith.constant 0 : i32
      %dma_start3A_481 = arith.constant 0 : i32
      %dma_start3A_482 = tpu.memref_slice %arg9[%dma_start3A_480, %dma_start3A_481] : memref<10112x32xf32, #tpu.memory_space<vmem_shared>> -> memref<10112x32xf32, #tpu.memory_space<vmem_shared>>
      tpu.enqueue_indirect_dma source(%dma_start3A_476 : memref<128x32xf32, #tpu.memory_space<vmem>>) target(%dma_start3A_482 : memref<10112x32xf32, #tpu.memory_space<vmem_shared>>) offsets(%dma_start3A_479 : memref<128xi32, #tpu.memory_space<vmem>>) semaphore(%arg21 : memref<!tpu.dma_semaphore, #tpu.memory_space<semaphore_mem>>) {add = true}
      %add3A_483 = arith.constant 6 : i32
      %add3A_484 = arith.addi %add3A_460, %add3A_483 : i32
      %lt3A_485 = arith.constant 80 : i32
      %lt3A_486 = arith.cmpi slt, %add3A_484, %lt3A_485 : i32
      %ge3A_487 = arith.constant 2 : i32
      %ge3A_488 = arith.cmpi sge, %add3A_460, %ge3A_487 : i32
      %and3A_489 = arith.andi %lt3A_486, %ge3A_488 : i1
      %convert_element_type3A_490 = arith.extui %and3A_489 : i1 to i32
      %cond3A_491 = arith.constant 0 : i32
      %cond3A_492 = arith.cmpi ne, %convert_element_type3A_490, %cond3A_491 : i32
      scf.if %cond3A_492 {
        %dma_wait3A_703 = arith.constant 0 : i32
        %dma_wait3A_704 = arith.constant 0 : i32
        %dma_wait3A_705 = arith.constant 0 : i32
        %dma_wait3A_706 = tpu.memref_slice %arg8[%dma_wait3A_703, %dma_wait3A_704, %dma_wait3A_705] : memref<8x128x32xf32, #tpu.memory_space<vmem>> -> memref<1x128x32xf32, #tpu.memory_space<vmem>>
        %dma_wait3A_707 = tpu.memref_squeeze %dma_wait3A_706 : memref<1x128x32xf32, #tpu.memory_space<vmem>> -> memref<128x32xf32, #tpu.memory_space<vmem>>
        %dma_wait3A_708 = arith.constant 0 : i32
        %dma_wait3A_709 = tpu.memref_slice %arg7[%add3A_460, %dma_wait3A_708] : memref<80x128xi32, #tpu.memory_space<vmem>> -> memref<1x128xi32, #tpu.memory_space<vmem>>
        %dma_wait3A_710 = tpu.memref_squeeze %dma_wait3A_709 : memref<1x128xi32, #tpu.memory_space<vmem>> -> memref<128xi32, #tpu.memory_space<vmem>>
        %dma_wait3A_711 = arith.constant 0 : i32
        %dma_wait3A_712 = arith.constant 0 : i32
        %dma_wait3A_713 = tpu.memref_slice %arg9[%dma_wait3A_711, %dma_wait3A_712] : memref<10112x32xf32, #tpu.memory_space<vmem_shared>> -> memref<10112x32xf32, #tpu.memory_space<vmem_shared>>
        tpu.wait_indirect_dma semaphore(%arg19 : memref<!tpu.dma_semaphore, #tpu.memory_space<semaphore_mem>>) src(%dma_wait3A_707 : memref<128x32xf32, #tpu.memory_space<vmem>>) dst(%dma_wait3A_713 : memref<10112x32xf32, #tpu.memory_space<vmem_shared>>)
      } else {
      }
      %lt3A_493 = arith.constant 80 : i32
      %lt3A_494 = arith.cmpi slt, %add3A_484, %lt3A_493 : i32
      %convert_element_type3A_495 = arith.extui %lt3A_494 : i1 to i32
      %cond3A_496 = arith.constant 0 : i32
      %cond3A_497 = arith.cmpi ne, %convert_element_type3A_495, %cond3A_496 : i32
      scf.if %cond3A_497 {
        %dma_start3A_703 = arith.constant 0 : i32
        %dma_start3A_704 = arith.constant 0 : i32
        %dma_start3A_705 = arith.constant 0 : i32
        %dma_start3A_706 = tpu.memref_slice %arg8[%dma_start3A_703, %dma_start3A_704, %dma_start3A_705] : memref<8x128x32xf32, #tpu.memory_space<vmem>> -> memref<1x128x32xf32, #tpu.memory_space<vmem>>
        %dma_start3A_707 = tpu.memref_squeeze %dma_start3A_706 : memref<1x128x32xf32, #tpu.memory_space<vmem>> -> memref<128x32xf32, #tpu.memory_space<vmem>>
        %dma_start3A_708 = arith.constant 0 : i32
        %dma_start3A_709 = tpu.memref_slice %arg6[%add3A_484, %dma_start3A_708] : memref<80x128xi32, #tpu.memory_space<vmem>> -> memref<1x128xi32, #tpu.memory_space<vmem>>
        %dma_start3A_710 = tpu.memref_squeeze %dma_start3A_709 : memref<1x128xi32, #tpu.memory_space<vmem>> -> memref<128xi32, #tpu.memory_space<vmem>>
        %dma_start3A_711 = arith.constant 0 : i32
        %dma_start3A_712 = arith.constant 0 : i32
        %dma_start3A_713 = tpu.memref_slice %arg10[%dma_start3A_711, %dma_start3A_712] : memref<10112x32xf32, #tpu.memory_space<vmem_shared>> -> memref<10112x32xf32, #tpu.memory_space<vmem_shared>>
        tpu.enqueue_indirect_dma source(%dma_start3A_713 : memref<10112x32xf32, #tpu.memory_space<vmem_shared>>) target(%dma_start3A_707 : memref<128x32xf32, #tpu.memory_space<vmem>>) offsets(%dma_start3A_710 : memref<128xi32, #tpu.memory_space<vmem>>) semaphore(%arg11 : memref<!tpu.dma_semaphore, #tpu.memory_space<semaphore_mem>>)
      } else {
      }
      %mul3A_498 = arith.constant 8 : i32
      %mul3A_499 = arith.muli %scan3A_376, %mul3A_498 : i32
      %add3A_500 = arith.constant 3 : i32
      %add3A_501 = arith.addi %mul3A_499, %add3A_500 : i32
      %dma_wait3A_502 = arith.constant 3 : i32
      %dma_wait3A_503 = arith.constant 0 : i32
      %dma_wait3A_504 = arith.constant 0 : i32
      %dma_wait3A_505 = tpu.memref_slice %arg8[%dma_wait3A_502, %dma_wait3A_503, %dma_wait3A_504] : memref<8x128x32xf32, #tpu.memory_space<vmem>> -> memref<1x128x32xf32, #tpu.memory_space<vmem>>
      %dma_wait3A_506 = tpu.memref_squeeze %dma_wait3A_505 : memref<1x128x32xf32, #tpu.memory_space<vmem>> -> memref<128x32xf32, #tpu.memory_space<vmem>>
      %dma_wait3A_507 = arith.constant 0 : i32
      %dma_wait3A_508 = tpu.memref_slice %arg6[%add3A_501, %dma_wait3A_507] : memref<80x128xi32, #tpu.memory_space<vmem>> -> memref<1x128xi32, #tpu.memory_space<vmem>>
      %dma_wait3A_509 = tpu.memref_squeeze %dma_wait3A_508 : memref<1x128xi32, #tpu.memory_space<vmem>> -> memref<128xi32, #tpu.memory_space<vmem>>
      %dma_wait3A_510 = arith.constant 0 : i32
      %dma_wait3A_511 = arith.constant 0 : i32
      %dma_wait3A_512 = tpu.memref_slice %arg10[%dma_wait3A_510, %dma_wait3A_511] : memref<10112x32xf32, #tpu.memory_space<vmem_shared>> -> memref<10112x32xf32, #tpu.memory_space<vmem_shared>>
      tpu.wait_indirect_dma semaphore(%arg14 : memref<!tpu.dma_semaphore, #tpu.memory_space<semaphore_mem>>) src(%dma_wait3A_512 : memref<10112x32xf32, #tpu.memory_space<vmem_shared>>) dst(%dma_wait3A_506 : memref<128x32xf32, #tpu.memory_space<vmem>>)
      %dma_start3A_513 = arith.constant 3 : i32
      %dma_start3A_514 = arith.constant 0 : i32
      %dma_start3A_515 = arith.constant 0 : i32
      %dma_start3A_516 = tpu.memref_slice %arg8[%dma_start3A_513, %dma_start3A_514, %dma_start3A_515] : memref<8x128x32xf32, #tpu.memory_space<vmem>> -> memref<1x128x32xf32, #tpu.memory_space<vmem>>
      %dma_start3A_517 = tpu.memref_squeeze %dma_start3A_516 : memref<1x128x32xf32, #tpu.memory_space<vmem>> -> memref<128x32xf32, #tpu.memory_space<vmem>>
      %dma_start3A_518 = arith.constant 0 : i32
      %dma_start3A_519 = tpu.memref_slice %arg7[%add3A_501, %dma_start3A_518] : memref<80x128xi32, #tpu.memory_space<vmem>> -> memref<1x128xi32, #tpu.memory_space<vmem>>
      %dma_start3A_520 = tpu.memref_squeeze %dma_start3A_519 : memref<1x128xi32, #tpu.memory_space<vmem>> -> memref<128xi32, #tpu.memory_space<vmem>>
      %dma_start3A_521 = arith.constant 0 : i32
      %dma_start3A_522 = arith.constant 0 : i32
      %dma_start3A_523 = tpu.memref_slice %arg9[%dma_start3A_521, %dma_start3A_522] : memref<10112x32xf32, #tpu.memory_space<vmem_shared>> -> memref<10112x32xf32, #tpu.memory_space<vmem_shared>>
      tpu.enqueue_indirect_dma source(%dma_start3A_517 : memref<128x32xf32, #tpu.memory_space<vmem>>) target(%dma_start3A_523 : memref<10112x32xf32, #tpu.memory_space<vmem_shared>>) offsets(%dma_start3A_520 : memref<128xi32, #tpu.memory_space<vmem>>) semaphore(%arg22 : memref<!tpu.dma_semaphore, #tpu.memory_space<semaphore_mem>>) {add = true}
      %add3A_524 = arith.constant 6 : i32
      %add3A_525 = arith.addi %add3A_501, %add3A_524 : i32
      %lt3A_526 = arith.constant 80 : i32
      %lt3A_527 = arith.cmpi slt, %add3A_525, %lt3A_526 : i32
      %ge3A_528 = arith.constant 2 : i32
      %ge3A_529 = arith.cmpi sge, %add3A_501, %ge3A_528 : i32
      %and3A_530 = arith.andi %lt3A_527, %ge3A_529 : i1
      %convert_element_type3A_531 = arith.extui %and3A_530 : i1 to i32
      %cond3A_532 = arith.constant 0 : i32
      %cond3A_533 = arith.cmpi ne, %convert_element_type3A_531, %cond3A_532 : i32
      scf.if %cond3A_533 {
        %dma_wait3A_703 = arith.constant 1 : i32
        %dma_wait3A_704 = arith.constant 0 : i32
        %dma_wait3A_705 = arith.constant 0 : i32
        %dma_wait3A_706 = tpu.memref_slice %arg8[%dma_wait3A_703, %dma_wait3A_704, %dma_wait3A_705] : memref<8x128x32xf32, #tpu.memory_space<vmem>> -> memref<1x128x32xf32, #tpu.memory_space<vmem>>
        %dma_wait3A_707 = tpu.memref_squeeze %dma_wait3A_706 : memref<1x128x32xf32, #tpu.memory_space<vmem>> -> memref<128x32xf32, #tpu.memory_space<vmem>>
        %dma_wait3A_708 = arith.constant 0 : i32
        %dma_wait3A_709 = tpu.memref_slice %arg7[%add3A_501, %dma_wait3A_708] : memref<80x128xi32, #tpu.memory_space<vmem>> -> memref<1x128xi32, #tpu.memory_space<vmem>>
        %dma_wait3A_710 = tpu.memref_squeeze %dma_wait3A_709 : memref<1x128xi32, #tpu.memory_space<vmem>> -> memref<128xi32, #tpu.memory_space<vmem>>
        %dma_wait3A_711 = arith.constant 0 : i32
        %dma_wait3A_712 = arith.constant 0 : i32
        %dma_wait3A_713 = tpu.memref_slice %arg9[%dma_wait3A_711, %dma_wait3A_712] : memref<10112x32xf32, #tpu.memory_space<vmem_shared>> -> memref<10112x32xf32, #tpu.memory_space<vmem_shared>>
        tpu.wait_indirect_dma semaphore(%arg20 : memref<!tpu.dma_semaphore, #tpu.memory_space<semaphore_mem>>) src(%dma_wait3A_707 : memref<128x32xf32, #tpu.memory_space<vmem>>) dst(%dma_wait3A_713 : memref<10112x32xf32, #tpu.memory_space<vmem_shared>>)
      } else {
      }
      %lt3A_534 = arith.constant 80 : i32
      %lt3A_535 = arith.cmpi slt, %add3A_525, %lt3A_534 : i32
      %convert_element_type3A_536 = arith.extui %lt3A_535 : i1 to i32
      %cond3A_537 = arith.constant 0 : i32
      %cond3A_538 = arith.cmpi ne, %convert_element_type3A_536, %cond3A_537 : i32
      scf.if %cond3A_538 {
        %dma_start3A_703 = arith.constant 1 : i32
        %dma_start3A_704 = arith.constant 0 : i32
        %dma_start3A_705 = arith.constant 0 : i32
        %dma_start3A_706 = tpu.memref_slice %arg8[%dma_start3A_703, %dma_start3A_704, %dma_start3A_705] : memref<8x128x32xf32, #tpu.memory_space<vmem>> -> memref<1x128x32xf32, #tpu.memory_space<vmem>>
        %dma_start3A_707 = tpu.memref_squeeze %dma_start3A_706 : memref<1x128x32xf32, #tpu.memory_space<vmem>> -> memref<128x32xf32, #tpu.memory_space<vmem>>
        %dma_start3A_708 = arith.constant 0 : i32
        %dma_start3A_709 = tpu.memref_slice %arg6[%add3A_525, %dma_start3A_708] : memref<80x128xi32, #tpu.memory_space<vmem>> -> memref<1x128xi32, #tpu.memory_space<vmem>>
        %dma_start3A_710 = tpu.memref_squeeze %dma_start3A_709 : memref<1x128xi32, #tpu.memory_space<vmem>> -> memref<128xi32, #tpu.memory_space<vmem>>
        %dma_start3A_711 = arith.constant 0 : i32
        %dma_start3A_712 = arith.constant 0 : i32
        %dma_start3A_713 = tpu.memref_slice %arg10[%dma_start3A_711, %dma_start3A_712] : memref<10112x32xf32, #tpu.memory_space<vmem_shared>> -> memref<10112x32xf32, #tpu.memory_space<vmem_shared>>
        tpu.enqueue_indirect_dma source(%dma_start3A_713 : memref<10112x32xf32, #tpu.memory_space<vmem_shared>>) target(%dma_start3A_707 : memref<128x32xf32, #tpu.memory_space<vmem>>) offsets(%dma_start3A_710 : memref<128xi32, #tpu.memory_space<vmem>>) semaphore(%arg12 : memref<!tpu.dma_semaphore, #tpu.memory_space<semaphore_mem>>)
      } else {
      }
      %mul3A_539 = arith.constant 8 : i32
      %mul3A_540 = arith.muli %scan3A_376, %mul3A_539 : i32
      %add3A_541 = arith.constant 4 : i32
      %add3A_542 = arith.addi %mul3A_540, %add3A_541 : i32
      %dma_wait3A_543 = arith.constant 4 : i32
      %dma_wait3A_544 = arith.constant 0 : i32
      %dma_wait3A_545 = arith.constant 0 : i32
      %dma_wait3A_546 = tpu.memref_slice %arg8[%dma_wait3A_543, %dma_wait3A_544, %dma_wait3A_545] : memref<8x128x32xf32, #tpu.memory_space<vmem>> -> memref<1x128x32xf32, #tpu.memory_space<vmem>>
      %dma_wait3A_547 = tpu.memref_squeeze %dma_wait3A_546 : memref<1x128x32xf32, #tpu.memory_space<vmem>> -> memref<128x32xf32, #tpu.memory_space<vmem>>
      %dma_wait3A_548 = arith.constant 0 : i32
      %dma_wait3A_549 = tpu.memref_slice %arg6[%add3A_542, %dma_wait3A_548] : memref<80x128xi32, #tpu.memory_space<vmem>> -> memref<1x128xi32, #tpu.memory_space<vmem>>
      %dma_wait3A_550 = tpu.memref_squeeze %dma_wait3A_549 : memref<1x128xi32, #tpu.memory_space<vmem>> -> memref<128xi32, #tpu.memory_space<vmem>>
      %dma_wait3A_551 = arith.constant 0 : i32
      %dma_wait3A_552 = arith.constant 0 : i32
      %dma_wait3A_553 = tpu.memref_slice %arg10[%dma_wait3A_551, %dma_wait3A_552] : memref<10112x32xf32, #tpu.memory_space<vmem_shared>> -> memref<10112x32xf32, #tpu.memory_space<vmem_shared>>
      tpu.wait_indirect_dma semaphore(%arg15 : memref<!tpu.dma_semaphore, #tpu.memory_space<semaphore_mem>>) src(%dma_wait3A_553 : memref<10112x32xf32, #tpu.memory_space<vmem_shared>>) dst(%dma_wait3A_547 : memref<128x32xf32, #tpu.memory_space<vmem>>)
      %dma_start3A_554 = arith.constant 4 : i32
      %dma_start3A_555 = arith.constant 0 : i32
      %dma_start3A_556 = arith.constant 0 : i32
      %dma_start3A_557 = tpu.memref_slice %arg8[%dma_start3A_554, %dma_start3A_555, %dma_start3A_556] : memref<8x128x32xf32, #tpu.memory_space<vmem>> -> memref<1x128x32xf32, #tpu.memory_space<vmem>>
      %dma_start3A_558 = tpu.memref_squeeze %dma_start3A_557 : memref<1x128x32xf32, #tpu.memory_space<vmem>> -> memref<128x32xf32, #tpu.memory_space<vmem>>
      %dma_start3A_559 = arith.constant 0 : i32
      %dma_start3A_560 = tpu.memref_slice %arg7[%add3A_542, %dma_start3A_559] : memref<80x128xi32, #tpu.memory_space<vmem>> -> memref<1x128xi32, #tpu.memory_space<vmem>>
      %dma_start3A_561 = tpu.memref_squeeze %dma_start3A_560 : memref<1x128xi32, #tpu.memory_space<vmem>> -> memref<128xi32, #tpu.memory_space<vmem>>
      %dma_start3A_562 = arith.constant 0 : i32
      %dma_start3A_563 = arith.constant 0 : i32
      %dma_start3A_564 = tpu.memref_slice %arg9[%dma_start3A_562, %dma_start3A_563] : memref<10112x32xf32, #tpu.memory_space<vmem_shared>> -> memref<10112x32xf32, #tpu.memory_space<vmem_shared>>
      tpu.enqueue_indirect_dma source(%dma_start3A_558 : memref<128x32xf32, #tpu.memory_space<vmem>>) target(%dma_start3A_564 : memref<10112x32xf32, #tpu.memory_space<vmem_shared>>) offsets(%dma_start3A_561 : memref<128xi32, #tpu.memory_space<vmem>>) semaphore(%arg23 : memref<!tpu.dma_semaphore, #tpu.memory_space<semaphore_mem>>) {add = true}
      %add3A_565 = arith.constant 6 : i32
      %add3A_566 = arith.addi %add3A_542, %add3A_565 : i32
      %lt3A_567 = arith.constant 80 : i32
      %lt3A_568 = arith.cmpi slt, %add3A_566, %lt3A_567 : i32
      %ge3A_569 = arith.constant 2 : i32
      %ge3A_570 = arith.cmpi sge, %add3A_542, %ge3A_569 : i32
      %and3A_571 = arith.andi %lt3A_568, %ge3A_570 : i1
      %convert_element_type3A_572 = arith.extui %and3A_571 : i1 to i32
      %cond3A_573 = arith.constant 0 : i32
      %cond3A_574 = arith.cmpi ne, %convert_element_type3A_572, %cond3A_573 : i32
      scf.if %cond3A_574 {
        %dma_wait3A_703 = arith.constant 2 : i32
        %dma_wait3A_704 = arith.constant 0 : i32
        %dma_wait3A_705 = arith.constant 0 : i32
        %dma_wait3A_706 = tpu.memref_slice %arg8[%dma_wait3A_703, %dma_wait3A_704, %dma_wait3A_705] : memref<8x128x32xf32, #tpu.memory_space<vmem>> -> memref<1x128x32xf32, #tpu.memory_space<vmem>>
        %dma_wait3A_707 = tpu.memref_squeeze %dma_wait3A_706 : memref<1x128x32xf32, #tpu.memory_space<vmem>> -> memref<128x32xf32, #tpu.memory_space<vmem>>
        %dma_wait3A_708 = arith.constant 0 : i32
        %dma_wait3A_709 = tpu.memref_slice %arg7[%add3A_542, %dma_wait3A_708] : memref<80x128xi32, #tpu.memory_space<vmem>> -> memref<1x128xi32, #tpu.memory_space<vmem>>
        %dma_wait3A_710 = tpu.memref_squeeze %dma_wait3A_709 : memref<1x128xi32, #tpu.memory_space<vmem>> -> memref<128xi32, #tpu.memory_space<vmem>>
        %dma_wait3A_711 = arith.constant 0 : i32
        %dma_wait3A_712 = arith.constant 0 : i32
        %dma_wait3A_713 = tpu.memref_slice %arg9[%dma_wait3A_711, %dma_wait3A_712] : memref<10112x32xf32, #tpu.memory_space<vmem_shared>> -> memref<10112x32xf32, #tpu.memory_space<vmem_shared>>
        tpu.wait_indirect_dma semaphore(%arg21 : memref<!tpu.dma_semaphore, #tpu.memory_space<semaphore_mem>>) src(%dma_wait3A_707 : memref<128x32xf32, #tpu.memory_space<vmem>>) dst(%dma_wait3A_713 : memref<10112x32xf32, #tpu.memory_space<vmem_shared>>)
      } else {
      }
      %lt3A_575 = arith.constant 80 : i32
      %lt3A_576 = arith.cmpi slt, %add3A_566, %lt3A_575 : i32
      %convert_element_type3A_577 = arith.extui %lt3A_576 : i1 to i32
      %cond3A_578 = arith.constant 0 : i32
      %cond3A_579 = arith.cmpi ne, %convert_element_type3A_577, %cond3A_578 : i32
      scf.if %cond3A_579 {
        %dma_start3A_703 = arith.constant 2 : i32
        %dma_start3A_704 = arith.constant 0 : i32
        %dma_start3A_705 = arith.constant 0 : i32
        %dma_start3A_706 = tpu.memref_slice %arg8[%dma_start3A_703, %dma_start3A_704, %dma_start3A_705] : memref<8x128x32xf32, #tpu.memory_space<vmem>> -> memref<1x128x32xf32, #tpu.memory_space<vmem>>
        %dma_start3A_707 = tpu.memref_squeeze %dma_start3A_706 : memref<1x128x32xf32, #tpu.memory_space<vmem>> -> memref<128x32xf32, #tpu.memory_space<vmem>>
        %dma_start3A_708 = arith.constant 0 : i32
        %dma_start3A_709 = tpu.memref_slice %arg6[%add3A_566, %dma_start3A_708] : memref<80x128xi32, #tpu.memory_space<vmem>> -> memref<1x128xi32, #tpu.memory_space<vmem>>
        %dma_start3A_710 = tpu.memref_squeeze %dma_start3A_709 : memref<1x128xi32, #tpu.memory_space<vmem>> -> memref<128xi32, #tpu.memory_space<vmem>>
        %dma_start3A_711 = arith.constant 0 : i32
        %dma_start3A_712 = arith.constant 0 : i32
        %dma_start3A_713 = tpu.memref_slice %arg10[%dma_start3A_711, %dma_start3A_712] : memref<10112x32xf32, #tpu.memory_space<vmem_shared>> -> memref<10112x32xf32, #tpu.memory_space<vmem_shared>>
        tpu.enqueue_indirect_dma source(%dma_start3A_713 : memref<10112x32xf32, #tpu.memory_space<vmem_shared>>) target(%dma_start3A_707 : memref<128x32xf32, #tpu.memory_space<vmem>>) offsets(%dma_start3A_710 : memref<128xi32, #tpu.memory_space<vmem>>) semaphore(%arg13 : memref<!tpu.dma_semaphore, #tpu.memory_space<semaphore_mem>>)
      } else {
      }
      %mul3A_580 = arith.constant 8 : i32
      %mul3A_581 = arith.muli %scan3A_376, %mul3A_580 : i32
      %add3A_582 = arith.constant 5 : i32
      %add3A_583 = arith.addi %mul3A_581, %add3A_582 : i32
      %dma_wait3A_584 = arith.constant 5 : i32
      %dma_wait3A_585 = arith.constant 0 : i32
      %dma_wait3A_586 = arith.constant 0 : i32
      %dma_wait3A_587 = tpu.memref_slice %arg8[%dma_wait3A_584, %dma_wait3A_585, %dma_wait3A_586] : memref<8x128x32xf32, #tpu.memory_space<vmem>> -> memref<1x128x32xf32, #tpu.memory_space<vmem>>
      %dma_wait3A_588 = tpu.memref_squeeze %dma_wait3A_587 : memref<1x128x32xf32, #tpu.memory_space<vmem>> -> memref<128x32xf32, #tpu.memory_space<vmem>>
      %dma_wait3A_589 = arith.constant 0 : i32
      %dma_wait3A_590 = tpu.memref_slice %arg6[%add3A_583, %dma_wait3A_589] : memref<80x128xi32, #tpu.memory_space<vmem>> -> memref<1x128xi32, #tpu.memory_space<vmem>>
      %dma_wait3A_591 = tpu.memref_squeeze %dma_wait3A_590 : memref<1x128xi32, #tpu.memory_space<vmem>> -> memref<128xi32, #tpu.memory_space<vmem>>
      %dma_wait3A_592 = arith.constant 0 : i32
      %dma_wait3A_593 = arith.constant 0 : i32
      %dma_wait3A_594 = tpu.memref_slice %arg10[%dma_wait3A_592, %dma_wait3A_593] : memref<10112x32xf32, #tpu.memory_space<vmem_shared>> -> memref<10112x32xf32, #tpu.memory_space<vmem_shared>>
      tpu.wait_indirect_dma semaphore(%arg16 : memref<!tpu.dma_semaphore, #tpu.memory_space<semaphore_mem>>) src(%dma_wait3A_594 : memref<10112x32xf32, #tpu.memory_space<vmem_shared>>) dst(%dma_wait3A_588 : memref<128x32xf32, #tpu.memory_space<vmem>>)
      %dma_start3A_595 = arith.constant 5 : i32
      %dma_start3A_596 = arith.constant 0 : i32
      %dma_start3A_597 = arith.constant 0 : i32
      %dma_start3A_598 = tpu.memref_slice %arg8[%dma_start3A_595, %dma_start3A_596, %dma_start3A_597] : memref<8x128x32xf32, #tpu.memory_space<vmem>> -> memref<1x128x32xf32, #tpu.memory_space<vmem>>
      %dma_start3A_599 = tpu.memref_squeeze %dma_start3A_598 : memref<1x128x32xf32, #tpu.memory_space<vmem>> -> memref<128x32xf32, #tpu.memory_space<vmem>>
      %dma_start3A_600 = arith.constant 0 : i32
      %dma_start3A_601 = tpu.memref_slice %arg7[%add3A_583, %dma_start3A_600] : memref<80x128xi32, #tpu.memory_space<vmem>> -> memref<1x128xi32, #tpu.memory_space<vmem>>
      %dma_start3A_602 = tpu.memref_squeeze %dma_start3A_601 : memref<1x128xi32, #tpu.memory_space<vmem>> -> memref<128xi32, #tpu.memory_space<vmem>>
      %dma_start3A_603 = arith.constant 0 : i32
      %dma_start3A_604 = arith.constant 0 : i32
      %dma_start3A_605 = tpu.memref_slice %arg9[%dma_start3A_603, %dma_start3A_604] : memref<10112x32xf32, #tpu.memory_space<vmem_shared>> -> memref<10112x32xf32, #tpu.memory_space<vmem_shared>>
      tpu.enqueue_indirect_dma source(%dma_start3A_599 : memref<128x32xf32, #tpu.memory_space<vmem>>) target(%dma_start3A_605 : memref<10112x32xf32, #tpu.memory_space<vmem_shared>>) offsets(%dma_start3A_602 : memref<128xi32, #tpu.memory_space<vmem>>) semaphore(%arg24 : memref<!tpu.dma_semaphore, #tpu.memory_space<semaphore_mem>>) {add = true}
      %add3A_606 = arith.constant 6 : i32
      %add3A_607 = arith.addi %add3A_583, %add3A_606 : i32
      %lt3A_608 = arith.constant 80 : i32
      %lt3A_609 = arith.cmpi slt, %add3A_607, %lt3A_608 : i32
      %ge3A_610 = arith.constant 2 : i32
      %ge3A_611 = arith.cmpi sge, %add3A_583, %ge3A_610 : i32
      %and3A_612 = arith.andi %lt3A_609, %ge3A_611 : i1
      %convert_element_type3A_613 = arith.extui %and3A_612 : i1 to i32
      %cond3A_614 = arith.constant 0 : i32
      %cond3A_615 = arith.cmpi ne, %convert_element_type3A_613, %cond3A_614 : i32
      scf.if %cond3A_615 {
        %dma_wait3A_703 = arith.constant 3 : i32
        %dma_wait3A_704 = arith.constant 0 : i32
        %dma_wait3A_705 = arith.constant 0 : i32
        %dma_wait3A_706 = tpu.memref_slice %arg8[%dma_wait3A_703, %dma_wait3A_704, %dma_wait3A_705] : memref<8x128x32xf32, #tpu.memory_space<vmem>> -> memref<1x128x32xf32, #tpu.memory_space<vmem>>
        %dma_wait3A_707 = tpu.memref_squeeze %dma_wait3A_706 : memref<1x128x32xf32, #tpu.memory_space<vmem>> -> memref<128x32xf32, #tpu.memory_space<vmem>>
        %dma_wait3A_708 = arith.constant 0 : i32
        %dma_wait3A_709 = tpu.memref_slice %arg7[%add3A_583, %dma_wait3A_708] : memref<80x128xi32, #tpu.memory_space<vmem>> -> memref<1x128xi32, #tpu.memory_space<vmem>>
        %dma_wait3A_710 = tpu.memref_squeeze %dma_wait3A_709 : memref<1x128xi32, #tpu.memory_space<vmem>> -> memref<128xi32, #tpu.memory_space<vmem>>
        %dma_wait3A_711 = arith.constant 0 : i32
        %dma_wait3A_712 = arith.constant 0 : i32
        %dma_wait3A_713 = tpu.memref_slice %arg9[%dma_wait3A_711, %dma_wait3A_712] : memref<10112x32xf32, #tpu.memory_space<vmem_shared>> -> memref<10112x32xf32, #tpu.memory_space<vmem_shared>>
        tpu.wait_indirect_dma semaphore(%arg22 : memref<!tpu.dma_semaphore, #tpu.memory_space<semaphore_mem>>) src(%dma_wait3A_707 : memref<128x32xf32, #tpu.memory_space<vmem>>) dst(%dma_wait3A_713 : memref<10112x32xf32, #tpu.memory_space<vmem_shared>>)
      } else {
      }
      %lt3A_616 = arith.constant 80 : i32
      %lt3A_617 = arith.cmpi slt, %add3A_607, %lt3A_616 : i32
      %convert_element_type3A_618 = arith.extui %lt3A_617 : i1 to i32
      %cond3A_619 = arith.constant 0 : i32
      %cond3A_620 = arith.cmpi ne, %convert_element_type3A_618, %cond3A_619 : i32
      scf.if %cond3A_620 {
        %dma_start3A_703 = arith.constant 3 : i32
        %dma_start3A_704 = arith.constant 0 : i32
        %dma_start3A_705 = arith.constant 0 : i32
        %dma_start3A_706 = tpu.memref_slice %arg8[%dma_start3A_703, %dma_start3A_704, %dma_start3A_705] : memref<8x128x32xf32, #tpu.memory_space<vmem>> -> memref<1x128x32xf32, #tpu.memory_space<vmem>>
        %dma_start3A_707 = tpu.memref_squeeze %dma_start3A_706 : memref<1x128x32xf32, #tpu.memory_space<vmem>> -> memref<128x32xf32, #tpu.memory_space<vmem>>
        %dma_start3A_708 = arith.constant 0 : i32
        %dma_start3A_709 = tpu.memref_slice %arg6[%add3A_607, %dma_start3A_708] : memref<80x128xi32, #tpu.memory_space<vmem>> -> memref<1x128xi32, #tpu.memory_space<vmem>>
        %dma_start3A_710 = tpu.memref_squeeze %dma_start3A_709 : memref<1x128xi32, #tpu.memory_space<vmem>> -> memref<128xi32, #tpu.memory_space<vmem>>
        %dma_start3A_711 = arith.constant 0 : i32
        %dma_start3A_712 = arith.constant 0 : i32
        %dma_start3A_713 = tpu.memref_slice %arg10[%dma_start3A_711, %dma_start3A_712] : memref<10112x32xf32, #tpu.memory_space<vmem_shared>> -> memref<10112x32xf32, #tpu.memory_space<vmem_shared>>
        tpu.enqueue_indirect_dma source(%dma_start3A_713 : memref<10112x32xf32, #tpu.memory_space<vmem_shared>>) target(%dma_start3A_707 : memref<128x32xf32, #tpu.memory_space<vmem>>) offsets(%dma_start3A_710 : memref<128xi32, #tpu.memory_space<vmem>>) semaphore(%arg14 : memref<!tpu.dma_semaphore, #tpu.memory_space<semaphore_mem>>)
      } else {
      }
      %mul3A_621 = arith.constant 8 : i32
      %mul3A_622 = arith.muli %scan3A_376, %mul3A_621 : i32
      %add3A_623 = arith.constant 6 : i32
      %add3A_624 = arith.addi %mul3A_622, %add3A_623 : i32
      %dma_wait3A_625 = arith.constant 6 : i32
      %dma_wait3A_626 = arith.constant 0 : i32
      %dma_wait3A_627 = arith.constant 0 : i32
      %dma_wait3A_628 = tpu.memref_slice %arg8[%dma_wait3A_625, %dma_wait3A_626, %dma_wait3A_627] : memref<8x128x32xf32, #tpu.memory_space<vmem>> -> memref<1x128x32xf32, #tpu.memory_space<vmem>>
      %dma_wait3A_629 = tpu.memref_squeeze %dma_wait3A_628 : memref<1x128x32xf32, #tpu.memory_space<vmem>> -> memref<128x32xf32, #tpu.memory_space<vmem>>
      %dma_wait3A_630 = arith.constant 0 : i32
      %dma_wait3A_631 = tpu.memref_slice %arg6[%add3A_624, %dma_wait3A_630] : memref<80x128xi32, #tpu.memory_space<vmem>> -> memref<1x128xi32, #tpu.memory_space<vmem>>
      %dma_wait3A_632 = tpu.memref_squeeze %dma_wait3A_631 : memref<1x128xi32, #tpu.memory_space<vmem>> -> memref<128xi32, #tpu.memory_space<vmem>>
      %dma_wait3A_633 = arith.constant 0 : i32
      %dma_wait3A_634 = arith.constant 0 : i32
      %dma_wait3A_635 = tpu.memref_slice %arg10[%dma_wait3A_633, %dma_wait3A_634] : memref<10112x32xf32, #tpu.memory_space<vmem_shared>> -> memref<10112x32xf32, #tpu.memory_space<vmem_shared>>
      tpu.wait_indirect_dma semaphore(%arg17 : memref<!tpu.dma_semaphore, #tpu.memory_space<semaphore_mem>>) src(%dma_wait3A_635 : memref<10112x32xf32, #tpu.memory_space<vmem_shared>>) dst(%dma_wait3A_629 : memref<128x32xf32, #tpu.memory_space<vmem>>)
      %dma_start3A_636 = arith.constant 6 : i32
      %dma_start3A_637 = arith.constant 0 : i32
      %dma_start3A_638 = arith.constant 0 : i32
      %dma_start3A_639 = tpu.memref_slice %arg8[%dma_start3A_636, %dma_start3A_637, %dma_start3A_638] : memref<8x128x32xf32, #tpu.memory_space<vmem>> -> memref<1x128x32xf32, #tpu.memory_space<vmem>>
      %dma_start3A_640 = tpu.memref_squeeze %dma_start3A_639 : memref<1x128x32xf32, #tpu.memory_space<vmem>> -> memref<128x32xf32, #tpu.memory_space<vmem>>
      %dma_start3A_641 = arith.constant 0 : i32
      %dma_start3A_642 = tpu.memref_slice %arg7[%add3A_624, %dma_start3A_641] : memref<80x128xi32, #tpu.memory_space<vmem>> -> memref<1x128xi32, #tpu.memory_space<vmem>>
      %dma_start3A_643 = tpu.memref_squeeze %dma_start3A_642 : memref<1x128xi32, #tpu.memory_space<vmem>> -> memref<128xi32, #tpu.memory_space<vmem>>
      %dma_start3A_644 = arith.constant 0 : i32
      %dma_start3A_645 = arith.constant 0 : i32
      %dma_start3A_646 = tpu.memref_slice %arg9[%dma_start3A_644, %dma_start3A_645] : memref<10112x32xf32, #tpu.memory_space<vmem_shared>> -> memref<10112x32xf32, #tpu.memory_space<vmem_shared>>
      tpu.enqueue_indirect_dma source(%dma_start3A_640 : memref<128x32xf32, #tpu.memory_space<vmem>>) target(%dma_start3A_646 : memref<10112x32xf32, #tpu.memory_space<vmem_shared>>) offsets(%dma_start3A_643 : memref<128xi32, #tpu.memory_space<vmem>>) semaphore(%arg25 : memref<!tpu.dma_semaphore, #tpu.memory_space<semaphore_mem>>) {add = true}
      %add3A_647 = arith.constant 6 : i32
      %add3A_648 = arith.addi %add3A_624, %add3A_647 : i32
      %lt3A_649 = arith.constant 80 : i32
      %lt3A_650 = arith.cmpi slt, %add3A_648, %lt3A_649 : i32
      %ge3A_651 = arith.constant 2 : i32
      %ge3A_652 = arith.cmpi sge, %add3A_624, %ge3A_651 : i32
      %and3A_653 = arith.andi %lt3A_650, %ge3A_652 : i1
      %convert_element_type3A_654 = arith.extui %and3A_653 : i1 to i32
      %cond3A_655 = arith.constant 0 : i32
      %cond3A_656 = arith.cmpi ne, %convert_element_type3A_654, %cond3A_655 : i32
      scf.if %cond3A_656 {
        %dma_wait3A_703 = arith.constant 4 : i32
        %dma_wait3A_704 = arith.constant 0 : i32
        %dma_wait3A_705 = arith.constant 0 : i32
        %dma_wait3A_706 = tpu.memref_slice %arg8[%dma_wait3A_703, %dma_wait3A_704, %dma_wait3A_705] : memref<8x128x32xf32, #tpu.memory_space<vmem>> -> memref<1x128x32xf32, #tpu.memory_space<vmem>>
        %dma_wait3A_707 = tpu.memref_squeeze %dma_wait3A_706 : memref<1x128x32xf32, #tpu.memory_space<vmem>> -> memref<128x32xf32, #tpu.memory_space<vmem>>
        %dma_wait3A_708 = arith.constant 0 : i32
        %dma_wait3A_709 = tpu.memref_slice %arg7[%add3A_624, %dma_wait3A_708] : memref<80x128xi32, #tpu.memory_space<vmem>> -> memref<1x128xi32, #tpu.memory_space<vmem>>
        %dma_wait3A_710 = tpu.memref_squeeze %dma_wait3A_709 : memref<1x128xi32, #tpu.memory_space<vmem>> -> memref<128xi32, #tpu.memory_space<vmem>>
        %dma_wait3A_711 = arith.constant 0 : i32
        %dma_wait3A_712 = arith.constant 0 : i32
        %dma_wait3A_713 = tpu.memref_slice %arg9[%dma_wait3A_711, %dma_wait3A_712] : memref<10112x32xf32, #tpu.memory_space<vmem_shared>> -> memref<10112x32xf32, #tpu.memory_space<vmem_shared>>
        tpu.wait_indirect_dma semaphore(%arg23 : memref<!tpu.dma_semaphore, #tpu.memory_space<semaphore_mem>>) src(%dma_wait3A_707 : memref<128x32xf32, #tpu.memory_space<vmem>>) dst(%dma_wait3A_713 : memref<10112x32xf32, #tpu.memory_space<vmem_shared>>)
      } else {
      }
      %lt3A_657 = arith.constant 80 : i32
      %lt3A_658 = arith.cmpi slt, %add3A_648, %lt3A_657 : i32
      %convert_element_type3A_659 = arith.extui %lt3A_658 : i1 to i32
      %cond3A_660 = arith.constant 0 : i32
      %cond3A_661 = arith.cmpi ne, %convert_element_type3A_659, %cond3A_660 : i32
      scf.if %cond3A_661 {
        %dma_start3A_703 = arith.constant 4 : i32
        %dma_start3A_704 = arith.constant 0 : i32
        %dma_start3A_705 = arith.constant 0 : i32
        %dma_start3A_706 = tpu.memref_slice %arg8[%dma_start3A_703, %dma_start3A_704, %dma_start3A_705] : memref<8x128x32xf32, #tpu.memory_space<vmem>> -> memref<1x128x32xf32, #tpu.memory_space<vmem>>
        %dma_start3A_707 = tpu.memref_squeeze %dma_start3A_706 : memref<1x128x32xf32, #tpu.memory_space<vmem>> -> memref<128x32xf32, #tpu.memory_space<vmem>>
        %dma_start3A_708 = arith.constant 0 : i32
        %dma_start3A_709 = tpu.memref_slice %arg6[%add3A_648, %dma_start3A_708] : memref<80x128xi32, #tpu.memory_space<vmem>> -> memref<1x128xi32, #tpu.memory_space<vmem>>
        %dma_start3A_710 = tpu.memref_squeeze %dma_start3A_709 : memref<1x128xi32, #tpu.memory_space<vmem>> -> memref<128xi32, #tpu.memory_space<vmem>>
        %dma_start3A_711 = arith.constant 0 : i32
        %dma_start3A_712 = arith.constant 0 : i32
        %dma_start3A_713 = tpu.memref_slice %arg10[%dma_start3A_711, %dma_start3A_712] : memref<10112x32xf32, #tpu.memory_space<vmem_shared>> -> memref<10112x32xf32, #tpu.memory_space<vmem_shared>>
        tpu.enqueue_indirect_dma source(%dma_start3A_713 : memref<10112x32xf32, #tpu.memory_space<vmem_shared>>) target(%dma_start3A_707 : memref<128x32xf32, #tpu.memory_space<vmem>>) offsets(%dma_start3A_710 : memref<128xi32, #tpu.memory_space<vmem>>) semaphore(%arg15 : memref<!tpu.dma_semaphore, #tpu.memory_space<semaphore_mem>>)
      } else {
      }
      %mul3A_662 = arith.constant 8 : i32
      %mul3A_663 = arith.muli %scan3A_376, %mul3A_662 : i32
      %add3A_664 = arith.constant 7 : i32
      %add3A_665 = arith.addi %mul3A_663, %add3A_664 : i32
      %dma_wait3A_666 = arith.constant 7 : i32
      %dma_wait3A_667 = arith.constant 0 : i32
      %dma_wait3A_668 = arith.constant 0 : i32
      %dma_wait3A_669 = tpu.memref_slice %arg8[%dma_wait3A_666, %dma_wait3A_667, %dma_wait3A_668] : memref<8x128x32xf32, #tpu.memory_space<vmem>> -> memref<1x128x32xf32, #tpu.memory_space<vmem>>
      %dma_wait3A_670 = tpu.memref_squeeze %dma_wait3A_669 : memref<1x128x32xf32, #tpu.memory_space<vmem>> -> memref<128x32xf32, #tpu.memory_space<vmem>>
      %dma_wait3A_671 = arith.constant 0 : i32
      %dma_wait3A_672 = tpu.memref_slice %arg6[%add3A_665, %dma_wait3A_671] : memref<80x128xi32, #tpu.memory_space<vmem>> -> memref<1x128xi32, #tpu.memory_space<vmem>>
      %dma_wait3A_673 = tpu.memref_squeeze %dma_wait3A_672 : memref<1x128xi32, #tpu.memory_space<vmem>> -> memref<128xi32, #tpu.memory_space<vmem>>
      %dma_wait3A_674 = arith.constant 0 : i32
      %dma_wait3A_675 = arith.constant 0 : i32
      %dma_wait3A_676 = tpu.memref_slice %arg10[%dma_wait3A_674, %dma_wait3A_675] : memref<10112x32xf32, #tpu.memory_space<vmem_shared>> -> memref<10112x32xf32, #tpu.memory_space<vmem_shared>>
      tpu.wait_indirect_dma semaphore(%arg18 : memref<!tpu.dma_semaphore, #tpu.memory_space<semaphore_mem>>) src(%dma_wait3A_676 : memref<10112x32xf32, #tpu.memory_space<vmem_shared>>) dst(%dma_wait3A_670 : memref<128x32xf32, #tpu.memory_space<vmem>>)
      %dma_start3A_677 = arith.constant 7 : i32
      %dma_start3A_678 = arith.constant 0 : i32
      %dma_start3A_679 = arith.constant 0 : i32
      %dma_start3A_680 = tpu.memref_slice %arg8[%dma_start3A_677, %dma_start3A_678, %dma_start3A_679] : memref<8x128x32xf32, #tpu.memory_space<vmem>> -> memref<1x128x32xf32, #tpu.memory_space<vmem>>
      %dma_start3A_681 = tpu.memref_squeeze %dma_start3A_680 : memref<1x128x32xf32, #tpu.memory_space<vmem>> -> memref<128x32xf32, #tpu.memory_space<vmem>>
      %dma_start3A_682 = arith.constant 0 : i32
      %dma_start3A_683 = tpu.memref_slice %arg7[%add3A_665, %dma_start3A_682] : memref<80x128xi32, #tpu.memory_space<vmem>> -> memref<1x128xi32, #tpu.memory_space<vmem>>
      %dma_start3A_684 = tpu.memref_squeeze %dma_start3A_683 : memref<1x128xi32, #tpu.memory_space<vmem>> -> memref<128xi32, #tpu.memory_space<vmem>>
      %dma_start3A_685 = arith.constant 0 : i32
      %dma_start3A_686 = arith.constant 0 : i32
      %dma_start3A_687 = tpu.memref_slice %arg9[%dma_start3A_685, %dma_start3A_686] : memref<10112x32xf32, #tpu.memory_space<vmem_shared>> -> memref<10112x32xf32, #tpu.memory_space<vmem_shared>>
      tpu.enqueue_indirect_dma source(%dma_start3A_681 : memref<128x32xf32, #tpu.memory_space<vmem>>) target(%dma_start3A_687 : memref<10112x32xf32, #tpu.memory_space<vmem_shared>>) offsets(%dma_start3A_684 : memref<128xi32, #tpu.memory_space<vmem>>) semaphore(%arg26 : memref<!tpu.dma_semaphore, #tpu.memory_space<semaphore_mem>>) {add = true}
      %add3A_688 = arith.constant 6 : i32
      %add3A_689 = arith.addi %add3A_665, %add3A_688 : i32
      %lt3A_690 = arith.constant 80 : i32
      %lt3A_691 = arith.cmpi slt, %add3A_689, %lt3A_690 : i32
      %ge3A_692 = arith.constant 2 : i32
      %ge3A_693 = arith.cmpi sge, %add3A_665, %ge3A_692 : i32
      %and3A_694 = arith.andi %lt3A_691, %ge3A_693 : i1
      %convert_element_type3A_695 = arith.extui %and3A_694 : i1 to i32
      %cond3A_696 = arith.constant 0 : i32
      %cond3A_697 = arith.cmpi ne, %convert_element_type3A_695, %cond3A_696 : i32
      scf.if %cond3A_697 {
        %dma_wait3A_703 = arith.constant 5 : i32
        %dma_wait3A_704 = arith.constant 0 : i32
        %dma_wait3A_705 = arith.constant 0 : i32
        %dma_wait3A_706 = tpu.memref_slice %arg8[%dma_wait3A_703, %dma_wait3A_704, %dma_wait3A_705] : memref<8x128x32xf32, #tpu.memory_space<vmem>> -> memref<1x128x32xf32, #tpu.memory_space<vmem>>
        %dma_wait3A_707 = tpu.memref_squeeze %dma_wait3A_706 : memref<1x128x32xf32, #tpu.memory_space<vmem>> -> memref<128x32xf32, #tpu.memory_space<vmem>>
        %dma_wait3A_708 = arith.constant 0 : i32
        %dma_wait3A_709 = tpu.memref_slice %arg7[%add3A_665, %dma_wait3A_708] : memref<80x128xi32, #tpu.memory_space<vmem>> -> memref<1x128xi32, #tpu.memory_space<vmem>>
        %dma_wait3A_710 = tpu.memref_squeeze %dma_wait3A_709 : memref<1x128xi32, #tpu.memory_space<vmem>> -> memref<128xi32, #tpu.memory_space<vmem>>
        %dma_wait3A_711 = arith.constant 0 : i32
        %dma_wait3A_712 = arith.constant 0 : i32
        %dma_wait3A_713 = tpu.memref_slice %arg9[%dma_wait3A_711, %dma_wait3A_712] : memref<10112x32xf32, #tpu.memory_space<vmem_shared>> -> memref<10112x32xf32, #tpu.memory_space<vmem_shared>>
        tpu.wait_indirect_dma semaphore(%arg24 : memref<!tpu.dma_semaphore, #tpu.memory_space<semaphore_mem>>) src(%dma_wait3A_707 : memref<128x32xf32, #tpu.memory_space<vmem>>) dst(%dma_wait3A_713 : memref<10112x32xf32, #tpu.memory_space<vmem_shared>>)
      } else {
      }
      %lt3A_698 = arith.constant 80 : i32
      %lt3A_699 = arith.cmpi slt, %add3A_689, %lt3A_698 : i32
      %convert_element_type3A_700 = arith.extui %lt3A_699 : i1 to i32
      %cond3A_701 = arith.constant 0 : i32
      %cond3A_702 = arith.cmpi ne, %convert_element_type3A_700, %cond3A_701 : i32
      scf.if %cond3A_702 {
        %dma_start3A_703 = arith.constant 5 : i32
        %dma_start3A_704 = arith.constant 0 : i32
        %dma_start3A_705 = arith.constant 0 : i32
        %dma_start3A_706 = tpu.memref_slice %arg8[%dma_start3A_703, %dma_start3A_704, %dma_start3A_705] : memref<8x128x32xf32, #tpu.memory_space<vmem>> -> memref<1x128x32xf32, #tpu.memory_space<vmem>>
        %dma_start3A_707 = tpu.memref_squeeze %dma_start3A_706 : memref<1x128x32xf32, #tpu.memory_space<vmem>> -> memref<128x32xf32, #tpu.memory_space<vmem>>
        %dma_start3A_708 = arith.constant 0 : i32
        %dma_start3A_709 = tpu.memref_slice %arg6[%add3A_689, %dma_start3A_708] : memref<80x128xi32, #tpu.memory_space<vmem>> -> memref<1x128xi32, #tpu.memory_space<vmem>>
        %dma_start3A_710 = tpu.memref_squeeze %dma_start3A_709 : memref<1x128xi32, #tpu.memory_space<vmem>> -> memref<128xi32, #tpu.memory_space<vmem>>
        %dma_start3A_711 = arith.constant 0 : i32
        %dma_start3A_712 = arith.constant 0 : i32
        %dma_start3A_713 = tpu.memref_slice %arg10[%dma_start3A_711, %dma_start3A_712] : memref<10112x32xf32, #tpu.memory_space<vmem_shared>> -> memref<10112x32xf32, #tpu.memory_space<vmem_shared>>
        tpu.enqueue_indirect_dma source(%dma_start3A_713 : memref<10112x32xf32, #tpu.memory_space<vmem_shared>>) target(%dma_start3A_707 : memref<128x32xf32, #tpu.memory_space<vmem>>) offsets(%dma_start3A_710 : memref<128xi32, #tpu.memory_space<vmem>>) semaphore(%arg16 : memref<!tpu.dma_semaphore, #tpu.memory_space<semaphore_mem>>)
      } else {
      }
    }
    %scan3A_279 = arith.constant 10 : i32
    %dma_wait3A = arith.constant 0 : i32
    %dma_wait3A_280 = arith.constant 0 : i32
    %dma_wait3A_281 = arith.constant 0 : i32
    %dma_wait3A_282 = arith.constant 0 : i32
    %dma_wait3A_283 = tpu.memref_slice %arg8[%dma_wait3A, %dma_wait3A_281, %dma_wait3A_282] : memref<8x128x32xf32, #tpu.memory_space<vmem>> -> memref<1x128x32xf32, #tpu.memory_space<vmem>>
    %dma_wait3A_284 = tpu.memref_squeeze %dma_wait3A_283 : memref<1x128x32xf32, #tpu.memory_space<vmem>> -> memref<128x32xf32, #tpu.memory_space<vmem>>
    %dma_wait3A_285 = arith.constant 0 : i32
    %dma_wait3A_286 = tpu.memref_slice %arg7[%dma_wait3A_280, %dma_wait3A_285] : memref<80x128xi32, #tpu.memory_space<vmem>> -> memref<1x128xi32, #tpu.memory_space<vmem>>
    %dma_wait3A_287 = tpu.memref_squeeze %dma_wait3A_286 : memref<1x128xi32, #tpu.memory_space<vmem>> -> memref<128xi32, #tpu.memory_space<vmem>>
    %dma_wait3A_288 = arith.constant 0 : i32
    %dma_wait3A_289 = arith.constant 0 : i32
    %dma_wait3A_290 = tpu.memref_slice %arg9[%dma_wait3A_288, %dma_wait3A_289] : memref<10112x32xf32, #tpu.memory_space<vmem_shared>> -> memref<10112x32xf32, #tpu.memory_space<vmem_shared>>
    tpu.wait_indirect_dma semaphore(%arg19 : memref<!tpu.dma_semaphore, #tpu.memory_space<semaphore_mem>>) src(%dma_wait3A_284 : memref<128x32xf32, #tpu.memory_space<vmem>>) dst(%dma_wait3A_290 : memref<10112x32xf32, #tpu.memory_space<vmem_shared>>)
    %dma_wait3A_291 = arith.constant 1 : i32
    %dma_wait3A_292 = arith.constant 0 : i32
    %dma_wait3A_293 = arith.constant 0 : i32
    %dma_wait3A_294 = arith.constant 0 : i32
    %dma_wait3A_295 = tpu.memref_slice %arg8[%dma_wait3A_291, %dma_wait3A_293, %dma_wait3A_294] : memref<8x128x32xf32, #tpu.memory_space<vmem>> -> memref<1x128x32xf32, #tpu.memory_space<vmem>>
    %dma_wait3A_296 = tpu.memref_squeeze %dma_wait3A_295 : memref<1x128x32xf32, #tpu.memory_space<vmem>> -> memref<128x32xf32, #tpu.memory_space<vmem>>
    %dma_wait3A_297 = arith.constant 0 : i32
    %dma_wait3A_298 = tpu.memref_slice %arg7[%dma_wait3A_292, %dma_wait3A_297] : memref<80x128xi32, #tpu.memory_space<vmem>> -> memref<1x128xi32, #tpu.memory_space<vmem>>
    %dma_wait3A_299 = tpu.memref_squeeze %dma_wait3A_298 : memref<1x128xi32, #tpu.memory_space<vmem>> -> memref<128xi32, #tpu.memory_space<vmem>>
    %dma_wait3A_300 = arith.constant 0 : i32
    %dma_wait3A_301 = arith.constant 0 : i32
    %dma_wait3A_302 = tpu.memref_slice %arg9[%dma_wait3A_300, %dma_wait3A_301] : memref<10112x32xf32, #tpu.memory_space<vmem_shared>> -> memref<10112x32xf32, #tpu.memory_space<vmem_shared>>
    tpu.wait_indirect_dma semaphore(%arg20 : memref<!tpu.dma_semaphore, #tpu.memory_space<semaphore_mem>>) src(%dma_wait3A_296 : memref<128x32xf32, #tpu.memory_space<vmem>>) dst(%dma_wait3A_302 : memref<10112x32xf32, #tpu.memory_space<vmem_shared>>)
    %dma_wait3A_303 = arith.constant 2 : i32
    %dma_wait3A_304 = arith.constant 0 : i32
    %dma_wait3A_305 = arith.constant 0 : i32
    %dma_wait3A_306 = arith.constant 0 : i32
    %dma_wait3A_307 = tpu.memref_slice %arg8[%dma_wait3A_303, %dma_wait3A_305, %dma_wait3A_306] : memref<8x128x32xf32, #tpu.memory_space<vmem>> -> memref<1x128x32xf32, #tpu.memory_space<vmem>>
    %dma_wait3A_308 = tpu.memref_squeeze %dma_wait3A_307 : memref<1x128x32xf32, #tpu.memory_space<vmem>> -> memref<128x32xf32, #tpu.memory_space<vmem>>
    %dma_wait3A_309 = arith.constant 0 : i32
    %dma_wait3A_310 = tpu.memref_slice %arg7[%dma_wait3A_304, %dma_wait3A_309] : memref<80x128xi32, #tpu.memory_space<vmem>> -> memref<1x128xi32, #tpu.memory_space<vmem>>
    %dma_wait3A_311 = tpu.memref_squeeze %dma_wait3A_310 : memref<1x128xi32, #tpu.memory_space<vmem>> -> memref<128xi32, #tpu.memory_space<vmem>>
    %dma_wait3A_312 = arith.constant 0 : i32
    %dma_wait3A_313 = arith.constant 0 : i32
    %dma_wait3A_314 = tpu.memref_slice %arg9[%dma_wait3A_312, %dma_wait3A_313] : memref<10112x32xf32, #tpu.memory_space<vmem_shared>> -> memref<10112x32xf32, #tpu.memory_space<vmem_shared>>
    tpu.wait_indirect_dma semaphore(%arg21 : memref<!tpu.dma_semaphore, #tpu.memory_space<semaphore_mem>>) src(%dma_wait3A_308 : memref<128x32xf32, #tpu.memory_space<vmem>>) dst(%dma_wait3A_314 : memref<10112x32xf32, #tpu.memory_space<vmem_shared>>)
    %dma_wait3A_315 = arith.constant 3 : i32
    %dma_wait3A_316 = arith.constant 0 : i32
    %dma_wait3A_317 = arith.constant 0 : i32
    %dma_wait3A_318 = arith.constant 0 : i32
    %dma_wait3A_319 = tpu.memref_slice %arg8[%dma_wait3A_315, %dma_wait3A_317, %dma_wait3A_318] : memref<8x128x32xf32, #tpu.memory_space<vmem>> -> memref<1x128x32xf32, #tpu.memory_space<vmem>>
    %dma_wait3A_320 = tpu.memref_squeeze %dma_wait3A_319 : memref<1x128x32xf32, #tpu.memory_space<vmem>> -> memref<128x32xf32, #tpu.memory_space<vmem>>
    %dma_wait3A_321 = arith.constant 0 : i32
    %dma_wait3A_322 = tpu.memref_slice %arg7[%dma_wait3A_316, %dma_wait3A_321] : memref<80x128xi32, #tpu.memory_space<vmem>> -> memref<1x128xi32, #tpu.memory_space<vmem>>
    %dma_wait3A_323 = tpu.memref_squeeze %dma_wait3A_322 : memref<1x128xi32, #tpu.memory_space<vmem>> -> memref<128xi32, #tpu.memory_space<vmem>>
    %dma_wait3A_324 = arith.constant 0 : i32
    %dma_wait3A_325 = arith.constant 0 : i32
    %dma_wait3A_326 = tpu.memref_slice %arg9[%dma_wait3A_324, %dma_wait3A_325] : memref<10112x32xf32, #tpu.memory_space<vmem_shared>> -> memref<10112x32xf32, #tpu.memory_space<vmem_shared>>
    tpu.wait_indirect_dma semaphore(%arg22 : memref<!tpu.dma_semaphore, #tpu.memory_space<semaphore_mem>>) src(%dma_wait3A_320 : memref<128x32xf32, #tpu.memory_space<vmem>>) dst(%dma_wait3A_326 : memref<10112x32xf32, #tpu.memory_space<vmem_shared>>)
    %dma_wait3A_327 = arith.constant 4 : i32
    %dma_wait3A_328 = arith.constant 0 : i32
    %dma_wait3A_329 = arith.constant 0 : i32
    %dma_wait3A_330 = arith.constant 0 : i32
    %dma_wait3A_331 = tpu.memref_slice %arg8[%dma_wait3A_327, %dma_wait3A_329, %dma_wait3A_330] : memref<8x128x32xf32, #tpu.memory_space<vmem>> -> memref<1x128x32xf32, #tpu.memory_space<vmem>>
    %dma_wait3A_332 = tpu.memref_squeeze %dma_wait3A_331 : memref<1x128x32xf32, #tpu.memory_space<vmem>> -> memref<128x32xf32, #tpu.memory_space<vmem>>
    %dma_wait3A_333 = arith.constant 0 : i32
    %dma_wait3A_334 = tpu.memref_slice %arg7[%dma_wait3A_328, %dma_wait3A_333] : memref<80x128xi32, #tpu.memory_space<vmem>> -> memref<1x128xi32, #tpu.memory_space<vmem>>
    %dma_wait3A_335 = tpu.memref_squeeze %dma_wait3A_334 : memref<1x128xi32, #tpu.memory_space<vmem>> -> memref<128xi32, #tpu.memory_space<vmem>>
    %dma_wait3A_336 = arith.constant 0 : i32
    %dma_wait3A_337 = arith.constant 0 : i32
    %dma_wait3A_338 = tpu.memref_slice %arg9[%dma_wait3A_336, %dma_wait3A_337] : memref<10112x32xf32, #tpu.memory_space<vmem_shared>> -> memref<10112x32xf32, #tpu.memory_space<vmem_shared>>
    tpu.wait_indirect_dma semaphore(%arg23 : memref<!tpu.dma_semaphore, #tpu.memory_space<semaphore_mem>>) src(%dma_wait3A_332 : memref<128x32xf32, #tpu.memory_space<vmem>>) dst(%dma_wait3A_338 : memref<10112x32xf32, #tpu.memory_space<vmem_shared>>)
    %dma_wait3A_339 = arith.constant 5 : i32
    %dma_wait3A_340 = arith.constant 0 : i32
    %dma_wait3A_341 = arith.constant 0 : i32
    %dma_wait3A_342 = arith.constant 0 : i32
    %dma_wait3A_343 = tpu.memref_slice %arg8[%dma_wait3A_339, %dma_wait3A_341, %dma_wait3A_342] : memref<8x128x32xf32, #tpu.memory_space<vmem>> -> memref<1x128x32xf32, #tpu.memory_space<vmem>>
    %dma_wait3A_344 = tpu.memref_squeeze %dma_wait3A_343 : memref<1x128x32xf32, #tpu.memory_space<vmem>> -> memref<128x32xf32, #tpu.memory_space<vmem>>
    %dma_wait3A_345 = arith.constant 0 : i32
    %dma_wait3A_346 = tpu.memref_slice %arg7[%dma_wait3A_340, %dma_wait3A_345] : memref<80x128xi32, #tpu.memory_space<vmem>> -> memref<1x128xi32, #tpu.memory_space<vmem>>
    %dma_wait3A_347 = tpu.memref_squeeze %dma_wait3A_346 : memref<1x128xi32, #tpu.memory_space<vmem>> -> memref<128xi32, #tpu.memory_space<vmem>>
    %dma_wait3A_348 = arith.constant 0 : i32
    %dma_wait3A_349 = arith.constant 0 : i32
    %dma_wait3A_350 = tpu.memref_slice %arg9[%dma_wait3A_348, %dma_wait3A_349] : memref<10112x32xf32, #tpu.memory_space<vmem_shared>> -> memref<10112x32xf32, #tpu.memory_space<vmem_shared>>
    tpu.wait_indirect_dma semaphore(%arg24 : memref<!tpu.dma_semaphore, #tpu.memory_space<semaphore_mem>>) src(%dma_wait3A_344 : memref<128x32xf32, #tpu.memory_space<vmem>>) dst(%dma_wait3A_350 : memref<10112x32xf32, #tpu.memory_space<vmem_shared>>)
    %dma_wait3A_351 = arith.constant 6 : i32
    %dma_wait3A_352 = arith.constant 0 : i32
    %dma_wait3A_353 = arith.constant 0 : i32
    %dma_wait3A_354 = arith.constant 0 : i32
    %dma_wait3A_355 = tpu.memref_slice %arg8[%dma_wait3A_351, %dma_wait3A_353, %dma_wait3A_354] : memref<8x128x32xf32, #tpu.memory_space<vmem>> -> memref<1x128x32xf32, #tpu.memory_space<vmem>>
    %dma_wait3A_356 = tpu.memref_squeeze %dma_wait3A_355 : memref<1x128x32xf32, #tpu.memory_space<vmem>> -> memref<128x32xf32, #tpu.memory_space<vmem>>
    %dma_wait3A_357 = arith.constant 0 : i32
    %dma_wait3A_358 = tpu.memref_slice %arg7[%dma_wait3A_352, %dma_wait3A_357] : memref<80x128xi32, #tpu.memory_space<vmem>> -> memref<1x128xi32, #tpu.memory_space<vmem>>
    %dma_wait3A_359 = tpu.memref_squeeze %dma_wait3A_358 : memref<1x128xi32, #tpu.memory_space<vmem>> -> memref<128xi32, #tpu.memory_space<vmem>>
    %dma_wait3A_360 = arith.constant 0 : i32
    %dma_wait3A_361 = arith.constant 0 : i32
    %dma_wait3A_362 = tpu.memref_slice %arg9[%dma_wait3A_360, %dma_wait3A_361] : memref<10112x32xf32, #tpu.memory_space<vmem_shared>> -> memref<10112x32xf32, #tpu.memory_space<vmem_shared>>
    tpu.wait_indirect_dma semaphore(%arg25 : memref<!tpu.dma_semaphore, #tpu.memory_space<semaphore_mem>>) src(%dma_wait3A_356 : memref<128x32xf32, #tpu.memory_space<vmem>>) dst(%dma_wait3A_362 : memref<10112x32xf32, #tpu.memory_space<vmem_shared>>)
    %dma_wait3A_363 = arith.constant 7 : i32
    %dma_wait3A_364 = arith.constant 0 : i32
    %dma_wait3A_365 = arith.constant 0 : i32
    %dma_wait3A_366 = arith.constant 0 : i32
    %dma_wait3A_367 = tpu.memref_slice %arg8[%dma_wait3A_363, %dma_wait3A_365, %dma_wait3A_366] : memref<8x128x32xf32, #tpu.memory_space<vmem>> -> memref<1x128x32xf32, #tpu.memory_space<vmem>>
    %dma_wait3A_368 = tpu.memref_squeeze %dma_wait3A_367 : memref<1x128x32xf32, #tpu.memory_space<vmem>> -> memref<128x32xf32, #tpu.memory_space<vmem>>
    %dma_wait3A_369 = arith.constant 0 : i32
    %dma_wait3A_370 = tpu.memref_slice %arg7[%dma_wait3A_364, %dma_wait3A_369] : memref<80x128xi32, #tpu.memory_space<vmem>> -> memref<1x128xi32, #tpu.memory_space<vmem>>
    %dma_wait3A_371 = tpu.memref_squeeze %dma_wait3A_370 : memref<1x128xi32, #tpu.memory_space<vmem>> -> memref<128xi32, #tpu.memory_space<vmem>>
    %dma_wait3A_372 = arith.constant 0 : i32
    %dma_wait3A_373 = arith.constant 0 : i32
    %dma_wait3A_374 = tpu.memref_slice %arg9[%dma_wait3A_372, %dma_wait3A_373] : memref<10112x32xf32, #tpu.memory_space<vmem_shared>> -> memref<10112x32xf32, #tpu.memory_space<vmem_shared>>
    tpu.wait_indirect_dma semaphore(%arg26 : memref<!tpu.dma_semaphore, #tpu.memory_space<semaphore_mem>>) src(%dma_wait3A_368 : memref<128x32xf32, #tpu.memory_space<vmem>>) dst(%dma_wait3A_374 : memref<10112x32xf32, #tpu.memory_space<vmem_shared>>)
    %barrier3A_375 = arith.constant 0 : index
    tpu.barrier barrier_id(%barrier3A_375)
    "tpu.region"() ({
      %run_scoped3A_376 = tpu.sem_alloc : memref<!tpu.dma_semaphore, #tpu.memory_space<semaphore_mem>>
      %dma_start3A_377 = arith.constant 0 : i32
      %dma_start3A_378 = tpu.memref_slice %arg5[%arg0, %mul3A_2, %dma_start3A_377] : memref<2x10112x32xf32, #tpu.memory_space<hbm>> -> memref<1x632x32xf32, #tpu.memory_space<hbm>>
      %dma_start3A_379 = tpu.memref_squeeze %dma_start3A_378 : memref<1x632x32xf32, #tpu.memory_space<hbm>> -> memref<632x32xf32, #tpu.memory_space<hbm>>
      %dma_start3A_380 = arith.constant 0 : i32
      %dma_start3A_381 = tpu.memref_slice %arg9[%mul3A_2, %dma_start3A_380] : memref<10112x32xf32, #tpu.memory_space<vmem_shared>> -> memref<632x32xf32, #tpu.memory_space<vmem_shared>>
      tpu.enqueue_dma source(%dma_start3A_381 : memref<632x32xf32, #tpu.memory_space<vmem_shared>>) target(%dma_start3A_379 : memref<632x32xf32, #tpu.memory_space<hbm>>) target_semaphore(%run_scoped3A_376 : memref<!tpu.dma_semaphore, #tpu.memory_space<semaphore_mem>>)
      %dma_wait3A_382 = arith.constant 0 : i32
      %dma_wait3A_383 = tpu.memref_slice %arg5[%arg0, %mul3A_2, %dma_wait3A_382] : memref<2x10112x32xf32, #tpu.memory_space<hbm>> -> memref<1x632x32xf32, #tpu.memory_space<hbm>>
      %dma_wait3A_384 = tpu.memref_squeeze %dma_wait3A_383 : memref<1x632x32xf32, #tpu.memory_space<hbm>> -> memref<632x32xf32, #tpu.memory_space<hbm>>
      %dma_wait3A_385 = arith.constant 0 : i32
      %dma_wait3A_386 = tpu.memref_slice %arg9[%mul3A_2, %dma_wait3A_385] : memref<10112x32xf32, #tpu.memory_space<vmem_shared>> -> memref<632x32xf32, #tpu.memory_space<vmem_shared>>
      tpu.wait_dma2 semaphore(%run_scoped3A_376 : memref<!tpu.dma_semaphore, #tpu.memory_space<semaphore_mem>>) src(%dma_wait3A_386 : memref<632x32xf32, #tpu.memory_space<vmem_shared>>) dst(%dma_wait3A_384 : memref<632x32xf32, #tpu.memory_space<hbm>>)
      tpu.yield
    }) : () -> ()
    return
  }
}

module attributes {stable_mosaic.version = 14 : i64} {
  func.func @_tc_proj(%arg0: memref<10000x128xf32, #tpu.memory_space<vmem>>, %arg1: memref<512x128xf32, #tpu.memory_space<vmem>>, %arg2: memref<512x128xf32, #tpu.memory_space<vmem>>, %arg3: memref<1x128xf32, #tpu.memory_space<vmem>>, %arg4: memref<2528x128xf32, #tpu.memory_space<vmem>>, %arg5: memref<2500x128xf32, #tpu.memory_space<vmem>>) attributes {dimension_semantics = [], scalar_prefetch = 0 : i64, scratch_operands = 0 : i64, tpu.core_type = #tpu.core_type<tc>} {
    %get3A = arith.constant 0 : index
    %get3A_0 = arith.constant 0 : index
    %get3A_1 = vector.load %arg0[%get3A, %get3A_0] : memref<10000x128xf32, #tpu.memory_space<vmem>>, vector<10000x128xf32>
    %reshape3A = vector.shape_cast %get3A_1 : vector<10000x128xf32> to vector<2500x512xf32>
    %get3A_2 = arith.constant 0 : index
    %get3A_3 = arith.constant 0 : index
    %get3A_4 = vector.load %arg1[%get3A_2, %get3A_3] : memref<512x128xf32, #tpu.memory_space<vmem>>, vector<512x128xf32>
    %dot_general3A = arith.constant dense<0.000000e+00> : vector<2500x128xf32>
    %dot_general3A_5 = tpu.matmul %reshape3A, %get3A_4, %dot_general3A {dimension_numbers = #tpu.dot_dimension_numbers<[1], [0], [0], [1], [0, 0, 1, 1], [], []>, transpose_lhs_hint = false} : vector<2500x512xf32>, vector<512x128xf32>, vector<2500x128xf32> -> vector<2500x128xf32>
    %swap3A = arith.constant 0 : index
    %swap3A_6 = arith.constant 0 : index
    %swap3A_7 = vector.load %arg4[%swap3A, %swap3A_6] : memref<2528x128xf32, #tpu.memory_space<vmem>>, vector<2500x128xf32>
    tpu.vector_store %arg4[%swap3A, %swap3A_6], %dot_general3A_5 {strides = array<i32>} : memref<2528x128xf32, #tpu.memory_space<vmem>>, vector<2500x128xf32>,
    %get3A_8 = arith.constant 0 : index
    %get3A_9 = arith.constant 0 : index
    %get3A_10 = vector.load %arg2[%get3A_8, %get3A_9] : memref<512x128xf32, #tpu.memory_space<vmem>>, vector<512x128xf32>
    %dot_general3A_11 = arith.constant dense<0.000000e+00> : vector<2500x128xf32>
    %dot_general3A_12 = tpu.matmul %reshape3A, %get3A_10, %dot_general3A_11 {dimension_numbers = #tpu.dot_dimension_numbers<[1], [0], [0], [1], [0, 0, 1, 1], [], []>, transpose_lhs_hint = false} : vector<2500x512xf32>, vector<512x128xf32>, vector<2500x128xf32> -> vector<2500x128xf32>
    %get3A_13 = arith.constant 0 : index
    %get3A_14 = arith.constant 0 : index
    %get3A_15 = vector.load %arg3[%get3A_13, %get3A_14] : memref<1x128xf32, #tpu.memory_space<vmem>>, vector<1x128xf32>
    %add3A = vector.broadcast %get3A_15 : vector<1x128xf32> to vector<2500x128xf32>
    %add3A_16 = arith.addf %dot_general3A_12, %add3A : vector<2500x128xf32>
    %swap3A_17 = arith.constant 0 : index
    %swap3A_18 = arith.constant 0 : index
    %swap3A_19 = vector.load %arg5[%swap3A_17, %swap3A_18] : memref<2500x128xf32, #tpu.memory_space<vmem>>, vector<2500x128xf32>
    tpu.vector_store %arg5[%swap3A_17, %swap3A_18], %add3A_16 {strides = array<i32>} : memref<2500x128xf32, #tpu.memory_space<vmem>>, vector<2500x128xf32>,
    return
  }
}

module attributes {stable_mosaic.version = 14 : i64} {
  func.func @_tc_mid(%arg0: memref<2x2528x128xf32, #tpu.memory_space<vmem>>, %arg1: memref<2x2528x128xf32, #tpu.memory_space<vmem>>, %arg2: memref<2500x128xf32, #tpu.memory_space<vmem>>, %arg3: memref<128x128xf32, #tpu.memory_space<vmem>>, %arg4: memref<128x128xf32, #tpu.memory_space<vmem>>, %arg5: memref<1x128xf32, #tpu.memory_space<vmem>>, %arg6: memref<2528x128xf32, #tpu.memory_space<vmem>>, %arg7: memref<2500x128xf32, #tpu.memory_space<vmem>>) attributes {dimension_semantics = [], scalar_prefetch = 0 : i64, scratch_operands = 0 : i64, tpu.core_type = #tpu.core_type<tc>} {
    %get3A = arith.constant 0 : index
    %get3A_0 = arith.constant 0 : index
    %get3A_1 = arith.constant 0 : index
    %get3A_2 = vector.load %arg1[%get3A, %get3A_0, %get3A_1] : memref<2x2528x128xf32, #tpu.memory_space<vmem>>, vector<1x2528x128xf32>
    %get3A_3 = vector.shape_cast %get3A_2 : vector<1x2528x128xf32> to vector<2528x128xf32>
    %get3A_4 = arith.constant 1 : index
    %get3A_5 = arith.constant 0 : index
    %get3A_6 = arith.constant 0 : index
    %get3A_7 = vector.load %arg1[%get3A_4, %get3A_5, %get3A_6] : memref<2x2528x128xf32, #tpu.memory_space<vmem>>, vector<1x2528x128xf32>
    %get3A_8 = vector.shape_cast %get3A_7 : vector<1x2528x128xf32> to vector<2528x128xf32>
    %add3A = arith.addf %get3A_3, %get3A_8 : vector<2528x128xf32>
    %max3A = arith.constant 1.000000e+00 : f32
    %max3A_9 = vector.broadcast %max3A : f32 to vector<2528x128xf32>
    %max3A_10 = arith.maximumf %add3A, %max3A_9 : vector<2528x128xf32>
    %div3A = arith.constant 1.000000e+00 : f32
    %div3A_11 = vector.broadcast %div3A : f32 to vector<2528x128xf32>
    %div3A_12 = arith.divf %div3A_11, %max3A_10 : vector<2528x128xf32>
    %get3A_13 = arith.constant 0 : index
    %get3A_14 = arith.constant 0 : index
    %get3A_15 = arith.constant 0 : index
    %get3A_16 = vector.load %arg0[%get3A_13, %get3A_14, %get3A_15] : memref<2x2528x128xf32, #tpu.memory_space<vmem>>, vector<1x2528x128xf32>
    %get3A_17 = vector.shape_cast %get3A_16 : vector<1x2528x128xf32> to vector<2528x128xf32>
    %get3A_18 = arith.constant 1 : index
    %get3A_19 = arith.constant 0 : index
    %get3A_20 = arith.constant 0 : index
    %get3A_21 = vector.load %arg0[%get3A_18, %get3A_19, %get3A_20] : memref<2x2528x128xf32, #tpu.memory_space<vmem>>, vector<1x2528x128xf32>
    %get3A_22 = vector.shape_cast %get3A_21 : vector<1x2528x128xf32> to vector<2528x128xf32>
    %add3A_23 = arith.addf %get3A_17, %get3A_22 : vector<2528x128xf32>
    %slice3A = vector.extract_strided_slice %add3A_23 {offsets = [0, 0], sizes = [2500, 128], strides = [1, 1]} : vector<2528x128xf32> to vector<2500x128xf32>
    %slice3A_24 = vector.extract_strided_slice %div3A_12 {offsets = [0, 0], sizes = [2500, 128], strides = [1, 1]} : vector<2528x128xf32> to vector<2500x128xf32>
    %mul3A = arith.mulf %slice3A, %slice3A_24 : vector<2500x128xf32>
    %get3A_25 = arith.constant 0 : index
    %get3A_26 = arith.constant 0 : index
    %get3A_27 = vector.load %arg2[%get3A_25, %get3A_26] : memref<2500x128xf32, #tpu.memory_space<vmem>>, vector<2500x128xf32>
    %add3A_28 = arith.addf %mul3A, %get3A_27 : vector<2500x128xf32>
    %max3A_29 = arith.constant 0.000000e+00 : f32
    %max3A_30 = vector.broadcast %max3A_29 : f32 to vector<2500x128xf32>
    %max3A_31 = arith.maximumf %add3A_28, %max3A_30 : vector<2500x128xf32>
    %get3A_32 = arith.constant 0 : index
    %get3A_33 = arith.constant 0 : index
    %get3A_34 = vector.load %arg3[%get3A_32, %get3A_33] : memref<128x128xf32, #tpu.memory_space<vmem>>, vector<128x128xf32>
    %dot_general3A = arith.constant dense<0.000000e+00> : vector<2500x128xf32>
    %dot_general3A_35 = tpu.matmul %max3A_31, %get3A_34, %dot_general3A {dimension_numbers = #tpu.dot_dimension_numbers<[1], [0], [0], [1], [0, 0, 1, 1], [], []>, transpose_lhs_hint = false} : vector<2500x128xf32>, vector<128x128xf32>, vector<2500x128xf32> -> vector<2500x128xf32>
    %swap3A = arith.constant 0 : index
    %swap3A_36 = arith.constant 0 : index
    %swap3A_37 = vector.load %arg6[%swap3A, %swap3A_36] : memref<2528x128xf32, #tpu.memory_space<vmem>>, vector<2500x128xf32>
    tpu.vector_store %arg6[%swap3A, %swap3A_36], %dot_general3A_35 {strides = array<i32>} : memref<2528x128xf32, #tpu.memory_space<vmem>>, vector<2500x128xf32>,
    %get3A_38 = arith.constant 0 : index
    %get3A_39 = arith.constant 0 : index
    %get3A_40 = vector.load %arg4[%get3A_38, %get3A_39] : memref<128x128xf32, #tpu.memory_space<vmem>>, vector<128x128xf32>
    %dot_general3A_41 = arith.constant dense<0.000000e+00> : vector<2500x128xf32>
    %dot_general3A_42 = tpu.matmul %max3A_31, %get3A_40, %dot_general3A_41 {dimension_numbers = #tpu.dot_dimension_numbers<[1], [0], [0], [1], [0, 0, 1, 1], [], []>, transpose_lhs_hint = false} : vector<2500x128xf32>, vector<128x128xf32>, vector<2500x128xf32> -> vector<2500x128xf32>
    %get3A_43 = arith.constant 0 : index
    %get3A_44 = arith.constant 0 : index
    %get3A_45 = vector.load %arg5[%get3A_43, %get3A_44] : memref<1x128xf32, #tpu.memory_space<vmem>>, vector<1x128xf32>
    %add3A_46 = vector.broadcast %get3A_45 : vector<1x128xf32> to vector<2500x128xf32>
    %add3A_47 = arith.addf %dot_general3A_42, %add3A_46 : vector<2500x128xf32>
    %swap3A_48 = arith.constant 0 : index
    %swap3A_49 = arith.constant 0 : index
    %swap3A_50 = vector.load %arg7[%swap3A_48, %swap3A_49] : memref<2500x128xf32, #tpu.memory_space<vmem>>, vector<2500x128xf32>
    tpu.vector_store %arg7[%swap3A_48, %swap3A_49], %add3A_47 {strides = array<i32>} : memref<2500x128xf32, #tpu.memory_space<vmem>>, vector<2500x128xf32>,
    return
  }
}

module attributes {stable_mosaic.version = 14 : i64} {
  func.func @_tc_fin(%arg0: memref<2x2528x128xf32, #tpu.memory_space<vmem>>, %arg1: memref<2x2528x128xf32, #tpu.memory_space<vmem>>, %arg2: memref<2500x128xf32, #tpu.memory_space<vmem>>, %arg3: memref<2500x128xf32, #tpu.memory_space<vmem>>) attributes {dimension_semantics = [], scalar_prefetch = 0 : i64, scratch_operands = 0 : i64, tpu.core_type = #tpu.core_type<tc>} {
    %get3A = arith.constant 0 : index
    %get3A_0 = arith.constant 0 : index
    %get3A_1 = arith.constant 0 : index
    %get3A_2 = vector.load %arg1[%get3A, %get3A_0, %get3A_1] : memref<2x2528x128xf32, #tpu.memory_space<vmem>>, vector<1x2528x128xf32>
    %get3A_3 = vector.shape_cast %get3A_2 : vector<1x2528x128xf32> to vector<2528x128xf32>
    %get3A_4 = arith.constant 1 : index
    %get3A_5 = arith.constant 0 : index
    %get3A_6 = arith.constant 0 : index
    %get3A_7 = vector.load %arg1[%get3A_4, %get3A_5, %get3A_6] : memref<2x2528x128xf32, #tpu.memory_space<vmem>>, vector<1x2528x128xf32>
    %get3A_8 = vector.shape_cast %get3A_7 : vector<1x2528x128xf32> to vector<2528x128xf32>
    %add3A = arith.addf %get3A_3, %get3A_8 : vector<2528x128xf32>
    %max3A = arith.constant 1.000000e+00 : f32
    %max3A_9 = vector.broadcast %max3A : f32 to vector<2528x128xf32>
    %max3A_10 = arith.maximumf %add3A, %max3A_9 : vector<2528x128xf32>
    %div3A = arith.constant 1.000000e+00 : f32
    %div3A_11 = vector.broadcast %div3A : f32 to vector<2528x128xf32>
    %div3A_12 = arith.divf %div3A_11, %max3A_10 : vector<2528x128xf32>
    %get3A_13 = arith.constant 0 : index
    %get3A_14 = arith.constant 0 : index
    %get3A_15 = arith.constant 0 : index
    %get3A_16 = vector.load %arg0[%get3A_13, %get3A_14, %get3A_15] : memref<2x2528x128xf32, #tpu.memory_space<vmem>>, vector<1x2528x128xf32>
    %get3A_17 = vector.shape_cast %get3A_16 : vector<1x2528x128xf32> to vector<2528x128xf32>
    %get3A_18 = arith.constant 1 : index
    %get3A_19 = arith.constant 0 : index
    %get3A_20 = arith.constant 0 : index
    %get3A_21 = vector.load %arg0[%get3A_18, %get3A_19, %get3A_20] : memref<2x2528x128xf32, #tpu.memory_space<vmem>>, vector<1x2528x128xf32>
    %get3A_22 = vector.shape_cast %get3A_21 : vector<1x2528x128xf32> to vector<2528x128xf32>
    %add3A_23 = arith.addf %get3A_17, %get3A_22 : vector<2528x128xf32>
    %slice3A = vector.extract_strided_slice %add3A_23 {offsets = [0, 0], sizes = [2500, 128], strides = [1, 1]} : vector<2528x128xf32> to vector<2500x128xf32>
    %slice3A_24 = vector.extract_strided_slice %div3A_12 {offsets = [0, 0], sizes = [2500, 128], strides = [1, 1]} : vector<2528x128xf32> to vector<2500x128xf32>
    %mul3A = arith.mulf %slice3A, %slice3A_24 : vector<2500x128xf32>
    %get3A_25 = arith.constant 0 : index
    %get3A_26 = arith.constant 0 : index
    %get3A_27 = vector.load %arg2[%get3A_25, %get3A_26] : memref<2500x128xf32, #tpu.memory_space<vmem>>, vector<2500x128xf32>
    %add3A_28 = arith.addf %mul3A, %get3A_27 : vector<2500x128xf32>
    %swap3A = arith.constant 0 : index
    %swap3A_29 = arith.constant 0 : index
    %swap3A_30 = vector.load %arg3[%swap3A, %swap3A_29] : memref<2500x128xf32, #tpu.memory_space<vmem>>, vector<2500x128xf32>
    tpu.vector_store %arg3[%swap3A, %swap3A_29], %add3A_28 {strides = array<i32>} : memref<2500x128xf32, #tpu.memory_space<vmem>>, vector<2500x128xf32>,
    return
  }
}

</mosaic_0001>

<sc_bundles>
// kernel: kernel.12.cloned.1.call-start
scs
__scs_entry_jumppad:
0x0: {  	(pc) =	sbr.rel $0x88, $3  }
0x1: {  	(tag) =	ssettag $0x0;
	lr =	simm.s32 $0x1  }
0x2: {  	[smem:$0x3F96] =	sst lr;
	_ =	strace $0xD0000000  }
0x3: {  	_ = 	snop  }
0x4: {  	_ = 	snop  }
0x5: {  	_ = 	snop  }
0x6: {  	_ = 	snop  }
0x7: {  	_ = 	snop  }
__scs_overlays_trampoline_lowered:
0x8: {  	[smem:$0x3FA5] =	sst s0  }
0x9: {  	[smem:$0x3FA6] =	sst s1  }
0xa: {  	[smem:$0x3FA7] =	sst s2  }
0xb: {  	[smem:$0x3FA8] =	sst s3  }
0xc: {  	[smem:$0x3FA9] =	sst s4  }
0xd: {  	[smem:$0x3FAA] =	sst s5  }
0xe: {  	[smem:$0x3FAB] =	sst s6  }
0xf: {  	[smem:$0x3FAC] =	sst s7  }
0x10: {  	[smem:$0x3FAD] =	sst s8  }
0x11: {  	[smem:$0x3FAE] =	sst s9;
	s0 =	simm.s32 @!p0 $0x0  }
0x12: {  	s1 =	sld [smem:$0x3F94];
	s0 =	simm.s32 @p0 $0x1  }
0x13: {  	[smem:$0x3FAF] =	sst s0;
	s0 =	simm.s32 @!p1 $0x0  }
0x14: {  	s2 =	sld [smem:$0x3F93];
	s0 =	simm.s32 @p1 $0x1  }
0x15: {  	[smem:$0x3FB0] =	sst s0;
	s0 =	simm.s32 @!p2 $0x0  }
0x16: {  	s3 =	sld [smem:$0x3FDB];
	s0 =	simm.s32 @p2 $0x1  }
0x17: {  	s4 =	simm.s32 $0x1BF5;
	[smem:$0x3FB2] =	sst s0  }
0x18: {  	s0 =	sld [smem:$0x3F95];
	_ =	swait.ge [sflag:s4], $0x0  }
0x19: {  	s7 =	sld [smem:$0x3F96]  }
0x1a: {  	s8 =	sadd.s32 $0xFFFFE003, lr  }
0x1b: {  	s9 =	sadd.s32 $0xFFFFFEF7, lr;
	s5 =	simm.s32 $0xFFFFFFFF;
	p2 =	slt.u32 s8, $0xFFFFF086  }
0x1c: {  	p1 =	slt.u32 s9, $0xF7A;
	s5 =	simm.s32 @!p2 $0x0  }
0x1d: {  	s5 =	simm.s32 @p1 $0x1;
	p0 =	seq.s32 s7, s2  }
0x1e: {  	s7 =	smul.u32 @!p0 $0xF7A, s2;
	p2 =	seq.s32 @!p0 s5, $0x0  }
0x1f: {  	s9 =	smul.u32 $0xF7A, s1;
	s8 =	simm.s32 @!p0 $0x1BF5;
	p2 =	por !p2, p0  }
0x20: {  	[sflag:s8] =	ssyncset.s32 @!p0 $0xFFFFF086;
	s6 =	sadd.s32 @!p0 s3, s7;
	s7 =	simm.s32 @!p0 $0x108  }
0x21: {  	s3 =	sadd.s32 s3, s9;
	s6 =	sadd.s32 @!p0 $0x88, s6;
	s7 =	simm.s32 @p2 $0x1082  }
0x22: {  	[simem:s7], [sflag:s8] =	dma.local @!p0 [hbm:s6], $0xF7A  }
0x23: {  	s9 =	sor.u32 $0xD0000000, s2;
	s6 =	simm.s32 $0x108;
	_ =	swait.ge @!p0 [sflag:s8], $0x0  }
0x24: {  	s3 =	sadd.s32 $0x88, s3;
	s6 =	simm.s32 @!p1 $0x1082;
	[sflag:s4] =	ssyncset.s32 $0xFFFFF086  }
0x25: {  	[simem:s6], [sflag:s4] =	dma.local [hbm:s3], $0xF7A  }
0x26: {  	[smem:$0x3F96] =	sst s1;
	(tag) =	ssettag s2;
	_ =	strace s9  }
0x27: {  	s1 =	sld [smem:$0x3FA6]  }
0x28: {  	s2 =	sld [smem:$0x3FA7]  }
0x29: {  	s4 =	sld [smem:$0x3FA9]  }
0x2a: {  	p0 =	seq.s32 s5, $0x0;
	s5 =	sld [smem:$0x3FAA]  }
0x2b: {  	s6 =	sld [smem:$0x3FAB]  }
0x2c: {  	s7 =	sld [smem:$0x3FAC]  }
0x2d: {  	s3 =	simm.s32 $0x108;
	s8 =	sld [smem:$0x3FAD]  }
0x2e: {  	s3 =	simm.s32 @!p0 $0x1082;
	s9 =	sld [smem:$0x3FAE]  }
0x2f: {  	lr =	sadd.s32 s0, s3;
	s0 =	sld [smem:$0x3FA5]  }
0x30: {  	s3 =	sld [smem:$0x3FA8]  }
0x31: {  	[smem:$0x3FB1] =	sst s10  }
0x32: {  	s10 =	sld [smem:$0x3FAF];
	_ =	sdelay $0x3  }
0x33: {  	p0 =	seq.s32 s10, $0x1;
	s10 =	sld [smem:$0x3FB1];
	_ =	sdelay $0x3  }
0x34: {  	[smem:$0x3FB1] =	sst s10  }
0x35: {  	s10 =	sld [smem:$0x3FB0];
	_ =	sdelay $0x3  }
0x36: {  	p1 =	seq.s32 s10, $0x1;
	s10 =	sld [smem:$0x3FB1];
	_ =	sdelay $0x3  }
0x37: {  	[smem:$0x3FB1] =	sst s10  }
0x38: {  	s10 =	sld [smem:$0x3FB2]  }
0x39: {  	_ = 	snop;
	(pc) =	sbr.ind lr, $3  }
0x3a: {  	_ = 	snop  }
0x3b: {  	_ = 	snop  }
0x3c: {  	p2 =	seq.s32 s10, $0x1;
	s10 =	sld [smem:$0x3FB1]  }
0x3d: {  	_ =	shalt  }
0x3e: {  	_ =	shalt  }
0x3f: {  	_ =	shalt  }
0x40: {  	_ =	shalt  }
0x41: {  	_ =	shalt  }
0x42: {  	_ =	shalt  }
0x43: {  	_ =	shalt  }
0x44: {  	_ =	shalt  }
0x45: {  	_ =	shalt  }
0x46: {  	_ =	shalt  }
0x47: {  	_ =	shalt  }
0x48: {  	_ =	shalt  }
0x49: {  	_ =	shalt  }
0x4a: {  	_ =	shalt  }
0x4b: {  	_ =	shalt  }
0x4c: {  	_ =	shalt  }
0x4d: {  	_ =	shalt  }
0x4e: {  	_ =	shalt  }
0x4f: {  	_ =	shalt  }
0x50: {  	_ =	shalt  }
0x51: {  	_ =	shalt  }
0x52: {  	_ =	shalt  }
0x53: {  	_ =	shalt  }
0x54: {  	_ =	shalt  }
0x55: {  	_ =	shalt  }
0x56: {  	_ =	shalt  }
0x57: {  	_ =	shalt  }
0x58: {  	_ =	shalt  }
0x59: {  	_ =	shalt  }
0x5a: {  	_ =	shalt  }
0x5b: {  	_ =	shalt  }
0x5c: {  	_ =	shalt  }
0x5d: {  	_ =	shalt  }
0x5e: {  	_ =	shalt  }
0x5f: {  	_ =	shalt  }
0x60: {  	_ =	shalt  }
0x61: {  	_ =	shalt  }
0x62: {  	_ =	shalt  }
0x63: {  	_ =	shalt  }
0x64: {  	_ =	shalt  }
0x65: {  	_ =	shalt  }
0x66: {  	_ =	shalt  }
0x67: {  	_ =	shalt  }
0x68: {  	_ =	shalt  }
0x69: {  	_ =	shalt  }
0x6a: {  	_ =	shalt  }
0x6b: {  	_ =	shalt  }
0x6c: {  	_ =	shalt  }
0x6d: {  	_ =	shalt  }
0x6e: {  	_ =	shalt  }
0x6f: {  	_ =	shalt  }
0x70: {  	_ =	shalt  }
0x71: {  	_ =	shalt  }
0x72: {  	_ =	shalt  }
0x73: {  	_ =	shalt  }
0x74: {  	_ =	shalt  }
0x75: {  	_ =	shalt  }
0x76: {  	_ =	shalt  }
0x77: {  	_ =	shalt  }
0x78: {  	_ =	shalt  }
0x79: {  	_ =	shalt  }
0x7a: {  	_ =	shalt  }
0x7b: {  	_ =	shalt  }
0x7c: {  	_ =	shalt  }
0x7d: {  	_ =	shalt  }
0x7e: {  	_ =	shalt  }
0x7f: {  	_ =	shalt  }
0x80: {  	_ =	shalt  }
0x81: {  	_ =	shalt  }
0x82: {  	_ =	shalt  }
0x83: {  	_ =	shalt  }
0x84: {  	_ =	shalt  }
0x85: {  	_ =	shalt  }
0x86: {  	_ =	shalt  }
0x87: {  	_ =	shalt  }
.Lfunc_end0:
.L_simem_size_0:
called_computation.1_lowered:
.L_overlay_start_0:
0x88: {  	s2 =	sld [smem:$0x3FD9]  }
0x89: {  	s3 =	sld [smem:$0x3FFE];
	_ =	sdelay $0x1  }
0x8a: {  	s1 =	srdreg.scid  }
0x8b: {  	s0 =	sand.u32 $0x1, s1  }
0x8c: {  	s17 =	sshll.u32 s0, $0xA;
	s2 =	sadd.s32 s3, s2  }
0x8d: {  	s2 =	sadd.s32 s2, s17  }
0x8e: {  	[smem:$0x3FBD] =	sst s2  }
0x8f: {  	_ = 	snop  }
0x90: {  	s2 =	sld [smem:$0x3FD0];
	(tm) =	ssettm $0x1  }
0x91: {  	s18 =	sld [smem:$0x3FFB];
	_ =	sdelay $0x3  }
0x92: {  	_ =	strace s18  }
0x93: {  	s3 =	sld [smem:$0x3FFC];
	_ =	sdelay $0x3  }
0x94: {  	_ =	strace s3  }
0x95: {  	s3 =	sld [smem:$0x3FFD];
	_ =	sdelay $0x3  }
0x96: {  	_ =	strace s3  }
0x97: {  	_ =	strace $0x8FFFFFFF  }
0x98: {  	s19 =	sld [smem:$0x3FDB];
	_ =	sdelay $0x1  }
0x99: {  	s4 =	simm.s32 $_scs_section_size  }
0x9a: {  	s5 =	simm.s32 $_size__tile_overlayer_lowered;
	s6 =	simm.s32 $_tile_overlayer_lowered  }
0x9b: {  	s22 =	simm.s32 $0x1BFF;
	s21 =	sshll.u32 s6, $0x1;
	s3 =	sadd.s32 s4, s19  }
0x9c: {  	s7 =	simm.s32 $0x0;
	s20 =	sshll.u32 s5, $0x1;
	s5 =	sadd.s32 s21, s3  }
0x9d: {  	[timem:s7], [sflag:s22] =	dma.local [hbm:s5], s20  }
0x9e: {  	_ =	swait.ge [sflag:s22], s20  }
0x9f: {  	s4 =	ssub.s32 $0x0, s20;
	[sflag:s22] =	ssyncset.done $0x0  }
0xa0: {  	[sflag:s22] =	ssyncadd.s32 s4;
	_ =	sdelay $0x1  }
0xa1: {  	s23 =	simm.s32 $0x1B8B  }
0xa2: {  	_ =	swait.ge [sflag:s23], $0x1  }
0xa3: {  	[sflag:s23] =	ssyncset.done $0x0  }
0xa4: {  	s25 =	simm.s32 $0x1B8E;
	s24 =	sld [smem:$0x3FFE];
	[sflag:s23] =	ssyncadd.s32 $0xFFFFFFFF  }
0xa5: {  	s26 =	simm.s32 $execute0_lowered;
	[smem:$0x3FD2] =	sst s25  }
0xa6: {  	s5 =	sshll.u32 s26, $0x1;
	_ =	strace $0x80000049;
	[dreg:$0x1] =	wrdreg $0xFFFFFFFF  }
0xa7: {  	s28 =	simm.s32 $_size_execute0_lowered;
	s3 =	sadd.s32 s3, s5;
	[dreg:$0x0] =	wrdreg $0x0  }
0xa8: {  	s5 =	sshll.u32 s28, $0x1;
	[dreg:$0x2] =	wrdreg s3  }
0xa9: {  	[dreg:$0x3] =	wrdreg s5  }
0xaa: {  	[dreg:$0x4] =	wrdreg $0xC0  }
0xab: {  	_ =	task [dreg:s7], $0x5FFFF  }
0xac: {  	[dreg:$0x1] =	wrdreg $0xFFFFFFFF  }
0xad: {  	[dreg:$0x0] =	wrdreg $0x60  }
0xae: {  	[dreg:$0x2] =	wrdreg s2  }
0xaf: {  	[dreg:$0x3] =	wrdreg s24  }
0xb0: {  	[dreg:$0x4] =	wrdreg $0xD0000  }
0xb1: {  	[dreg:$0x5] =	wrdreg $0x11F000  }
0xb2: {  	[dreg:$0x6] =	wrdreg $0x9  }
0xb3: {  	_ =	task.clear_ibuf [dreg:s7], $0x7FFFF;
	_ =	strace $0x90000049  }
0xb4: {  	s29 =	simm.s32 $0x9;
	_ =	strace $0x8000004B  }
0xb5: {  	_ =	swait.ge [sflag:s29], $0x1  }
0xb6: {  	[sflag:s29] =	ssyncadd.s32 $0xFFFFFFFF  }
0xb7: {  	_ =	strace $0x9000004B  }
0xb8: {  	_ =	sfence  }
0xb9: {  	s30 =	sld [smem:$0x0];
	_ =	sdelay $0x2  }
0xba: {  	s31 =	sshll.u32 s1, $0xD;
	s1 =	sshrl.u32 s1, $0x2  }
0xbb: {  	s3 =	sand.u32 $0x4000, s31;
	s1 =	sadd.s32 s1, s30  }
0xbc: {  	s0 =	sor.u32 s3, s0;
	s1 =	sshll.u32 s1, $0x11  }
0xbd: {  	s0 =	sor.u32 s1, s0  }
0xbe: {  	s0 =	sadd.s32 $0x8F2B, s0  }
0xbf: {  	[sflag:s0] =	ssyncadd.remote.s32 $0x1  }
0xc0: {  	_ =	sfence.sel $0xFFFF  }
0xc1: {  	[dreg:$0x0] =	wrdreg $0xFFFFFFFF;
	(pc) =	sbr.abs _section_cstart, $3  }
0xc2: {  	[dreg:$0x1] =	wrdreg $0xFFFFFFFF  }
0xc3: {  	_ =	task.clear_ibuf [dreg:s7], $0x2FFFF;
	_ =	strace $0x9FFFFFFF  }
0xc4: {  	(tm) =	ssettm $0x7FFFFFFF  }
0xc5: {  	_ =	shalt  }
tec
execute0_lowered:
.L_overlay_start_1:
0x0: {  	(tag) =	ssettag $0x1  }
0x1: {  	s0 =	rddreg [dreg:$0x0]  }
0x2: {  	s1 =	rddreg [dreg:$0x1]  }
0x3: {  	s2 =	rddreg [dreg:$0x2]  }
0x4: {  	s3 =	rddreg [dreg:$0x3]  }
0x5: {  	s13 =	stileid.u32;
	s5 =	srdreg.scid;
	s6 =	simm.s32 $0x0  }
0x6: {  	s15 =	simm.s32 $0x11;
	s29 =	simm.s32 $0xA000;
	s30 =	simm.s32 $0x1  }
0x7: {  	s31 =	simm.s32 $0xB000;
	s4 =	smul.u32 $0x4F00, s13;
	s5 =	sand.u32 $0x1, s5  }
0x8: {  	[smem:$0x7FF] =	sst s6;
	s8 =	sadd.s32 $0x3A00, s1;
	s19 =	sshll.u32 s13, $0x6  }
0x9: {  	s21 =	sshll.u32 s13, $0x4;
	s16 =	smul.u32 $0x4F000, s5;
	_ =	strace $0x8000004A  }
0xa: {  	s10 =	ssub.s32 $0x2, s5;
	s5 =	sshll.u32 s5, $0x4;
	s7 =	sshrl.u32 s4, $0x3  }
0xb: {  	s11 =	sshrl.u32 s10, $0x1;
	s5 =	sor.u32 s13, s5;
	s12 =	sadd.s32 s4, s2  }
0xc: {  	s13 =	simm.s32 $0x0;
	s9 =	sadd.s32 s7, s1;
	s6 =	sadd.s32 s4, s16  }
0xd: {  	s10 =	ssub.s32 s10, s11;
	s17 =	smul.u32 $0x2700, s5;
	s4 =	sadd.s32 s4, s3  }
0xe: {  	s0 =	sadd.s32 s0, s7;
	p0 =	sgt.u32 s5, $0x3;
	s14 =	sshrl.u32 s12, $0x3  }
0xf: {  	s6 =	sshrl.u32 s6, $0x3;
	s18 =	sadd.s32 $0x17600, s9;
	[dreg:$0x7] =	wrdreg s0  }
0x10: {  	s26 =	smax.u32 s10, $0x1;
	s28 =	sshrl.u32 s4, $0x3;
	s0 =	simm.s32 $0xC000  }
0x11: {  	s10 =	simm.s32 $0xE;
	s1 =	sadd.s32 s6, s1;
	[dreg:$0x5] =	wrdreg s18  }
0x12: {  	s6 =	sor.u32 $0x1C11, s19;
	s20 =	sshrl.u32 s17, $0x3;
	[dreg:$0xc] =	wrdreg s26  }
0x13: {  	[dreg:$0xd] =	wrdreg s28;
	s18 =	simm.s32 $0x80;
	s19 =	simm.s32 $0x5000  }
0x14: {  	s26 =	simm.s32 $0x9000;
	s17 =	simm.s32 $0x3;
	s9 =	sadd.s32 s8, s20  }
0x15: {  	s8 =	sadd.s32 s21, s8;
	s25 =	sadd.s32 $0x21400, s1;
	[dreg:$0x6] =	wrdreg s9  }
.Ltmp0:
0x16: {  	s22 =	sadd.s32 $0x9C40, s9;
	[dreg:$0xb] =	wrdreg s25;
	(pc) =	sbr.rel .LBB2_1-.Ltmp0, $4  }
0x17: {  	s20 =	simm.s32 $0x6000;
	s23 =	sadd.s32 $0x9C00, s8;
	[dreg:$0x8] =	wrdreg s22  }
0x18: {  	s1 =	simm.s32 $0x2;
	s24 =	sadd.s32 $0x13840, s8;
	[dreg:$0x9] =	wrdreg s23  }
0x19: {  	s21 =	simm.s32 $0x5;
	s9 =	simm.s32 $0xD;
	[dreg:$0xa] =	wrdreg s24  }
0x1a: {  	v0 =	vimm.s32 $0x0;
	v1 =	vimm.s32 $0x2710;
	s22 =	simm.s32 $0x7000;
	s23 =	simm.s32 $0x7;
	s24 =	simm.s32 $0x8  }
.LBB2_4:
0x1b: {  	_ =	swait.ge [sflag:s24], $0x1000  }
0x1c: {  	[sflag:s24] =	ssyncset.done $0x0  }
0x1d: {  	s5 =	simm.s32 $0x9;
	[sflag:s24] =	ssyncadd.s32 $0xFFFFF000  }
0x1e: {  	[spmem:s2] =	stream.indirect.scatter.add.f32 [tilespmem:s0], [sflag:$0x10], $0x20, s4, s18, $0xb8;
	[tilespmem:$0x16E00] =	vst v63  }
0x1f: {  	_ =	swait.ge [sflag:s5], $0x1000  }
0x20: {  	[sflag:s5] =	ssyncset.done $0x0  }
0x21: {  	s7 =	simm.s32 $0xA;
	[sflag:s5] =	ssyncadd.s32 $0xFFFFF000  }
0x22: {  	_ =	swait.ge [sflag:s7], $0x1000  }
0x23: {  	[sflag:s7] =	ssyncset.done $0x0  }
0x24: {  	s8 =	simm.s32 $0xB;
	[sflag:s7] =	ssyncadd.s32 $0xFFFFF000  }
0x25: {  	_ =	swait.ge [sflag:s8], $0x1000  }
0x26: {  	[sflag:s8] =	ssyncset.done $0x0  }
0x27: {  	s11 =	simm.s32 $0xC;
	[sflag:s8] =	ssyncadd.s32 $0xFFFFF000  }
0x28: {  	_ =	swait.ge [sflag:s11], $0x1000  }
0x29: {  	[sflag:s11] =	ssyncset.done $0x0  }
0x2a: {  	[sflag:s11] =	ssyncadd.s32 $0xFFFFF000  }
0x2b: {  	_ =	swait.ge [sflag:s9], $0x1000  }
0x2c: {  	[sflag:s9] =	ssyncset.done $0x0  }
0x2d: {  	[sflag:s9] =	ssyncadd.s32 $0xFFFFF000  }
0x2e: {  	_ =	swait.ge [sflag:s10], $0x1000  }
0x2f: {  	[sflag:s10] =	ssyncset.done $0x0  }
0x30: {  	s12 =	simm.s32 $0xF;
	[sflag:s10] =	ssyncadd.s32 $0xFFFFF000  }
0x31: {  	_ =	swait.ge [sflag:s12], $0x1000  }
0x32: {  	[sflag:s12] =	ssyncset.done $0x0  }
0x33: {  	s16 =	simm.s32 $0x10;
	[sflag:s12] =	ssyncadd.s32 $0xFFFFF000  }
0x34: {  	_ =	swait.ge [sflag:s16], $0x1000  }
0x35: {  	[sflag:s16] =	ssyncset.done $0x0  }
0x36: {  	[sflag:s16] =	ssyncadd.s32 $0xFFFFF000  }
0x37: {  	[bflag:$0x0] =	sbarrier.arrive $0xFFFF  }
0x38: {  	s25 =	rddreg [dreg:$0xb]  }
0x39: {  	[hbm:s25], [sflag:s6] =	dma.local [spmem:s14], $0x9E0  }
0x3a: {  	_ =	swait.ge [sflag:s15], $0x9E0  }
0x3b: {  	s13 =	sadd.s32 $0x1, s13;
	s28 =	rddreg [dreg:$0xc]  }
0x3c: {  	p1 =	sne.s32 s13, s28  }
.Ltmp1:
0x3d: {  	_ = 	snop;
	(pc) =	sbr.rel @!p1 .LBB2_5-.Ltmp1, $3  }
0x3e: {  	_ =	sdelay $0x1  }
0x3f: {  	[sflag:s15] =	ssyncset.done $0x0  }
0x40: {  	[sflag:s15] =	ssyncadd.s32 $0xFFFFF620  }
.LBB2_1:
0x41: {  	s4 =	rddreg [dreg:$0x5]  }
0x42: {  	[spmem:s14], [sflag:s6] =	dma.local [hbm:s4], $0x9E0  }
0x43: {  	_ =	swait.ge [sflag:s15], $0x9E0  }
0x44: {  	[sflag:s15] =	ssyncset.done $0x0;
	s25 =	rddreg [dreg:$0x7]  }
0x45: {  	s5 =	rddreg [dreg:$0xd];
	[sflag:s15] =	ssyncadd.s32 $0xFFFFF620  }
0x46: {  	[spmem:s5], [sflag:s6] =	dma.local [hbm:s25], $0x9E0  }
0x47: {  	_ =	swait.ge [sflag:s15], $0x9E0  }
0x48: {  	[sflag:s15] =	ssyncset.done $0x0  }
0x49: {  	s28 =	simm.s32 $0x0;
	s7 =	rddreg [dreg:$0x6];
	[sflag:s15] =	ssyncadd.s32 $0xFFFFF620  }
0x4a: {  	[tilespmem:s28], [sflag:$0x11] =	stream.linear.gather [hbm4b:s7+s28], $0x2700, $0x38;
	[tilespmem:$0x16E00] =	vst v63  }
0x4b: {  	_ =	swait.ge [sflag:s15], $0x2700  }
0x4c: {  	[sflag:s15] =	ssyncset.done $0x0  }
0x4d: {  	s7 =	simm.s32 $0x2800;
	s8 =	rddreg [dreg:$0x8];
	[sflag:s15] =	ssyncadd.s32 $0xFFFFD900  }
0x4e: {  	[tilespmem:s7], [sflag:$0x11] =	stream.linear.gather [hbm4b:s8+s28], $0x2700, $0x38;
	[tilespmem:$0x16E00] =	vst v63  }
0x4f: {  	_ =	swait.ge [sflag:s15], $0x2700  }
0x50: {  	[sflag:s15] =	ssyncset.done $0x0  }
0x51: {  	[sflag:s15] =	ssyncadd.s32 $0xFFFFD900  }
0x52: {  	[tilespmem:$0x2700] =	vst v0  }
0x53: {  	[tilespmem:$0x4F00] =	vst v1  }
0x54: {  	[tilespmem:$0x2710] =	vst v0  }
0x55: {  	[tilespmem:$0x4F10] =	vst v1  }
0x56: {  	[tilespmem:$0x2720] =	vst v0  }
0x57: {  	[tilespmem:$0x4F20] =	vst v1  }
0x58: {  	[tilespmem:$0x2730] =	vst v0  }
0x59: {  	[tilespmem:$0x4F30] =	vst v1  }
0x5a: {  	[tilespmem:$0x2740] =	vst v0  }
0x5b: {  	[tilespmem:$0x4F40] =	vst v1  }
0x5c: {  	[tilespmem:$0x2750] =	vst v0  }
0x5d: {  	[tilespmem:$0x4F50] =	vst v1  }
0x5e: {  	[tilespmem:$0x2760] =	vst v0  }
0x5f: {  	[tilespmem:$0x4F60] =	vst v1  }
0x60: {  	[tilespmem:$0x2770] =	vst v0  }
0x61: {  	[tilespmem:$0x4F70] =	vst v1  }
0x62: {  	[tilespmem:$0x2780] =	vst v0  }
0x63: {  	[tilespmem:$0x4F80] =	vst v1  }
0x64: {  	[tilespmem:$0x2790] =	vst v0  }
0x65: {  	[tilespmem:$0x4F90] =	vst v1  }
0x66: {  	[tilespmem:$0x27A0] =	vst v0  }
0x67: {  	[tilespmem:$0x4FA0] =	vst v1  }
0x68: {  	[tilespmem:$0x27B0] =	vst v0  }
0x69: {  	[tilespmem:$0x4FB0] =	vst v1  }
0x6a: {  	[tilespmem:$0x27C0] =	vst v0  }
0x6b: {  	[tilespmem:$0x4FC0] =	vst v1  }
0x6c: {  	[tilespmem:$0x27D0] =	vst v0  }
0x6d: {  	[tilespmem:$0x4FD0] =	vst v1  }
0x6e: {  	[tilespmem:$0x27E0] =	vst v0  }
0x6f: {  	[tilespmem:$0x4FE0] =	vst v1  }
0x70: {  	[tilespmem:$0x27F0] =	vst v0  }
0x71: {  	s4 =	simm.s32 @!p0 $0x0;
	s7 =	simm.s32 @!p0 $0x2700;
	s8 =	rddreg [dreg:$0x9];
	[tilespmem:$0x4FF0] =	vst v1  }
0x72: {  	[tilespmem:s7], [sflag:$0x11] =	stream.linear.gather @!p0 [hbm4b:s8+s4], $0x80, $0x38;
	[tilespmem:$0x16E00] =	vst v63  }
0x73: {  	s7 =	simm.s32 @!p0 $0x11  }
0x74: {  	_ =	swait.ge @!p0 [sflag:s7], $0x80  }
0x75: {  	[sflag:s7] =	ssyncset.done @!p0 $0x0  }
0x76: {  	s16 =	simm.s32 @!p0 $0x4F00;
	s8 =	rddreg [dreg:$0xa];
	[sflag:s7] =	ssyncadd.s32 @!p0 $0xFFFFFF80  }
0x77: {  	[tilespmem:s16], [sflag:$0x11] =	stream.linear.gather @!p0 [hbm4b:s8+s4], $0x80, $0x38;
	[tilespmem:$0x16E00] =	vst v63  }
0x78: {  	_ =	swait.ge @!p0 [sflag:s7], $0x80  }
0x79: {  	[sflag:s7] =	ssyncset.done @!p0 $0x0  }
0x7a: {  	[sflag:s7] =	ssyncadd.s32 @!p0 $0xFFFFFF80  }
0x7b: {  	[bflag:$0x0] =	sbarrier.arrive $0xFFFF  }
0x7c: {  	[tilespmem:s19], [sflag:$0x1] =	stream.indirect.gather [spmem:s3], $0x20, s28, s18, $0xb8;
	[tilespmem:$0x16E00] =	vst v63  }
0x7d: {  	_ = 	snop  }
0x7e: {  	[tilespmem:s20], [sflag:$0x2] =	stream.indirect.gather [spmem:s3], $0x20, s18, s18, $0xb8;
	[tilespmem:$0x16E00] =	vst v63  }
0x7f: {  	s11 =	simm.s32 $0x100  }
0x80: {  	[tilespmem:s22], [sflag:$0x3] =	stream.indirect.gather [spmem:s3], $0x20, s11, s18, $0xb8;
	[tilespmem:$0x16E00] =	vst v63  }
0x81: {  	s12 =	simm.s32 $0x180;
	s16 =	simm.s32 $0x8000  }
0x82: {  	[tilespmem:s16], [sflag:$0x4] =	stream.indirect.gather [spmem:s3], $0x20, s12, s18, $0xb8;
	[tilespmem:$0x16E00] =	vst v63  }
0x83: {  	s25 =	simm.s32 $0x200  }
0x84: {  	[tilespmem:s26], [sflag:$0x5] =	stream.indirect.gather [spmem:s3], $0x20, s25, s18, $0xb8;
	[tilespmem:$0x16E00] =	vst v63  }
0x85: {  	s7 =	simm.s32 $0x0;
	s28 =	simm.s32 $0x280  }
0x86: {  	[tilespmem:s29], [sflag:$0x6] =	stream.indirect.gather [spmem:s3], $0x20, s28, s18, $0xb8;
	[tilespmem:$0x16E00] =	vst v63  }
.LBB2_2:
0x87: {  	_ =	swait.ge [sflag:s30], $0x1000  }
0x88: {  	s16 =	sshra.s32 s7, $0x2;
	[sflag:s30] =	ssyncset.done $0x0  }
0x89: {  	p1 =	seq.s32 s7, $0x0;
	s4 =	sadd.s32 $0x2800, s16;
	[sflag:s30] =	ssyncadd.s32 $0xFFFFF000  }
0x8a: {  	[spmem:s2] =	stream.indirect.scatter.add.f32 [tilespmem:s19], [sflag:$0x9], $0x20, s4, s18, $0xb8;
	[tilespmem:$0x16E00] =	vst v63  }
0x8b: {  	s4 =	simm.s32 @!p1 $0xF  }
0x8c: {  	_ =	swait.ge @!p1 [sflag:s4], $0x1000  }
0x8d: {  	[sflag:s4] =	ssyncset.done @!p1 $0x0  }
0x8e: {  	s28 =	sadd.s32 $0x300, s16;
	[sflag:s4] =	ssyncadd.s32 @!p1 $0xFFFFF000  }
0x8f: {  	[tilespmem:s31], [sflag:$0x7] =	stream.indirect.gather [spmem:s3], $0x20, s28, s18, $0xb8;
	[tilespmem:$0x16E00] =	vst v63  }
0x90: {  	_ =	swait.ge [sflag:s1], $0x1000  }
0x91: {  	[sflag:s1] =	ssyncset.done $0x0  }
0x92: {  	s5 =	sadd.s32 $0x2880, s16;
	s4 =	simm.s32 @!p1 $0x10;
	[sflag:s1] =	ssyncadd.s32 $0xFFFFF000  }
0x93: {  	[spmem:s2] =	stream.indirect.scatter.add.f32 [tilespmem:s20], [sflag:$0xA], $0x20, s5, s18, $0xb8;
	[tilespmem:$0x16E00] =	vst v63  }
0x94: {  	_ =	swait.ge @!p1 [sflag:s4], $0x1000  }
0x95: {  	[sflag:s4] =	ssyncset.done @!p1 $0x0  }
0x96: {  	s8 =	sadd.s32 $0x380, s16;
	[sflag:s4] =	ssyncadd.s32 @!p1 $0xFFFFF000  }
0x97: {  	[tilespmem:s0], [sflag:$0x8] =	stream.indirect.gather [spmem:s3], $0x20, s8, s18, $0xb8;
	[tilespmem:$0x16E00] =	vst v63  }
0x98: {  	_ =	swait.ge [sflag:s17], $0x1000  }
0x99: {  	p1 =	seq.s32 s7, $0x9000;
	[sflag:s17] =	ssyncset.done $0x0  }
0x9a: {  	s11 =	sadd.s32 $0x2900, s16;
	s4 =	simm.s32 @p1 $0x4;
	[sflag:s17] =	ssyncadd.s32 $0xFFFFF000  }
0x9b: {  	[spmem:s2] =	stream.indirect.scatter.add.f32 [tilespmem:s22], [sflag:$0xB], $0x20, s11, s18, $0xb8;
	[tilespmem:$0x16E00] =	vst v63  }
0x9c: {  	_ =	swait.ge @p1 [sflag:s4], $0x1000  }
0x9d: {  	[sflag:s4] =	ssyncset.done @p1 $0x0  }
0x9e: {  	[sflag:s4] =	ssyncadd.s32 @p1 $0xFFFFF000;
	s4 =	sshra.s32 @p1 s7, $0x2  }
0x9f: {  	s28 =	simm.s32 @p1 $0x80;
	s5 =	simm.s32 @p1 $0x8000;
	s25 =	sadd.s32 @p1 $0x2980, s4  }
0xa0: {  	[spmem:s2] =	stream.indirect.scatter.add.f32 @p1 [tilespmem:s5], [sflag:$0xC], $0x20, s25, s28, $0xb8;
	[tilespmem:$0x16E00] =	vst v63  }
0xa1: {  	s5 =	simm.s32 @!p1 $0x9  }
0xa2: {  	_ =	swait.ge @!p1 [sflag:s5], $0x1000  }
0xa3: {  	[sflag:s5] =	ssyncset.done @!p1 $0x0  }
0xa4: {  	[sflag:s5] =	ssyncadd.s32 @!p1 $0xFFFFF000;
	s5 =	sshra.s32 @!p1 s7, $0x2  }
0xa5: {  	s8 =	simm.s32 @!p1 $0x80;
	s11 =	simm.s32 @!p1 $0x5000;
	s25 =	sadd.s32 @!p1 $0x400, s5  }
0xa6: {  	[tilespmem:s11], [sflag:$0x1] =	stream.indirect.gather @!p1 [spmem:s3], $0x20, s25, s8, $0xb8;
	[tilespmem:$0x16E00] =	vst v63  }
0xa7: {  	s11 =	simm.s32 @!p1 $0x4  }
0xa8: {  	_ =	swait.ge @!p1 [sflag:s11], $0x1000  }
0xa9: {  	[sflag:s11] =	ssyncset.done @!p1 $0x0  }
0xaa: {  	s25 =	simm.s32 @!p1 $0x8000;
	[sflag:s11] =	ssyncadd.s32 @!p1 $0xFFFFF000;
	s11 =	sadd.s32 @!p1 $0x2980, s5  }
0xab: {  	[spmem:s2] =	stream.indirect.scatter.add.f32 @!p1 [tilespmem:s25], [sflag:$0xC], $0x20, s11, s8, $0xb8;
	[tilespmem:$0x16E00] =	vst v63  }
0xac: {  	s11 =	simm.s32 @!p1 $0xA  }
0xad: {  	_ =	swait.ge @!p1 [sflag:s11], $0x1000  }
0xae: {  	[sflag:s11] =	ssyncset.done @!p1 $0x0  }
0xaf: {  	s12 =	simm.s32 @!p1 $0x6000;
	[sflag:s11] =	ssyncadd.s32 @!p1 $0xFFFFF000;
	s11 =	sadd.s32 @!p1 $0x480, s5  }
0xb0: {  	[tilespmem:s12], [sflag:$0x2] =	stream.indirect.gather @!p1 [spmem:s3], $0x20, s11, s8, $0xb8;
	[tilespmem:$0x16E00] =	vst v63  }
0xb1: {  	_ =	swait.ge [sflag:s21], $0x1000  }
0xb2: {  	[sflag:s21] =	ssyncset.done $0x0  }
0xb3: {  	s12 =	sadd.s32 $0x2A00, s16;
	s11 =	simm.s32 @p1 $0x6;
	[sflag:s21] =	ssyncadd.s32 $0xFFFFF000  }
0xb4: {  	[spmem:s2] =	stream.indirect.scatter.add.f32 [tilespmem:s26], [sflag:$0xD], $0x20, s12, s18, $0xb8;
	[tilespmem:$0x16E00] =	vst v63  }
0xb5: {  	_ =	swait.ge @p1 [sflag:s11], $0x1000  }
0xb6: {  	[sflag:s11] =	ssyncset.done @p1 $0x0  }
0xb7: {  	s4 =	sadd.s32 @p1 $0x2A80, s4;
	[sflag:s11] =	ssyncadd.s32 @p1 $0xFFFFF000;
	s11 =	simm.s32 @p1 $0xA000  }
0xb8: {  	[spmem:s2] =	stream.indirect.scatter.add.f32 @p1 [tilespmem:s11], [sflag:$0xE], $0x20, s4, s28, $0xb8;
	[tilespmem:$0x16E00] =	vst v63  }
0xb9: {  	s4 =	simm.s32 @!p1 $0xB  }
0xba: {  	_ =	swait.ge @!p1 [sflag:s4], $0x1000  }
0xbb: {  	[sflag:s4] =	ssyncset.done @!p1 $0x0  }
0xbc: {  	s11 =	simm.s32 @!p1 $0x7000;
	[sflag:s4] =	ssyncadd.s32 @!p1 $0xFFFFF000;
	s4 =	sadd.s32 @!p1 $0x500, s5  }
0xbd: {  	[tilespmem:s11], [sflag:$0x3] =	stream.indirect.gather @!p1 [spmem:s3], $0x20, s4, s8, $0xb8;
	[tilespmem:$0x16E00] =	vst v63  }
0xbe: {  	s4 =	simm.s32 @!p1 $0x6  }
0xbf: {  	_ =	swait.ge @!p1 [sflag:s4], $0x1000  }
0xc0: {  	[sflag:s4] =	ssyncset.done @!p1 $0x0  }
0xc1: {  	s11 =	simm.s32 @!p1 $0xA000;
	[sflag:s4] =	ssyncadd.s32 @!p1 $0xFFFFF000;
	s4 =	sadd.s32 @!p1 $0x2A80, s5  }
0xc2: {  	[spmem:s2] =	stream.indirect.scatter.add.f32 @!p1 [tilespmem:s11], [sflag:$0xE], $0x20, s4, s8, $0xb8;
	[tilespmem:$0x16E00] =	vst v63  }
0xc3: {  	s4 =	simm.s32 @!p1 $0xC  }
0xc4: {  	_ =	swait.ge @!p1 [sflag:s4], $0x1000  }
0xc5: {  	[sflag:s4] =	ssyncset.done @!p1 $0x0  }
0xc6: {  	[sflag:s4] =	ssyncadd.s32 @!p1 $0xFFFFF000;
	s4 =	sadd.s32 @!p1 $0x580, s5  }
0xc7: {  	[tilespmem:s25], [sflag:$0x4] =	stream.indirect.gather @!p1 [spmem:s3], $0x20, s4, s8, $0xb8;
	[tilespmem:$0x16E00] =	vst v63  }
.Ltmp2:
0xc8: {  	_ = 	snop;
	(pc) =	sbr.rel @p1 .LBB2_4-.Ltmp2, $4  }
0xc9: {  	_ =	swait.ge [sflag:s23], $0x1000  }
0xca: {  	[sflag:s23] =	ssyncset.done $0x0  }
0xcb: {  	s28 =	sadd.s32 $0x2B00, s16;
	s4 =	sadd.s32 $0x2B80, s16;
	[sflag:s23] =	ssyncadd.s32 $0xFFFFF000  }
0xcc: {  	[spmem:s2] =	stream.indirect.scatter.add.f32 [tilespmem:s31], [sflag:$0xF], $0x20, s28, s18, $0xb8;
	[tilespmem:$0x16E00] =	vst v63  }
0xcd: {  	_ =	swait.ge [sflag:s9], $0x1000  }
0xce: {  	[sflag:s9] =	ssyncset.done $0x0  }
0xcf: {  	s5 =	sadd.s32 $0x600, s16;
	[sflag:s9] =	ssyncadd.s32 $0xFFFFF000  }
0xd0: {  	[tilespmem:s26], [sflag:$0x5] =	stream.indirect.gather [spmem:s3], $0x20, s5, s18, $0xb8;
	[tilespmem:$0x16E00] =	vst v63  }
0xd1: {  	_ =	swait.ge [sflag:s24], $0x1000  }
0xd2: {  	[sflag:s24] =	ssyncset.done $0x0  }
0xd3: {  	[sflag:s24] =	ssyncadd.s32 $0xFFFFF000  }
0xd4: {  	[spmem:s2] =	stream.indirect.scatter.add.f32 [tilespmem:s0], [sflag:$0x10], $0x20, s4, s18, $0xb8;
	[tilespmem:$0x16E00] =	vst v63  }
.Ltmp3:
0xd5: {  	_ = 	snop;
	(pc) =	sbr.rel .LBB2_2-.Ltmp3, $4  }
0xd6: {  	_ =	swait.ge [sflag:s10], $0x1000  }
0xd7: {  	[sflag:s10] =	ssyncset.done $0x0  }
0xd8: {  	s28 =	sadd.s32 $0x680, s16;
	s7 =	sadd.s32 $0x1000, s7;
	[sflag:s10] =	ssyncadd.s32 $0xFFFFF000  }
0xd9: {  	[tilespmem:s29], [sflag:$0x6] =	stream.indirect.gather [spmem:s3], $0x20, s28, s18, $0xb8;
	[tilespmem:$0x16E00] =	vst v63  }
.LBB2_5:
0xda: {  	_ =	sfence.sel $0x180000  }
0xdb: {  	[bflag:$0x0] =	sbarrier.arrive $0xFFFF  }
0xdc: {  	_ =	strace $0x9000004A  }
0xdd: {  	s0 =	stileid.u32;
	[bflag:$0x2] =	sbarrier.arrive $0xFFFF  }
0xde: {  	p0 =	sne.s32 s0, $0x0;
	s0 =	rddreg [dreg:$0x4]  }
0xdf: {  	s0 =	sadd.s32 @!p0 $0x100000, s0  }
0xe0: {  	[sflag:s0] =	ssyncadd.tile.s32 @!p0 $0x1;
	_ =	shalt  }
.Lfunc_end2:
_tile_overlayer_lowered:
.L_overlay_start_2:
0xe1: {  	(tag) =	ssettag $0x2  }
0xe2: {  	s0 =	rddreg [dreg:$0x0];
	s2 =	stileid.u32  }
0xe3: {  	s1 =	rddreg [dreg:$0x1];
	p0 =	sne.s32 s2, $0x0  }
0xe4: {  	s3 =	rddreg [dreg:$0x2];
	[bflag:$0x3] =	sbarrier.arrive $0xFFFF;
	s2 =	simm.s32 @!p0 $0x1C11  }
0xe5: {  	[timem:s3], [sflag:s2] =	dma.local @!p0 [hbm:s0], s1  }
0xe6: {  	s0 =	simm.s32 @!p0 $0x11  }
0xe7: {  	_ =	swait.ge @!p0 [sflag:s0], s1  }
0xe8: {  	s1 =	ssub.s32 @!p0 $0x0, s1;
	[sflag:s0] =	ssyncset.done @!p0 $0x0  }
0xe9: {  	[sflag:s0] =	ssyncadd.s32 @!p0 s1  }
0xea: {  	[bflag:$0x3] =	sbarrier.arrive $0xFFFF  }
0xeb: {  	_ =	shalt  }

// kernel: kernel.15.cloned.1.call-start
scs
__scs_entry_jumppad:
0x0: {  	(pc) =	sbr.rel $0x88, $3  }
0x1: {  	(tag) =	ssettag $0x0;
	lr =	simm.s32 $0x1  }
0x2: {  	[smem:$0x3F96] =	sst lr;
	_ =	strace $0xD0000000  }
0x3: {  	_ = 	snop  }
0x4: {  	_ = 	snop  }
0x5: {  	_ = 	snop  }
0x6: {  	_ = 	snop  }
0x7: {  	_ = 	snop  }
__scs_overlays_trampoline_lowered:
0x8: {  	[smem:$0x3FA5] =	sst s0  }
0x9: {  	[smem:$0x3FA6] =	sst s1  }
0xa: {  	[smem:$0x3FA7] =	sst s2  }
0xb: {  	[smem:$0x3FA8] =	sst s3  }
0xc: {  	[smem:$0x3FA9] =	sst s4  }
0xd: {  	[smem:$0x3FAA] =	sst s5  }
0xe: {  	[smem:$0x3FAB] =	sst s6  }
0xf: {  	[smem:$0x3FAC] =	sst s7  }
0x10: {  	[smem:$0x3FAD] =	sst s8  }
0x11: {  	[smem:$0x3FAE] =	sst s9;
	s0 =	simm.s32 @!p0 $0x0  }
0x12: {  	s1 =	sld [smem:$0x3F94];
	s0 =	simm.s32 @p0 $0x1  }
0x13: {  	[smem:$0x3FAF] =	sst s0;
	s0 =	simm.s32 @!p1 $0x0  }
0x14: {  	s2 =	sld [smem:$0x3F93];
	s0 =	simm.s32 @p1 $0x1  }
0x15: {  	[smem:$0x3FB0] =	sst s0;
	s0 =	simm.s32 @!p2 $0x0  }
0x16: {  	s3 =	sld [smem:$0x3FDB];
	s0 =	simm.s32 @p2 $0x1  }
0x17: {  	s4 =	simm.s32 $0x1BF5;
	[smem:$0x3FB2] =	sst s0  }
0x18: {  	s0 =	sld [smem:$0x3F95];
	_ =	swait.ge [sflag:s4], $0x0  }
0x19: {  	s7 =	sld [smem:$0x3F96]  }
0x1a: {  	s8 =	sadd.s32 $0xFFFFE003, lr  }
0x1b: {  	s9 =	sadd.s32 $0xFFFFFEF7, lr;
	s5 =	simm.s32 $0xFFFFFFFF;
	p2 =	slt.u32 s8, $0xFFFFF086  }
0x1c: {  	p1 =	slt.u32 s9, $0xF7A;
	s5 =	simm.s32 @!p2 $0x0  }
0x1d: {  	s5 =	simm.s32 @p1 $0x1;
	p0 =	seq.s32 s7, s2  }
0x1e: {  	s7 =	smul.u32 @!p0 $0xF7A, s2;
	p2 =	seq.s32 @!p0 s5, $0x0  }
0x1f: {  	s9 =	smul.u32 $0xF7A, s1;
	s8 =	simm.s32 @!p0 $0x1BF5;
	p2 =	por !p2, p0  }
0x20: {  	[sflag:s8] =	ssyncset.s32 @!p0 $0xFFFFF086;
	s6 =	sadd.s32 @!p0 s3, s7;
	s7 =	simm.s32 @!p0 $0x108  }
0x21: {  	s3 =	sadd.s32 s3, s9;
	s6 =	sadd.s32 @!p0 $0x88, s6;
	s7 =	simm.s32 @p2 $0x1082  }
0x22: {  	[simem:s7], [sflag:s8] =	dma.local @!p0 [hbm:s6], $0xF7A  }
0x23: {  	s9 =	sor.u32 $0xD0000000, s2;
	s6 =	simm.s32 $0x108;
	_ =	swait.ge @!p0 [sflag:s8], $0x0  }
0x24: {  	s3 =	sadd.s32 $0x88, s3;
	s6 =	simm.s32 @!p1 $0x1082;
	[sflag:s4] =	ssyncset.s32 $0xFFFFF086  }
0x25: {  	[simem:s6], [sflag:s4] =	dma.local [hbm:s3], $0xF7A  }
0x26: {  	[smem:$0x3F96] =	sst s1;
	(tag) =	ssettag s2;
	_ =	strace s9  }
0x27: {  	s1 =	sld [smem:$0x3FA6]  }
0x28: {  	s2 =	sld [smem:$0x3FA7]  }
0x29: {  	s4 =	sld [smem:$0x3FA9]  }
0x2a: {  	p0 =	seq.s32 s5, $0x0;
	s5 =	sld [smem:$0x3FAA]  }
0x2b: {  	s6 =	sld [smem:$0x3FAB]  }
0x2c: {  	s7 =	sld [smem:$0x3FAC]  }
0x2d: {  	s3 =	simm.s32 $0x108;
	s8 =	sld [smem:$0x3FAD]  }
0x2e: {  	s3 =	simm.s32 @!p0 $0x1082;
	s9 =	sld [smem:$0x3FAE]  }
0x2f: {  	lr =	sadd.s32 s0, s3;
	s0 =	sld [smem:$0x3FA5]  }
0x30: {  	s3 =	sld [smem:$0x3FA8]  }
0x31: {  	[smem:$0x3FB1] =	sst s10  }
0x32: {  	s10 =	sld [smem:$0x3FAF];
	_ =	sdelay $0x3  }
0x33: {  	p0 =	seq.s32 s10, $0x1;
	s10 =	sld [smem:$0x3FB1];
	_ =	sdelay $0x3  }
0x34: {  	[smem:$0x3FB1] =	sst s10  }
0x35: {  	s10 =	sld [smem:$0x3FB0];
	_ =	sdelay $0x3  }
0x36: {  	p1 =	seq.s32 s10, $0x1;
	s10 =	sld [smem:$0x3FB1];
	_ =	sdelay $0x3  }
0x37: {  	[smem:$0x3FB1] =	sst s10  }
0x38: {  	s10 =	sld [smem:$0x3FB2]  }
0x39: {  	_ = 	snop;
	(pc) =	sbr.ind lr, $3  }
0x3a: {  	_ = 	snop  }
0x3b: {  	_ = 	snop  }
0x3c: {  	p2 =	seq.s32 s10, $0x1;
	s10 =	sld [smem:$0x3FB1]  }
0x3d: {  	_ =	shalt  }
0x3e: {  	_ =	shalt  }
0x3f: {  	_ =	shalt  }
0x40: {  	_ =	shalt  }
0x41: {  	_ =	shalt  }
0x42: {  	_ =	shalt  }
0x43: {  	_ =	shalt  }
0x44: {  	_ =	shalt  }
0x45: {  	_ =	shalt  }
0x46: {  	_ =	shalt  }
0x47: {  	_ =	shalt  }
0x48: {  	_ =	shalt  }
0x49: {  	_ =	shalt  }
0x4a: {  	_ =	shalt  }
0x4b: {  	_ =	shalt  }
0x4c: {  	_ =	shalt  }
0x4d: {  	_ =	shalt  }
0x4e: {  	_ =	shalt  }
0x4f: {  	_ =	shalt  }
0x50: {  	_ =	shalt  }
0x51: {  	_ =	shalt  }
0x52: {  	_ =	shalt  }
0x53: {  	_ =	shalt  }
0x54: {  	_ =	shalt  }
0x55: {  	_ =	shalt  }
0x56: {  	_ =	shalt  }
0x57: {  	_ =	shalt  }
0x58: {  	_ =	shalt  }
0x59: {  	_ =	shalt  }
0x5a: {  	_ =	shalt  }
0x5b: {  	_ =	shalt  }
0x5c: {  	_ =	shalt  }
0x5d: {  	_ =	shalt  }
0x5e: {  	_ =	shalt  }
0x5f: {  	_ =	shalt  }
0x60: {  	_ =	shalt  }
0x61: {  	_ =	shalt  }
0x62: {  	_ =	shalt  }
0x63: {  	_ =	shalt  }
0x64: {  	_ =	shalt  }
0x65: {  	_ =	shalt  }
0x66: {  	_ =	shalt  }
0x67: {  	_ =	shalt  }
0x68: {  	_ =	shalt  }
0x69: {  	_ =	shalt  }
0x6a: {  	_ =	shalt  }
0x6b: {  	_ =	shalt  }
0x6c: {  	_ =	shalt  }
0x6d: {  	_ =	shalt  }
0x6e: {  	_ =	shalt  }
0x6f: {  	_ =	shalt  }
0x70: {  	_ =	shalt  }
0x71: {  	_ =	shalt  }
0x72: {  	_ =	shalt  }
0x73: {  	_ =	shalt  }
0x74: {  	_ =	shalt  }
0x75: {  	_ =	shalt  }
0x76: {  	_ =	shalt  }
0x77: {  	_ =	shalt  }
0x78: {  	_ =	shalt  }
0x79: {  	_ =	shalt  }
0x7a: {  	_ =	shalt  }
0x7b: {  	_ =	shalt  }
0x7c: {  	_ =	shalt  }
0x7d: {  	_ =	shalt  }
0x7e: {  	_ =	shalt  }
0x7f: {  	_ =	shalt  }
0x80: {  	_ =	shalt  }
0x81: {  	_ =	shalt  }
0x82: {  	_ =	shalt  }
0x83: {  	_ =	shalt  }
0x84: {  	_ =	shalt  }
0x85: {  	_ =	shalt  }
0x86: {  	_ =	shalt  }
0x87: {  	_ =	shalt  }
.Lfunc_end0:
.L_simem_size_0:
called_computation.2_lowered:
.L_overlay_start_0:
0x88: {  	s2 =	sld [smem:$0x3FD9]  }
0x89: {  	s3 =	sld [smem:$0x3FFE];
	_ =	sdelay $0x1  }
0x8a: {  	s1 =	srdreg.scid  }
0x8b: {  	s0 =	sand.u32 $0x1, s1  }
0x8c: {  	s17 =	sshll.u32 s0, $0xA;
	s2 =	sadd.s32 s3, s2  }
0x8d: {  	s2 =	sadd.s32 s2, s17  }
0x8e: {  	[smem:$0x3FBD] =	sst s2  }
0x8f: {  	_ = 	snop  }
0x90: {  	s2 =	sld [smem:$0x3FD0];
	(tm) =	ssettm $0x1  }
0x91: {  	s18 =	sld [smem:$0x3FFB];
	_ =	sdelay $0x3  }
0x92: {  	_ =	strace s18  }
0x93: {  	s3 =	sld [smem:$0x3FFC];
	_ =	sdelay $0x3  }
0x94: {  	_ =	strace s3  }
0x95: {  	s3 =	sld [smem:$0x3FFD];
	_ =	sdelay $0x3  }
0x96: {  	_ =	strace s3  }
0x97: {  	_ =	strace $0x8FFFFFFF  }
0x98: {  	s19 =	sld [smem:$0x3FDB];
	_ =	sdelay $0x1  }
0x99: {  	s4 =	simm.s32 $_scs_section_size  }
0x9a: {  	s5 =	simm.s32 $_size__tile_overlayer_lowered;
	s6 =	simm.s32 $_tile_overlayer_lowered  }
0x9b: {  	s22 =	simm.s32 $0x1BFF;
	s21 =	sshll.u32 s6, $0x1;
	s3 =	sadd.s32 s4, s19  }
0x9c: {  	s7 =	simm.s32 $0x0;
	s20 =	sshll.u32 s5, $0x1;
	s5 =	sadd.s32 s21, s3  }
0x9d: {  	[timem:s7], [sflag:s22] =	dma.local [hbm:s5], s20  }
0x9e: {  	_ =	swait.ge [sflag:s22], s20  }
0x9f: {  	s4 =	ssub.s32 $0x0, s20;
	[sflag:s22] =	ssyncset.done $0x0  }
0xa0: {  	[sflag:s22] =	ssyncadd.s32 s4;
	_ =	sdelay $0x1  }
0xa1: {  	s23 =	simm.s32 $0x1B8B  }
0xa2: {  	_ =	swait.ge [sflag:s23], $0x1  }
0xa3: {  	[sflag:s23] =	ssyncset.done $0x0  }
0xa4: {  	s25 =	simm.s32 $0x1B8E;
	s24 =	sld [smem:$0x3FFE];
	[sflag:s23] =	ssyncadd.s32 $0xFFFFFFFF  }
0xa5: {  	s26 =	simm.s32 $execute0_lowered;
	[smem:$0x3FD2] =	sst s25  }
0xa6: {  	s5 =	sshll.u32 s26, $0x1;
	_ =	strace $0x8000004C;
	[dreg:$0x1] =	wrdreg $0xFFFFFFFF  }
0xa7: {  	s28 =	simm.s32 $_size_execute0_lowered;
	s3 =	sadd.s32 s3, s5;
	[dreg:$0x0] =	wrdreg $0x0  }
0xa8: {  	s5 =	sshll.u32 s28, $0x1;
	[dreg:$0x2] =	wrdreg s3  }
0xa9: {  	[dreg:$0x3] =	wrdreg s5  }
0xaa: {  	[dreg:$0x4] =	wrdreg $0xC0  }
0xab: {  	_ =	task [dreg:s7], $0x5FFFF  }
0xac: {  	[dreg:$0x1] =	wrdreg $0xFFFFFFFF  }
0xad: {  	[dreg:$0x0] =	wrdreg $0x60  }
0xae: {  	[dreg:$0x2] =	wrdreg s2  }
0xaf: {  	[dreg:$0x3] =	wrdreg s24  }
0xb0: {  	[dreg:$0x4] =	wrdreg $0xD0000  }
0xb1: {  	[dreg:$0x5] =	wrdreg $0x11F000  }
0xb2: {  	[dreg:$0x6] =	wrdreg $0x9  }
0xb3: {  	_ =	task.clear_ibuf [dreg:s7], $0x7FFFF;
	_ =	strace $0x9000004C  }
0xb4: {  	s29 =	simm.s32 $0x9;
	_ =	strace $0x8000004E  }
0xb5: {  	_ =	swait.ge [sflag:s29], $0x1  }
0xb6: {  	[sflag:s29] =	ssyncadd.s32 $0xFFFFFFFF  }
0xb7: {  	_ =	strace $0x9000004E  }
0xb8: {  	_ =	sfence  }
0xb9: {  	s30 =	sld [smem:$0x0];
	_ =	sdelay $0x2  }
0xba: {  	s31 =	sshll.u32 s1, $0xD;
	s1 =	sshrl.u32 s1, $0x2  }
0xbb: {  	s3 =	sand.u32 $0x4000, s31;
	s1 =	sadd.s32 s1, s30  }
0xbc: {  	s0 =	sor.u32 s3, s0;
	s1 =	sshll.u32 s1, $0x11  }
0xbd: {  	s0 =	sor.u32 s1, s0  }
0xbe: {  	s0 =	sadd.s32 $0x8F2B, s0  }
0xbf: {  	[sflag:s0] =	ssyncadd.remote.s32 $0x1  }
0xc0: {  	_ =	sfence.sel $0xFFFF  }
0xc1: {  	[dreg:$0x0] =	wrdreg $0xFFFFFFFF;
	(pc) =	sbr.abs _section_cstart, $3  }
0xc2: {  	[dreg:$0x1] =	wrdreg $0xFFFFFFFF  }
0xc3: {  	_ =	task.clear_ibuf [dreg:s7], $0x2FFFF;
	_ =	strace $0x9FFFFFFF  }
0xc4: {  	(tm) =	ssettm $0x7FFFFFFF  }
0xc5: {  	_ =	shalt  }
tec
execute0_lowered:
.L_overlay_start_1:
0x0: {  	(tag) =	ssettag $0x1  }
0x1: {  	s0 =	rddreg [dreg:$0x0]  }
0x2: {  	s1 =	rddreg [dreg:$0x1]  }
0x3: {  	s2 =	rddreg [dreg:$0x2]  }
0x4: {  	s3 =	rddreg [dreg:$0x3]  }
0x5: {  	s13 =	stileid.u32;
	s5 =	srdreg.scid;
	s6 =	simm.s32 $0x0  }
0x6: {  	s15 =	simm.s32 $0x11;
	s29 =	simm.s32 $0xA000;
	s30 =	simm.s32 $0x1  }
0x7: {  	s31 =	simm.s32 $0xB000;
	s4 =	smul.u32 $0x4F00, s13;
	s5 =	sand.u32 $0x1, s5  }
0x8: {  	[smem:$0x7FF] =	sst s6;
	s8 =	sadd.s32 $0x3A00, s1;
	s19 =	sshll.u32 s13, $0x6  }
0x9: {  	s21 =	sshll.u32 s13, $0x4;
	s16 =	smul.u32 $0x4F000, s5;
	_ =	strace $0x8000004D  }
0xa: {  	s10 =	ssub.s32 $0x2, s5;
	s5 =	sshll.u32 s5, $0x4;
	s7 =	sshrl.u32 s4, $0x3  }
0xb: {  	s11 =	sshrl.u32 s10, $0x1;
	s5 =	sor.u32 s13, s5;
	s12 =	sadd.s32 s4, s2  }
0xc: {  	s13 =	simm.s32 $0x0;
	s9 =	sadd.s32 s7, s1;
	s6 =	sadd.s32 s4, s16  }
0xd: {  	s10 =	ssub.s32 s10, s11;
	s17 =	smul.u32 $0x2700, s5;
	s4 =	sadd.s32 s4, s3  }
0xe: {  	s0 =	sadd.s32 s0, s7;
	p0 =	sgt.u32 s5, $0x3;
	s14 =	sshrl.u32 s12, $0x3  }
0xf: {  	s6 =	sshrl.u32 s6, $0x3;
	s18 =	sadd.s32 $0x17600, s9;
	[dreg:$0x7] =	wrdreg s0  }
0x10: {  	s26 =	smax.u32 s10, $0x1;
	s28 =	sshrl.u32 s4, $0x3;
	s0 =	simm.s32 $0xC000  }
0x11: {  	s10 =	simm.s32 $0xE;
	s1 =	sadd.s32 s6, s1;
	[dreg:$0x5] =	wrdreg s18  }
0x12: {  	s6 =	sor.u32 $0x1C11, s19;
	s20 =	sshrl.u32 s17, $0x3;
	[dreg:$0xc] =	wrdreg s26  }
0x13: {  	[dreg:$0xd] =	wrdreg s28;
	s18 =	simm.s32 $0x80;
	s19 =	simm.s32 $0x5000  }
0x14: {  	s26 =	simm.s32 $0x9000;
	s17 =	simm.s32 $0x3;
	s9 =	sadd.s32 s8, s20  }
0x15: {  	s8 =	sadd.s32 s21, s8;
	s25 =	sadd.s32 $0x21400, s1;
	[dreg:$0x6] =	wrdreg s9  }
.Ltmp0:
0x16: {  	s22 =	sadd.s32 $0x9C40, s9;
	[dreg:$0xb] =	wrdreg s25;
	(pc) =	sbr.rel .LBB2_1-.Ltmp0, $4  }
0x17: {  	s20 =	simm.s32 $0x6000;
	s23 =	sadd.s32 $0x9C00, s8;
	[dreg:$0x8] =	wrdreg s22  }
0x18: {  	s1 =	simm.s32 $0x2;
	s24 =	sadd.s32 $0x13840, s8;
	[dreg:$0x9] =	wrdreg s23  }
0x19: {  	s21 =	simm.s32 $0x5;
	s9 =	simm.s32 $0xD;
	[dreg:$0xa] =	wrdreg s24  }
0x1a: {  	v0 =	vimm.s32 $0x0;
	v1 =	vimm.s32 $0x2710;
	s22 =	simm.s32 $0x7000;
	s23 =	simm.s32 $0x7;
	s24 =	simm.s32 $0x8  }
.LBB2_4:
0x1b: {  	_ =	swait.ge [sflag:s24], $0x1000  }
0x1c: {  	[sflag:s24] =	ssyncset.done $0x0  }
0x1d: {  	s5 =	simm.s32 $0x9;
	[sflag:s24] =	ssyncadd.s32 $0xFFFFF000  }
0x1e: {  	[spmem:s2] =	stream.indirect.scatter.add.f32 [tilespmem:s0], [sflag:$0x10], $0x20, s4, s18, $0xb8;
	[tilespmem:$0x16E00] =	vst v63  }
0x1f: {  	_ =	swait.ge [sflag:s5], $0x1000  }
0x20: {  	[sflag:s5] =	ssyncset.done $0x0  }
0x21: {  	s7 =	simm.s32 $0xA;
	[sflag:s5] =	ssyncadd.s32 $0xFFFFF000  }
0x22: {  	_ =	swait.ge [sflag:s7], $0x1000  }
0x23: {  	[sflag:s7] =	ssyncset.done $0x0  }
0x24: {  	s8 =	simm.s32 $0xB;
	[sflag:s7] =	ssyncadd.s32 $0xFFFFF000  }
0x25: {  	_ =	swait.ge [sflag:s8], $0x1000  }
0x26: {  	[sflag:s8] =	ssyncset.done $0x0  }
0x27: {  	s11 =	simm.s32 $0xC;
	[sflag:s8] =	ssyncadd.s32 $0xFFFFF000  }
0x28: {  	_ =	swait.ge [sflag:s11], $0x1000  }
0x29: {  	[sflag:s11] =	ssyncset.done $0x0  }
0x2a: {  	[sflag:s11] =	ssyncadd.s32 $0xFFFFF000  }
0x2b: {  	_ =	swait.ge [sflag:s9], $0x1000  }
0x2c: {  	[sflag:s9] =	ssyncset.done $0x0  }
0x2d: {  	[sflag:s9] =	ssyncadd.s32 $0xFFFFF000  }
0x2e: {  	_ =	swait.ge [sflag:s10], $0x1000  }
0x2f: {  	[sflag:s10] =	ssyncset.done $0x0  }
0x30: {  	s12 =	simm.s32 $0xF;
	[sflag:s10] =	ssyncadd.s32 $0xFFFFF000  }
0x31: {  	_ =	swait.ge [sflag:s12], $0x1000  }
0x32: {  	[sflag:s12] =	ssyncset.done $0x0  }
0x33: {  	s16 =	simm.s32 $0x10;
	[sflag:s12] =	ssyncadd.s32 $0xFFFFF000  }
0x34: {  	_ =	swait.ge [sflag:s16], $0x1000  }
0x35: {  	[sflag:s16] =	ssyncset.done $0x0  }
0x36: {  	[sflag:s16] =	ssyncadd.s32 $0xFFFFF000  }
0x37: {  	[bflag:$0x0] =	sbarrier.arrive $0xFFFF  }
0x38: {  	s25 =	rddreg [dreg:$0xb]  }
0x39: {  	[hbm:s25], [sflag:s6] =	dma.local [spmem:s14], $0x9E0  }
0x3a: {  	_ =	swait.ge [sflag:s15], $0x9E0  }
0x3b: {  	s13 =	sadd.s32 $0x1, s13;
	s28 =	rddreg [dreg:$0xc]  }
0x3c: {  	p1 =	sne.s32 s13, s28  }
.Ltmp1:
0x3d: {  	_ = 	snop;
	(pc) =	sbr.rel @!p1 .LBB2_5-.Ltmp1, $3  }
0x3e: {  	_ =	sdelay $0x1  }
0x3f: {  	[sflag:s15] =	ssyncset.done $0x0  }
0x40: {  	[sflag:s15] =	ssyncadd.s32 $0xFFFFF620  }
.LBB2_1:
0x41: {  	s4 =	rddreg [dreg:$0x5]  }
0x42: {  	[spmem:s14], [sflag:s6] =	dma.local [hbm:s4], $0x9E0  }
0x43: {  	_ =	swait.ge [sflag:s15], $0x9E0  }
0x44: {  	[sflag:s15] =	ssyncset.done $0x0;
	s25 =	rddreg [dreg:$0x7]  }
0x45: {  	s5 =	rddreg [dreg:$0xd];
	[sflag:s15] =	ssyncadd.s32 $0xFFFFF620  }
0x46: {  	[spmem:s5], [sflag:s6] =	dma.local [hbm:s25], $0x9E0  }
0x47: {  	_ =	swait.ge [sflag:s15], $0x9E0  }
0x48: {  	[sflag:s15] =	ssyncset.done $0x0  }
0x49: {  	s28 =	simm.s32 $0x0;
	s7 =	rddreg [dreg:$0x6];
	[sflag:s15] =	ssyncadd.s32 $0xFFFFF620  }
0x4a: {  	[tilespmem:s28], [sflag:$0x11] =	stream.linear.gather [hbm4b:s7+s28], $0x2700, $0x38;
	[tilespmem:$0x16E00] =	vst v63  }
0x4b: {  	_ =	swait.ge [sflag:s15], $0x2700  }
0x4c: {  	[sflag:s15] =	ssyncset.done $0x0  }
0x4d: {  	s7 =	simm.s32 $0x2800;
	s8 =	rddreg [dreg:$0x8];
	[sflag:s15] =	ssyncadd.s32 $0xFFFFD900  }
0x4e: {  	[tilespmem:s7], [sflag:$0x11] =	stream.linear.gather [hbm4b:s8+s28], $0x2700, $0x38;
	[tilespmem:$0x16E00] =	vst v63  }
0x4f: {  	_ =	swait.ge [sflag:s15], $0x2700  }
0x50: {  	[sflag:s15] =	ssyncset.done $0x0  }
0x51: {  	[sflag:s15] =	ssyncadd.s32 $0xFFFFD900  }
0x52: {  	[tilespmem:$0x2700] =	vst v0  }
0x53: {  	[tilespmem:$0x4F00] =	vst v1  }
0x54: {  	[tilespmem:$0x2710] =	vst v0  }
0x55: {  	[tilespmem:$0x4F10] =	vst v1  }
0x56: {  	[tilespmem:$0x2720] =	vst v0  }
0x57: {  	[tilespmem:$0x4F20] =	vst v1  }
0x58: {  	[tilespmem:$0x2730] =	vst v0  }
0x59: {  	[tilespmem:$0x4F30] =	vst v1  }
0x5a: {  	[tilespmem:$0x2740] =	vst v0  }
0x5b: {  	[tilespmem:$0x4F40] =	vst v1  }
0x5c: {  	[tilespmem:$0x2750] =	vst v0  }
0x5d: {  	[tilespmem:$0x4F50] =	vst v1  }
0x5e: {  	[tilespmem:$0x2760] =	vst v0  }
0x5f: {  	[tilespmem:$0x4F60] =	vst v1  }
0x60: {  	[tilespmem:$0x2770] =	vst v0  }
0x61: {  	[tilespmem:$0x4F70] =	vst v1  }
0x62: {  	[tilespmem:$0x2780] =	vst v0  }
0x63: {  	[tilespmem:$0x4F80] =	vst v1  }
0x64: {  	[tilespmem:$0x2790] =	vst v0  }
0x65: {  	[tilespmem:$0x4F90] =	vst v1  }
0x66: {  	[tilespmem:$0x27A0] =	vst v0  }
0x67: {  	[tilespmem:$0x4FA0] =	vst v1  }
0x68: {  	[tilespmem:$0x27B0] =	vst v0  }
0x69: {  	[tilespmem:$0x4FB0] =	vst v1  }
0x6a: {  	[tilespmem:$0x27C0] =	vst v0  }
0x6b: {  	[tilespmem:$0x4FC0] =	vst v1  }
0x6c: {  	[tilespmem:$0x27D0] =	vst v0  }
0x6d: {  	[tilespmem:$0x4FD0] =	vst v1  }
0x6e: {  	[tilespmem:$0x27E0] =	vst v0  }
0x6f: {  	[tilespmem:$0x4FE0] =	vst v1  }
0x70: {  	[tilespmem:$0x27F0] =	vst v0  }
0x71: {  	s4 =	simm.s32 @!p0 $0x0;
	s7 =	simm.s32 @!p0 $0x2700;
	s8 =	rddreg [dreg:$0x9];
	[tilespmem:$0x4FF0] =	vst v1  }
0x72: {  	[tilespmem:s7], [sflag:$0x11] =	stream.linear.gather @!p0 [hbm4b:s8+s4], $0x80, $0x38;
	[tilespmem:$0x16E00] =	vst v63  }
0x73: {  	s7 =	simm.s32 @!p0 $0x11  }
0x74: {  	_ =	swait.ge @!p0 [sflag:s7], $0x80  }
0x75: {  	[sflag:s7] =	ssyncset.done @!p0 $0x0  }
0x76: {  	s16 =	simm.s32 @!p0 $0x4F00;
	s8 =	rddreg [dreg:$0xa];
	[sflag:s7] =	ssyncadd.s32 @!p0 $0xFFFFFF80  }
0x77: {  	[tilespmem:s16], [sflag:$0x11] =	stream.linear.gather @!p0 [hbm4b:s8+s4], $0x80, $0x38;
	[tilespmem:$0x16E00] =	vst v63  }
0x78: {  	_ =	swait.ge @!p0 [sflag:s7], $0x80  }
0x79: {  	[sflag:s7] =	ssyncset.done @!p0 $0x0  }
0x7a: {  	[sflag:s7] =	ssyncadd.s32 @!p0 $0xFFFFFF80  }
0x7b: {  	[bflag:$0x0] =	sbarrier.arrive $0xFFFF  }
0x7c: {  	[tilespmem:s19], [sflag:$0x1] =	stream.indirect.gather [spmem:s3], $0x20, s28, s18, $0xb8;
	[tilespmem:$0x16E00] =	vst v63  }
0x7d: {  	_ = 	snop  }
0x7e: {  	[tilespmem:s20], [sflag:$0x2] =	stream.indirect.gather [spmem:s3], $0x20, s18, s18, $0xb8;
	[tilespmem:$0x16E00] =	vst v63  }
0x7f: {  	s11 =	simm.s32 $0x100  }
0x80: {  	[tilespmem:s22], [sflag:$0x3] =	stream.indirect.gather [spmem:s3], $0x20, s11, s18, $0xb8;
	[tilespmem:$0x16E00] =	vst v63  }
0x81: {  	s12 =	simm.s32 $0x180;
	s16 =	simm.s32 $0x8000  }
0x82: {  	[tilespmem:s16], [sflag:$0x4] =	stream.indirect.gather [spmem:s3], $0x20, s12, s18, $0xb8;
	[tilespmem:$0x16E00] =	vst v63  }
0x83: {  	s25 =	simm.s32 $0x200  }
0x84: {  	[tilespmem:s26], [sflag:$0x5] =	stream.indirect.gather [spmem:s3], $0x20, s25, s18, $0xb8;
	[tilespmem:$0x16E00] =	vst v63  }
0x85: {  	s7 =	simm.s32 $0x0;
	s28 =	simm.s32 $0x280  }
0x86: {  	[tilespmem:s29], [sflag:$0x6] =	stream.indirect.gather [spmem:s3], $0x20, s28, s18, $0xb8;
	[tilespmem:$0x16E00] =	vst v63  }
.LBB2_2:
0x87: {  	_ =	swait.ge [sflag:s30], $0x1000  }
0x88: {  	s16 =	sshra.s32 s7, $0x2;
	[sflag:s30] =	ssyncset.done $0x0  }
0x89: {  	p1 =	seq.s32 s7, $0x0;
	s4 =	sadd.s32 $0x2800, s16;
	[sflag:s30] =	ssyncadd.s32 $0xFFFFF000  }
0x8a: {  	[spmem:s2] =	stream.indirect.scatter.add.f32 [tilespmem:s19], [sflag:$0x9], $0x20, s4, s18, $0xb8;
	[tilespmem:$0x16E00] =	vst v63  }
0x8b: {  	s4 =	simm.s32 @!p1 $0xF  }
0x8c: {  	_ =	swait.ge @!p1 [sflag:s4], $0x1000  }
0x8d: {  	[sflag:s4] =	ssyncset.done @!p1 $0x0  }
0x8e: {  	s28 =	sadd.s32 $0x300, s16;
	[sflag:s4] =	ssyncadd.s32 @!p1 $0xFFFFF000  }
0x8f: {  	[tilespmem:s31], [sflag:$0x7] =	stream.indirect.gather [spmem:s3], $0x20, s28, s18, $0xb8;
	[tilespmem:$0x16E00] =	vst v63  }
0x90: {  	_ =	swait.ge [sflag:s1], $0x1000  }
0x91: {  	[sflag:s1] =	ssyncset.done $0x0  }
0x92: {  	s5 =	sadd.s32 $0x2880, s16;
	s4 =	simm.s32 @!p1 $0x10;
	[sflag:s1] =	ssyncadd.s32 $0xFFFFF000  }
0x93: {  	[spmem:s2] =	stream.indirect.scatter.add.f32 [tilespmem:s20], [sflag:$0xA], $0x20, s5, s18, $0xb8;
	[tilespmem:$0x16E00] =	vst v63  }
0x94: {  	_ =	swait.ge @!p1 [sflag:s4], $0x1000  }
0x95: {  	[sflag:s4] =	ssyncset.done @!p1 $0x0  }
0x96: {  	s8 =	sadd.s32 $0x380, s16;
	[sflag:s4] =	ssyncadd.s32 @!p1 $0xFFFFF000  }
0x97: {  	[tilespmem:s0], [sflag:$0x8] =	stream.indirect.gather [spmem:s3], $0x20, s8, s18, $0xb8;
	[tilespmem:$0x16E00] =	vst v63  }
0x98: {  	_ =	swait.ge [sflag:s17], $0x1000  }
0x99: {  	p1 =	seq.s32 s7, $0x9000;
	[sflag:s17] =	ssyncset.done $0x0  }
0x9a: {  	s11 =	sadd.s32 $0x2900, s16;
	s4 =	simm.s32 @p1 $0x4;
	[sflag:s17] =	ssyncadd.s32 $0xFFFFF000  }
0x9b: {  	[spmem:s2] =	stream.indirect.scatter.add.f32 [tilespmem:s22], [sflag:$0xB], $0x20, s11, s18, $0xb8;
	[tilespmem:$0x16E00] =	vst v63  }
0x9c: {  	_ =	swait.ge @p1 [sflag:s4], $0x1000  }
0x9d: {  	[sflag:s4] =	ssyncset.done @p1 $0x0  }
0x9e: {  	[sflag:s4] =	ssyncadd.s32 @p1 $0xFFFFF000;
	s4 =	sshra.s32 @p1 s7, $0x2  }
0x9f: {  	s28 =	simm.s32 @p1 $0x80;
	s5 =	simm.s32 @p1 $0x8000;
	s25 =	sadd.s32 @p1 $0x2980, s4  }
0xa0: {  	[spmem:s2] =	stream.indirect.scatter.add.f32 @p1 [tilespmem:s5], [sflag:$0xC], $0x20, s25, s28, $0xb8;
	[tilespmem:$0x16E00] =	vst v63  }
0xa1: {  	s5 =	simm.s32 @!p1 $0x9  }
0xa2: {  	_ =	swait.ge @!p1 [sflag:s5], $0x1000  }
0xa3: {  	[sflag:s5] =	ssyncset.done @!p1 $0x0  }
0xa4: {  	[sflag:s5] =	ssyncadd.s32 @!p1 $0xFFFFF000;
	s5 =	sshra.s32 @!p1 s7, $0x2  }
0xa5: {  	s8 =	simm.s32 @!p1 $0x80;
	s11 =	simm.s32 @!p1 $0x5000;
	s25 =	sadd.s32 @!p1 $0x400, s5  }
0xa6: {  	[tilespmem:s11], [sflag:$0x1] =	stream.indirect.gather @!p1 [spmem:s3], $0x20, s25, s8, $0xb8;
	[tilespmem:$0x16E00] =	vst v63  }
0xa7: {  	s11 =	simm.s32 @!p1 $0x4  }
0xa8: {  	_ =	swait.ge @!p1 [sflag:s11], $0x1000  }
0xa9: {  	[sflag:s11] =	ssyncset.done @!p1 $0x0  }
0xaa: {  	s25 =	simm.s32 @!p1 $0x8000;
	[sflag:s11] =	ssyncadd.s32 @!p1 $0xFFFFF000;
	s11 =	sadd.s32 @!p1 $0x2980, s5  }
0xab: {  	[spmem:s2] =	stream.indirect.scatter.add.f32 @!p1 [tilespmem:s25], [sflag:$0xC], $0x20, s11, s8, $0xb8;
	[tilespmem:$0x16E00] =	vst v63  }
0xac: {  	s11 =	simm.s32 @!p1 $0xA  }
0xad: {  	_ =	swait.ge @!p1 [sflag:s11], $0x1000  }
0xae: {  	[sflag:s11] =	ssyncset.done @!p1 $0x0  }
0xaf: {  	s12 =	simm.s32 @!p1 $0x6000;
	[sflag:s11] =	ssyncadd.s32 @!p1 $0xFFFFF000;
	s11 =	sadd.s32 @!p1 $0x480, s5  }
0xb0: {  	[tilespmem:s12], [sflag:$0x2] =	stream.indirect.gather @!p1 [spmem:s3], $0x20, s11, s8, $0xb8;
	[tilespmem:$0x16E00] =	vst v63  }
0xb1: {  	_ =	swait.ge [sflag:s21], $0x1000  }
0xb2: {  	[sflag:s21] =	ssyncset.done $0x0  }
0xb3: {  	s12 =	sadd.s32 $0x2A00, s16;
	s11 =	simm.s32 @p1 $0x6;
	[sflag:s21] =	ssyncadd.s32 $0xFFFFF000  }
0xb4: {  	[spmem:s2] =	stream.indirect.scatter.add.f32 [tilespmem:s26], [sflag:$0xD], $0x20, s12, s18, $0xb8;
	[tilespmem:$0x16E00] =	vst v63  }
0xb5: {  	_ =	swait.ge @p1 [sflag:s11], $0x1000  }
0xb6: {  	[sflag:s11] =	ssyncset.done @p1 $0x0  }
0xb7: {  	s4 =	sadd.s32 @p1 $0x2A80, s4;
	[sflag:s11] =	ssyncadd.s32 @p1 $0xFFFFF000;
	s11 =	simm.s32 @p1 $0xA000  }
0xb8: {  	[spmem:s2] =	stream.indirect.scatter.add.f32 @p1 [tilespmem:s11], [sflag:$0xE], $0x20, s4, s28, $0xb8;
	[tilespmem:$0x16E00] =	vst v63  }
0xb9: {  	s4 =	simm.s32 @!p1 $0xB  }
0xba: {  	_ =	swait.ge @!p1 [sflag:s4], $0x1000  }
0xbb: {  	[sflag:s4] =	ssyncset.done @!p1 $0x0  }
0xbc: {  	s11 =	simm.s32 @!p1 $0x7000;
	[sflag:s4] =	ssyncadd.s32 @!p1 $0xFFFFF000;
	s4 =	sadd.s32 @!p1 $0x500, s5  }
0xbd: {  	[tilespmem:s11], [sflag:$0x3] =	stream.indirect.gather @!p1 [spmem:s3], $0x20, s4, s8, $0xb8;
	[tilespmem:$0x16E00] =	vst v63  }
0xbe: {  	s4 =	simm.s32 @!p1 $0x6  }
0xbf: {  	_ =	swait.ge @!p1 [sflag:s4], $0x1000  }
0xc0: {  	[sflag:s4] =	ssyncset.done @!p1 $0x0  }
0xc1: {  	s11 =	simm.s32 @!p1 $0xA000;
	[sflag:s4] =	ssyncadd.s32 @!p1 $0xFFFFF000;
	s4 =	sadd.s32 @!p1 $0x2A80, s5  }
0xc2: {  	[spmem:s2] =	stream.indirect.scatter.add.f32 @!p1 [tilespmem:s11], [sflag:$0xE], $0x20, s4, s8, $0xb8;
	[tilespmem:$0x16E00] =	vst v63  }
0xc3: {  	s4 =	simm.s32 @!p1 $0xC  }
0xc4: {  	_ =	swait.ge @!p1 [sflag:s4], $0x1000  }
0xc5: {  	[sflag:s4] =	ssyncset.done @!p1 $0x0  }
0xc6: {  	[sflag:s4] =	ssyncadd.s32 @!p1 $0xFFFFF000;
	s4 =	sadd.s32 @!p1 $0x580, s5  }
0xc7: {  	[tilespmem:s25], [sflag:$0x4] =	stream.indirect.gather @!p1 [spmem:s3], $0x20, s4, s8, $0xb8;
	[tilespmem:$0x16E00] =	vst v63  }
.Ltmp2:
0xc8: {  	_ = 	snop;
	(pc) =	sbr.rel @p1 .LBB2_4-.Ltmp2, $4  }
0xc9: {  	_ =	swait.ge [sflag:s23], $0x1000  }
0xca: {  	[sflag:s23] =	ssyncset.done $0x0  }
0xcb: {  	s28 =	sadd.s32 $0x2B00, s16;
	s4 =	sadd.s32 $0x2B80, s16;
	[sflag:s23] =	ssyncadd.s32 $0xFFFFF000  }
0xcc: {  	[spmem:s2] =	stream.indirect.scatter.add.f32 [tilespmem:s31], [sflag:$0xF], $0x20, s28, s18, $0xb8;
	[tilespmem:$0x16E00] =	vst v63  }
0xcd: {  	_ =	swait.ge [sflag:s9], $0x1000  }
0xce: {  	[sflag:s9] =	ssyncset.done $0x0  }
0xcf: {  	s5 =	sadd.s32 $0x600, s16;
	[sflag:s9] =	ssyncadd.s32 $0xFFFFF000  }
0xd0: {  	[tilespmem:s26], [sflag:$0x5] =	stream.indirect.gather [spmem:s3], $0x20, s5, s18, $0xb8;
	[tilespmem:$0x16E00] =	vst v63  }
0xd1: {  	_ =	swait.ge [sflag:s24], $0x1000  }
0xd2: {  	[sflag:s24] =	ssyncset.done $0x0  }
0xd3: {  	[sflag:s24] =	ssyncadd.s32 $0xFFFFF000  }
0xd4: {  	[spmem:s2] =	stream.indirect.scatter.add.f32 [tilespmem:s0], [sflag:$0x10], $0x20, s4, s18, $0xb8;
	[tilespmem:$0x16E00] =	vst v63  }
.Ltmp3:
0xd5: {  	_ = 	snop;
	(pc) =	sbr.rel .LBB2_2-.Ltmp3, $4  }
0xd6: {  	_ =	swait.ge [sflag:s10], $0x1000  }
0xd7: {  	[sflag:s10] =	ssyncset.done $0x0  }
0xd8: {  	s28 =	sadd.s32 $0x680, s16;
	s7 =	sadd.s32 $0x1000, s7;
	[sflag:s10] =	ssyncadd.s32 $0xFFFFF000  }
0xd9: {  	[tilespmem:s29], [sflag:$0x6] =	stream.indirect.gather [spmem:s3], $0x20, s28, s18, $0xb8;
	[tilespmem:$0x16E00] =	vst v63  }
.LBB2_5:
0xda: {  	_ =	sfence.sel $0x180000  }
0xdb: {  	[bflag:$0x0] =	sbarrier.arrive $0xFFFF  }
0xdc: {  	_ =	strace $0x9000004D  }
0xdd: {  	s0 =	stileid.u32;
	[bflag:$0x2] =	sbarrier.arrive $0xFFFF  }
0xde: {  	p0 =	sne.s32 s0, $0x0;
	s0 =	rddreg [dreg:$0x4]  }
0xdf: {  	s0 =	sadd.s32 @!p0 $0x100000, s0  }
0xe0: {  	[sflag:s0] =	ssyncadd.tile.s32 @!p0 $0x1;
	_ =	shalt  }
.Lfunc_end2:
_tile_overlayer_lowered:
.L_overlay_start_2:
0xe1: {  	(tag) =	ssettag $0x2  }
0xe2: {  	s0 =	rddreg [dreg:$0x0];
	s2 =	stileid.u32  }
0xe3: {  	s1 =	rddreg [dreg:$0x1];
	p0 =	sne.s32 s2, $0x0  }
0xe4: {  	s3 =	rddreg [dreg:$0x2];
	[bflag:$0x3] =	sbarrier.arrive $0xFFFF;
	s2 =	simm.s32 @!p0 $0x1C11  }
0xe5: {  	[timem:s3], [sflag:s2] =	dma.local @!p0 [hbm:s0], s1  }
0xe6: {  	s0 =	simm.s32 @!p0 $0x11  }
0xe7: {  	_ =	swait.ge @!p0 [sflag:s0], s1  }
0xe8: {  	s1 =	ssub.s32 @!p0 $0x0, s1;
	[sflag:s0] =	ssyncset.done @!p0 $0x0  }
0xe9: {  	[sflag:s0] =	ssyncadd.s32 @!p0 s1  }
0xea: {  	[bflag:$0x3] =	sbarrier.arrive $0xFFFF  }
0xeb: {  	_ =	shalt  }

// kernel: kernel.9.cloned.1.call-start
scs
__scs_entry_jumppad:
0x0: {  	(pc) =	sbr.rel $0x88, $3  }
0x1: {  	(tag) =	ssettag $0x0;
	lr =	simm.s32 $0x1  }
0x2: {  	[smem:$0x3F96] =	sst lr;
	_ =	strace $0xD0000000  }
0x3: {  	_ = 	snop  }
0x4: {  	_ = 	snop  }
0x5: {  	_ = 	snop  }
0x6: {  	_ = 	snop  }
0x7: {  	_ = 	snop  }
__scs_overlays_trampoline_lowered:
0x8: {  	[smem:$0x3FA5] =	sst s0  }
0x9: {  	[smem:$0x3FA6] =	sst s1  }
0xa: {  	[smem:$0x3FA7] =	sst s2  }
0xb: {  	[smem:$0x3FA8] =	sst s3  }
0xc: {  	[smem:$0x3FA9] =	sst s4  }
0xd: {  	[smem:$0x3FAA] =	sst s5  }
0xe: {  	[smem:$0x3FAB] =	sst s6  }
0xf: {  	[smem:$0x3FAC] =	sst s7  }
0x10: {  	[smem:$0x3FAD] =	sst s8  }
0x11: {  	[smem:$0x3FAE] =	sst s9;
	s0 =	simm.s32 @!p0 $0x0  }
0x12: {  	s1 =	sld [smem:$0x3F94];
	s0 =	simm.s32 @p0 $0x1  }
0x13: {  	[smem:$0x3FAF] =	sst s0;
	s0 =	simm.s32 @!p1 $0x0  }
0x14: {  	s2 =	sld [smem:$0x3F93];
	s0 =	simm.s32 @p1 $0x1  }
0x15: {  	[smem:$0x3FB0] =	sst s0;
	s0 =	simm.s32 @!p2 $0x0  }
0x16: {  	s3 =	sld [smem:$0x3FDB];
	s0 =	simm.s32 @p2 $0x1  }
0x17: {  	s4 =	simm.s32 $0x1BF5;
	[smem:$0x3FB2] =	sst s0  }
0x18: {  	s0 =	sld [smem:$0x3F95];
	_ =	swait.ge [sflag:s4], $0x0  }
0x19: {  	s7 =	sld [smem:$0x3F96]  }
0x1a: {  	s8 =	sadd.s32 $0xFFFFE003, lr  }
0x1b: {  	s9 =	sadd.s32 $0xFFFFFEF7, lr;
	s5 =	simm.s32 $0xFFFFFFFF;
	p2 =	slt.u32 s8, $0xFFFFF086  }
0x1c: {  	p1 =	slt.u32 s9, $0xF7A;
	s5 =	simm.s32 @!p2 $0x0  }
0x1d: {  	s5 =	simm.s32 @p1 $0x1;
	p0 =	seq.s32 s7, s2  }
0x1e: {  	s7 =	smul.u32 @!p0 $0xF7A, s2;
	p2 =	seq.s32 @!p0 s5, $0x0  }
0x1f: {  	s9 =	smul.u32 $0xF7A, s1;
	s8 =	simm.s32 @!p0 $0x1BF5;
	p2 =	por !p2, p0  }
0x20: {  	[sflag:s8] =	ssyncset.s32 @!p0 $0xFFFFF086;
	s6 =	sadd.s32 @!p0 s3, s7;
	s7 =	simm.s32 @!p0 $0x108  }
0x21: {  	s3 =	sadd.s32 s3, s9;
	s6 =	sadd.s32 @!p0 $0x88, s6;
	s7 =	simm.s32 @p2 $0x1082  }
0x22: {  	[simem:s7], [sflag:s8] =	dma.local @!p0 [hbm:s6], $0xF7A  }
0x23: {  	s9 =	sor.u32 $0xD0000000, s2;
	s6 =	simm.s32 $0x108;
	_ =	swait.ge @!p0 [sflag:s8], $0x0  }
0x24: {  	s3 =	sadd.s32 $0x88, s3;
	s6 =	simm.s32 @!p1 $0x1082;
	[sflag:s4] =	ssyncset.s32 $0xFFFFF086  }
0x25: {  	[simem:s6], [sflag:s4] =	dma.local [hbm:s3], $0xF7A  }
0x26: {  	[smem:$0x3F96] =	sst s1;
	(tag) =	ssettag s2;
	_ =	strace s9  }
0x27: {  	s1 =	sld [smem:$0x3FA6]  }
0x28: {  	s2 =	sld [smem:$0x3FA7]  }
0x29: {  	s4 =	sld [smem:$0x3FA9]  }
0x2a: {  	p0 =	seq.s32 s5, $0x0;
	s5 =	sld [smem:$0x3FAA]  }
0x2b: {  	s6 =	sld [smem:$0x3FAB]  }
0x2c: {  	s7 =	sld [smem:$0x3FAC]  }
0x2d: {  	s3 =	simm.s32 $0x108;
	s8 =	sld [smem:$0x3FAD]  }
0x2e: {  	s3 =	simm.s32 @!p0 $0x1082;
	s9 =	sld [smem:$0x3FAE]  }
0x2f: {  	lr =	sadd.s32 s0, s3;
	s0 =	sld [smem:$0x3FA5]  }
0x30: {  	s3 =	sld [smem:$0x3FA8]  }
0x31: {  	[smem:$0x3FB1] =	sst s10  }
0x32: {  	s10 =	sld [smem:$0x3FAF];
	_ =	sdelay $0x3  }
0x33: {  	p0 =	seq.s32 s10, $0x1;
	s10 =	sld [smem:$0x3FB1];
	_ =	sdelay $0x3  }
0x34: {  	[smem:$0x3FB1] =	sst s10  }
0x35: {  	s10 =	sld [smem:$0x3FB0];
	_ =	sdelay $0x3  }
0x36: {  	p1 =	seq.s32 s10, $0x1;
	s10 =	sld [smem:$0x3FB1];
	_ =	sdelay $0x3  }
0x37: {  	[smem:$0x3FB1] =	sst s10  }
0x38: {  	s10 =	sld [smem:$0x3FB2]  }
0x39: {  	_ = 	snop;
	(pc) =	sbr.ind lr, $3  }
0x3a: {  	_ = 	snop  }
0x3b: {  	_ = 	snop  }
0x3c: {  	p2 =	seq.s32 s10, $0x1;
	s10 =	sld [smem:$0x3FB1]  }
0x3d: {  	_ =	shalt  }
0x3e: {  	_ =	shalt  }
0x3f: {  	_ =	shalt  }
0x40: {  	_ =	shalt  }
0x41: {  	_ =	shalt  }
0x42: {  	_ =	shalt  }
0x43: {  	_ =	shalt  }
0x44: {  	_ =	shalt  }
0x45: {  	_ =	shalt  }
0x46: {  	_ =	shalt  }
0x47: {  	_ =	shalt  }
0x48: {  	_ =	shalt  }
0x49: {  	_ =	shalt  }
0x4a: {  	_ =	shalt  }
0x4b: {  	_ =	shalt  }
0x4c: {  	_ =	shalt  }
0x4d: {  	_ =	shalt  }
0x4e: {  	_ =	shalt  }
0x4f: {  	_ =	shalt  }
0x50: {  	_ =	shalt  }
0x51: {  	_ =	shalt  }
0x52: {  	_ =	shalt  }
0x53: {  	_ =	shalt  }
0x54: {  	_ =	shalt  }
0x55: {  	_ =	shalt  }
0x56: {  	_ =	shalt  }
0x57: {  	_ =	shalt  }
0x58: {  	_ =	shalt  }
0x59: {  	_ =	shalt  }
0x5a: {  	_ =	shalt  }
0x5b: {  	_ =	shalt  }
0x5c: {  	_ =	shalt  }
0x5d: {  	_ =	shalt  }
0x5e: {  	_ =	shalt  }
0x5f: {  	_ =	shalt  }
0x60: {  	_ =	shalt  }
0x61: {  	_ =	shalt  }
0x62: {  	_ =	shalt  }
0x63: {  	_ =	shalt  }
0x64: {  	_ =	shalt  }
0x65: {  	_ =	shalt  }
0x66: {  	_ =	shalt  }
0x67: {  	_ =	shalt  }
0x68: {  	_ =	shalt  }
0x69: {  	_ =	shalt  }
0x6a: {  	_ =	shalt  }
0x6b: {  	_ =	shalt  }
0x6c: {  	_ =	shalt  }
0x6d: {  	_ =	shalt  }
0x6e: {  	_ =	shalt  }
0x6f: {  	_ =	shalt  }
0x70: {  	_ =	shalt  }
0x71: {  	_ =	shalt  }
0x72: {  	_ =	shalt  }
0x73: {  	_ =	shalt  }
0x74: {  	_ =	shalt  }
0x75: {  	_ =	shalt  }
0x76: {  	_ =	shalt  }
0x77: {  	_ =	shalt  }
0x78: {  	_ =	shalt  }
0x79: {  	_ =	shalt  }
0x7a: {  	_ =	shalt  }
0x7b: {  	_ =	shalt  }
0x7c: {  	_ =	shalt  }
0x7d: {  	_ =	shalt  }
0x7e: {  	_ =	shalt  }
0x7f: {  	_ =	shalt  }
0x80: {  	_ =	shalt  }
0x81: {  	_ =	shalt  }
0x82: {  	_ =	shalt  }
0x83: {  	_ =	shalt  }
0x84: {  	_ =	shalt  }
0x85: {  	_ =	shalt  }
0x86: {  	_ =	shalt  }
0x87: {  	_ =	shalt  }
.Lfunc_end0:
.L_simem_size_0:
called_computation_lowered:
.L_overlay_start_0:
0x88: {  	s2 =	sld [smem:$0x3FD9]  }
0x89: {  	s3 =	sld [smem:$0x3FFE];
	_ =	sdelay $0x1  }
0x8a: {  	s1 =	srdreg.scid  }
0x8b: {  	s0 =	sand.u32 $0x1, s1  }
0x8c: {  	s17 =	sshll.u32 s0, $0xA;
	s2 =	sadd.s32 s3, s2  }
0x8d: {  	s2 =	sadd.s32 s2, s17  }
0x8e: {  	[smem:$0x3FBD] =	sst s2  }
0x8f: {  	_ = 	snop  }
0x90: {  	s2 =	sld [smem:$0x3FD0];
	(tm) =	ssettm $0x1  }
0x91: {  	s18 =	sld [smem:$0x3FFB];
	_ =	sdelay $0x3  }
0x92: {  	_ =	strace s18  }
0x93: {  	s3 =	sld [smem:$0x3FFC];
	_ =	sdelay $0x3  }
0x94: {  	_ =	strace s3  }
0x95: {  	s3 =	sld [smem:$0x3FFD];
	_ =	sdelay $0x3  }
0x96: {  	_ =	strace s3  }
0x97: {  	_ =	strace $0x8FFFFFFF  }
0x98: {  	s19 =	sld [smem:$0x3FDB];
	_ =	sdelay $0x1  }
0x99: {  	s4 =	simm.s32 $_scs_section_size  }
0x9a: {  	s5 =	simm.s32 $_size__tile_overlayer_lowered;
	s6 =	simm.s32 $_tile_overlayer_lowered  }
0x9b: {  	s22 =	simm.s32 $0x1BFF;
	s21 =	sshll.u32 s6, $0x1;
	s3 =	sadd.s32 s4, s19  }
0x9c: {  	s7 =	simm.s32 $0x0;
	s20 =	sshll.u32 s5, $0x1;
	s5 =	sadd.s32 s21, s3  }
0x9d: {  	[timem:s7], [sflag:s22] =	dma.local [hbm:s5], s20  }
0x9e: {  	_ =	swait.ge [sflag:s22], s20  }
0x9f: {  	s4 =	ssub.s32 $0x0, s20;
	[sflag:s22] =	ssyncset.done $0x0  }
0xa0: {  	[sflag:s22] =	ssyncadd.s32 s4;
	_ =	sdelay $0x1  }
0xa1: {  	s23 =	simm.s32 $0x1B8B  }
0xa2: {  	_ =	swait.ge [sflag:s23], $0x1  }
0xa3: {  	[sflag:s23] =	ssyncset.done $0x0  }
0xa4: {  	s25 =	simm.s32 $0x1B8E;
	s24 =	sld [smem:$0x3FFE];
	[sflag:s23] =	ssyncadd.s32 $0xFFFFFFFF  }
0xa5: {  	s26 =	simm.s32 $execute0_lowered;
	[smem:$0x3FD2] =	sst s25  }
0xa6: {  	s5 =	sshll.u32 s26, $0x1;
	_ =	strace $0x80000046;
	[dreg:$0x1] =	wrdreg $0xFFFFFFFF  }
0xa7: {  	s28 =	simm.s32 $_size_execute0_lowered;
	s3 =	sadd.s32 s3, s5;
	[dreg:$0x0] =	wrdreg $0x0  }
0xa8: {  	s5 =	sshll.u32 s28, $0x1;
	[dreg:$0x2] =	wrdreg s3  }
0xa9: {  	[dreg:$0x3] =	wrdreg s5  }
0xaa: {  	[dreg:$0x4] =	wrdreg $0xC0  }
0xab: {  	_ =	task [dreg:s7], $0x5FFFF  }
0xac: {  	[dreg:$0x1] =	wrdreg $0xFFFFFFFF  }
0xad: {  	[dreg:$0x0] =	wrdreg $0x60  }
0xae: {  	[dreg:$0x2] =	wrdreg s2  }
0xaf: {  	[dreg:$0x3] =	wrdreg s24  }
0xb0: {  	[dreg:$0x4] =	wrdreg $0xE0000  }
0xb1: {  	[dreg:$0x5] =	wrdreg $0x12F000  }
0xb2: {  	[dreg:$0x6] =	wrdreg $0x17E000  }
0xb3: {  	[dreg:$0x7] =	wrdreg $0x9  }
0xb4: {  	_ =	task.clear_ibuf [dreg:s7], $0x8FFFF;
	_ =	strace $0x90000046  }
0xb5: {  	s29 =	simm.s32 $0x9;
	_ =	strace $0x80000048  }
0xb6: {  	_ =	swait.ge [sflag:s29], $0x1  }
0xb7: {  	[sflag:s29] =	ssyncadd.s32 $0xFFFFFFFF  }
0xb8: {  	_ =	strace $0x90000048  }
0xb9: {  	_ =	sfence  }
0xba: {  	s30 =	sld [smem:$0x0];
	_ =	sdelay $0x2  }
0xbb: {  	s31 =	sshll.u32 s1, $0xD;
	s1 =	sshrl.u32 s1, $0x2  }
0xbc: {  	s3 =	sand.u32 $0x4000, s31;
	s1 =	sadd.s32 s1, s30  }
0xbd: {  	s0 =	sor.u32 s3, s0;
	s1 =	sshll.u32 s1, $0x11  }
0xbe: {  	s0 =	sor.u32 s1, s0  }
0xbf: {  	s0 =	sadd.s32 $0x8F2B, s0  }
0xc0: {  	[sflag:s0] =	ssyncadd.remote.s32 $0x1  }
0xc1: {  	_ =	sfence.sel $0xFFFF  }
0xc2: {  	[dreg:$0x0] =	wrdreg $0xFFFFFFFF;
	(pc) =	sbr.abs _section_cstart, $3  }
0xc3: {  	[dreg:$0x1] =	wrdreg $0xFFFFFFFF  }
0xc4: {  	_ =	task.clear_ibuf [dreg:s7], $0x2FFFF;
	_ =	strace $0x9FFFFFFF  }
0xc5: {  	(tm) =	ssettm $0x7FFFFFFF  }
tec
execute0_lowered:
.L_overlay_start_1:
0x0: {  	(tag) =	ssettag $0x1  }
0x1: {  	s0 =	rddreg [dreg:$0x0]  }
0x2: {  	s1 =	rddreg [dreg:$0x1]  }
0x3: {  	s2 =	rddreg [dreg:$0x2]  }
0x4: {  	s3 =	rddreg [dreg:$0x3]  }
0x5: {  	s4 =	rddreg [dreg:$0x4]  }
0x6: {  	s5 =	stileid.u32;
	s6 =	srdreg.scid  }
0x7: {  	s7 =	simm.s32 $0x0;
	s28 =	simm.s32 $0x7000;
	s29 =	simm.s32 $0xB000  }
0x8: {  	s30 =	simm.s32 $0x2;
	s31 =	simm.s32 $0xC000;
	s9 =	smul.u32 $0x4F00, s5  }
0x9: {  	s6 =	sand.u32 $0x1, s6;
	[smem:$0x7FF] =	sst s7;
	s10 =	sadd.s32 $0x3A00, s1  }
0xa: {  	s8 =	sadd.s32 $0x17400, s1;
	s13 =	sshll.u32 s5, $0x6;
	s25 =	smul.u32 $0x4F000, s6  }
0xb: {  	_ =	strace $0x80000047;
	[dreg:$0x6] =	wrdreg s8;
	s12 =	ssub.s32 $0x2, s6  }
0xc: {  	s6 =	sshll.u32 s6, $0x4;
	s11 =	sshrl.u32 s9, $0x3;
	s16 =	sshrl.u32 s12, $0x1  }
0xd: {  	s6 =	sor.u32 s5, s6;
	s15 =	sadd.s32 s9, s2;
	s18 =	sadd.s32 s9, s3  }
0xe: {  	s21 =	sadd.s32 s9, s4;
	s26 =	sadd.s32 s11, s1;
	s7 =	sadd.s32 s9, s25  }
0xf: {  	s12 =	ssub.s32 s12, s16;
	s14 =	smul.u32 $0x2700, s6;
	s16 =	sshll.u32 s5, $0x4  }
0x10: {  	s0 =	sadd.s32 s0, s11;
	[dreg:$0xb] =	wrdreg s21;
	p0 =	sgt.u32 s6, $0x3  }
0x11: {  	s8 =	sshrl.u32 s15, $0x3;
	s21 =	simm.s32 $0xD000;
	s6 =	simm.s32 $0x5  }
0x12: {  	s9 =	simm.s32 $0x7;
	s11 =	simm.s32 $0x8;
	s7 =	sshrl.u32 s7, $0x3  }
0x13: {  	s17 =	sadd.s32 $0x17600, s26;
	[dreg:$0x9] =	wrdreg s0;
	s20 =	sadd.s32 s16, s10  }
0x14: {  	s25 =	smax.u32 s12, $0x1;
	s26 =	sshrl.u32 s18, $0x3;
	[dreg:$0x12] =	wrdreg s8  }
0x15: {  	s16 =	simm.s32 $0xD;
	s12 =	simm.s32 $0x11;
	[dreg:$0x7] =	wrdreg s17  }
0x16: {  	s1 =	sadd.s32 s7, s1;
	s7 =	sor.u32 $0x1C12, s13;
	[dreg:$0x11] =	wrdreg s25  }
0x17: {  	s14 =	sshrl.u32 s14, $0x3;
	s22 =	sadd.s32 $0x9C00, s20;
	[dreg:$0x13] =	wrdreg s26  }
0x18: {  	s0 =	sadd.s32 $0x13840, s20;
	s25 =	simm.s32 $0x6000;
	[dreg:$0xd] =	wrdreg s22  }
0x19: {  	s26 =	simm.s32 $0x1;
	s17 =	simm.s32 $0xE;
	[dreg:$0xe] =	wrdreg s0  }
0x1a: {  	s13 =	simm.s32 $0x0;
	s19 =	sadd.s32 s10, s14;
	[dreg:$0x8] =	wrdreg s7  }
0x1b: {  	s23 =	sadd.s32 $0x21400, s1;
	s24 =	sadd.s32 $0x35000, s1;
	[dreg:$0xa] =	wrdreg s19  }
0x1c: {  	s10 =	simm.s32 $0x12;
	s0 =	simm.s32 $0x9000;
	[dreg:$0xf] =	wrdreg s23  }
0x1d: {  	s1 =	simm.s32 $0x3;
	s5 =	sadd.s32 $0x9C40, s19;
	[dreg:$0x10] =	wrdreg s24  }
0x1e: {  	v0 =	vimm.s32 $0x0;
	v1 =	vimm.s32 $0x2710;
	s23 =	simm.s32 $0x80;
	s24 =	simm.s32 $0x5000;
	[dreg:$0xc] =	wrdreg s5  }
.LBB2_1:
0x1f: {  	[dreg:$0x14] =	wrdreg s13  }
0x20: {  	s5 =	rddreg [dreg:$0x7]  }
0x21: {  	[spmem:s8], [sflag:s7] =	dma.local [hbm:s5], $0x9E0  }
0x22: {  	_ =	swait.ge [sflag:s10], $0x9E0  }
0x23: {  	[sflag:s10] =	ssyncset.done $0x0;
	s14 =	rddreg [dreg:$0x9]  }
0x24: {  	s15 =	rddreg [dreg:$0x13];
	[sflag:s10] =	ssyncadd.s32 $0xFFFFF620  }
0x25: {  	[spmem:s15], [sflag:s7] =	dma.local [hbm:s14], $0x9E0  }
0x26: {  	_ =	swait.ge [sflag:s10], $0x9E0  }
0x27: {  	s18 =	rddreg [dreg:$0xb]  }
0x28: {  	[sflag:s10] =	ssyncset.done $0x0;
	s8 =	sshrl.u32 s18, $0x3  }
0x29: {  	[sflag:s10] =	ssyncadd.s32 $0xFFFFF620;
	[dreg:$0x15] =	wrdreg s8  }
0x2a: {  	[spmem:s8], [sflag:s7] =	dma.local [hbm:s5], $0x9E0  }
0x2b: {  	_ =	swait.ge [sflag:s10], $0x9E0  }
0x2c: {  	[sflag:s10] =	ssyncset.done $0x0  }
0x2d: {  	s19 =	simm.s32 $0x0;
	s20 =	rddreg [dreg:$0x6];
	[sflag:s10] =	ssyncadd.s32 $0xFFFFF620  }
0x2e: {  	[tilespmem:s21], [sflag:$0x12] =	stream.linear.gather [hbm4b:s20+s19], $0x1000, $0x38;
	[tilespmem:$0x1CD00] =	vst v63  }
0x2f: {  	_ =	swait.ge [sflag:s10], $0x1000  }
0x30: {  	[sflag:s10] =	ssyncset.done $0x0  }
0x31: {  	s22 =	rddreg [dreg:$0xa];
	[sflag:s10] =	ssyncadd.s32 $0xFFFFF000  }
0x32: {  	[tilespmem:s19], [sflag:$0x12] =	stream.linear.gather [hbm4b:s22+s19], $0x2700, $0x38;
	[tilespmem:$0x1CD00] =	vst v63  }
0x33: {  	_ =	swait.ge [sflag:s10], $0x2700  }
0x34: {  	[sflag:s10] =	ssyncset.done $0x0  }
0x35: {  	s13 =	simm.s32 $0x2800;
	s8 =	rddreg [dreg:$0xc];
	[sflag:s10] =	ssyncadd.s32 $0xFFFFD900  }
0x36: {  	[tilespmem:s13], [sflag:$0x12] =	stream.linear.gather [hbm4b:s8+s19], $0x2700, $0x38;
	[tilespmem:$0x1CD00] =	vst v63  }
0x37: {  	_ =	swait.ge [sflag:s10], $0x2700  }
0x38: {  	[sflag:s10] =	ssyncset.done $0x0  }
0x39: {  	[sflag:s10] =	ssyncadd.s32 $0xFFFFD900  }
0x3a: {  	[tilespmem:$0x2700] =	vst v0  }
0x3b: {  	[tilespmem:$0x4F00] =	vst v1  }
0x3c: {  	[tilespmem:$0x2710] =	vst v0  }
0x3d: {  	[tilespmem:$0x4F10] =	vst v1  }
0x3e: {  	[tilespmem:$0x2720] =	vst v0  }
0x3f: {  	[tilespmem:$0x4F20] =	vst v1  }
0x40: {  	[tilespmem:$0x2730] =	vst v0  }
0x41: {  	[tilespmem:$0x4F30] =	vst v1  }
0x42: {  	[tilespmem:$0x2740] =	vst v0  }
0x43: {  	[tilespmem:$0x4F40] =	vst v1  }
0x44: {  	[tilespmem:$0x2750] =	vst v0  }
0x45: {  	[tilespmem:$0x4F50] =	vst v1  }
0x46: {  	[tilespmem:$0x2760] =	vst v0  }
0x47: {  	[tilespmem:$0x4F60] =	vst v1  }
0x48: {  	[tilespmem:$0x2770] =	vst v0  }
0x49: {  	[tilespmem:$0x4F70] =	vst v1  }
0x4a: {  	[tilespmem:$0x2780] =	vst v0  }
0x4b: {  	[tilespmem:$0x4F80] =	vst v1  }
0x4c: {  	[tilespmem:$0x2790] =	vst v0  }
0x4d: {  	[tilespmem:$0x4F90] =	vst v1  }
0x4e: {  	[tilespmem:$0x27A0] =	vst v0  }
0x4f: {  	[tilespmem:$0x4FA0] =	vst v1  }
0x50: {  	[tilespmem:$0x27B0] =	vst v0  }
0x51: {  	[tilespmem:$0x4FB0] =	vst v1  }
0x52: {  	[tilespmem:$0x27C0] =	vst v0  }
0x53: {  	[tilespmem:$0x4FC0] =	vst v1  }
0x54: {  	[tilespmem:$0x27D0] =	vst v0  }
0x55: {  	[tilespmem:$0x4FD0] =	vst v1  }
0x56: {  	[tilespmem:$0x27E0] =	vst v0  }
0x57: {  	[tilespmem:$0x4FE0] =	vst v1  }
0x58: {  	[tilespmem:$0x27F0] =	vst v0  }
0x59: {  	s15 =	simm.s32 @!p0 $0x2700;
	s7 =	rddreg [dreg:$0xd];
	s10 =	simm.s32 @!p0 $0x0;
	[tilespmem:$0x4FF0] =	vst v1  }
0x5a: {  	[tilespmem:s15], [sflag:$0x12] =	stream.linear.gather @!p0 [hbm4b:s7+s10], $0x80, $0x38;
	[tilespmem:$0x1CD00] =	vst v63  }
0x5b: {  	s15 =	simm.s32 @!p0 $0x12  }
0x5c: {  	_ =	swait.ge @!p0 [sflag:s15], $0x80  }
0x5d: {  	[sflag:s15] =	ssyncset.done @!p0 $0x0  }
0x5e: {  	s20 =	simm.s32 @!p0 $0x4F00;
	s7 =	rddreg [dreg:$0xe];
	[sflag:s15] =	ssyncadd.s32 @!p0 $0xFFFFFF80  }
0x5f: {  	[tilespmem:s20], [sflag:$0x12] =	stream.linear.gather @!p0 [hbm4b:s7+s10], $0x80, $0x38;
	[tilespmem:$0x1CD00] =	vst v63  }
0x60: {  	_ =	swait.ge @!p0 [sflag:s15], $0x80  }
0x61: {  	[sflag:s15] =	ssyncset.done @!p0 $0x0  }
0x62: {  	[sflag:s15] =	ssyncadd.s32 @!p0 $0xFFFFFF80  }
0x63: {  	[bflag:$0x0] =	sbarrier.arrive $0xFFFF  }
0x64: {  	[tilespmem:s24], [sflag:$0x1] =	stream.indirect.gather [spmem:s3], $0x20, s19, s23, $0xb8;
	[tilespmem:$0x1CD00] =	vst v63  }
0x65: {  	_ = 	snop  }
0x66: {  	[tilespmem:s25], [sflag:$0x2] =	stream.indirect.gather [spmem:s3], $0x20, s23, s23, $0xb8;
	[tilespmem:$0x1CD00] =	vst v63  }
0x67: {  	s14 =	simm.s32 $0x100  }
0x68: {  	[tilespmem:s28], [sflag:$0x3] =	stream.indirect.gather [spmem:s3], $0x20, s14, s23, $0xb8;
	[tilespmem:$0x1CD00] =	vst v63  }
0x69: {  	s18 =	simm.s32 $0x8000;
	s15 =	simm.s32 $0x180  }
0x6a: {  	[tilespmem:s18], [sflag:$0x4] =	stream.indirect.gather [spmem:s3], $0x20, s15, s23, $0xb8;
	[tilespmem:$0x1CD00] =	vst v63  }
0x6b: {  	s19 =	simm.s32 $0x200  }
0x6c: {  	[tilespmem:s0], [sflag:$0x5] =	stream.indirect.gather [spmem:s3], $0x20, s19, s23, $0xb8;
	[tilespmem:$0x1CD00] =	vst v63  }
0x6d: {  	s22 =	simm.s32 $0xA000;
	s20 =	simm.s32 $0x280;
	s15 =	simm.s32 $0x0  }
0x6e: {  	[tilespmem:s22], [sflag:$0x6] =	stream.indirect.gather [spmem:s3], $0x20, s20, s23, $0xb8;
	[tilespmem:$0x1CD00] =	vst v63  }
.LBB2_2:
0x6f: {  	_ =	swait.ge [sflag:s26], $0x1000  }
0x70: {  	s10 =	sshra.s32 s15, $0x2;
	[sflag:s26] =	ssyncset.done $0x0  }
0x71: {  	s20 =	sadd.s32 $0x2800, s10;
	[sflag:s26] =	ssyncadd.s32 $0xFFFFF000  }
0x72: {  	[spmem:s2] =	stream.indirect.scatter.add.f32 [tilespmem:s24], [sflag:$0x9], $0x20, s20, s23, $0xb8;
	[tilespmem:$0x1CD00] =	vst v63  }
0x73: {  	p1 =	seq.s32 s15, $0x0  }
0x74: {  	[spmem:s4] =	stream.indirect.scatter.add.f32 [tilespmem:s21], [sflag:$0x11], $0x20, s20, s23, $0xb8;
	[tilespmem:$0x1CD00] =	vst v63  }
0x75: {  	s20 =	simm.s32 @!p1 $0xF  }
0x76: {  	_ =	swait.ge @!p1 [sflag:s20], $0x1000  }
0x77: {  	[sflag:s20] =	ssyncset.done @!p1 $0x0  }
0x78: {  	s13 =	sadd.s32 $0x300, s10;
	[sflag:s20] =	ssyncadd.s32 @!p1 $0xFFFFF000  }
0x79: {  	[tilespmem:s29], [sflag:$0x7] =	stream.indirect.gather [spmem:s3], $0x20, s13, s23, $0xb8;
	[tilespmem:$0x1CD00] =	vst v63  }
0x7a: {  	_ =	swait.ge [sflag:s30], $0x1000  }
0x7b: {  	[sflag:s30] =	ssyncset.done $0x0  }
0x7c: {  	s14 =	sadd.s32 $0x2880, s10;
	[sflag:s30] =	ssyncadd.s32 $0xFFFFF000  }
0x7d: {  	[spmem:s2] =	stream.indirect.scatter.add.f32 [tilespmem:s25], [sflag:$0xA], $0x20, s14, s23, $0xb8;
	[tilespmem:$0x1CD00] =	vst v63  }
0x7e: {  	s20 =	simm.s32 @!p1 $0x10  }
0x7f: {  	[spmem:s4] =	stream.indirect.scatter.add.f32 [tilespmem:s21], [sflag:$0x11], $0x20, s14, s23, $0xb8;
	[tilespmem:$0x1CD00] =	vst v63  }
0x80: {  	_ =	swait.ge @!p1 [sflag:s20], $0x1000  }
0x81: {  	[sflag:s20] =	ssyncset.done @!p1 $0x0  }
0x82: {  	s18 =	sadd.s32 $0x380, s10;
	[sflag:s20] =	ssyncadd.s32 @!p1 $0xFFFFF000  }
0x83: {  	[tilespmem:s31], [sflag:$0x8] =	stream.indirect.gather [spmem:s3], $0x20, s18, s23, $0xb8;
	[tilespmem:$0x1CD00] =	vst v63  }
0x84: {  	_ =	swait.ge [sflag:s1], $0x1000  }
0x85: {  	[sflag:s1] =	ssyncset.done $0x0  }
0x86: {  	s19 =	sadd.s32 $0x2900, s10;
	p1 =	seq.s32 s15, $0x9000;
	[sflag:s1] =	ssyncadd.s32 $0xFFFFF000  }
0x87: {  	[spmem:s2] =	stream.indirect.scatter.add.f32 [tilespmem:s28], [sflag:$0xB], $0x20, s19, s23, $0xb8;
	[tilespmem:$0x1CD00] =	vst v63  }
0x88: {  	s20 =	simm.s32 @p1 $0x4  }
0x89: {  	[spmem:s4] =	stream.indirect.scatter.add.f32 [tilespmem:s21], [sflag:$0x11], $0x20, s19, s23, $0xb8;
	[tilespmem:$0x1CD00] =	vst v63  }
0x8a: {  	_ =	swait.ge @p1 [sflag:s20], $0x1000  }
0x8b: {  	[sflag:s20] =	ssyncset.done @p1 $0x0  }
0x8c: {  	[sflag:s20] =	ssyncadd.s32 @p1 $0xFFFFF000;
	s20 =	sshra.s32 @p1 s15, $0x2  }
0x8d: {  	s7 =	simm.s32 @p1 $0x80;
	s18 =	simm.s32 @p1 $0x8000;
	s5 =	sadd.s32 @p1 $0x2980, s20  }
0x8e: {  	[spmem:s2] =	stream.indirect.scatter.add.f32 @p1 [tilespmem:s18], [sflag:$0xC], $0x20, s5, s7, $0xb8;
	[tilespmem:$0x1CD00] =	vst v63  }
0x8f: {  	s18 =	simm.s32 @p1 $0xD000  }
0x90: {  	[spmem:s4] =	stream.indirect.scatter.add.f32 @p1 [tilespmem:s18], [sflag:$0x11], $0x20, s5, s7, $0xb8;
	[tilespmem:$0x1CD00] =	vst v63  }
0x91: {  	s5 =	simm.s32 @!p1 $0x9  }
0x92: {  	_ =	swait.ge @!p1 [sflag:s5], $0x1000  }
0x93: {  	[sflag:s5] =	ssyncset.done @!p1 $0x0  }
0x94: {  	[sflag:s5] =	ssyncadd.s32 @!p1 $0xFFFFF000;
	s5 =	sshra.s32 @!p1 s15, $0x2  }
0x95: {  	s8 =	simm.s32 @!p1 $0x80;
	s13 =	simm.s32 @!p1 $0x5000;
	s14 =	sadd.s32 @!p1 $0x400, s5  }
0x96: {  	[tilespmem:s13], [sflag:$0x1] =	stream.indirect.gather @!p1 [spmem:s3], $0x20, s14, s8, $0xb8;
	[tilespmem:$0x1CD00] =	vst v63  }
0x97: {  	s13 =	simm.s32 @!p1 $0x4  }
0x98: {  	_ =	swait.ge @!p1 [sflag:s13], $0x1000  }
0x99: {  	[sflag:s13] =	ssyncset.done @!p1 $0x0  }
0x9a: {  	s14 =	simm.s32 @!p1 $0x8000;
	[sflag:s13] =	ssyncadd.s32 @!p1 $0xFFFFF000;
	s13 =	sadd.s32 @!p1 $0x2980, s5  }
0x9b: {  	[spmem:s2] =	stream.indirect.scatter.add.f32 @!p1 [tilespmem:s14], [sflag:$0xC], $0x20, s13, s8, $0xb8;
	[tilespmem:$0x1CD00] =	vst v63  }
0x9c: {  	s19 =	simm.s32 @!p1 $0xD000  }
0x9d: {  	[spmem:s4] =	stream.indirect.scatter.add.f32 @!p1 [tilespmem:s19], [sflag:$0x11], $0x20, s13, s8, $0xb8;
	[tilespmem:$0x1CD00] =	vst v63  }
0x9e: {  	s13 =	simm.s32 @!p1 $0xA  }
0x9f: {  	_ =	swait.ge @!p1 [sflag:s13], $0x1000  }
0xa0: {  	[sflag:s13] =	ssyncset.done @!p1 $0x0  }
0xa1: {  	s22 =	simm.s32 @!p1 $0x6000;
	[sflag:s13] =	ssyncadd.s32 @!p1 $0xFFFFF000;
	s13 =	sadd.s32 @!p1 $0x480, s5  }
0xa2: {  	[tilespmem:s22], [sflag:$0x2] =	stream.indirect.gather @!p1 [spmem:s3], $0x20, s13, s8, $0xb8;
	[tilespmem:$0x1CD00] =	vst v63  }
0xa3: {  	_ =	swait.ge [sflag:s6], $0x1000  }
0xa4: {  	[sflag:s6] =	ssyncset.done $0x0  }
0xa5: {  	s22 =	sadd.s32 $0x2A00, s10;
	[sflag:s6] =	ssyncadd.s32 $0xFFFFF000  }
0xa6: {  	[spmem:s2] =	stream.indirect.scatter.add.f32 [tilespmem:s0], [sflag:$0xD], $0x20, s22, s23, $0xb8;
	[tilespmem:$0x1CD00] =	vst v63  }
0xa7: {  	s13 =	simm.s32 @p1 $0x6  }
0xa8: {  	[spmem:s4] =	stream.indirect.scatter.add.f32 [tilespmem:s21], [sflag:$0x11], $0x20, s22, s23, $0xb8;
	[tilespmem:$0x1CD00] =	vst v63  }
0xa9: {  	_ =	swait.ge @p1 [sflag:s13], $0x1000  }
0xaa: {  	[sflag:s13] =	ssyncset.done @p1 $0x0  }
0xab: {  	[sflag:s13] =	ssyncadd.s32 @p1 $0xFFFFF000;
	s13 =	sadd.s32 @p1 $0x2A80, s20;
	s20 =	simm.s32 @p1 $0xA000  }
0xac: {  	[spmem:s2] =	stream.indirect.scatter.add.f32 @p1 [tilespmem:s20], [sflag:$0xE], $0x20, s13, s7, $0xb8;
	[tilespmem:$0x1CD00] =	vst v63  }
0xad: {  	_ = 	snop  }
0xae: {  	[spmem:s4] =	stream.indirect.scatter.add.f32 @p1 [tilespmem:s18], [sflag:$0x11], $0x20, s13, s7, $0xb8;
	[tilespmem:$0x1CD00] =	vst v63  }
0xaf: {  	s7 =	simm.s32 @!p1 $0xB  }
0xb0: {  	_ =	swait.ge @!p1 [sflag:s7], $0x1000  }
0xb1: {  	[sflag:s7] =	ssyncset.done @!p1 $0x0  }
0xb2: {  	s13 =	simm.s32 @!p1 $0x7000;
	[sflag:s7] =	ssyncadd.s32 @!p1 $0xFFFFF000;
	s7 =	sadd.s32 @!p1 $0x500, s5  }
0xb3: {  	[tilespmem:s13], [sflag:$0x3] =	stream.indirect.gather @!p1 [spmem:s3], $0x20, s7, s8, $0xb8;
	[tilespmem:$0x1CD00] =	vst v63  }
0xb4: {  	s7 =	simm.s32 @!p1 $0x6  }
0xb5: {  	_ =	swait.ge @!p1 [sflag:s7], $0x1000  }
0xb6: {  	[sflag:s7] =	ssyncset.done @!p1 $0x0  }
0xb7: {  	s13 =	simm.s32 @!p1 $0xA000;
	[sflag:s7] =	ssyncadd.s32 @!p1 $0xFFFFF000;
	s7 =	sadd.s32 @!p1 $0x2A80, s5  }
0xb8: {  	[spmem:s2] =	stream.indirect.scatter.add.f32 @!p1 [tilespmem:s13], [sflag:$0xE], $0x20, s7, s8, $0xb8;
	[tilespmem:$0x1CD00] =	vst v63  }
0xb9: {  	_ = 	snop  }
0xba: {  	[spmem:s4] =	stream.indirect.scatter.add.f32 @!p1 [tilespmem:s19], [sflag:$0x11], $0x20, s7, s8, $0xb8;
	[tilespmem:$0x1CD00] =	vst v63  }
0xbb: {  	s7 =	simm.s32 @!p1 $0xC  }
0xbc: {  	_ =	swait.ge @!p1 [sflag:s7], $0x1000  }
0xbd: {  	[sflag:s7] =	ssyncset.done @!p1 $0x0  }
0xbe: {  	s5 =	sadd.s32 @!p1 $0x580, s5;
	[sflag:s7] =	ssyncadd.s32 @!p1 $0xFFFFF000  }
0xbf: {  	[tilespmem:s14], [sflag:$0x4] =	stream.indirect.gather @!p1 [spmem:s3], $0x20, s5, s8, $0xb8;
	[tilespmem:$0x1CD00] =	vst v63  }
0xc0: {  	_ =	swait.ge [sflag:s9], $0x1000  }
.Ltmp0:
0xc1: {  	[sflag:s9] =	ssyncset.done $0x0;
	(pc) =	sbr.rel @p1 .LBB2_4-.Ltmp0, $4  }
0xc2: {  	s22 =	sadd.s32 $0x2B00, s10;
	[sflag:s9] =	ssyncadd.s32 $0xFFFFF000  }
0xc3: {  	[spmem:s2] =	stream.indirect.scatter.add.f32 [tilespmem:s29], [sflag:$0xF], $0x20, s22, s23, $0xb8;
	[tilespmem:$0x1CD00] =	vst v63  }
0xc4: {  	s20 =	sadd.s32 $0x2B80, s10  }
0xc5: {  	[spmem:s4] =	stream.indirect.scatter.add.f32 [tilespmem:s21], [sflag:$0x11], $0x20, s22, s23, $0xb8;
	[tilespmem:$0x1CD00] =	vst v63  }
0xc6: {  	_ =	swait.ge [sflag:s16], $0x1000  }
0xc7: {  	[sflag:s16] =	ssyncset.done $0x0  }
0xc8: {  	s5 =	sadd.s32 $0x600, s10;
	[sflag:s16] =	ssyncadd.s32 $0xFFFFF000  }
0xc9: {  	[tilespmem:s0], [sflag:$0x5] =	stream.indirect.gather [spmem:s3], $0x20, s5, s23, $0xb8;
	[tilespmem:$0x1CD00] =	vst v63  }
0xca: {  	_ =	swait.ge [sflag:s11], $0x1000  }
0xcb: {  	[sflag:s11] =	ssyncset.done $0x0  }
0xcc: {  	[sflag:s11] =	ssyncadd.s32 $0xFFFFF000  }
0xcd: {  	[spmem:s2] =	stream.indirect.scatter.add.f32 [tilespmem:s31], [sflag:$0x10], $0x20, s20, s23, $0xb8;
	[tilespmem:$0x1CD00] =	vst v63  }
0xce: {  	_ = 	snop  }
0xcf: {  	[spmem:s4] =	stream.indirect.scatter.add.f32 [tilespmem:s21], [sflag:$0x11], $0x20, s20, s23, $0xb8;
	[tilespmem:$0x1CD00] =	vst v63  }
.Ltmp1:
0xd0: {  	_ = 	snop;
	(pc) =	sbr.rel .LBB2_2-.Ltmp1, $4  }
0xd1: {  	_ =	swait.ge [sflag:s17], $0x1000  }
0xd2: {  	s22 =	sadd.s32 $0x680, s10;
	[sflag:s17] =	ssyncset.done $0x0  }
0xd3: {  	s7 =	simm.s32 $0xA000;
	s15 =	sadd.s32 $0x1000, s15;
	[sflag:s17] =	ssyncadd.s32 $0xFFFFF000  }
0xd4: {  	[tilespmem:s7], [sflag:$0x6] =	stream.indirect.gather [spmem:s3], $0x20, s22, s23, $0xb8;
	[tilespmem:$0x1CD00] =	vst v63  }
.LBB2_4:
0xd5: {  	_ =	swait.ge [sflag:s11], $0x1000  }
0xd6: {  	[sflag:s11] =	ssyncset.done $0x0  }
0xd7: {  	[sflag:s11] =	ssyncadd.s32 $0xFFFFF000  }
0xd8: {  	[spmem:s2] =	stream.indirect.scatter.add.f32 [tilespmem:s31], [sflag:$0x10], $0x20, s20, s23, $0xb8;
	[tilespmem:$0x1CD00] =	vst v63  }
0xd9: {  	s5 =	simm.s32 $0x9  }
0xda: {  	[spmem:s4] =	stream.indirect.scatter.add.f32 [tilespmem:s21], [sflag:$0x11], $0x20, s20, s23, $0xb8;
	[tilespmem:$0x1CD00] =	vst v63  }
0xdb: {  	_ =	swait.ge [sflag:s5], $0x1000  }
0xdc: {  	[sflag:s5] =	ssyncset.done $0x0  }
0xdd: {  	s15 =	simm.s32 $0xA;
	[sflag:s5] =	ssyncadd.s32 $0xFFFFF000  }
0xde: {  	_ =	swait.ge [sflag:s15], $0x1000  }
0xdf: {  	[sflag:s15] =	ssyncset.done $0x0  }
0xe0: {  	s18 =	simm.s32 $0xB;
	[sflag:s15] =	ssyncadd.s32 $0xFFFFF000  }
0xe1: {  	_ =	swait.ge [sflag:s18], $0x1000  }
0xe2: {  	[sflag:s18] =	ssyncset.done $0x0  }
0xe3: {  	s19 =	simm.s32 $0xC;
	[sflag:s18] =	ssyncadd.s32 $0xFFFFF000  }
0xe4: {  	_ =	swait.ge [sflag:s19], $0x1000  }
0xe5: {  	[sflag:s19] =	ssyncset.done $0x0  }
0xe6: {  	[sflag:s19] =	ssyncadd.s32 $0xFFFFF000  }
0xe7: {  	_ =	swait.ge [sflag:s16], $0x1000  }
0xe8: {  	[sflag:s16] =	ssyncset.done $0x0  }
0xe9: {  	[sflag:s16] =	ssyncadd.s32 $0xFFFFF000  }
0xea: {  	_ =	swait.ge [sflag:s17], $0x1000  }
0xeb: {  	[sflag:s17] =	ssyncset.done $0x0  }
0xec: {  	s20 =	simm.s32 $0xF;
	[sflag:s17] =	ssyncadd.s32 $0xFFFFF000  }
0xed: {  	_ =	swait.ge [sflag:s20], $0x1000  }
0xee: {  	[sflag:s20] =	ssyncset.done $0x0  }
0xef: {  	s22 =	simm.s32 $0x10;
	[sflag:s20] =	ssyncadd.s32 $0xFFFFF000  }
0xf0: {  	_ =	swait.ge [sflag:s22], $0x1000  }
0xf1: {  	[sflag:s22] =	ssyncset.done $0x0  }
0xf2: {  	[sflag:s22] =	ssyncadd.s32 $0xFFFFF000  }
0xf3: {  	_ =	swait.ge [sflag:s12], $0x1000  }
0xf4: {  	s10 =	simm.s32 $0x4F;
	[sflag:s12] =	ssyncset.done $0x0  }
.LBB2_5:
0xf5: {  	p1 =	sne.s32 s10, $0x1;
	s10 =	sadd.s32 $0xFFFFFFFF, s10;
	[sflag:s12] =	ssyncadd.s32 $0xFFFFF000  }
.Ltmp2:
0xf6: {  	(pc) =	sbr.rel @p1 .LBB2_5-.Ltmp2, $3  }
0xf7: {  	_ =	sdelay $0x1  }
0xf8: {  	_ =	swait.ge [sflag:s12], $0x1000  }
0xf9: {  	[sflag:s12] =	ssyncset.done $0x0  }
0xfa: {  	[sflag:s12] =	ssyncadd.s32 $0xFFFFF000  }
0xfb: {  	[bflag:$0x0] =	sbarrier.arrive $0xFFFF  }
0xfc: {  	s7 =	rddreg [dreg:$0x8]  }
0xfd: {  	s5 =	rddreg [dreg:$0xf]  }
0xfe: {  	s10 =	simm.s32 $0x12;
	s8 =	rddreg [dreg:$0x12]  }
0xff: {  	[hbm:s5], [sflag:s7] =	dma.local [spmem:s8], $0x9E0  }
0x100: {  	_ =	swait.ge [sflag:s10], $0x9E0  }
0x101: {  	[sflag:s10] =	ssyncset.done $0x0;
	s19 =	rddreg [dreg:$0x10]  }
0x102: {  	s13 =	rddreg [dreg:$0x15];
	[sflag:s10] =	ssyncadd.s32 $0xFFFFF620  }
0x103: {  	[hbm:s19], [sflag:s7] =	dma.local [spmem:s13], $0x9E0  }
0x104: {  	_ =	swait.ge [sflag:s10], $0x9E0  }
0x105: {  	s20 =	rddreg [dreg:$0x14]  }
0x106: {  	s22 =	rddreg [dreg:$0x11];
	s13 =	sadd.s32 $0x1, s20  }
0x107: {  	p1 =	sne.s32 s13, s22  }
.Ltmp3:
0x108: {  	_ = 	snop;
	(pc) =	sbr.rel @p1 .LBB2_1-.Ltmp3, $3  }
0x109: {  	_ =	sdelay $0x1  }
0x10a: {  	[sflag:s10] =	ssyncset.done $0x0  }
0x10b: {  	[sflag:s10] =	ssyncadd.s32 $0xFFFFF620  }
0x10c: {  	_ =	sfence.sel $0x180000  }
0x10d: {  	[bflag:$0x0] =	sbarrier.arrive $0xFFFF  }
0x10e: {  	_ =	strace $0x90000047  }
0x10f: {  	s0 =	stileid.u32;
	[bflag:$0x2] =	sbarrier.arrive $0xFFFF  }
0x110: {  	p0 =	sne.s32 s0, $0x0;
	s0 =	rddreg [dreg:$0x5]  }
0x111: {  	s0 =	sadd.s32 @!p0 $0x100000, s0  }
0x112: {  	[sflag:s0] =	ssyncadd.tile.s32 @!p0 $0x1;
	_ =	shalt  }
.Lfunc_end2:
_tile_overlayer_lowered:
.L_overlay_start_2:
0x113: {  	(tag) =	ssettag $0x2  }
0x114: {  	s0 =	rddreg [dreg:$0x0];
	s2 =	stileid.u32  }
0x115: {  	s1 =	rddreg [dreg:$0x1];
	p0 =	sne.s32 s2, $0x0  }
0x116: {  	s3 =	rddreg [dreg:$0x2];
	[bflag:$0x3] =	sbarrier.arrive $0xFFFF;
	s2 =	simm.s32 @!p0 $0x1C12  }
0x117: {  	[timem:s3], [sflag:s2] =	dma.local @!p0 [hbm:s0], s1  }
0x118: {  	s0 =	simm.s32 @!p0 $0x12  }
0x119: {  	_ =	swait.ge @!p0 [sflag:s0], s1  }
0x11a: {  	s1 =	ssub.s32 @!p0 $0x0, s1;
	[sflag:s0] =	ssyncset.done @!p0 $0x0  }
0x11b: {  	[sflag:s0] =	ssyncadd.s32 @!p0 s1  }
0x11c: {  	[bflag:$0x3] =	sbarrier.arrive $0xFFFF  }
0x11d: {  	_ =	shalt  }

</sc_bundles>
